<compile_context>
chip_gen: v7x
topology: tpu7x:2x2x1
jax: 0.10.2.dev20260603
libtpu: 0.0.44.dev20260713+nightly
codegen_flags: <defaults>
</compile_context>

<pallas_src>
import jax
import jax.numpy as jnp
from jax import lax
from jax.experimental import pallas as pl
from jax.experimental.pallas import tpu as pltpu
from jax.experimental.pallas import tpu_sc as plsc

D_MODEL = 1024
SCALE = 32.0
LANES = 16
N_CORES = 2
N_SUBCORES = 16
N_WORKERS = N_CORES * N_SUBCORES
CHUNK = 16
NBUF = 4


def _sc_embed_gather(ids_flat, table):
    n = ids_flat.shape[0]
    rows_per_w = n // N_WORKERS
    n_chunks = rows_per_w // CHUNK
    assert n_chunks % NBUF == 0 and n_chunks > NBUF
    mesh = plsc.VectorSubcoreMesh(core_axis_name="c", subcore_axis_name="s")

    scratch = [pltpu.VMEM((rows_per_w,), jnp.int32)]
    scratch += [pltpu.VMEM((CHUNK, D_MODEL), jnp.float32)] * NBUF
    scratch += [pltpu.SemaphoreType.DMA] * (2 * NBUF)

    @pl.kernel(out_type=jax.ShapeDtypeStruct((n, D_MODEL), jnp.float32),
               mesh=mesh, scratch_types=scratch)
    def k(table_hbm, ids_hbm, out_hbm, idx_v, *rest):
        bufs = rest[:NBUF]
        gsems = rest[NBUF:2 * NBUF]
        wsems = rest[2 * NBUF:]
        wid = lax.axis_index("s") * N_CORES + lax.axis_index("c")
        base = wid * rows_per_w
        pltpu.sync_copy(ids_hbm.at[pl.ds(base, rows_per_w)], idx_v)

        def start_gather(g, slot):
            pltpu.async_copy(
                table_hbm.at[idx_v.at[pl.ds(g * CHUNK, CHUNK)]],
                bufs[slot], gsems[slot])

        def wait_gather(slot):
            pltpu.make_async_copy(
                table_hbm.at[pl.ds(0, CHUNK)], bufs[slot], gsems[slot]).wait()

        def start_wb(g, slot):
            pltpu.async_copy(
                bufs[slot], out_hbm.at[pl.ds(base + g * CHUNK, CHUNK)],
                wsems[slot])

        def wait_wb(slot):
            pltpu.make_async_copy(
                bufs[slot], out_hbm.at[pl.ds(base, CHUNK)], wsems[slot]).wait()

        def scale(buf):
            @pl.loop(0, CHUNK)
            def _row(r):
                for c0 in range(0, D_MODEL, 8 * LANES):
                    vals = [buf[r, pl.ds(c0 + i * LANES, LANES)] * SCALE
                            for i in range(8)]
                    for i in range(8):
                        buf[r, pl.ds(c0 + i * LANES, LANES)] = vals[i]

        for g in range(NBUF - 1):
            start_gather(g, g)

        @pl.loop(0, n_chunks, step=NBUF)
        def _ring(g0):
            for b in range(NBUF):
                slot = b
                aslot = (b + NBUF - 1) % NBUF
                g = g0 + b
                ahead = g + NBUF - 1

                @pl.when(jnp.logical_and(ahead < n_chunks, g >= 1))
                def _drain():
                    wait_wb(aslot)

                @pl.when(ahead < n_chunks)
                def _issue():
                    start_gather(ahead, aslot)

                wait_gather(slot)
                scale(bufs[slot])
                start_wb(g, slot)

        for slot in range(NBUF):
            wait_wb(slot)

    return k(table, ids_flat)


def kernel(input_ids, token_embedding):
    b, s = input_ids.shape
    ids = input_ids.reshape(-1).astype(jnp.int32)
    out = _sc_embed_gather(ids, token_embedding)
    return out.reshape(b, s, D_MODEL)

# --- scband reference (transcript-rebuilt; emitter-appended) ---
"""Pipeline reference for scband-input-interface-25108378812584 (READ-ONLY COPY).

The authoritative reference and input builder live on the scoring server;
editing this copy changes nothing except your own understanding.
"""

import jax, jax.numpy as jnp
import numpy as np
import math

VOCAB_SIZE = 32128
D_MODEL = 1024
BATCH = 4
SEQ_LEN = 4096

def setup_inputs(seed: int = 0) -> dict:
    key = jax.random.key(seed)
    k_ids, k_tab = jax.random.split(key)
    input_ids = jax.random.randint(k_ids, (BATCH, SEQ_LEN), 0, VOCAB_SIZE, dtype=jnp.int64 if jax.config.jax_enable_x64 else jnp.int32)
    token_embedding = jax.random.normal(k_tab, (VOCAB_SIZE, D_MODEL), dtype=jnp.float32) * 0.02
    return {"input_ids": input_ids, "token_embedding": token_embedding}

def reference(input_ids, token_embedding):
    # Faithful translation of the InputInterface forward: T5-style token
    # embedding lookup scaled by sqrt(d_model) (classic transformer input interface).
    emb = jnp.take(token_embedding, input_ids, axis=0)  # [B, S, d_model] gather
    emb = emb * math.sqrt(D_MODEL)
    return emb

if __name__ == "__main__":
    import jax
    _d = setup_inputs()
    print(jax.jit(kernel)(*tuple(_d.values())))

</pallas_src>

<mosaic_0001>
#map = affine_map<(d0, d1) -> (0, 0)>
#map1 = affine_map<(d0, d1) -> (0)>
module attributes {stable_mosaic.version = 14 : i64} {
  func.func @k(%arg0: i32, %arg1: i32, %arg2: memref<32128x1024xf32, #tpu.memory_space<hbm>>, %arg3: memref<16384xi32, #tpu.memory_space<hbm>>, %arg4: memref<16384x1024xf32, #tpu.memory_space<hbm>>, %arg5: memref<512xi32, #tpu.memory_space<vmem>>, %arg6: memref<16x1024xf32, #tpu.memory_space<vmem>>, %arg7: memref<16x1024xf32, #tpu.memory_space<vmem>>, %arg8: memref<16x1024xf32, #tpu.memory_space<vmem>>, %arg9: memref<16x1024xf32, #tpu.memory_space<vmem>>, %arg10: memref<!tpu.dma_semaphore, #tpu.memory_space<semaphore_mem>>, %arg11: memref<!tpu.dma_semaphore, #tpu.memory_space<semaphore_mem>>, %arg12: memref<!tpu.dma_semaphore, #tpu.memory_space<semaphore_mem>>, %arg13: memref<!tpu.dma_semaphore, #tpu.memory_space<semaphore_mem>>, %arg14: memref<!tpu.dma_semaphore, #tpu.memory_space<semaphore_mem>>, %arg15: memref<!tpu.dma_semaphore, #tpu.memory_space<semaphore_mem>>, %arg16: memref<!tpu.dma_semaphore, #tpu.memory_space<semaphore_mem>>, %arg17: memref<!tpu.dma_semaphore, #tpu.memory_space<semaphore_mem>>) attributes {dimension_semantics = [#tpu.dimension_semantics<core_parallel>, #tpu.dimension_semantics<subcore_parallel>], iteration_bounds = array<i64: 2, 16>, scalar_prefetch = 0 : i64, scratch_operands = 13 : i64, tpu.core_type = #tpu.core_type<sc_vector_subcore>, window_params = [{transform_indices = #map}, {transform_indices = #map1}, {transform_indices = #map}]} {
    %mul3A = arith.constant 2 : i32
    %mul3A_0 = arith.muli %arg1, %mul3A : i32
    %add3A = arith.addi %mul3A_0, %arg0 : i32
    %mul3A_1 = arith.constant 512 : i32
    %mul3A_2 = arith.muli %add3A, %mul3A_1 : i32
    "tpu.region"() ({
      %run_scoped3A = tpu.sem_alloc : memref<!tpu.dma_semaphore, #tpu.memory_space<semaphore_mem>>
      %dma_start3A_36 = tpu.memref_slice %arg3[%mul3A_2] : memref<16384xi32, #tpu.memory_space<hbm>> -> memref<512xi32, #tpu.memory_space<hbm>>
      %dma_start3A_37 = tpu.memref_slice %arg3[%mul3A_2] : memref<16384xi32, #tpu.memory_space<hbm>> -> memref<512xi32, #tpu.memory_space<hbm>>
      tpu.enqueue_dma source(%dma_start3A_37 : memref<512xi32, #tpu.memory_space<hbm>>) target(%arg5 : memref<512xi32, #tpu.memory_space<vmem>>) target_semaphore(%run_scoped3A : memref<!tpu.dma_semaphore, #tpu.memory_space<semaphore_mem>>)
      %dma_wait3A_38 = tpu.memref_slice %arg3[%mul3A_2] : memref<16384xi32, #tpu.memory_space<hbm>> -> memref<512xi32, #tpu.memory_space<hbm>>
      %dma_wait3A_39 = tpu.memref_slice %arg3[%mul3A_2] : memref<16384xi32, #tpu.memory_space<hbm>> -> memref<512xi32, #tpu.memory_space<hbm>>
      tpu.wait_dma2 semaphore(%run_scoped3A : memref<!tpu.dma_semaphore, #tpu.memory_space<semaphore_mem>>) src(%dma_wait3A_39 : memref<512xi32, #tpu.memory_space<hbm>>) dst(%arg5 : memref<512xi32, #tpu.memory_space<vmem>>)
      tpu.yield
    }) : () -> ()
    %dma_start3A = arith.constant 0 : i32
    %dma_start3A_3 = tpu.memref_slice %arg5[%dma_start3A] : memref<512xi32, #tpu.memory_space<vmem>> -> memref<16xi32, #tpu.memory_space<vmem>>
    %dma_start3A_4 = arith.constant 0 : i32
    %dma_start3A_5 = arith.constant 0 : i32
    %dma_start3A_6 = tpu.memref_slice %arg2[%dma_start3A_4, %dma_start3A_5] : memref<32128x1024xf32, #tpu.memory_space<hbm>> -> memref<32128x1024xf32, #tpu.memory_space<hbm>>
    tpu.enqueue_indirect_dma source(%dma_start3A_6 : memref<32128x1024xf32, #tpu.memory_space<hbm>>) target(%arg6 : memref<16x1024xf32, #tpu.memory_space<vmem>>) offsets(%dma_start3A_3 : memref<16xi32, #tpu.memory_space<vmem>>) semaphore(%arg10 : memref<!tpu.dma_semaphore, #tpu.memory_space<semaphore_mem>>)
    %dma_start3A_7 = arith.constant 16 : i32
    %dma_start3A_8 = tpu.memref_slice %arg5[%dma_start3A_7] : memref<512xi32, #tpu.memory_space<vmem>> -> memref<16xi32, #tpu.memory_space<vmem>>
    %dma_start3A_9 = arith.constant 0 : i32
    %dma_start3A_10 = arith.constant 0 : i32
    %dma_start3A_11 = tpu.memref_slice %arg2[%dma_start3A_9, %dma_start3A_10] : memref<32128x1024xf32, #tpu.memory_space<hbm>> -> memref<32128x1024xf32, #tpu.memory_space<hbm>>
    tpu.enqueue_indirect_dma source(%dma_start3A_11 : memref<32128x1024xf32, #tpu.memory_space<hbm>>) target(%arg7 : memref<16x1024xf32, #tpu.memory_space<vmem>>) offsets(%dma_start3A_8 : memref<16xi32, #tpu.memory_space<vmem>>) semaphore(%arg11 : memref<!tpu.dma_semaphore, #tpu.memory_space<semaphore_mem>>)
    %dma_start3A_12 = arith.constant 32 : i32
    %dma_start3A_13 = tpu.memref_slice %arg5[%dma_start3A_12] : memref<512xi32, #tpu.memory_space<vmem>> -> memref<16xi32, #tpu.memory_space<vmem>>
    %dma_start3A_14 = arith.constant 0 : i32
    %dma_start3A_15 = arith.constant 0 : i32
    %dma_start3A_16 = tpu.memref_slice %arg2[%dma_start3A_14, %dma_start3A_15] : memref<32128x1024xf32, #tpu.memory_space<hbm>> -> memref<32128x1024xf32, #tpu.memory_space<hbm>>
    tpu.enqueue_indirect_dma source(%dma_start3A_16 : memref<32128x1024xf32, #tpu.memory_space<hbm>>) target(%arg8 : memref<16x1024xf32, #tpu.memory_space<vmem>>) offsets(%dma_start3A_13 : memref<16xi32, #tpu.memory_space<vmem>>) semaphore(%arg12 : memref<!tpu.dma_semaphore, #tpu.memory_space<semaphore_mem>>)
    %scan3A = arith.constant 0 : i32
    %scan3A_17 = arith.constant 8 : i32
    %scan3A_18 = arith.addi %scan3A, %scan3A_17 : i32
    %scan3A_19 = arith.constant 1 : i32
    scf.for %scan3A_36 = %scan3A to %scan3A_18 step %scan3A_19  : i32 {
      %mul3A_37 = arith.constant 4 : i32
      %mul3A_38 = arith.muli %scan3A_36, %mul3A_37 : i32
      %add3A_39 = arith.constant 0 : i32
      %add3A_40 = arith.addi %add3A_39, %mul3A_38 : i32
      %add3A_41 = arith.constant 0 : i32
      %add3A_42 = arith.addi %add3A_40, %add3A_41 : i32
      %add3A_43 = arith.constant 4 : i32
      %add3A_44 = arith.addi %add3A_42, %add3A_43 : i32
      %sub3A = arith.constant 1 : i32
      %sub3A_45 = arith.subi %add3A_44, %sub3A : i32
      %lt3A = arith.constant 32 : i32
      %lt3A_46 = arith.cmpi slt, %sub3A_45, %lt3A : i32
      %ge3A = arith.constant 1 : i32
      %ge3A_47 = arith.cmpi sge, %add3A_42, %ge3A : i32
      %and3A = arith.andi %lt3A_46, %ge3A_47 : i1
      %convert_element_type3A = arith.extui %and3A : i1 to i32
      %cond3A = arith.constant 0 : i32
      %cond3A_48 = arith.cmpi ne, %convert_element_type3A, %cond3A : i32
      scf.if %cond3A_48 {
        %dma_wait3A_183 = arith.constant 0 : i32
        %dma_wait3A_184 = tpu.memref_slice %arg4[%mul3A_2, %dma_wait3A_183] : memref<16384x1024xf32, #tpu.memory_space<hbm>> -> memref<16x1024xf32, #tpu.memory_space<hbm>>
        %dma_wait3A_185 = arith.constant 0 : i32
        %dma_wait3A_186 = tpu.memref_slice %arg4[%mul3A_2, %dma_wait3A_185] : memref<16384x1024xf32, #tpu.memory_space<hbm>> -> memref<16x1024xf32, #tpu.memory_space<hbm>>
        tpu.wait_dma2 semaphore(%arg17 : memref<!tpu.dma_semaphore, #tpu.memory_space<semaphore_mem>>) src(%arg9 : memref<16x1024xf32, #tpu.memory_space<vmem>>) dst(%dma_wait3A_186 : memref<16x1024xf32, #tpu.memory_space<hbm>>)
      } else {
      }
      %lt3A_49 = arith.constant 32 : i32
      %lt3A_50 = arith.cmpi slt, %sub3A_45, %lt3A_49 : i32
      %convert_element_type3A_51 = arith.extui %lt3A_50 : i1 to i32
      %cond3A_52 = arith.constant 0 : i32
      %cond3A_53 = arith.cmpi ne, %convert_element_type3A_51, %cond3A_52 : i32
      scf.if %cond3A_53 {
        %mul3A_183 = arith.constant 16 : i32
        %mul3A_184 = arith.muli %sub3A_45, %mul3A_183 : i32
        %dma_start3A_185 = tpu.memref_slice %arg5[%mul3A_184] : memref<512xi32, #tpu.memory_space<vmem>> -> memref<16xi32, #tpu.memory_space<vmem>>
        %dma_start3A_186 = arith.constant 0 : i32
        %dma_start3A_187 = arith.constant 0 : i32
        %dma_start3A_188 = tpu.memref_slice %arg2[%dma_start3A_186, %dma_start3A_187] : memref<32128x1024xf32, #tpu.memory_space<hbm>> -> memref<32128x1024xf32, #tpu.memory_space<hbm>>
        tpu.enqueue_indirect_dma source(%dma_start3A_188 : memref<32128x1024xf32, #tpu.memory_space<hbm>>) target(%arg9 : memref<16x1024xf32, #tpu.memory_space<vmem>>) offsets(%dma_start3A_185 : memref<16xi32, #tpu.memory_space<vmem>>) semaphore(%arg13 : memref<!tpu.dma_semaphore, #tpu.memory_space<semaphore_mem>>)
      } else {
      }
      %dma_wait3A_54 = arith.constant 0 : i32
      %dma_wait3A_55 = arith.constant 0 : i32
      %dma_wait3A_56 = tpu.memref_slice %arg2[%dma_wait3A_54, %dma_wait3A_55] : memref<32128x1024xf32, #tpu.memory_space<hbm>> -> memref<16x1024xf32, #tpu.memory_space<hbm>>
      %dma_wait3A_57 = arith.constant 0 : i32
      %dma_wait3A_58 = arith.constant 0 : i32
      %dma_wait3A_59 = tpu.memref_slice %arg2[%dma_wait3A_57, %dma_wait3A_58] : memref<32128x1024xf32, #tpu.memory_space<hbm>> -> memref<16x1024xf32, #tpu.memory_space<hbm>>
      tpu.wait_dma2 semaphore(%arg10 : memref<!tpu.dma_semaphore, #tpu.memory_space<semaphore_mem>>) src(%dma_wait3A_59 : memref<16x1024xf32, #tpu.memory_space<hbm>>) dst(%arg6 : memref<16x1024xf32, #tpu.memory_space<vmem>>)
      %scan3A_60 = arith.constant 0 : i32
      %scan3A_61 = arith.constant 16 : i32
      %scan3A_62 = arith.addi %scan3A_60, %scan3A_61 : i32
      %scan3A_63 = arith.constant 1 : i32
      scf.for %scan3A_183 = %scan3A_60 to %scan3A_62 step %scan3A_63  : i32 {
        %mul3A_184 = arith.constant 1 : i32
        %mul3A_185 = arith.muli %scan3A_183, %mul3A_184 : i32
        %add3A_186 = arith.constant 0 : i32
        %add3A_187 = arith.addi %add3A_186, %mul3A_185 : i32
        %get3A = arith.index_cast %add3A_187 : i32 to index
        %get3A_188 = arith.constant 0 : index
        %get3A_189 = tpu.vector_load %arg6[%get3A, %get3A_188] {strides = array<i32>} : memref<16x1024xf32, #tpu.memory_space<vmem>>, vector<1x16xf32>,
        %get3A_190 = vector.shape_cast %get3A_189 : vector<1x16xf32> to vector<16xf32>
        %mul3A_191 = arith.constant 3.200000e+01 : f32
        %mul3A_192 = vector.broadcast %mul3A_191 : f32 to vector<16xf32>
        %mul3A_193 = arith.mulf %get3A_190, %mul3A_192 : vector<16xf32>
        %get3A_194 = arith.index_cast %add3A_187 : i32 to index
        %get3A_195 = arith.constant 16 : index
        %get3A_196 = tpu.vector_load %arg6[%get3A_194, %get3A_195] {strides = array<i32>} : memref<16x1024xf32, #tpu.memory_space<vmem>>, vector<1x16xf32>,
        %get3A_197 = vector.shape_cast %get3A_196 : vector<1x16xf32> to vector<16xf32>
        %mul3A_198 = arith.constant 3.200000e+01 : f32
        %mul3A_199 = vector.broadcast %mul3A_198 : f32 to vector<16xf32>
        %mul3A_200 = arith.mulf %get3A_197, %mul3A_199 : vector<16xf32>
        %get3A_201 = arith.index_cast %add3A_187 : i32 to index
        %get3A_202 = arith.constant 32 : index
        %get3A_203 = tpu.vector_load %arg6[%get3A_201, %get3A_202] {strides = array<i32>} : memref<16x1024xf32, #tpu.memory_space<vmem>>, vector<1x16xf32>,
        %get3A_204 = vector.shape_cast %get3A_203 : vector<1x16xf32> to vector<16xf32>
        %mul3A_205 = arith.constant 3.200000e+01 : f32
        %mul3A_206 = vector.broadcast %mul3A_205 : f32 to vector<16xf32>
        %mul3A_207 = arith.mulf %get3A_204, %mul3A_206 : vector<16xf32>
        %get3A_208 = arith.index_cast %add3A_187 : i32 to index
        %get3A_209 = arith.constant 48 : index
        %get3A_210 = tpu.vector_load %arg6[%get3A_208, %get3A_209] {strides = array<i32>} : memref<16x1024xf32, #tpu.memory_space<vmem>>, vector<1x16xf32>,
        %get3A_211 = vector.shape_cast %get3A_210 : vector<1x16xf32> to vector<16xf32>
        %mul3A_212 = arith.constant 3.200000e+01 : f32
        %mul3A_213 = vector.broadcast %mul3A_212 : f32 to vector<16xf32>
        %mul3A_214 = arith.mulf %get3A_211, %mul3A_213 : vector<16xf32>
        %get3A_215 = arith.index_cast %add3A_187 : i32 to index
        %get3A_216 = arith.constant 64 : index
        %get3A_217 = tpu.vector_load %arg6[%get3A_215, %get3A_216] {strides = array<i32>} : memref<16x1024xf32, #tpu.memory_space<vmem>>, vector<1x16xf32>,
        %get3A_218 = vector.shape_cast %get3A_217 : vector<1x16xf32> to vector<16xf32>
        %mul3A_219 = arith.constant 3.200000e+01 : f32
        %mul3A_220 = vector.broadcast %mul3A_219 : f32 to vector<16xf32>
        %mul3A_221 = arith.mulf %get3A_218, %mul3A_220 : vector<16xf32>
        %get3A_222 = arith.index_cast %add3A_187 : i32 to index
        %get3A_223 = arith.constant 80 : index
        %get3A_224 = tpu.vector_load %arg6[%get3A_222, %get3A_223] {strides = array<i32>} : memref<16x1024xf32, #tpu.memory_space<vmem>>, vector<1x16xf32>,
        %get3A_225 = vector.shape_cast %get3A_224 : vector<1x16xf32> to vector<16xf32>
        %mul3A_226 = arith.constant 3.200000e+01 : f32
        %mul3A_227 = vector.broadcast %mul3A_226 : f32 to vector<16xf32>
        %mul3A_228 = arith.mulf %get3A_225, %mul3A_227 : vector<16xf32>
        %get3A_229 = arith.index_cast %add3A_187 : i32 to index
        %get3A_230 = arith.constant 96 : index
        %get3A_231 = tpu.vector_load %arg6[%get3A_229, %get3A_230] {strides = array<i32>} : memref<16x1024xf32, #tpu.memory_space<vmem>>, vector<1x16xf32>,
        %get3A_232 = vector.shape_cast %get3A_231 : vector<1x16xf32> to vector<16xf32>
        %mul3A_233 = arith.constant 3.200000e+01 : f32
        %mul3A_234 = vector.broadcast %mul3A_233 : f32 to vector<16xf32>
        %mul3A_235 = arith.mulf %get3A_232, %mul3A_234 : vector<16xf32>
        %get3A_236 = arith.index_cast %add3A_187 : i32 to index
        %get3A_237 = arith.constant 112 : index
        %get3A_238 = tpu.vector_load %arg6[%get3A_236, %get3A_237] {strides = array<i32>} : memref<16x1024xf32, #tpu.memory_space<vmem>>, vector<1x16xf32>,
        %get3A_239 = vector.shape_cast %get3A_238 : vector<1x16xf32> to vector<16xf32>
        %mul3A_240 = arith.constant 3.200000e+01 : f32
        %mul3A_241 = vector.broadcast %mul3A_240 : f32 to vector<16xf32>
        %mul3A_242 = arith.mulf %get3A_239, %mul3A_241 : vector<16xf32>
        %swap3A = arith.index_cast %add3A_187 : i32 to index
        %swap3A_243 = arith.constant 0 : index
        %swap3A_244 = tpu.vector_load %arg6[%swap3A, %swap3A_243] {strides = array<i32>} : memref<16x1024xf32, #tpu.memory_space<vmem>>, vector<1x16xf32>,
        %swap3A_245 = vector.shape_cast %swap3A_244 : vector<1x16xf32> to vector<16xf32>
        %swap3A_246 = vector.shape_cast %mul3A_193 : vector<16xf32> to vector<1x16xf32>
        tpu.vector_store %arg6[%swap3A, %swap3A_243], %swap3A_246 {strides = array<i32>} : memref<16x1024xf32, #tpu.memory_space<vmem>>, vector<1x16xf32>,
        %swap3A_247 = arith.index_cast %add3A_187 : i32 to index
        %swap3A_248 = arith.constant 16 : index
        %swap3A_249 = tpu.vector_load %arg6[%swap3A_247, %swap3A_248] {strides = array<i32>} : memref<16x1024xf32, #tpu.memory_space<vmem>>, vector<1x16xf32>,
        %swap3A_250 = vector.shape_cast %swap3A_249 : vector<1x16xf32> to vector<16xf32>
        %swap3A_251 = vector.shape_cast %mul3A_200 : vector<16xf32> to vector<1x16xf32>
        tpu.vector_store %arg6[%swap3A_247, %swap3A_248], %swap3A_251 {strides = array<i32>} : memref<16x1024xf32, #tpu.memory_space<vmem>>, vector<1x16xf32>,
        %swap3A_252 = arith.index_cast %add3A_187 : i32 to index
        %swap3A_253 = arith.constant 32 : index
        %swap3A_254 = tpu.vector_load %arg6[%swap3A_252, %swap3A_253] {strides = array<i32>} : memref<16x1024xf32, #tpu.memory_space<vmem>>, vector<1x16xf32>,
        %swap3A_255 = vector.shape_cast %swap3A_254 : vector<1x16xf32> to vector<16xf32>
        %swap3A_256 = vector.shape_cast %mul3A_207 : vector<16xf32> to vector<1x16xf32>
        tpu.vector_store %arg6[%swap3A_252, %swap3A_253], %swap3A_256 {strides = array<i32>} : memref<16x1024xf32, #tpu.memory_space<vmem>>, vector<1x16xf32>,
        %swap3A_257 = arith.index_cast %add3A_187 : i32 to index
        %swap3A_258 = arith.constant 48 : index
        %swap3A_259 = tpu.vector_load %arg6[%swap3A_257, %swap3A_258] {strides = array<i32>} : memref<16x1024xf32, #tpu.memory_space<vmem>>, vector<1x16xf32>,
        %swap3A_260 = vector.shape_cast %swap3A_259 : vector<1x16xf32> to vector<16xf32>
        %swap3A_261 = vector.shape_cast %mul3A_214 : vector<16xf32> to vector<1x16xf32>
        tpu.vector_store %arg6[%swap3A_257, %swap3A_258], %swap3A_261 {strides = array<i32>} : memref<16x1024xf32, #tpu.memory_space<vmem>>, vector<1x16xf32>,
        %swap3A_262 = arith.index_cast %add3A_187 : i32 to index
        %swap3A_263 = arith.constant 64 : index
        %swap3A_264 = tpu.vector_load %arg6[%swap3A_262, %swap3A_263] {strides = array<i32>} : memref<16x1024xf32, #tpu.memory_space<vmem>>, vector<1x16xf32>,
        %swap3A_265 = vector.shape_cast %swap3A_264 : vector<1x16xf32> to vector<16xf32>
        %swap3A_266 = vector.shape_cast %mul3A_221 : vector<16xf32> to vector<1x16xf32>
        tpu.vector_store %arg6[%swap3A_262, %swap3A_263], %swap3A_266 {strides = array<i32>} : memref<16x1024xf32, #tpu.memory_space<vmem>>, vector<1x16xf32>,
        %swap3A_267 = arith.index_cast %add3A_187 : i32 to index
        %swap3A_268 = arith.constant 80 : index
        %swap3A_269 = tpu.vector_load %arg6[%swap3A_267, %swap3A_268] {strides = array<i32>} : memref<16x1024xf32, #tpu.memory_space<vmem>>, vector<1x16xf32>,
        %swap3A_270 = vector.shape_cast %swap3A_269 : vector<1x16xf32> to vector<16xf32>
        %swap3A_271 = vector.shape_cast %mul3A_228 : vector<16xf32> to vector<1x16xf32>
        tpu.vector_store %arg6[%swap3A_267, %swap3A_268], %swap3A_271 {strides = array<i32>} : memref<16x1024xf32, #tpu.memory_space<vmem>>, vector<1x16xf32>,
        %swap3A_272 = arith.index_cast %add3A_187 : i32 to index
        %swap3A_273 = arith.constant 96 : index
        %swap3A_274 = tpu.vector_load %arg6[%swap3A_272, %swap3A_273] {strides = array<i32>} : memref<16x1024xf32, #tpu.memory_space<vmem>>, vector<1x16xf32>,
        %swap3A_275 = vector.shape_cast %swap3A_274 : vector<1x16xf32> to vector<16xf32>
        %swap3A_276 = vector.shape_cast %mul3A_235 : vector<16xf32> to vector<1x16xf32>
        tpu.vector_store %arg6[%swap3A_272, %swap3A_273], %swap3A_276 {strides = array<i32>} : memref<16x1024xf32, #tpu.memory_space<vmem>>, vector<1x16xf32>,
        %swap3A_277 = arith.index_cast %add3A_187 : i32 to index
        %swap3A_278 = arith.constant 112 : index
        %swap3A_279 = tpu.vector_load %arg6[%swap3A_277, %swap3A_278] {strides = array<i32>} : memref<16x1024xf32, #tpu.memory_space<vmem>>, vector<1x16xf32>,
        %swap3A_280 = vector.shape_cast %swap3A_279 : vector<1x16xf32> to vector<16xf32>
        %swap3A_281 = vector.shape_cast %mul3A_242 : vector<16xf32> to vector<1x16xf32>
        tpu.vector_store %arg6[%swap3A_277, %swap3A_278], %swap3A_281 {strides = array<i32>} : memref<16x1024xf32, #tpu.memory_space<vmem>>, vector<1x16xf32>,
        %get3A_282 = arith.index_cast %add3A_187 : i32 to index
        %get3A_283 = arith.constant 128 : index
        %get3A_284 = tpu.vector_load %arg6[%get3A_282, %get3A_283] {strides = array<i32>} : memref<16x1024xf32, #tpu.memory_space<vmem>>, vector<1x16xf32>,
        %get3A_285 = vector.shape_cast %get3A_284 : vector<1x16xf32> to vector<16xf32>
        %mul3A_286 = arith.constant 3.200000e+01 : f32
        %mul3A_287 = vector.broadcast %mul3A_286 : f32 to vector<16xf32>
        %mul3A_288 = arith.mulf %get3A_285, %mul3A_287 : vector<16xf32>
        %get3A_289 = arith.index_cast %add3A_187 : i32 to index
        %get3A_290 = arith.constant 144 : index
        %get3A_291 = tpu.vector_load %arg6[%get3A_289, %get3A_290] {strides = array<i32>} : memref<16x1024xf32, #tpu.memory_space<vmem>>, vector<1x16xf32>,
        %get3A_292 = vector.shape_cast %get3A_291 : vector<1x16xf32> to vector<16xf32>
        %mul3A_293 = arith.constant 3.200000e+01 : f32
        %mul3A_294 = vector.broadcast %mul3A_293 : f32 to vector<16xf32>
        %mul3A_295 = arith.mulf %get3A_292, %mul3A_294 : vector<16xf32>
        %get3A_296 = arith.index_cast %add3A_187 : i32 to index
        %get3A_297 = arith.constant 160 : index
        %get3A_298 = tpu.vector_load %arg6[%get3A_296, %get3A_297] {strides = array<i32>} : memref<16x1024xf32, #tpu.memory_space<vmem>>, vector<1x16xf32>,
        %get3A_299 = vector.shape_cast %get3A_298 : vector<1x16xf32> to vector<16xf32>
        %mul3A_300 = arith.constant 3.200000e+01 : f32
        %mul3A_301 = vector.broadcast %mul3A_300 : f32 to vector<16xf32>
        %mul3A_302 = arith.mulf %get3A_299, %mul3A_301 : vector<16xf32>
        %get3A_303 = arith.index_cast %add3A_187 : i32 to index
        %get3A_304 = arith.constant 176 : index
        %get3A_305 = tpu.vector_load %arg6[%get3A_303, %get3A_304] {strides = array<i32>} : memref<16x1024xf32, #tpu.memory_space<vmem>>, vector<1x16xf32>,
        %get3A_306 = vector.shape_cast %get3A_305 : vector<1x16xf32> to vector<16xf32>
        %mul3A_307 = arith.constant 3.200000e+01 : f32
        %mul3A_308 = vector.broadcast %mul3A_307 : f32 to vector<16xf32>
        %mul3A_309 = arith.mulf %get3A_306, %mul3A_308 : vector<16xf32>
        %get3A_310 = arith.index_cast %add3A_187 : i32 to index
        %get3A_311 = arith.constant 192 : index
        %get3A_312 = tpu.vector_load %arg6[%get3A_310, %get3A_311] {strides = array<i32>} : memref<16x1024xf32, #tpu.memory_space<vmem>>, vector<1x16xf32>,
        %get3A_313 = vector.shape_cast %get3A_312 : vector<1x16xf32> to vector<16xf32>
        %mul3A_314 = arith.constant 3.200000e+01 : f32
        %mul3A_315 = vector.broadcast %mul3A_314 : f32 to vector<16xf32>
        %mul3A_316 = arith.mulf %get3A_313, %mul3A_315 : vector<16xf32>
        %get3A_317 = arith.index_cast %add3A_187 : i32 to index
        %get3A_318 = arith.constant 208 : index
        %get3A_319 = tpu.vector_load %arg6[%get3A_317, %get3A_318] {strides = array<i32>} : memref<16x1024xf32, #tpu.memory_space<vmem>>, vector<1x16xf32>,
        %get3A_320 = vector.shape_cast %get3A_319 : vector<1x16xf32> to vector<16xf32>
        %mul3A_321 = arith.constant 3.200000e+01 : f32
        %mul3A_322 = vector.broadcast %mul3A_321 : f32 to vector<16xf32>
        %mul3A_323 = arith.mulf %get3A_320, %mul3A_322 : vector<16xf32>
        %get3A_324 = arith.index_cast %add3A_187 : i32 to index
        %get3A_325 = arith.constant 224 : index
        %get3A_326 = tpu.vector_load %arg6[%get3A_324, %get3A_325] {strides = array<i32>} : memref<16x1024xf32, #tpu.memory_space<vmem>>, vector<1x16xf32>,
        %get3A_327 = vector.shape_cast %get3A_326 : vector<1x16xf32> to vector<16xf32>
        %mul3A_328 = arith.constant 3.200000e+01 : f32
        %mul3A_329 = vector.broadcast %mul3A_328 : f32 to vector<16xf32>
        %mul3A_330 = arith.mulf %get3A_327, %mul3A_329 : vector<16xf32>
        %get3A_331 = arith.index_cast %add3A_187 : i32 to index
        %get3A_332 = arith.constant 240 : index
        %get3A_333 = tpu.vector_load %arg6[%get3A_331, %get3A_332] {strides = array<i32>} : memref<16x1024xf32, #tpu.memory_space<vmem>>, vector<1x16xf32>,
        %get3A_334 = vector.shape_cast %get3A_333 : vector<1x16xf32> to vector<16xf32>
        %mul3A_335 = arith.constant 3.200000e+01 : f32
        %mul3A_336 = vector.broadcast %mul3A_335 : f32 to vector<16xf32>
        %mul3A_337 = arith.mulf %get3A_334, %mul3A_336 : vector<16xf32>
        %swap3A_338 = arith.index_cast %add3A_187 : i32 to index
        %swap3A_339 = arith.constant 128 : index
        %swap3A_340 = tpu.vector_load %arg6[%swap3A_338, %swap3A_339] {strides = array<i32>} : memref<16x1024xf32, #tpu.memory_space<vmem>>, vector<1x16xf32>,
        %swap3A_341 = vector.shape_cast %swap3A_340 : vector<1x16xf32> to vector<16xf32>
        %swap3A_342 = vector.shape_cast %mul3A_288 : vector<16xf32> to vector<1x16xf32>
        tpu.vector_store %arg6[%swap3A_338, %swap3A_339], %swap3A_342 {strides = array<i32>} : memref<16x1024xf32, #tpu.memory_space<vmem>>, vector<1x16xf32>,
        %swap3A_343 = arith.index_cast %add3A_187 : i32 to index
        %swap3A_344 = arith.constant 144 : index
        %swap3A_345 = tpu.vector_load %arg6[%swap3A_343, %swap3A_344] {strides = array<i32>} : memref<16x1024xf32, #tpu.memory_space<vmem>>, vector<1x16xf32>,
        %swap3A_346 = vector.shape_cast %swap3A_345 : vector<1x16xf32> to vector<16xf32>
        %swap3A_347 = vector.shape_cast %mul3A_295 : vector<16xf32> to vector<1x16xf32>
        tpu.vector_store %arg6[%swap3A_343, %swap3A_344], %swap3A_347 {strides = array<i32>} : memref<16x1024xf32, #tpu.memory_space<vmem>>, vector<1x16xf32>,
        %swap3A_348 = arith.index_cast %add3A_187 : i32 to index
        %swap3A_349 = arith.constant 160 : index
        %swap3A_350 = tpu.vector_load %arg6[%swap3A_348, %swap3A_349] {strides = array<i32>} : memref<16x1024xf32, #tpu.memory_space<vmem>>, vector<1x16xf32>,
        %swap3A_351 = vector.shape_cast %swap3A_350 : vector<1x16xf32> to vector<16xf32>
        %swap3A_352 = vector.shape_cast %mul3A_302 : vector<16xf32> to vector<1x16xf32>
        tpu.vector_store %arg6[%swap3A_348, %swap3A_349], %swap3A_352 {strides = array<i32>} : memref<16x1024xf32, #tpu.memory_space<vmem>>, vector<1x16xf32>,
        %swap3A_353 = arith.index_cast %add3A_187 : i32 to index
        %swap3A_354 = arith.constant 176 : index
        %swap3A_355 = tpu.vector_load %arg6[%swap3A_353, %swap3A_354] {strides = array<i32>} : memref<16x1024xf32, #tpu.memory_space<vmem>>, vector<1x16xf32>,
        %swap3A_356 = vector.shape_cast %swap3A_355 : vector<1x16xf32> to vector<16xf32>
        %swap3A_357 = vector.shape_cast %mul3A_309 : vector<16xf32> to vector<1x16xf32>
        tpu.vector_store %arg6[%swap3A_353, %swap3A_354], %swap3A_357 {strides = array<i32>} : memref<16x1024xf32, #tpu.memory_space<vmem>>, vector<1x16xf32>,
        %swap3A_358 = arith.index_cast %add3A_187 : i32 to index
        %swap3A_359 = arith.constant 192 : index
        %swap3A_360 = tpu.vector_load %arg6[%swap3A_358, %swap3A_359] {strides = array<i32>} : memref<16x1024xf32, #tpu.memory_space<vmem>>, vector<1x16xf32>,
        %swap3A_361 = vector.shape_cast %swap3A_360 : vector<1x16xf32> to vector<16xf32>
        %swap3A_362 = vector.shape_cast %mul3A_316 : vector<16xf32> to vector<1x16xf32>
        tpu.vector_store %arg6[%swap3A_358, %swap3A_359], %swap3A_362 {strides = array<i32>} : memref<16x1024xf32, #tpu.memory_space<vmem>>, vector<1x16xf32>,
        %swap3A_363 = arith.index_cast %add3A_187 : i32 to index
        %swap3A_364 = arith.constant 208 : index
        %swap3A_365 = tpu.vector_load %arg6[%swap3A_363, %swap3A_364] {strides = array<i32>} : memref<16x1024xf32, #tpu.memory_space<vmem>>, vector<1x16xf32>,
        %swap3A_366 = vector.shape_cast %swap3A_365 : vector<1x16xf32> to vector<16xf32>
        %swap3A_367 = vector.shape_cast %mul3A_323 : vector<16xf32> to vector<1x16xf32>
        tpu.vector_store %arg6[%swap3A_363, %swap3A_364], %swap3A_367 {strides = array<i32>} : memref<16x1024xf32, #tpu.memory_space<vmem>>, vector<1x16xf32>,
        %swap3A_368 = arith.index_cast %add3A_187 : i32 to index
        %swap3A_369 = arith.constant 224 : index
        %swap3A_370 = tpu.vector_load %arg6[%swap3A_368, %swap3A_369] {strides = array<i32>} : memref<16x1024xf32, #tpu.memory_space<vmem>>, vector<1x16xf32>,
        %swap3A_371 = vector.shape_cast %swap3A_370 : vector<1x16xf32> to vector<16xf32>
        %swap3A_372 = vector.shape_cast %mul3A_330 : vector<16xf32> to vector<1x16xf32>
        tpu.vector_store %arg6[%swap3A_368, %swap3A_369], %swap3A_372 {strides = array<i32>} : memref<16x1024xf32, #tpu.memory_space<vmem>>, vector<1x16xf32>,
        %swap3A_373 = arith.index_cast %add3A_187 : i32 to index
        %swap3A_374 = arith.constant 240 : index
        %swap3A_375 = tpu.vector_load %arg6[%swap3A_373, %swap3A_374] {strides = array<i32>} : memref<16x1024xf32, #tpu.memory_space<vmem>>, vector<1x16xf32>,
        %swap3A_376 = vector.shape_cast %swap3A_375 : vector<1x16xf32> to vector<16xf32>
        %swap3A_377 = vector.shape_cast %mul3A_337 : vector<16xf32> to vector<1x16xf32>
        tpu.vector_store %arg6[%swap3A_373, %swap3A_374], %swap3A_377 {strides = array<i32>} : memref<16x1024xf32, #tpu.memory_space<vmem>>, vector<1x16xf32>,
        %get3A_378 = arith.index_cast %add3A_187 : i32 to index
        %get3A_379 = arith.constant 256 : index
        %get3A_380 = tpu.vector_load %arg6[%get3A_378, %get3A_379] {strides = array<i32>} : memref<16x1024xf32, #tpu.memory_space<vmem>>, vector<1x16xf32>,
        %get3A_381 = vector.shape_cast %get3A_380 : vector<1x16xf32> to vector<16xf32>
        %mul3A_382 = arith.constant 3.200000e+01 : f32
        %mul3A_383 = vector.broadcast %mul3A_382 : f32 to vector<16xf32>
        %mul3A_384 = arith.mulf %get3A_381, %mul3A_383 : vector<16xf32>
        %get3A_385 = arith.index_cast %add3A_187 : i32 to index
        %get3A_386 = arith.constant 272 : index
        %get3A_387 = tpu.vector_load %arg6[%get3A_385, %get3A_386] {strides = array<i32>} : memref<16x1024xf32, #tpu.memory_space<vmem>>, vector<1x16xf32>,
        %get3A_388 = vector.shape_cast %get3A_387 : vector<1x16xf32> to vector<16xf32>
        %mul3A_389 = arith.constant 3.200000e+01 : f32
        %mul3A_390 = vector.broadcast %mul3A_389 : f32 to vector<16xf32>
        %mul3A_391 = arith.mulf %get3A_388, %mul3A_390 : vector<16xf32>
        %get3A_392 = arith.index_cast %add3A_187 : i32 to index
        %get3A_393 = arith.constant 288 : index
        %get3A_394 = tpu.vector_load %arg6[%get3A_392, %get3A_393] {strides = array<i32>} : memref<16x1024xf32, #tpu.memory_space<vmem>>, vector<1x16xf32>,
        %get3A_395 = vector.shape_cast %get3A_394 : vector<1x16xf32> to vector<16xf32>
        %mul3A_396 = arith.constant 3.200000e+01 : f32
        %mul3A_397 = vector.broadcast %mul3A_396 : f32 to vector<16xf32>
        %mul3A_398 = arith.mulf %get3A_395, %mul3A_397 : vector<16xf32>
        %get3A_399 = arith.index_cast %add3A_187 : i32 to index
        %get3A_400 = arith.constant 304 : index
        %get3A_401 = tpu.vector_load %arg6[%get3A_399, %get3A_400] {strides = array<i32>} : memref<16x1024xf32, #tpu.memory_space<vmem>>, vector<1x16xf32>,
        %get3A_402 = vector.shape_cast %get3A_401 : vector<1x16xf32> to vector<16xf32>
        %mul3A_403 = arith.constant 3.200000e+01 : f32
        %mul3A_404 = vector.broadcast %mul3A_403 : f32 to vector<16xf32>
        %mul3A_405 = arith.mulf %get3A_402, %mul3A_404 : vector<16xf32>
        %get3A_406 = arith.index_cast %add3A_187 : i32 to index
        %get3A_407 = arith.constant 320 : index
        %get3A_408 = tpu.vector_load %arg6[%get3A_406, %get3A_407] {strides = array<i32>} : memref<16x1024xf32, #tpu.memory_space<vmem>>, vector<1x16xf32>,
        %get3A_409 = vector.shape_cast %get3A_408 : vector<1x16xf32> to vector<16xf32>
        %mul3A_410 = arith.constant 3.200000e+01 : f32
        %mul3A_411 = vector.broadcast %mul3A_410 : f32 to vector<16xf32>
        %mul3A_412 = arith.mulf %get3A_409, %mul3A_411 : vector<16xf32>
        %get3A_413 = arith.index_cast %add3A_187 : i32 to index
        %get3A_414 = arith.constant 336 : index
        %get3A_415 = tpu.vector_load %arg6[%get3A_413, %get3A_414] {strides = array<i32>} : memref<16x1024xf32, #tpu.memory_space<vmem>>, vector<1x16xf32>,
        %get3A_416 = vector.shape_cast %get3A_415 : vector<1x16xf32> to vector<16xf32>
        %mul3A_417 = arith.constant 3.200000e+01 : f32
        %mul3A_418 = vector.broadcast %mul3A_417 : f32 to vector<16xf32>
        %mul3A_419 = arith.mulf %get3A_416, %mul3A_418 : vector<16xf32>
        %get3A_420 = arith.index_cast %add3A_187 : i32 to index
        %get3A_421 = arith.constant 352 : index
        %get3A_422 = tpu.vector_load %arg6[%get3A_420, %get3A_421] {strides = array<i32>} : memref<16x1024xf32, #tpu.memory_space<vmem>>, vector<1x16xf32>,
        %get3A_423 = vector.shape_cast %get3A_422 : vector<1x16xf32> to vector<16xf32>
        %mul3A_424 = arith.constant 3.200000e+01 : f32
        %mul3A_425 = vector.broadcast %mul3A_424 : f32 to vector<16xf32>
        %mul3A_426 = arith.mulf %get3A_423, %mul3A_425 : vector<16xf32>
        %get3A_427 = arith.index_cast %add3A_187 : i32 to index
        %get3A_428 = arith.constant 368 : index
        %get3A_429 = tpu.vector_load %arg6[%get3A_427, %get3A_428] {strides = array<i32>} : memref<16x1024xf32, #tpu.memory_space<vmem>>, vector<1x16xf32>,
        %get3A_430 = vector.shape_cast %get3A_429 : vector<1x16xf32> to vector<16xf32>
        %mul3A_431 = arith.constant 3.200000e+01 : f32
        %mul3A_432 = vector.broadcast %mul3A_431 : f32 to vector<16xf32>
        %mul3A_433 = arith.mulf %get3A_430, %mul3A_432 : vector<16xf32>
        %swap3A_434 = arith.index_cast %add3A_187 : i32 to index
        %swap3A_435 = arith.constant 256 : index
        %swap3A_436 = tpu.vector_load %arg6[%swap3A_434, %swap3A_435] {strides = array<i32>} : memref<16x1024xf32, #tpu.memory_space<vmem>>, vector<1x16xf32>,
        %swap3A_437 = vector.shape_cast %swap3A_436 : vector<1x16xf32> to vector<16xf32>
        %swap3A_438 = vector.shape_cast %mul3A_384 : vector<16xf32> to vector<1x16xf32>
        tpu.vector_store %arg6[%swap3A_434, %swap3A_435], %swap3A_438 {strides = array<i32>} : memref<16x1024xf32, #tpu.memory_space<vmem>>, vector<1x16xf32>,
        %swap3A_439 = arith.index_cast %add3A_187 : i32 to index
        %swap3A_440 = arith.constant 272 : index
        %swap3A_441 = tpu.vector_load %arg6[%swap3A_439, %swap3A_440] {strides = array<i32>} : memref<16x1024xf32, #tpu.memory_space<vmem>>, vector<1x16xf32>,
        %swap3A_442 = vector.shape_cast %swap3A_441 : vector<1x16xf32> to vector<16xf32>
        %swap3A_443 = vector.shape_cast %mul3A_391 : vector<16xf32> to vector<1x16xf32>
        tpu.vector_store %arg6[%swap3A_439, %swap3A_440], %swap3A_443 {strides = array<i32>} : memref<16x1024xf32, #tpu.memory_space<vmem>>, vector<1x16xf32>,
        %swap3A_444 = arith.index_cast %add3A_187 : i32 to index
        %swap3A_445 = arith.constant 288 : index
        %swap3A_446 = tpu.vector_load %arg6[%swap3A_444, %swap3A_445] {strides = array<i32>} : memref<16x1024xf32, #tpu.memory_space<vmem>>, vector<1x16xf32>,
        %swap3A_447 = vector.shape_cast %swap3A_446 : vector<1x16xf32> to vector<16xf32>
        %swap3A_448 = vector.shape_cast %mul3A_398 : vector<16xf32> to vector<1x16xf32>
        tpu.vector_store %arg6[%swap3A_444, %swap3A_445], %swap3A_448 {strides = array<i32>} : memref<16x1024xf32, #tpu.memory_space<vmem>>, vector<1x16xf32>,
        %swap3A_449 = arith.index_cast %add3A_187 : i32 to index
        %swap3A_450 = arith.constant 304 : index
        %swap3A_451 = tpu.vector_load %arg6[%swap3A_449, %swap3A_450] {strides = array<i32>} : memref<16x1024xf32, #tpu.memory_space<vmem>>, vector<1x16xf32>,
        %swap3A_452 = vector.shape_cast %swap3A_451 : vector<1x16xf32> to vector<16xf32>
        %swap3A_453 = vector.shape_cast %mul3A_405 : vector<16xf32> to vector<1x16xf32>
        tpu.vector_store %arg6[%swap3A_449, %swap3A_450], %swap3A_453 {strides = array<i32>} : memref<16x1024xf32, #tpu.memory_space<vmem>>, vector<1x16xf32>,
        %swap3A_454 = arith.index_cast %add3A_187 : i32 to index
        %swap3A_455 = arith.constant 320 : index
        %swap3A_456 = tpu.vector_load %arg6[%swap3A_454, %swap3A_455] {strides = array<i32>} : memref<16x1024xf32, #tpu.memory_space<vmem>>, vector<1x16xf32>,
        %swap3A_457 = vector.shape_cast %swap3A_456 : vector<1x16xf32> to vector<16xf32>
        %swap3A_458 = vector.shape_cast %mul3A_412 : vector<16xf32> to vector<1x16xf32>
        tpu.vector_store %arg6[%swap3A_454, %swap3A_455], %swap3A_458 {strides = array<i32>} : memref<16x1024xf32, #tpu.memory_space<vmem>>, vector<1x16xf32>,
        %swap3A_459 = arith.index_cast %add3A_187 : i32 to index
        %swap3A_460 = arith.constant 336 : index
        %swap3A_461 = tpu.vector_load %arg6[%swap3A_459, %swap3A_460] {strides = array<i32>} : memref<16x1024xf32, #tpu.memory_space<vmem>>, vector<1x16xf32>,
        %swap3A_462 = vector.shape_cast %swap3A_461 : vector<1x16xf32> to vector<16xf32>
        %swap3A_463 = vector.shape_cast %mul3A_419 : vector<16xf32> to vector<1x16xf32>
        tpu.vector_store %arg6[%swap3A_459, %swap3A_460], %swap3A_463 {strides = array<i32>} : memref<16x1024xf32, #tpu.memory_space<vmem>>, vector<1x16xf32>,
        %swap3A_464 = arith.index_cast %add3A_187 : i32 to index
        %swap3A_465 = arith.constant 352 : index
        %swap3A_466 = tpu.vector_load %arg6[%swap3A_464, %swap3A_465] {strides = array<i32>} : memref<16x1024xf32, #tpu.memory_space<vmem>>, vector<1x16xf32>,
        %swap3A_467 = vector.shape_cast %swap3A_466 : vector<1x16xf32> to vector<16xf32>
        %swap3A_468 = vector.shape_cast %mul3A_426 : vector<16xf32> to vector<1x16xf32>
        tpu.vector_store %arg6[%swap3A_464, %swap3A_465], %swap3A_468 {strides = array<i32>} : memref<16x1024xf32, #tpu.memory_space<vmem>>, vector<1x16xf32>,
        %swap3A_469 = arith.index_cast %add3A_187 : i32 to index
        %swap3A_470 = arith.constant 368 : index
        %swap3A_471 = tpu.vector_load %arg6[%swap3A_469, %swap3A_470] {strides = array<i32>} : memref<16x1024xf32, #tpu.memory_space<vmem>>, vector<1x16xf32>,
        %swap3A_472 = vector.shape_cast %swap3A_471 : vector<1x16xf32> to vector<16xf32>
        %swap3A_473 = vector.shape_cast %mul3A_433 : vector<16xf32> to vector<1x16xf32>
        tpu.vector_store %arg6[%swap3A_469, %swap3A_470], %swap3A_473 {strides = array<i32>} : memref<16x1024xf32, #tpu.memory_space<vmem>>, vector<1x16xf32>,
        %get3A_474 = arith.index_cast %add3A_187 : i32 to index
        %get3A_475 = arith.constant 384 : index
        %get3A_476 = tpu.vector_load %arg6[%get3A_474, %get3A_475] {strides = array<i32>} : memref<16x1024xf32, #tpu.memory_space<vmem>>, vector<1x16xf32>,
        %get3A_477 = vector.shape_cast %get3A_476 : vector<1x16xf32> to vector<16xf32>
        %mul3A_478 = arith.constant 3.200000e+01 : f32
        %mul3A_479 = vector.broadcast %mul3A_478 : f32 to vector<16xf32>
        %mul3A_480 = arith.mulf %get3A_477, %mul3A_479 : vector<16xf32>
        %get3A_481 = arith.index_cast %add3A_187 : i32 to index
        %get3A_482 = arith.constant 400 : index
        %get3A_483 = tpu.vector_load %arg6[%get3A_481, %get3A_482] {strides = array<i32>} : memref<16x1024xf32, #tpu.memory_space<vmem>>, vector<1x16xf32>,
        %get3A_484 = vector.shape_cast %get3A_483 : vector<1x16xf32> to vector<16xf32>
        %mul3A_485 = arith.constant 3.200000e+01 : f32
        %mul3A_486 = vector.broadcast %mul3A_485 : f32 to vector<16xf32>
        %mul3A_487 = arith.mulf %get3A_484, %mul3A_486 : vector<16xf32>
        %get3A_488 = arith.index_cast %add3A_187 : i32 to index
        %get3A_489 = arith.constant 416 : index
        %get3A_490 = tpu.vector_load %arg6[%get3A_488, %get3A_489] {strides = array<i32>} : memref<16x1024xf32, #tpu.memory_space<vmem>>, vector<1x16xf32>,
        %get3A_491 = vector.shape_cast %get3A_490 : vector<1x16xf32> to vector<16xf32>
        %mul3A_492 = arith.constant 3.200000e+01 : f32
        %mul3A_493 = vector.broadcast %mul3A_492 : f32 to vector<16xf32>
        %mul3A_494 = arith.mulf %get3A_491, %mul3A_493 : vector<16xf32>
        %get3A_495 = arith.index_cast %add3A_187 : i32 to index
        %get3A_496 = arith.constant 432 : index
        %get3A_497 = tpu.vector_load %arg6[%get3A_495, %get3A_496] {strides = array<i32>} : memref<16x1024xf32, #tpu.memory_space<vmem>>, vector<1x16xf32>,
        %get3A_498 = vector.shape_cast %get3A_497 : vector<1x16xf32> to vector<16xf32>
        %mul3A_499 = arith.constant 3.200000e+01 : f32
        %mul3A_500 = vector.broadcast %mul3A_499 : f32 to vector<16xf32>
        %mul3A_501 = arith.mulf %get3A_498, %mul3A_500 : vector<16xf32>
        %get3A_502 = arith.index_cast %add3A_187 : i32 to index
        %get3A_503 = arith.constant 448 : index
        %get3A_504 = tpu.vector_load %arg6[%get3A_502, %get3A_503] {strides = array<i32>} : memref<16x1024xf32, #tpu.memory_space<vmem>>, vector<1x16xf32>,
        %get3A_505 = vector.shape_cast %get3A_504 : vector<1x16xf32> to vector<16xf32>
        %mul3A_506 = arith.constant 3.200000e+01 : f32
        %mul3A_507 = vector.broadcast %mul3A_506 : f32 to vector<16xf32>
        %mul3A_508 = arith.mulf %get3A_505, %mul3A_507 : vector<16xf32>
        %get3A_509 = arith.index_cast %add3A_187 : i32 to index
        %get3A_510 = arith.constant 464 : index
        %get3A_511 = tpu.vector_load %arg6[%get3A_509, %get3A_510] {strides = array<i32>} : memref<16x1024xf32, #tpu.memory_space<vmem>>, vector<1x16xf32>,
        %get3A_512 = vector.shape_cast %get3A_511 : vector<1x16xf32> to vector<16xf32>
        %mul3A_513 = arith.constant 3.200000e+01 : f32
        %mul3A_514 = vector.broadcast %mul3A_513 : f32 to vector<16xf32>
        %mul3A_515 = arith.mulf %get3A_512, %mul3A_514 : vector<16xf32>
        %get3A_516 = arith.index_cast %add3A_187 : i32 to index
        %get3A_517 = arith.constant 480 : index
        %get3A_518 = tpu.vector_load %arg6[%get3A_516, %get3A_517] {strides = array<i32>} : memref<16x1024xf32, #tpu.memory_space<vmem>>, vector<1x16xf32>,
        %get3A_519 = vector.shape_cast %get3A_518 : vector<1x16xf32> to vector<16xf32>
        %mul3A_520 = arith.constant 3.200000e+01 : f32
        %mul3A_521 = vector.broadcast %mul3A_520 : f32 to vector<16xf32>
        %mul3A_522 = arith.mulf %get3A_519, %mul3A_521 : vector<16xf32>
        %get3A_523 = arith.index_cast %add3A_187 : i32 to index
        %get3A_524 = arith.constant 496 : index
        %get3A_525 = tpu.vector_load %arg6[%get3A_523, %get3A_524] {strides = array<i32>} : memref<16x1024xf32, #tpu.memory_space<vmem>>, vector<1x16xf32>,
        %get3A_526 = vector.shape_cast %get3A_525 : vector<1x16xf32> to vector<16xf32>
        %mul3A_527 = arith.constant 3.200000e+01 : f32
        %mul3A_528 = vector.broadcast %mul3A_527 : f32 to vector<16xf32>
        %mul3A_529 = arith.mulf %get3A_526, %mul3A_528 : vector<16xf32>
        %swap3A_530 = arith.index_cast %add3A_187 : i32 to index
        %swap3A_531 = arith.constant 384 : index
        %swap3A_532 = tpu.vector_load %arg6[%swap3A_530, %swap3A_531] {strides = array<i32>} : memref<16x1024xf32, #tpu.memory_space<vmem>>, vector<1x16xf32>,
        %swap3A_533 = vector.shape_cast %swap3A_532 : vector<1x16xf32> to vector<16xf32>
        %swap3A_534 = vector.shape_cast %mul3A_480 : vector<16xf32> to vector<1x16xf32>
        tpu.vector_store %arg6[%swap3A_530, %swap3A_531], %swap3A_534 {strides = array<i32>} : memref<16x1024xf32, #tpu.memory_space<vmem>>, vector<1x16xf32>,
        %swap3A_535 = arith.index_cast %add3A_187 : i32 to index
        %swap3A_536 = arith.constant 400 : index
        %swap3A_537 = tpu.vector_load %arg6[%swap3A_535, %swap3A_536] {strides = array<i32>} : memref<16x1024xf32, #tpu.memory_space<vmem>>, vector<1x16xf32>,
        %swap3A_538 = vector.shape_cast %swap3A_537 : vector<1x16xf32> to vector<16xf32>
        %swap3A_539 = vector.shape_cast %mul3A_487 : vector<16xf32> to vector<1x16xf32>
        tpu.vector_store %arg6[%swap3A_535, %swap3A_536], %swap3A_539 {strides = array<i32>} : memref<16x1024xf32, #tpu.memory_space<vmem>>, vector<1x16xf32>,
        %swap3A_540 = arith.index_cast %add3A_187 : i32 to index
        %swap3A_541 = arith.constant 416 : index
        %swap3A_542 = tpu.vector_load %arg6[%swap3A_540, %swap3A_541] {strides = array<i32>} : memref<16x1024xf32, #tpu.memory_space<vmem>>, vector<1x16xf32>,
        %swap3A_543 = vector.shape_cast %swap3A_542 : vector<1x16xf32> to vector<16xf32>
        %swap3A_544 = vector.shape_cast %mul3A_494 : vector<16xf32> to vector<1x16xf32>
        tpu.vector_store %arg6[%swap3A_540, %swap3A_541], %swap3A_544 {strides = array<i32>} : memref<16x1024xf32, #tpu.memory_space<vmem>>, vector<1x16xf32>,
        %swap3A_545 = arith.index_cast %add3A_187 : i32 to index
        %swap3A_546 = arith.constant 432 : index
        %swap3A_547 = tpu.vector_load %arg6[%swap3A_545, %swap3A_546] {strides = array<i32>} : memref<16x1024xf32, #tpu.memory_space<vmem>>, vector<1x16xf32>,
        %swap3A_548 = vector.shape_cast %swap3A_547 : vector<1x16xf32> to vector<16xf32>
        %swap3A_549 = vector.shape_cast %mul3A_501 : vector<16xf32> to vector<1x16xf32>
        tpu.vector_store %arg6[%swap3A_545, %swap3A_546], %swap3A_549 {strides = array<i32>} : memref<16x1024xf32, #tpu.memory_space<vmem>>, vector<1x16xf32>,
        %swap3A_550 = arith.index_cast %add3A_187 : i32 to index
        %swap3A_551 = arith.constant 448 : index
        %swap3A_552 = tpu.vector_load %arg6[%swap3A_550, %swap3A_551] {strides = array<i32>} : memref<16x1024xf32, #tpu.memory_space<vmem>>, vector<1x16xf32>,
        %swap3A_553 = vector.shape_cast %swap3A_552 : vector<1x16xf32> to vector<16xf32>
        %swap3A_554 = vector.shape_cast %mul3A_508 : vector<16xf32> to vector<1x16xf32>
        tpu.vector_store %arg6[%swap3A_550, %swap3A_551], %swap3A_554 {strides = array<i32>} : memref<16x1024xf32, #tpu.memory_space<vmem>>, vector<1x16xf32>,
        %swap3A_555 = arith.index_cast %add3A_187 : i32 to index
        %swap3A_556 = arith.constant 464 : index
        %swap3A_557 = tpu.vector_load %arg6[%swap3A_555, %swap3A_556] {strides = array<i32>} : memref<16x1024xf32, #tpu.memory_space<vmem>>, vector<1x16xf32>,
        %swap3A_558 = vector.shape_cast %swap3A_557 : vector<1x16xf32> to vector<16xf32>
        %swap3A_559 = vector.shape_cast %mul3A_515 : vector<16xf32> to vector<1x16xf32>
        tpu.vector_store %arg6[%swap3A_555, %swap3A_556], %swap3A_559 {strides = array<i32>} : memref<16x1024xf32, #tpu.memory_space<vmem>>, vector<1x16xf32>,
        %swap3A_560 = arith.index_cast %add3A_187 : i32 to index
        %swap3A_561 = arith.constant 480 : index
        %swap3A_562 = tpu.vector_load %arg6[%swap3A_560, %swap3A_561] {strides = array<i32>} : memref<16x1024xf32, #tpu.memory_space<vmem>>, vector<1x16xf32>,
        %swap3A_563 = vector.shape_cast %swap3A_562 : vector<1x16xf32> to vector<16xf32>
        %swap3A_564 = vector.shape_cast %mul3A_522 : vector<16xf32> to vector<1x16xf32>
        tpu.vector_store %arg6[%swap3A_560, %swap3A_561], %swap3A_564 {strides = array<i32>} : memref<16x1024xf32, #tpu.memory_space<vmem>>, vector<1x16xf32>,
        %swap3A_565 = arith.index_cast %add3A_187 : i32 to index
        %swap3A_566 = arith.constant 496 : index
        %swap3A_567 = tpu.vector_load %arg6[%swap3A_565, %swap3A_566] {strides = array<i32>} : memref<16x1024xf32, #tpu.memory_space<vmem>>, vector<1x16xf32>,
        %swap3A_568 = vector.shape_cast %swap3A_567 : vector<1x16xf32> to vector<16xf32>
        %swap3A_569 = vector.shape_cast %mul3A_529 : vector<16xf32> to vector<1x16xf32>
        tpu.vector_store %arg6[%swap3A_565, %swap3A_566], %swap3A_569 {strides = array<i32>} : memref<16x1024xf32, #tpu.memory_space<vmem>>, vector<1x16xf32>,
        %get3A_570 = arith.index_cast %add3A_187 : i32 to index
        %get3A_571 = arith.constant 512 : index
        %get3A_572 = tpu.vector_load %arg6[%get3A_570, %get3A_571] {strides = array<i32>} : memref<16x1024xf32, #tpu.memory_space<vmem>>, vector<1x16xf32>,
        %get3A_573 = vector.shape_cast %get3A_572 : vector<1x16xf32> to vector<16xf32>
        %mul3A_574 = arith.constant 3.200000e+01 : f32
        %mul3A_575 = vector.broadcast %mul3A_574 : f32 to vector<16xf32>
        %mul3A_576 = arith.mulf %get3A_573, %mul3A_575 : vector<16xf32>
        %get3A_577 = arith.index_cast %add3A_187 : i32 to index
        %get3A_578 = arith.constant 528 : index
        %get3A_579 = tpu.vector_load %arg6[%get3A_577, %get3A_578] {strides = array<i32>} : memref<16x1024xf32, #tpu.memory_space<vmem>>, vector<1x16xf32>,
        %get3A_580 = vector.shape_cast %get3A_579 : vector<1x16xf32> to vector<16xf32>
        %mul3A_581 = arith.constant 3.200000e+01 : f32
        %mul3A_582 = vector.broadcast %mul3A_581 : f32 to vector<16xf32>
        %mul3A_583 = arith.mulf %get3A_580, %mul3A_582 : vector<16xf32>
        %get3A_584 = arith.index_cast %add3A_187 : i32 to index
        %get3A_585 = arith.constant 544 : index
        %get3A_586 = tpu.vector_load %arg6[%get3A_584, %get3A_585] {strides = array<i32>} : memref<16x1024xf32, #tpu.memory_space<vmem>>, vector<1x16xf32>,
        %get3A_587 = vector.shape_cast %get3A_586 : vector<1x16xf32> to vector<16xf32>
        %mul3A_588 = arith.constant 3.200000e+01 : f32
        %mul3A_589 = vector.broadcast %mul3A_588 : f32 to vector<16xf32>
        %mul3A_590 = arith.mulf %get3A_587, %mul3A_589 : vector<16xf32>
        %get3A_591 = arith.index_cast %add3A_187 : i32 to index
        %get3A_592 = arith.constant 560 : index
        %get3A_593 = tpu.vector_load %arg6[%get3A_591, %get3A_592] {strides = array<i32>} : memref<16x1024xf32, #tpu.memory_space<vmem>>, vector<1x16xf32>,
        %get3A_594 = vector.shape_cast %get3A_593 : vector<1x16xf32> to vector<16xf32>
        %mul3A_595 = arith.constant 3.200000e+01 : f32
        %mul3A_596 = vector.broadcast %mul3A_595 : f32 to vector<16xf32>
        %mul3A_597 = arith.mulf %get3A_594, %mul3A_596 : vector<16xf32>
        %get3A_598 = arith.index_cast %add3A_187 : i32 to index
        %get3A_599 = arith.constant 576 : index
        %get3A_600 = tpu.vector_load %arg6[%get3A_598, %get3A_599] {strides = array<i32>} : memref<16x1024xf32, #tpu.memory_space<vmem>>, vector<1x16xf32>,
        %get3A_601 = vector.shape_cast %get3A_600 : vector<1x16xf32> to vector<16xf32>
        %mul3A_602 = arith.constant 3.200000e+01 : f32
        %mul3A_603 = vector.broadcast %mul3A_602 : f32 to vector<16xf32>
        %mul3A_604 = arith.mulf %get3A_601, %mul3A_603 : vector<16xf32>
        %get3A_605 = arith.index_cast %add3A_187 : i32 to index
        %get3A_606 = arith.constant 592 : index
        %get3A_607 = tpu.vector_load %arg6[%get3A_605, %get3A_606] {strides = array<i32>} : memref<16x1024xf32, #tpu.memory_space<vmem>>, vector<1x16xf32>,
        %get3A_608 = vector.shape_cast %get3A_607 : vector<1x16xf32> to vector<16xf32>
        %mul3A_609 = arith.constant 3.200000e+01 : f32
        %mul3A_610 = vector.broadcast %mul3A_609 : f32 to vector<16xf32>
        %mul3A_611 = arith.mulf %get3A_608, %mul3A_610 : vector<16xf32>
        %get3A_612 = arith.index_cast %add3A_187 : i32 to index
        %get3A_613 = arith.constant 608 : index
        %get3A_614 = tpu.vector_load %arg6[%get3A_612, %get3A_613] {strides = array<i32>} : memref<16x1024xf32, #tpu.memory_space<vmem>>, vector<1x16xf32>,
        %get3A_615 = vector.shape_cast %get3A_614 : vector<1x16xf32> to vector<16xf32>
        %mul3A_616 = arith.constant 3.200000e+01 : f32
        %mul3A_617 = vector.broadcast %mul3A_616 : f32 to vector<16xf32>
        %mul3A_618 = arith.mulf %get3A_615, %mul3A_617 : vector<16xf32>
        %get3A_619 = arith.index_cast %add3A_187 : i32 to index
        %get3A_620 = arith.constant 624 : index
        %get3A_621 = tpu.vector_load %arg6[%get3A_619, %get3A_620] {strides = array<i32>} : memref<16x1024xf32, #tpu.memory_space<vmem>>, vector<1x16xf32>,
        %get3A_622 = vector.shape_cast %get3A_621 : vector<1x16xf32> to vector<16xf32>
        %mul3A_623 = arith.constant 3.200000e+01 : f32
        %mul3A_624 = vector.broadcast %mul3A_623 : f32 to vector<16xf32>
        %mul3A_625 = arith.mulf %get3A_622, %mul3A_624 : vector<16xf32>
        %swap3A_626 = arith.index_cast %add3A_187 : i32 to index
        %swap3A_627 = arith.constant 512 : index
        %swap3A_628 = tpu.vector_load %arg6[%swap3A_626, %swap3A_627] {strides = array<i32>} : memref<16x1024xf32, #tpu.memory_space<vmem>>, vector<1x16xf32>,
        %swap3A_629 = vector.shape_cast %swap3A_628 : vector<1x16xf32> to vector<16xf32>
        %swap3A_630 = vector.shape_cast %mul3A_576 : vector<16xf32> to vector<1x16xf32>
        tpu.vector_store %arg6[%swap3A_626, %swap3A_627], %swap3A_630 {strides = array<i32>} : memref<16x1024xf32, #tpu.memory_space<vmem>>, vector<1x16xf32>,
        %swap3A_631 = arith.index_cast %add3A_187 : i32 to index
        %swap3A_632 = arith.constant 528 : index
        %swap3A_633 = tpu.vector_load %arg6[%swap3A_631, %swap3A_632] {strides = array<i32>} : memref<16x1024xf32, #tpu.memory_space<vmem>>, vector<1x16xf32>,
        %swap3A_634 = vector.shape_cast %swap3A_633 : vector<1x16xf32> to vector<16xf32>
        %swap3A_635 = vector.shape_cast %mul3A_583 : vector<16xf32> to vector<1x16xf32>
        tpu.vector_store %arg6[%swap3A_631, %swap3A_632], %swap3A_635 {strides = array<i32>} : memref<16x1024xf32, #tpu.memory_space<vmem>>, vector<1x16xf32>,
        %swap3A_636 = arith.index_cast %add3A_187 : i32 to index
        %swap3A_637 = arith.constant 544 : index
        %swap3A_638 = tpu.vector_load %arg6[%swap3A_636, %swap3A_637] {strides = array<i32>} : memref<16x1024xf32, #tpu.memory_space<vmem>>, vector<1x16xf32>,
        %swap3A_639 = vector.shape_cast %swap3A_638 : vector<1x16xf32> to vector<16xf32>
        %swap3A_640 = vector.shape_cast %mul3A_590 : vector<16xf32> to vector<1x16xf32>
        tpu.vector_store %arg6[%swap3A_636, %swap3A_637], %swap3A_640 {strides = array<i32>} : memref<16x1024xf32, #tpu.memory_space<vmem>>, vector<1x16xf32>,
        %swap3A_641 = arith.index_cast %add3A_187 : i32 to index
        %swap3A_642 = arith.constant 560 : index
        %swap3A_643 = tpu.vector_load %arg6[%swap3A_641, %swap3A_642] {strides = array<i32>} : memref<16x1024xf32, #tpu.memory_space<vmem>>, vector<1x16xf32>,
        %swap3A_644 = vector.shape_cast %swap3A_643 : vector<1x16xf32> to vector<16xf32>
        %swap3A_645 = vector.shape_cast %mul3A_597 : vector<16xf32> to vector<1x16xf32>
        tpu.vector_store %arg6[%swap3A_641, %swap3A_642], %swap3A_645 {strides = array<i32>} : memref<16x1024xf32, #tpu.memory_space<vmem>>, vector<1x16xf32>,
        %swap3A_646 = arith.index_cast %add3A_187 : i32 to index
        %swap3A_647 = arith.constant 576 : index
        %swap3A_648 = tpu.vector_load %arg6[%swap3A_646, %swap3A_647] {strides = array<i32>} : memref<16x1024xf32, #tpu.memory_space<vmem>>, vector<1x16xf32>,
        %swap3A_649 = vector.shape_cast %swap3A_648 : vector<1x16xf32> to vector<16xf32>
        %swap3A_650 = vector.shape_cast %mul3A_604 : vector<16xf32> to vector<1x16xf32>
        tpu.vector_store %arg6[%swap3A_646, %swap3A_647], %swap3A_650 {strides = array<i32>} : memref<16x1024xf32, #tpu.memory_space<vmem>>, vector<1x16xf32>,
        %swap3A_651 = arith.index_cast %add3A_187 : i32 to index
        %swap3A_652 = arith.constant 592 : index
        %swap3A_653 = tpu.vector_load %arg6[%swap3A_651, %swap3A_652] {strides = array<i32>} : memref<16x1024xf32, #tpu.memory_space<vmem>>, vector<1x16xf32>,
        %swap3A_654 = vector.shape_cast %swap3A_653 : vector<1x16xf32> to vector<16xf32>
        %swap3A_655 = vector.shape_cast %mul3A_611 : vector<16xf32> to vector<1x16xf32>
        tpu.vector_store %arg6[%swap3A_651, %swap3A_652], %swap3A_655 {strides = array<i32>} : memref<16x1024xf32, #tpu.memory_space<vmem>>, vector<1x16xf32>,
        %swap3A_656 = arith.index_cast %add3A_187 : i32 to index
        %swap3A_657 = arith.constant 608 : index
        %swap3A_658 = tpu.vector_load %arg6[%swap3A_656, %swap3A_657] {strides = array<i32>} : memref<16x1024xf32, #tpu.memory_space<vmem>>, vector<1x16xf32>,
        %swap3A_659 = vector.shape_cast %swap3A_658 : vector<1x16xf32> to vector<16xf32>
        %swap3A_660 = vector.shape_cast %mul3A_618 : vector<16xf32> to vector<1x16xf32>
        tpu.vector_store %arg6[%swap3A_656, %swap3A_657], %swap3A_660 {strides = array<i32>} : memref<16x1024xf32, #tpu.memory_space<vmem>>, vector<1x16xf32>,
        %swap3A_661 = arith.index_cast %add3A_187 : i32 to index
        %swap3A_662 = arith.constant 624 : index
        %swap3A_663 = tpu.vector_load %arg6[%swap3A_661, %swap3A_662] {strides = array<i32>} : memref<16x1024xf32, #tpu.memory_space<vmem>>, vector<1x16xf32>,
        %swap3A_664 = vector.shape_cast %swap3A_663 : vector<1x16xf32> to vector<16xf32>
        %swap3A_665 = vector.shape_cast %mul3A_625 : vector<16xf32> to vector<1x16xf32>
        tpu.vector_store %arg6[%swap3A_661, %swap3A_662], %swap3A_665 {strides = array<i32>} : memref<16x1024xf32, #tpu.memory_space<vmem>>, vector<1x16xf32>,
        %get3A_666 = arith.index_cast %add3A_187 : i32 to index
        %get3A_667 = arith.constant 640 : index
        %get3A_668 = tpu.vector_load %arg6[%get3A_666, %get3A_667] {strides = array<i32>} : memref<16x1024xf32, #tpu.memory_space<vmem>>, vector<1x16xf32>,
        %get3A_669 = vector.shape_cast %get3A_668 : vector<1x16xf32> to vector<16xf32>
        %mul3A_670 = arith.constant 3.200000e+01 : f32
        %mul3A_671 = vector.broadcast %mul3A_670 : f32 to vector<16xf32>
        %mul3A_672 = arith.mulf %get3A_669, %mul3A_671 : vector<16xf32>
        %get3A_673 = arith.index_cast %add3A_187 : i32 to index
        %get3A_674 = arith.constant 656 : index
        %get3A_675 = tpu.vector_load %arg6[%get3A_673, %get3A_674] {strides = array<i32>} : memref<16x1024xf32, #tpu.memory_space<vmem>>, vector<1x16xf32>,
        %get3A_676 = vector.shape_cast %get3A_675 : vector<1x16xf32> to vector<16xf32>
        %mul3A_677 = arith.constant 3.200000e+01 : f32
        %mul3A_678 = vector.broadcast %mul3A_677 : f32 to vector<16xf32>
        %mul3A_679 = arith.mulf %get3A_676, %mul3A_678 : vector<16xf32>
        %get3A_680 = arith.index_cast %add3A_187 : i32 to index
        %get3A_681 = arith.constant 672 : index
        %get3A_682 = tpu.vector_load %arg6[%get3A_680, %get3A_681] {strides = array<i32>} : memref<16x1024xf32, #tpu.memory_space<vmem>>, vector<1x16xf32>,
        %get3A_683 = vector.shape_cast %get3A_682 : vector<1x16xf32> to vector<16xf32>
        %mul3A_684 = arith.constant 3.200000e+01 : f32
        %mul3A_685 = vector.broadcast %mul3A_684 : f32 to vector<16xf32>
        %mul3A_686 = arith.mulf %get3A_683, %mul3A_685 : vector<16xf32>
        %get3A_687 = arith.index_cast %add3A_187 : i32 to index
        %get3A_688 = arith.constant 688 : index
        %get3A_689 = tpu.vector_load %arg6[%get3A_687, %get3A_688] {strides = array<i32>} : memref<16x1024xf32, #tpu.memory_space<vmem>>, vector<1x16xf32>,
        %get3A_690 = vector.shape_cast %get3A_689 : vector<1x16xf32> to vector<16xf32>
        %mul3A_691 = arith.constant 3.200000e+01 : f32
        %mul3A_692 = vector.broadcast %mul3A_691 : f32 to vector<16xf32>
        %mul3A_693 = arith.mulf %get3A_690, %mul3A_692 : vector<16xf32>
        %get3A_694 = arith.index_cast %add3A_187 : i32 to index
        %get3A_695 = arith.constant 704 : index
        %get3A_696 = tpu.vector_load %arg6[%get3A_694, %get3A_695] {strides = array<i32>} : memref<16x1024xf32, #tpu.memory_space<vmem>>, vector<1x16xf32>,
        %get3A_697 = vector.shape_cast %get3A_696 : vector<1x16xf32> to vector<16xf32>
        %mul3A_698 = arith.constant 3.200000e+01 : f32
        %mul3A_699 = vector.broadcast %mul3A_698 : f32 to vector<16xf32>
        %mul3A_700 = arith.mulf %get3A_697, %mul3A_699 : vector<16xf32>
        %get3A_701 = arith.index_cast %add3A_187 : i32 to index
        %get3A_702 = arith.constant 720 : index
        %get3A_703 = tpu.vector_load %arg6[%get3A_701, %get3A_702] {strides = array<i32>} : memref<16x1024xf32, #tpu.memory_space<vmem>>, vector<1x16xf32>,
        %get3A_704 = vector.shape_cast %get3A_703 : vector<1x16xf32> to vector<16xf32>
        %mul3A_705 = arith.constant 3.200000e+01 : f32
        %mul3A_706 = vector.broadcast %mul3A_705 : f32 to vector<16xf32>
        %mul3A_707 = arith.mulf %get3A_704, %mul3A_706 : vector<16xf32>
        %get3A_708 = arith.index_cast %add3A_187 : i32 to index
        %get3A_709 = arith.constant 736 : index
        %get3A_710 = tpu.vector_load %arg6[%get3A_708, %get3A_709] {strides = array<i32>} : memref<16x1024xf32, #tpu.memory_space<vmem>>, vector<1x16xf32>,
        %get3A_711 = vector.shape_cast %get3A_710 : vector<1x16xf32> to vector<16xf32>
        %mul3A_712 = arith.constant 3.200000e+01 : f32
        %mul3A_713 = vector.broadcast %mul3A_712 : f32 to vector<16xf32>
        %mul3A_714 = arith.mulf %get3A_711, %mul3A_713 : vector<16xf32>
        %get3A_715 = arith.index_cast %add3A_187 : i32 to index
        %get3A_716 = arith.constant 752 : index
        %get3A_717 = tpu.vector_load %arg6[%get3A_715, %get3A_716] {strides = array<i32>} : memref<16x1024xf32, #tpu.memory_space<vmem>>, vector<1x16xf32>,
        %get3A_718 = vector.shape_cast %get3A_717 : vector<1x16xf32> to vector<16xf32>
        %mul3A_719 = arith.constant 3.200000e+01 : f32
        %mul3A_720 = vector.broadcast %mul3A_719 : f32 to vector<16xf32>
        %mul3A_721 = arith.mulf %get3A_718, %mul3A_720 : vector<16xf32>
        %swap3A_722 = arith.index_cast %add3A_187 : i32 to index
        %swap3A_723 = arith.constant 640 : index
        %swap3A_724 = tpu.vector_load %arg6[%swap3A_722, %swap3A_723] {strides = array<i32>} : memref<16x1024xf32, #tpu.memory_space<vmem>>, vector<1x16xf32>,
        %swap3A_725 = vector.shape_cast %swap3A_724 : vector<1x16xf32> to vector<16xf32>
        %swap3A_726 = vector.shape_cast %mul3A_672 : vector<16xf32> to vector<1x16xf32>
        tpu.vector_store %arg6[%swap3A_722, %swap3A_723], %swap3A_726 {strides = array<i32>} : memref<16x1024xf32, #tpu.memory_space<vmem>>, vector<1x16xf32>,
        %swap3A_727 = arith.index_cast %add3A_187 : i32 to index
        %swap3A_728 = arith.constant 656 : index
        %swap3A_729 = tpu.vector_load %arg6[%swap3A_727, %swap3A_728] {strides = array<i32>} : memref<16x1024xf32, #tpu.memory_space<vmem>>, vector<1x16xf32>,
        %swap3A_730 = vector.shape_cast %swap3A_729 : vector<1x16xf32> to vector<16xf32>
        %swap3A_731 = vector.shape_cast %mul3A_679 : vector<16xf32> to vector<1x16xf32>
        tpu.vector_store %arg6[%swap3A_727, %swap3A_728], %swap3A_731 {strides = array<i32>} : memref<16x1024xf32, #tpu.memory_space<vmem>>, vector<1x16xf32>,
        %swap3A_732 = arith.index_cast %add3A_187 : i32 to index
        %swap3A_733 = arith.constant 672 : index
        %swap3A_734 = tpu.vector_load %arg6[%swap3A_732, %swap3A_733] {strides = array<i32>} : memref<16x1024xf32, #tpu.memory_space<vmem>>, vector<1x16xf32>,
        %swap3A_735 = vector.shape_cast %swap3A_734 : vector<1x16xf32> to vector<16xf32>
        %swap3A_736 = vector.shape_cast %mul3A_686 : vector<16xf32> to vector<1x16xf32>
        tpu.vector_store %arg6[%swap3A_732, %swap3A_733], %swap3A_736 {strides = array<i32>} : memref<16x1024xf32, #tpu.memory_space<vmem>>, vector<1x16xf32>,
        %swap3A_737 = arith.index_cast %add3A_187 : i32 to index
        %swap3A_738 = arith.constant 688 : index
        %swap3A_739 = tpu.vector_load %arg6[%swap3A_737, %swap3A_738] {strides = array<i32>} : memref<16x1024xf32, #tpu.memory_space<vmem>>, vector<1x16xf32>,
        %swap3A_740 = vector.shape_cast %swap3A_739 : vector<1x16xf32> to vector<16xf32>
        %swap3A_741 = vector.shape_cast %mul3A_693 : vector<16xf32> to vector<1x16xf32>
        tpu.vector_store %arg6[%swap3A_737, %swap3A_738], %swap3A_741 {strides = array<i32>} : memref<16x1024xf32, #tpu.memory_space<vmem>>, vector<1x16xf32>,
        %swap3A_742 = arith.index_cast %add3A_187 : i32 to index
        %swap3A_743 = arith.constant 704 : index
        %swap3A_744 = tpu.vector_load %arg6[%swap3A_742, %swap3A_743] {strides = array<i32>} : memref<16x1024xf32, #tpu.memory_space<vmem>>, vector<1x16xf32>,
        %swap3A_745 = vector.shape_cast %swap3A_744 : vector<1x16xf32> to vector<16xf32>
        %swap3A_746 = vector.shape_cast %mul3A_700 : vector<16xf32> to vector<1x16xf32>
        tpu.vector_store %arg6[%swap3A_742, %swap3A_743], %swap3A_746 {strides = array<i32>} : memref<16x1024xf32, #tpu.memory_space<vmem>>, vector<1x16xf32>,
        %swap3A_747 = arith.index_cast %add3A_187 : i32 to index
        %swap3A_748 = arith.constant 720 : index
        %swap3A_749 = tpu.vector_load %arg6[%swap3A_747, %swap3A_748] {strides = array<i32>} : memref<16x1024xf32, #tpu.memory_space<vmem>>, vector<1x16xf32>,
        %swap3A_750 = vector.shape_cast %swap3A_749 : vector<1x16xf32> to vector<16xf32>
        %swap3A_751 = vector.shape_cast %mul3A_707 : vector<16xf32> to vector<1x16xf32>
        tpu.vector_store %arg6[%swap3A_747, %swap3A_748], %swap3A_751 {strides = array<i32>} : memref<16x1024xf32, #tpu.memory_space<vmem>>, vector<1x16xf32>,
        %swap3A_752 = arith.index_cast %add3A_187 : i32 to index
        %swap3A_753 = arith.constant 736 : index
        %swap3A_754 = tpu.vector_load %arg6[%swap3A_752, %swap3A_753] {strides = array<i32>} : memref<16x1024xf32, #tpu.memory_space<vmem>>, vector<1x16xf32>,
        %swap3A_755 = vector.shape_cast %swap3A_754 : vector<1x16xf32> to vector<16xf32>
        %swap3A_756 = vector.shape_cast %mul3A_714 : vector<16xf32> to vector<1x16xf32>
        tpu.vector_store %arg6[%swap3A_752, %swap3A_753], %swap3A_756 {strides = array<i32>} : memref<16x1024xf32, #tpu.memory_space<vmem>>, vector<1x16xf32>,
        %swap3A_757 = arith.index_cast %add3A_187 : i32 to index
        %swap3A_758 = arith.constant 752 : index
        %swap3A_759 = tpu.vector_load %arg6[%swap3A_757, %swap3A_758] {strides = array<i32>} : memref<16x1024xf32, #tpu.memory_space<vmem>>, vector<1x16xf32>,
        %swap3A_760 = vector.shape_cast %swap3A_759 : vector<1x16xf32> to vector<16xf32>
        %swap3A_761 = vector.shape_cast %mul3A_721 : vector<16xf32> to vector<1x16xf32>
        tpu.vector_store %arg6[%swap3A_757, %swap3A_758], %swap3A_761 {strides = array<i32>} : memref<16x1024xf32, #tpu.memory_space<vmem>>, vector<1x16xf32>,
        %get3A_762 = arith.index_cast %add3A_187 : i32 to index
        %get3A_763 = arith.constant 768 : index
        %get3A_764 = tpu.vector_load %arg6[%get3A_762, %get3A_763] {strides = array<i32>} : memref<16x1024xf32, #tpu.memory_space<vmem>>, vector<1x16xf32>,
        %get3A_765 = vector.shape_cast %get3A_764 : vector<1x16xf32> to vector<16xf32>
        %mul3A_766 = arith.constant 3.200000e+01 : f32
        %mul3A_767 = vector.broadcast %mul3A_766 : f32 to vector<16xf32>
        %mul3A_768 = arith.mulf %get3A_765, %mul3A_767 : vector<16xf32>
        %get3A_769 = arith.index_cast %add3A_187 : i32 to index
        %get3A_770 = arith.constant 784 : index
        %get3A_771 = tpu.vector_load %arg6[%get3A_769, %get3A_770] {strides = array<i32>} : memref<16x1024xf32, #tpu.memory_space<vmem>>, vector<1x16xf32>,
        %get3A_772 = vector.shape_cast %get3A_771 : vector<1x16xf32> to vector<16xf32>
        %mul3A_773 = arith.constant 3.200000e+01 : f32
        %mul3A_774 = vector.broadcast %mul3A_773 : f32 to vector<16xf32>
        %mul3A_775 = arith.mulf %get3A_772, %mul3A_774 : vector<16xf32>
        %get3A_776 = arith.index_cast %add3A_187 : i32 to index
        %get3A_777 = arith.constant 800 : index
        %get3A_778 = tpu.vector_load %arg6[%get3A_776, %get3A_777] {strides = array<i32>} : memref<16x1024xf32, #tpu.memory_space<vmem>>, vector<1x16xf32>,
        %get3A_779 = vector.shape_cast %get3A_778 : vector<1x16xf32> to vector<16xf32>
        %mul3A_780 = arith.constant 3.200000e+01 : f32
        %mul3A_781 = vector.broadcast %mul3A_780 : f32 to vector<16xf32>
        %mul3A_782 = arith.mulf %get3A_779, %mul3A_781 : vector<16xf32>
        %get3A_783 = arith.index_cast %add3A_187 : i32 to index
        %get3A_784 = arith.constant 816 : index
        %get3A_785 = tpu.vector_load %arg6[%get3A_783, %get3A_784] {strides = array<i32>} : memref<16x1024xf32, #tpu.memory_space<vmem>>, vector<1x16xf32>,
        %get3A_786 = vector.shape_cast %get3A_785 : vector<1x16xf32> to vector<16xf32>
        %mul3A_787 = arith.constant 3.200000e+01 : f32
        %mul3A_788 = vector.broadcast %mul3A_787 : f32 to vector<16xf32>
        %mul3A_789 = arith.mulf %get3A_786, %mul3A_788 : vector<16xf32>
        %get3A_790 = arith.index_cast %add3A_187 : i32 to index
        %get3A_791 = arith.constant 832 : index
        %get3A_792 = tpu.vector_load %arg6[%get3A_790, %get3A_791] {strides = array<i32>} : memref<16x1024xf32, #tpu.memory_space<vmem>>, vector<1x16xf32>,
        %get3A_793 = vector.shape_cast %get3A_792 : vector<1x16xf32> to vector<16xf32>
        %mul3A_794 = arith.constant 3.200000e+01 : f32
        %mul3A_795 = vector.broadcast %mul3A_794 : f32 to vector<16xf32>
        %mul3A_796 = arith.mulf %get3A_793, %mul3A_795 : vector<16xf32>
        %get3A_797 = arith.index_cast %add3A_187 : i32 to index
        %get3A_798 = arith.constant 848 : index
        %get3A_799 = tpu.vector_load %arg6[%get3A_797, %get3A_798] {strides = array<i32>} : memref<16x1024xf32, #tpu.memory_space<vmem>>, vector<1x16xf32>,
        %get3A_800 = vector.shape_cast %get3A_799 : vector<1x16xf32> to vector<16xf32>
        %mul3A_801 = arith.constant 3.200000e+01 : f32
        %mul3A_802 = vector.broadcast %mul3A_801 : f32 to vector<16xf32>
        %mul3A_803 = arith.mulf %get3A_800, %mul3A_802 : vector<16xf32>
        %get3A_804 = arith.index_cast %add3A_187 : i32 to index
        %get3A_805 = arith.constant 864 : index
        %get3A_806 = tpu.vector_load %arg6[%get3A_804, %get3A_805] {strides = array<i32>} : memref<16x1024xf32, #tpu.memory_space<vmem>>, vector<1x16xf32>,
        %get3A_807 = vector.shape_cast %get3A_806 : vector<1x16xf32> to vector<16xf32>
        %mul3A_808 = arith.constant 3.200000e+01 : f32
        %mul3A_809 = vector.broadcast %mul3A_808 : f32 to vector<16xf32>
        %mul3A_810 = arith.mulf %get3A_807, %mul3A_809 : vector<16xf32>
        %get3A_811 = arith.index_cast %add3A_187 : i32 to index
        %get3A_812 = arith.constant 880 : index
        %get3A_813 = tpu.vector_load %arg6[%get3A_811, %get3A_812] {strides = array<i32>} : memref<16x1024xf32, #tpu.memory_space<vmem>>, vector<1x16xf32>,
        %get3A_814 = vector.shape_cast %get3A_813 : vector<1x16xf32> to vector<16xf32>
        %mul3A_815 = arith.constant 3.200000e+01 : f32
        %mul3A_816 = vector.broadcast %mul3A_815 : f32 to vector<16xf32>
        %mul3A_817 = arith.mulf %get3A_814, %mul3A_816 : vector<16xf32>
        %swap3A_818 = arith.index_cast %add3A_187 : i32 to index
        %swap3A_819 = arith.constant 768 : index
        %swap3A_820 = tpu.vector_load %arg6[%swap3A_818, %swap3A_819] {strides = array<i32>} : memref<16x1024xf32, #tpu.memory_space<vmem>>, vector<1x16xf32>,
        %swap3A_821 = vector.shape_cast %swap3A_820 : vector<1x16xf32> to vector<16xf32>
        %swap3A_822 = vector.shape_cast %mul3A_768 : vector<16xf32> to vector<1x16xf32>
        tpu.vector_store %arg6[%swap3A_818, %swap3A_819], %swap3A_822 {strides = array<i32>} : memref<16x1024xf32, #tpu.memory_space<vmem>>, vector<1x16xf32>,
        %swap3A_823 = arith.index_cast %add3A_187 : i32 to index
        %swap3A_824 = arith.constant 784 : index
        %swap3A_825 = tpu.vector_load %arg6[%swap3A_823, %swap3A_824] {strides = array<i32>} : memref<16x1024xf32, #tpu.memory_space<vmem>>, vector<1x16xf32>,
        %swap3A_826 = vector.shape_cast %swap3A_825 : vector<1x16xf32> to vector<16xf32>
        %swap3A_827 = vector.shape_cast %mul3A_775 : vector<16xf32> to vector<1x16xf32>
        tpu.vector_store %arg6[%swap3A_823, %swap3A_824], %swap3A_827 {strides = array<i32>} : memref<16x1024xf32, #tpu.memory_space<vmem>>, vector<1x16xf32>,
        %swap3A_828 = arith.index_cast %add3A_187 : i32 to index
        %swap3A_829 = arith.constant 800 : index
        %swap3A_830 = tpu.vector_load %arg6[%swap3A_828, %swap3A_829] {strides = array<i32>} : memref<16x1024xf32, #tpu.memory_space<vmem>>, vector<1x16xf32>,
        %swap3A_831 = vector.shape_cast %swap3A_830 : vector<1x16xf32> to vector<16xf32>
        %swap3A_832 = vector.shape_cast %mul3A_782 : vector<16xf32> to vector<1x16xf32>
        tpu.vector_store %arg6[%swap3A_828, %swap3A_829], %swap3A_832 {strides = array<i32>} : memref<16x1024xf32, #tpu.memory_space<vmem>>, vector<1x16xf32>,
        %swap3A_833 = arith.index_cast %add3A_187 : i32 to index
        %swap3A_834 = arith.constant 816 : index
        %swap3A_835 = tpu.vector_load %arg6[%swap3A_833, %swap3A_834] {strides = array<i32>} : memref<16x1024xf32, #tpu.memory_space<vmem>>, vector<1x16xf32>,
        %swap3A_836 = vector.shape_cast %swap3A_835 : vector<1x16xf32> to vector<16xf32>
        %swap3A_837 = vector.shape_cast %mul3A_789 : vector<16xf32> to vector<1x16xf32>
        tpu.vector_store %arg6[%swap3A_833, %swap3A_834], %swap3A_837 {strides = array<i32>} : memref<16x1024xf32, #tpu.memory_space<vmem>>, vector<1x16xf32>,
        %swap3A_838 = arith.index_cast %add3A_187 : i32 to index
        %swap3A_839 = arith.constant 832 : index
        %swap3A_840 = tpu.vector_load %arg6[%swap3A_838, %swap3A_839] {strides = array<i32>} : memref<16x1024xf32, #tpu.memory_space<vmem>>, vector<1x16xf32>,
        %swap3A_841 = vector.shape_cast %swap3A_840 : vector<1x16xf32> to vector<16xf32>
        %swap3A_842 = vector.shape_cast %mul3A_796 : vector<16xf32> to vector<1x16xf32>
        tpu.vector_store %arg6[%swap3A_838, %swap3A_839], %swap3A_842 {strides = array<i32>} : memref<16x1024xf32, #tpu.memory_space<vmem>>, vector<1x16xf32>,
        %swap3A_843 = arith.index_cast %add3A_187 : i32 to index
        %swap3A_844 = arith.constant 848 : index
        %swap3A_845 = tpu.vector_load %arg6[%swap3A_843, %swap3A_844] {strides = array<i32>} : memref<16x1024xf32, #tpu.memory_space<vmem>>, vector<1x16xf32>,
        %swap3A_846 = vector.shape_cast %swap3A_845 : vector<1x16xf32> to vector<16xf32>
        %swap3A_847 = vector.shape_cast %mul3A_803 : vector<16xf32> to vector<1x16xf32>
        tpu.vector_store %arg6[%swap3A_843, %swap3A_844], %swap3A_847 {strides = array<i32>} : memref<16x1024xf32, #tpu.memory_space<vmem>>, vector<1x16xf32>,
        %swap3A_848 = arith.index_cast %add3A_187 : i32 to index
        %swap3A_849 = arith.constant 864 : index
        %swap3A_850 = tpu.vector_load %arg6[%swap3A_848, %swap3A_849] {strides = array<i32>} : memref<16x1024xf32, #tpu.memory_space<vmem>>, vector<1x16xf32>,
        %swap3A_851 = vector.shape_cast %swap3A_850 : vector<1x16xf32> to vector<16xf32>
        %swap3A_852 = vector.shape_cast %mul3A_810 : vector<16xf32> to vector<1x16xf32>
        tpu.vector_store %arg6[%swap3A_848, %swap3A_849], %swap3A_852 {strides = array<i32>} : memref<16x1024xf32, #tpu.memory_space<vmem>>, vector<1x16xf32>,
        %swap3A_853 = arith.index_cast %add3A_187 : i32 to index
        %swap3A_854 = arith.constant 880 : index
        %swap3A_855 = tpu.vector_load %arg6[%swap3A_853, %swap3A_854] {strides = array<i32>} : memref<16x1024xf32, #tpu.memory_space<vmem>>, vector<1x16xf32>,
        %swap3A_856 = vector.shape_cast %swap3A_855 : vector<1x16xf32> to vector<16xf32>
        %swap3A_857 = vector.shape_cast %mul3A_817 : vector<16xf32> to vector<1x16xf32>
        tpu.vector_store %arg6[%swap3A_853, %swap3A_854], %swap3A_857 {strides = array<i32>} : memref<16x1024xf32, #tpu.memory_space<vmem>>, vector<1x16xf32>,
        %get3A_858 = arith.index_cast %add3A_187 : i32 to index
        %get3A_859 = arith.constant 896 : index
        %get3A_860 = tpu.vector_load %arg6[%get3A_858, %get3A_859] {strides = array<i32>} : memref<16x1024xf32, #tpu.memory_space<vmem>>, vector<1x16xf32>,
        %get3A_861 = vector.shape_cast %get3A_860 : vector<1x16xf32> to vector<16xf32>
        %mul3A_862 = arith.constant 3.200000e+01 : f32
        %mul3A_863 = vector.broadcast %mul3A_862 : f32 to vector<16xf32>
        %mul3A_864 = arith.mulf %get3A_861, %mul3A_863 : vector<16xf32>
        %get3A_865 = arith.index_cast %add3A_187 : i32 to index
        %get3A_866 = arith.constant 912 : index
        %get3A_867 = tpu.vector_load %arg6[%get3A_865, %get3A_866] {strides = array<i32>} : memref<16x1024xf32, #tpu.memory_space<vmem>>, vector<1x16xf32>,
        %get3A_868 = vector.shape_cast %get3A_867 : vector<1x16xf32> to vector<16xf32>
        %mul3A_869 = arith.constant 3.200000e+01 : f32
        %mul3A_870 = vector.broadcast %mul3A_869 : f32 to vector<16xf32>
        %mul3A_871 = arith.mulf %get3A_868, %mul3A_870 : vector<16xf32>
        %get3A_872 = arith.index_cast %add3A_187 : i32 to index
        %get3A_873 = arith.constant 928 : index
        %get3A_874 = tpu.vector_load %arg6[%get3A_872, %get3A_873] {strides = array<i32>} : memref<16x1024xf32, #tpu.memory_space<vmem>>, vector<1x16xf32>,
        %get3A_875 = vector.shape_cast %get3A_874 : vector<1x16xf32> to vector<16xf32>
        %mul3A_876 = arith.constant 3.200000e+01 : f32
        %mul3A_877 = vector.broadcast %mul3A_876 : f32 to vector<16xf32>
        %mul3A_878 = arith.mulf %get3A_875, %mul3A_877 : vector<16xf32>
        %get3A_879 = arith.index_cast %add3A_187 : i32 to index
        %get3A_880 = arith.constant 944 : index
        %get3A_881 = tpu.vector_load %arg6[%get3A_879, %get3A_880] {strides = array<i32>} : memref<16x1024xf32, #tpu.memory_space<vmem>>, vector<1x16xf32>,
        %get3A_882 = vector.shape_cast %get3A_881 : vector<1x16xf32> to vector<16xf32>
        %mul3A_883 = arith.constant 3.200000e+01 : f32
        %mul3A_884 = vector.broadcast %mul3A_883 : f32 to vector<16xf32>
        %mul3A_885 = arith.mulf %get3A_882, %mul3A_884 : vector<16xf32>
        %get3A_886 = arith.index_cast %add3A_187 : i32 to index
        %get3A_887 = arith.constant 960 : index
        %get3A_888 = tpu.vector_load %arg6[%get3A_886, %get3A_887] {strides = array<i32>} : memref<16x1024xf32, #tpu.memory_space<vmem>>, vector<1x16xf32>,
        %get3A_889 = vector.shape_cast %get3A_888 : vector<1x16xf32> to vector<16xf32>
        %mul3A_890 = arith.constant 3.200000e+01 : f32
        %mul3A_891 = vector.broadcast %mul3A_890 : f32 to vector<16xf32>
        %mul3A_892 = arith.mulf %get3A_889, %mul3A_891 : vector<16xf32>
        %get3A_893 = arith.index_cast %add3A_187 : i32 to index
        %get3A_894 = arith.constant 976 : index
        %get3A_895 = tpu.vector_load %arg6[%get3A_893, %get3A_894] {strides = array<i32>} : memref<16x1024xf32, #tpu.memory_space<vmem>>, vector<1x16xf32>,
        %get3A_896 = vector.shape_cast %get3A_895 : vector<1x16xf32> to vector<16xf32>
        %mul3A_897 = arith.constant 3.200000e+01 : f32
        %mul3A_898 = vector.broadcast %mul3A_897 : f32 to vector<16xf32>
        %mul3A_899 = arith.mulf %get3A_896, %mul3A_898 : vector<16xf32>
        %get3A_900 = arith.index_cast %add3A_187 : i32 to index
        %get3A_901 = arith.constant 992 : index
        %get3A_902 = tpu.vector_load %arg6[%get3A_900, %get3A_901] {strides = array<i32>} : memref<16x1024xf32, #tpu.memory_space<vmem>>, vector<1x16xf32>,
        %get3A_903 = vector.shape_cast %get3A_902 : vector<1x16xf32> to vector<16xf32>
        %mul3A_904 = arith.constant 3.200000e+01 : f32
        %mul3A_905 = vector.broadcast %mul3A_904 : f32 to vector<16xf32>
        %mul3A_906 = arith.mulf %get3A_903, %mul3A_905 : vector<16xf32>
        %get3A_907 = arith.index_cast %add3A_187 : i32 to index
        %get3A_908 = arith.constant 1008 : index
        %get3A_909 = tpu.vector_load %arg6[%get3A_907, %get3A_908] {strides = array<i32>} : memref<16x1024xf32, #tpu.memory_space<vmem>>, vector<1x16xf32>,
        %get3A_910 = vector.shape_cast %get3A_909 : vector<1x16xf32> to vector<16xf32>
        %mul3A_911 = arith.constant 3.200000e+01 : f32
        %mul3A_912 = vector.broadcast %mul3A_911 : f32 to vector<16xf32>
        %mul3A_913 = arith.mulf %get3A_910, %mul3A_912 : vector<16xf32>
        %swap3A_914 = arith.index_cast %add3A_187 : i32 to index
        %swap3A_915 = arith.constant 896 : index
        %swap3A_916 = tpu.vector_load %arg6[%swap3A_914, %swap3A_915] {strides = array<i32>} : memref<16x1024xf32, #tpu.memory_space<vmem>>, vector<1x16xf32>,
        %swap3A_917 = vector.shape_cast %swap3A_916 : vector<1x16xf32> to vector<16xf32>
        %swap3A_918 = vector.shape_cast %mul3A_864 : vector<16xf32> to vector<1x16xf32>
        tpu.vector_store %arg6[%swap3A_914, %swap3A_915], %swap3A_918 {strides = array<i32>} : memref<16x1024xf32, #tpu.memory_space<vmem>>, vector<1x16xf32>,
        %swap3A_919 = arith.index_cast %add3A_187 : i32 to index
        %swap3A_920 = arith.constant 912 : index
        %swap3A_921 = tpu.vector_load %arg6[%swap3A_919, %swap3A_920] {strides = array<i32>} : memref<16x1024xf32, #tpu.memory_space<vmem>>, vector<1x16xf32>,
        %swap3A_922 = vector.shape_cast %swap3A_921 : vector<1x16xf32> to vector<16xf32>
        %swap3A_923 = vector.shape_cast %mul3A_871 : vector<16xf32> to vector<1x16xf32>
        tpu.vector_store %arg6[%swap3A_919, %swap3A_920], %swap3A_923 {strides = array<i32>} : memref<16x1024xf32, #tpu.memory_space<vmem>>, vector<1x16xf32>,
        %swap3A_924 = arith.index_cast %add3A_187 : i32 to index
        %swap3A_925 = arith.constant 928 : index
        %swap3A_926 = tpu.vector_load %arg6[%swap3A_924, %swap3A_925] {strides = array<i32>} : memref<16x1024xf32, #tpu.memory_space<vmem>>, vector<1x16xf32>,
        %swap3A_927 = vector.shape_cast %swap3A_926 : vector<1x16xf32> to vector<16xf32>
        %swap3A_928 = vector.shape_cast %mul3A_878 : vector<16xf32> to vector<1x16xf32>
        tpu.vector_store %arg6[%swap3A_924, %swap3A_925], %swap3A_928 {strides = array<i32>} : memref<16x1024xf32, #tpu.memory_space<vmem>>, vector<1x16xf32>,
        %swap3A_929 = arith.index_cast %add3A_187 : i32 to index
        %swap3A_930 = arith.constant 944 : index
        %swap3A_931 = tpu.vector_load %arg6[%swap3A_929, %swap3A_930] {strides = array<i32>} : memref<16x1024xf32, #tpu.memory_space<vmem>>, vector<1x16xf32>,
        %swap3A_932 = vector.shape_cast %swap3A_931 : vector<1x16xf32> to vector<16xf32>
        %swap3A_933 = vector.shape_cast %mul3A_885 : vector<16xf32> to vector<1x16xf32>
        tpu.vector_store %arg6[%swap3A_929, %swap3A_930], %swap3A_933 {strides = array<i32>} : memref<16x1024xf32, #tpu.memory_space<vmem>>, vector<1x16xf32>,
        %swap3A_934 = arith.index_cast %add3A_187 : i32 to index
        %swap3A_935 = arith.constant 960 : index
        %swap3A_936 = tpu.vector_load %arg6[%swap3A_934, %swap3A_935] {strides = array<i32>} : memref<16x1024xf32, #tpu.memory_space<vmem>>, vector<1x16xf32>,
        %swap3A_937 = vector.shape_cast %swap3A_936 : vector<1x16xf32> to vector<16xf32>
        %swap3A_938 = vector.shape_cast %mul3A_892 : vector<16xf32> to vector<1x16xf32>
        tpu.vector_store %arg6[%swap3A_934, %swap3A_935], %swap3A_938 {strides = array<i32>} : memref<16x1024xf32, #tpu.memory_space<vmem>>, vector<1x16xf32>,
        %swap3A_939 = arith.index_cast %add3A_187 : i32 to index
        %swap3A_940 = arith.constant 976 : index
        %swap3A_941 = tpu.vector_load %arg6[%swap3A_939, %swap3A_940] {strides = array<i32>} : memref<16x1024xf32, #tpu.memory_space<vmem>>, vector<1x16xf32>,
        %swap3A_942 = vector.shape_cast %swap3A_941 : vector<1x16xf32> to vector<16xf32>
        %swap3A_943 = vector.shape_cast %mul3A_899 : vector<16xf32> to vector<1x16xf32>
        tpu.vector_store %arg6[%swap3A_939, %swap3A_940], %swap3A_943 {strides = array<i32>} : memref<16x1024xf32, #tpu.memory_space<vmem>>, vector<1x16xf32>,
        %swap3A_944 = arith.index_cast %add3A_187 : i32 to index
        %swap3A_945 = arith.constant 992 : index
        %swap3A_946 = tpu.vector_load %arg6[%swap3A_944, %swap3A_945] {strides = array<i32>} : memref<16x1024xf32, #tpu.memory_space<vmem>>, vector<1x16xf32>,
        %swap3A_947 = vector.shape_cast %swap3A_946 : vector<1x16xf32> to vector<16xf32>
        %swap3A_948 = vector.shape_cast %mul3A_906 : vector<16xf32> to vector<1x16xf32>
        tpu.vector_store %arg6[%swap3A_944, %swap3A_945], %swap3A_948 {strides = array<i32>} : memref<16x1024xf32, #tpu.memory_space<vmem>>, vector<1x16xf32>,
        %swap3A_949 = arith.index_cast %add3A_187 : i32 to index
        %swap3A_950 = arith.constant 1008 : index
        %swap3A_951 = tpu.vector_load %arg6[%swap3A_949, %swap3A_950] {strides = array<i32>} : memref<16x1024xf32, #tpu.memory_space<vmem>>, vector<1x16xf32>,
        %swap3A_952 = vector.shape_cast %swap3A_951 : vector<1x16xf32> to vector<16xf32>
        %swap3A_953 = vector.shape_cast %mul3A_913 : vector<16xf32> to vector<1x16xf32>
        tpu.vector_store %arg6[%swap3A_949, %swap3A_950], %swap3A_953 {strides = array<i32>} : memref<16x1024xf32, #tpu.memory_space<vmem>>, vector<1x16xf32>,
      }
      %scan3A_64 = arith.constant 16 : i32
      %mul3A_65 = arith.constant 16 : i32
      %mul3A_66 = arith.muli %add3A_42, %mul3A_65 : i32
      %add3A_67 = arith.addi %mul3A_2, %mul3A_66 : i32
      %dma_start3A_68 = arith.constant 0 : i32
      %dma_start3A_69 = tpu.memref_slice %arg4[%add3A_67, %dma_start3A_68] : memref<16384x1024xf32, #tpu.memory_space<hbm>> -> memref<16x1024xf32, #tpu.memory_space<hbm>>
      %dma_start3A_70 = arith.constant 0 : i32
      %dma_start3A_71 = tpu.memref_slice %arg4[%add3A_67, %dma_start3A_70] : memref<16384x1024xf32, #tpu.memory_space<hbm>> -> memref<16x1024xf32, #tpu.memory_space<hbm>>
      tpu.enqueue_dma source(%arg6 : memref<16x1024xf32, #tpu.memory_space<vmem>>) target(%dma_start3A_71 : memref<16x1024xf32, #tpu.memory_space<hbm>>) target_semaphore(%arg14 : memref<!tpu.dma_semaphore, #tpu.memory_space<semaphore_mem>>)
      %add3A_72 = arith.constant 1 : i32
      %add3A_73 = arith.addi %add3A_40, %add3A_72 : i32
      %add3A_74 = arith.constant 4 : i32
      %add3A_75 = arith.addi %add3A_73, %add3A_74 : i32
      %sub3A_76 = arith.constant 1 : i32
      %sub3A_77 = arith.subi %add3A_75, %sub3A_76 : i32
      %lt3A_78 = arith.constant 32 : i32
      %lt3A_79 = arith.cmpi slt, %sub3A_77, %lt3A_78 : i32
      %ge3A_80 = arith.constant 1 : i32
      %ge3A_81 = arith.cmpi sge, %add3A_73, %ge3A_80 : i32
      %and3A_82 = arith.andi %lt3A_79, %ge3A_81 : i1
      %convert_element_type3A_83 = arith.extui %and3A_82 : i1 to i32
      %cond3A_84 = arith.constant 0 : i32
      %cond3A_85 = arith.cmpi ne, %convert_element_type3A_83, %cond3A_84 : i32
      scf.if %cond3A_85 {
        %dma_wait3A_183 = arith.constant 0 : i32
        %dma_wait3A_184 = tpu.memref_slice %arg4[%mul3A_2, %dma_wait3A_183] : memref<16384x1024xf32, #tpu.memory_space<hbm>> -> memref<16x1024xf32, #tpu.memory_space<hbm>>
        %dma_wait3A_185 = arith.constant 0 : i32
        %dma_wait3A_186 = tpu.memref_slice %arg4[%mul3A_2, %dma_wait3A_185] : memref<16384x1024xf32, #tpu.memory_space<hbm>> -> memref<16x1024xf32, #tpu.memory_space<hbm>>
        tpu.wait_dma2 semaphore(%arg14 : memref<!tpu.dma_semaphore, #tpu.memory_space<semaphore_mem>>) src(%arg6 : memref<16x1024xf32, #tpu.memory_space<vmem>>) dst(%dma_wait3A_186 : memref<16x1024xf32, #tpu.memory_space<hbm>>)
      } else {
      }
      %lt3A_86 = arith.constant 32 : i32
      %lt3A_87 = arith.cmpi slt, %sub3A_77, %lt3A_86 : i32
      %convert_element_type3A_88 = arith.extui %lt3A_87 : i1 to i32
      %cond3A_89 = arith.constant 0 : i32
      %cond3A_90 = arith.cmpi ne, %convert_element_type3A_88, %cond3A_89 : i32
      scf.if %cond3A_90 {
        %mul3A_183 = arith.constant 16 : i32
        %mul3A_184 = arith.muli %sub3A_77, %mul3A_183 : i32
        %dma_start3A_185 = tpu.memref_slice %arg5[%mul3A_184] : memref<512xi32, #tpu.memory_space<vmem>> -> memref<16xi32, #tpu.memory_space<vmem>>
        %dma_start3A_186 = arith.constant 0 : i32
        %dma_start3A_187 = arith.constant 0 : i32
        %dma_start3A_188 = tpu.memref_slice %arg2[%dma_start3A_186, %dma_start3A_187] : memref<32128x1024xf32, #tpu.memory_space<hbm>> -> memref<32128x1024xf32, #tpu.memory_space<hbm>>
        tpu.enqueue_indirect_dma source(%dma_start3A_188 : memref<32128x1024xf32, #tpu.memory_space<hbm>>) target(%arg6 : memref<16x1024xf32, #tpu.memory_space<vmem>>) offsets(%dma_start3A_185 : memref<16xi32, #tpu.memory_space<vmem>>) semaphore(%arg10 : memref<!tpu.dma_semaphore, #tpu.memory_space<semaphore_mem>>)
      } else {
      }
      %dma_wait3A_91 = arith.constant 0 : i32
      %dma_wait3A_92 = arith.constant 0 : i32
      %dma_wait3A_93 = tpu.memref_slice %arg2[%dma_wait3A_91, %dma_wait3A_92] : memref<32128x1024xf32, #tpu.memory_space<hbm>> -> memref<16x1024xf32, #tpu.memory_space<hbm>>
      %dma_wait3A_94 = arith.constant 0 : i32
      %dma_wait3A_95 = arith.constant 0 : i32
      %dma_wait3A_96 = tpu.memref_slice %arg2[%dma_wait3A_94, %dma_wait3A_95] : memref<32128x1024xf32, #tpu.memory_space<hbm>> -> memref<16x1024xf32, #tpu.memory_space<hbm>>
      tpu.wait_dma2 semaphore(%arg11 : memref<!tpu.dma_semaphore, #tpu.memory_space<semaphore_mem>>) src(%dma_wait3A_96 : memref<16x1024xf32, #tpu.memory_space<hbm>>) dst(%arg7 : memref<16x1024xf32, #tpu.memory_space<vmem>>)
      %scan3A_97 = arith.constant 0 : i32
      %scan3A_98 = arith.constant 16 : i32
      %scan3A_99 = arith.addi %scan3A_97, %scan3A_98 : i32
      %scan3A_100 = arith.constant 1 : i32
      scf.for %scan3A_183 = %scan3A_97 to %scan3A_99 step %scan3A_100  : i32 {
        %mul3A_184 = arith.constant 1 : i32
        %mul3A_185 = arith.muli %scan3A_183, %mul3A_184 : i32
        %add3A_186 = arith.constant 0 : i32
        %add3A_187 = arith.addi %add3A_186, %mul3A_185 : i32
        %get3A = arith.index_cast %add3A_187 : i32 to index
        %get3A_188 = arith.constant 0 : index
        %get3A_189 = tpu.vector_load %arg7[%get3A, %get3A_188] {strides = array<i32>} : memref<16x1024xf32, #tpu.memory_space<vmem>>, vector<1x16xf32>,
        %get3A_190 = vector.shape_cast %get3A_189 : vector<1x16xf32> to vector<16xf32>
        %mul3A_191 = arith.constant 3.200000e+01 : f32
        %mul3A_192 = vector.broadcast %mul3A_191 : f32 to vector<16xf32>
        %mul3A_193 = arith.mulf %get3A_190, %mul3A_192 : vector<16xf32>
        %get3A_194 = arith.index_cast %add3A_187 : i32 to index
        %get3A_195 = arith.constant 16 : index
        %get3A_196 = tpu.vector_load %arg7[%get3A_194, %get3A_195] {strides = array<i32>} : memref<16x1024xf32, #tpu.memory_space<vmem>>, vector<1x16xf32>,
        %get3A_197 = vector.shape_cast %get3A_196 : vector<1x16xf32> to vector<16xf32>
        %mul3A_198 = arith.constant 3.200000e+01 : f32
        %mul3A_199 = vector.broadcast %mul3A_198 : f32 to vector<16xf32>
        %mul3A_200 = arith.mulf %get3A_197, %mul3A_199 : vector<16xf32>
        %get3A_201 = arith.index_cast %add3A_187 : i32 to index
        %get3A_202 = arith.constant 32 : index
        %get3A_203 = tpu.vector_load %arg7[%get3A_201, %get3A_202] {strides = array<i32>} : memref<16x1024xf32, #tpu.memory_space<vmem>>, vector<1x16xf32>,
        %get3A_204 = vector.shape_cast %get3A_203 : vector<1x16xf32> to vector<16xf32>
        %mul3A_205 = arith.constant 3.200000e+01 : f32
        %mul3A_206 = vector.broadcast %mul3A_205 : f32 to vector<16xf32>
        %mul3A_207 = arith.mulf %get3A_204, %mul3A_206 : vector<16xf32>
        %get3A_208 = arith.index_cast %add3A_187 : i32 to index
        %get3A_209 = arith.constant 48 : index
        %get3A_210 = tpu.vector_load %arg7[%get3A_208, %get3A_209] {strides = array<i32>} : memref<16x1024xf32, #tpu.memory_space<vmem>>, vector<1x16xf32>,
        %get3A_211 = vector.shape_cast %get3A_210 : vector<1x16xf32> to vector<16xf32>
        %mul3A_212 = arith.constant 3.200000e+01 : f32
        %mul3A_213 = vector.broadcast %mul3A_212 : f32 to vector<16xf32>
        %mul3A_214 = arith.mulf %get3A_211, %mul3A_213 : vector<16xf32>
        %get3A_215 = arith.index_cast %add3A_187 : i32 to index
        %get3A_216 = arith.constant 64 : index
        %get3A_217 = tpu.vector_load %arg7[%get3A_215, %get3A_216] {strides = array<i32>} : memref<16x1024xf32, #tpu.memory_space<vmem>>, vector<1x16xf32>,
        %get3A_218 = vector.shape_cast %get3A_217 : vector<1x16xf32> to vector<16xf32>
        %mul3A_219 = arith.constant 3.200000e+01 : f32
        %mul3A_220 = vector.broadcast %mul3A_219 : f32 to vector<16xf32>
        %mul3A_221 = arith.mulf %get3A_218, %mul3A_220 : vector<16xf32>
        %get3A_222 = arith.index_cast %add3A_187 : i32 to index
        %get3A_223 = arith.constant 80 : index
        %get3A_224 = tpu.vector_load %arg7[%get3A_222, %get3A_223] {strides = array<i32>} : memref<16x1024xf32, #tpu.memory_space<vmem>>, vector<1x16xf32>,
        %get3A_225 = vector.shape_cast %get3A_224 : vector<1x16xf32> to vector<16xf32>
        %mul3A_226 = arith.constant 3.200000e+01 : f32
        %mul3A_227 = vector.broadcast %mul3A_226 : f32 to vector<16xf32>
        %mul3A_228 = arith.mulf %get3A_225, %mul3A_227 : vector<16xf32>
        %get3A_229 = arith.index_cast %add3A_187 : i32 to index
        %get3A_230 = arith.constant 96 : index
        %get3A_231 = tpu.vector_load %arg7[%get3A_229, %get3A_230] {strides = array<i32>} : memref<16x1024xf32, #tpu.memory_space<vmem>>, vector<1x16xf32>,
        %get3A_232 = vector.shape_cast %get3A_231 : vector<1x16xf32> to vector<16xf32>
        %mul3A_233 = arith.constant 3.200000e+01 : f32
        %mul3A_234 = vector.broadcast %mul3A_233 : f32 to vector<16xf32>
        %mul3A_235 = arith.mulf %get3A_232, %mul3A_234 : vector<16xf32>
        %get3A_236 = arith.index_cast %add3A_187 : i32 to index
        %get3A_237 = arith.constant 112 : index
        %get3A_238 = tpu.vector_load %arg7[%get3A_236, %get3A_237] {strides = array<i32>} : memref<16x1024xf32, #tpu.memory_space<vmem>>, vector<1x16xf32>,
        %get3A_239 = vector.shape_cast %get3A_238 : vector<1x16xf32> to vector<16xf32>
        %mul3A_240 = arith.constant 3.200000e+01 : f32
        %mul3A_241 = vector.broadcast %mul3A_240 : f32 to vector<16xf32>
        %mul3A_242 = arith.mulf %get3A_239, %mul3A_241 : vector<16xf32>
        %swap3A = arith.index_cast %add3A_187 : i32 to index
        %swap3A_243 = arith.constant 0 : index
        %swap3A_244 = tpu.vector_load %arg7[%swap3A, %swap3A_243] {strides = array<i32>} : memref<16x1024xf32, #tpu.memory_space<vmem>>, vector<1x16xf32>,
        %swap3A_245 = vector.shape_cast %swap3A_244 : vector<1x16xf32> to vector<16xf32>
        %swap3A_246 = vector.shape_cast %mul3A_193 : vector<16xf32> to vector<1x16xf32>
        tpu.vector_store %arg7[%swap3A, %swap3A_243], %swap3A_246 {strides = array<i32>} : memref<16x1024xf32, #tpu.memory_space<vmem>>, vector<1x16xf32>,
        %swap3A_247 = arith.index_cast %add3A_187 : i32 to index
        %swap3A_248 = arith.constant 16 : index
        %swap3A_249 = tpu.vector_load %arg7[%swap3A_247, %swap3A_248] {strides = array<i32>} : memref<16x1024xf32, #tpu.memory_space<vmem>>, vector<1x16xf32>,
        %swap3A_250 = vector.shape_cast %swap3A_249 : vector<1x16xf32> to vector<16xf32>
        %swap3A_251 = vector.shape_cast %mul3A_200 : vector<16xf32> to vector<1x16xf32>
        tpu.vector_store %arg7[%swap3A_247, %swap3A_248], %swap3A_251 {strides = array<i32>} : memref<16x1024xf32, #tpu.memory_space<vmem>>, vector<1x16xf32>,
        %swap3A_252 = arith.index_cast %add3A_187 : i32 to index
        %swap3A_253 = arith.constant 32 : index
        %swap3A_254 = tpu.vector_load %arg7[%swap3A_252, %swap3A_253] {strides = array<i32>} : memref<16x1024xf32, #tpu.memory_space<vmem>>, vector<1x16xf32>,
        %swap3A_255 = vector.shape_cast %swap3A_254 : vector<1x16xf32> to vector<16xf32>
        %swap3A_256 = vector.shape_cast %mul3A_207 : vector<16xf32> to vector<1x16xf32>
        tpu.vector_store %arg7[%swap3A_252, %swap3A_253], %swap3A_256 {strides = array<i32>} : memref<16x1024xf32, #tpu.memory_space<vmem>>, vector<1x16xf32>,
        %swap3A_257 = arith.index_cast %add3A_187 : i32 to index
        %swap3A_258 = arith.constant 48 : index
        %swap3A_259 = tpu.vector_load %arg7[%swap3A_257, %swap3A_258] {strides = array<i32>} : memref<16x1024xf32, #tpu.memory_space<vmem>>, vector<1x16xf32>,
        %swap3A_260 = vector.shape_cast %swap3A_259 : vector<1x16xf32> to vector<16xf32>
        %swap3A_261 = vector.shape_cast %mul3A_214 : vector<16xf32> to vector<1x16xf32>
        tpu.vector_store %arg7[%swap3A_257, %swap3A_258], %swap3A_261 {strides = array<i32>} : memref<16x1024xf32, #tpu.memory_space<vmem>>, vector<1x16xf32>,
        %swap3A_262 = arith.index_cast %add3A_187 : i32 to index
        %swap3A_263 = arith.constant 64 : index
        %swap3A_264 = tpu.vector_load %arg7[%swap3A_262, %swap3A_263] {strides = array<i32>} : memref<16x1024xf32, #tpu.memory_space<vmem>>, vector<1x16xf32>,
        %swap3A_265 = vector.shape_cast %swap3A_264 : vector<1x16xf32> to vector<16xf32>
        %swap3A_266 = vector.shape_cast %mul3A_221 : vector<16xf32> to vector<1x16xf32>
        tpu.vector_store %arg7[%swap3A_262, %swap3A_263], %swap3A_266 {strides = array<i32>} : memref<16x1024xf32, #tpu.memory_space<vmem>>, vector<1x16xf32>,
        %swap3A_267 = arith.index_cast %add3A_187 : i32 to index
        %swap3A_268 = arith.constant 80 : index
        %swap3A_269 = tpu.vector_load %arg7[%swap3A_267, %swap3A_268] {strides = array<i32>} : memref<16x1024xf32, #tpu.memory_space<vmem>>, vector<1x16xf32>,
        %swap3A_270 = vector.shape_cast %swap3A_269 : vector<1x16xf32> to vector<16xf32>
        %swap3A_271 = vector.shape_cast %mul3A_228 : vector<16xf32> to vector<1x16xf32>
        tpu.vector_store %arg7[%swap3A_267, %swap3A_268], %swap3A_271 {strides = array<i32>} : memref<16x1024xf32, #tpu.memory_space<vmem>>, vector<1x16xf32>,
        %swap3A_272 = arith.index_cast %add3A_187 : i32 to index
        %swap3A_273 = arith.constant 96 : index
        %swap3A_274 = tpu.vector_load %arg7[%swap3A_272, %swap3A_273] {strides = array<i32>} : memref<16x1024xf32, #tpu.memory_space<vmem>>, vector<1x16xf32>,
        %swap3A_275 = vector.shape_cast %swap3A_274 : vector<1x16xf32> to vector<16xf32>
        %swap3A_276 = vector.shape_cast %mul3A_235 : vector<16xf32> to vector<1x16xf32>
        tpu.vector_store %arg7[%swap3A_272, %swap3A_273], %swap3A_276 {strides = array<i32>} : memref<16x1024xf32, #tpu.memory_space<vmem>>, vector<1x16xf32>,
        %swap3A_277 = arith.index_cast %add3A_187 : i32 to index
        %swap3A_278 = arith.constant 112 : index
        %swap3A_279 = tpu.vector_load %arg7[%swap3A_277, %swap3A_278] {strides = array<i32>} : memref<16x1024xf32, #tpu.memory_space<vmem>>, vector<1x16xf32>,
        %swap3A_280 = vector.shape_cast %swap3A_279 : vector<1x16xf32> to vector<16xf32>
        %swap3A_281 = vector.shape_cast %mul3A_242 : vector<16xf32> to vector<1x16xf32>
        tpu.vector_store %arg7[%swap3A_277, %swap3A_278], %swap3A_281 {strides = array<i32>} : memref<16x1024xf32, #tpu.memory_space<vmem>>, vector<1x16xf32>,
        %get3A_282 = arith.index_cast %add3A_187 : i32 to index
        %get3A_283 = arith.constant 128 : index
        %get3A_284 = tpu.vector_load %arg7[%get3A_282, %get3A_283] {strides = array<i32>} : memref<16x1024xf32, #tpu.memory_space<vmem>>, vector<1x16xf32>,
        %get3A_285 = vector.shape_cast %get3A_284 : vector<1x16xf32> to vector<16xf32>
        %mul3A_286 = arith.constant 3.200000e+01 : f32
        %mul3A_287 = vector.broadcast %mul3A_286 : f32 to vector<16xf32>
        %mul3A_288 = arith.mulf %get3A_285, %mul3A_287 : vector<16xf32>
        %get3A_289 = arith.index_cast %add3A_187 : i32 to index
        %get3A_290 = arith.constant 144 : index
        %get3A_291 = tpu.vector_load %arg7[%get3A_289, %get3A_290] {strides = array<i32>} : memref<16x1024xf32, #tpu.memory_space<vmem>>, vector<1x16xf32>,
        %get3A_292 = vector.shape_cast %get3A_291 : vector<1x16xf32> to vector<16xf32>
        %mul3A_293 = arith.constant 3.200000e+01 : f32
        %mul3A_294 = vector.broadcast %mul3A_293 : f32 to vector<16xf32>
        %mul3A_295 = arith.mulf %get3A_292, %mul3A_294 : vector<16xf32>
        %get3A_296 = arith.index_cast %add3A_187 : i32 to index
        %get3A_297 = arith.constant 160 : index
        %get3A_298 = tpu.vector_load %arg7[%get3A_296, %get3A_297] {strides = array<i32>} : memref<16x1024xf32, #tpu.memory_space<vmem>>, vector<1x16xf32>,
        %get3A_299 = vector.shape_cast %get3A_298 : vector<1x16xf32> to vector<16xf32>
        %mul3A_300 = arith.constant 3.200000e+01 : f32
        %mul3A_301 = vector.broadcast %mul3A_300 : f32 to vector<16xf32>
        %mul3A_302 = arith.mulf %get3A_299, %mul3A_301 : vector<16xf32>
        %get3A_303 = arith.index_cast %add3A_187 : i32 to index
        %get3A_304 = arith.constant 176 : index
        %get3A_305 = tpu.vector_load %arg7[%get3A_303, %get3A_304] {strides = array<i32>} : memref<16x1024xf32, #tpu.memory_space<vmem>>, vector<1x16xf32>,
        %get3A_306 = vector.shape_cast %get3A_305 : vector<1x16xf32> to vector<16xf32>
        %mul3A_307 = arith.constant 3.200000e+01 : f32
        %mul3A_308 = vector.broadcast %mul3A_307 : f32 to vector<16xf32>
        %mul3A_309 = arith.mulf %get3A_306, %mul3A_308 : vector<16xf32>
        %get3A_310 = arith.index_cast %add3A_187 : i32 to index
        %get3A_311 = arith.constant 192 : index
        %get3A_312 = tpu.vector_load %arg7[%get3A_310, %get3A_311] {strides = array<i32>} : memref<16x1024xf32, #tpu.memory_space<vmem>>, vector<1x16xf32>,
        %get3A_313 = vector.shape_cast %get3A_312 : vector<1x16xf32> to vector<16xf32>
        %mul3A_314 = arith.constant 3.200000e+01 : f32
        %mul3A_315 = vector.broadcast %mul3A_314 : f32 to vector<16xf32>
        %mul3A_316 = arith.mulf %get3A_313, %mul3A_315 : vector<16xf32>
        %get3A_317 = arith.index_cast %add3A_187 : i32 to index
        %get3A_318 = arith.constant 208 : index
        %get3A_319 = tpu.vector_load %arg7[%get3A_317, %get3A_318] {strides = array<i32>} : memref<16x1024xf32, #tpu.memory_space<vmem>>, vector<1x16xf32>,
        %get3A_320 = vector.shape_cast %get3A_319 : vector<1x16xf32> to vector<16xf32>
        %mul3A_321 = arith.constant 3.200000e+01 : f32
        %mul3A_322 = vector.broadcast %mul3A_321 : f32 to vector<16xf32>
        %mul3A_323 = arith.mulf %get3A_320, %mul3A_322 : vector<16xf32>
        %get3A_324 = arith.index_cast %add3A_187 : i32 to index
        %get3A_325 = arith.constant 224 : index
        %get3A_326 = tpu.vector_load %arg7[%get3A_324, %get3A_325] {strides = array<i32>} : memref<16x1024xf32, #tpu.memory_space<vmem>>, vector<1x16xf32>,
        %get3A_327 = vector.shape_cast %get3A_326 : vector<1x16xf32> to vector<16xf32>
        %mul3A_328 = arith.constant 3.200000e+01 : f32
        %mul3A_329 = vector.broadcast %mul3A_328 : f32 to vector<16xf32>
        %mul3A_330 = arith.mulf %get3A_327, %mul3A_329 : vector<16xf32>
        %get3A_331 = arith.index_cast %add3A_187 : i32 to index
        %get3A_332 = arith.constant 240 : index
        %get3A_333 = tpu.vector_load %arg7[%get3A_331, %get3A_332] {strides = array<i32>} : memref<16x1024xf32, #tpu.memory_space<vmem>>, vector<1x16xf32>,
        %get3A_334 = vector.shape_cast %get3A_333 : vector<1x16xf32> to vector<16xf32>
        %mul3A_335 = arith.constant 3.200000e+01 : f32
        %mul3A_336 = vector.broadcast %mul3A_335 : f32 to vector<16xf32>
        %mul3A_337 = arith.mulf %get3A_334, %mul3A_336 : vector<16xf32>
        %swap3A_338 = arith.index_cast %add3A_187 : i32 to index
        %swap3A_339 = arith.constant 128 : index
        %swap3A_340 = tpu.vector_load %arg7[%swap3A_338, %swap3A_339] {strides = array<i32>} : memref<16x1024xf32, #tpu.memory_space<vmem>>, vector<1x16xf32>,
        %swap3A_341 = vector.shape_cast %swap3A_340 : vector<1x16xf32> to vector<16xf32>
        %swap3A_342 = vector.shape_cast %mul3A_288 : vector<16xf32> to vector<1x16xf32>
        tpu.vector_store %arg7[%swap3A_338, %swap3A_339], %swap3A_342 {strides = array<i32>} : memref<16x1024xf32, #tpu.memory_space<vmem>>, vector<1x16xf32>,
        %swap3A_343 = arith.index_cast %add3A_187 : i32 to index
        %swap3A_344 = arith.constant 144 : index
        %swap3A_345 = tpu.vector_load %arg7[%swap3A_343, %swap3A_344] {strides = array<i32>} : memref<16x1024xf32, #tpu.memory_space<vmem>>, vector<1x16xf32>,
        %swap3A_346 = vector.shape_cast %swap3A_345 : vector<1x16xf32> to vector<16xf32>
        %swap3A_347 = vector.shape_cast %mul3A_295 : vector<16xf32> to vector<1x16xf32>
        tpu.vector_store %arg7[%swap3A_343, %swap3A_344], %swap3A_347 {strides = array<i32>} : memref<16x1024xf32, #tpu.memory_space<vmem>>, vector<1x16xf32>,
        %swap3A_348 = arith.index_cast %add3A_187 : i32 to index
        %swap3A_349 = arith.constant 160 : index
        %swap3A_350 = tpu.vector_load %arg7[%swap3A_348, %swap3A_349] {strides = array<i32>} : memref<16x1024xf32, #tpu.memory_space<vmem>>, vector<1x16xf32>,
        %swap3A_351 = vector.shape_cast %swap3A_350 : vector<1x16xf32> to vector<16xf32>
        %swap3A_352 = vector.shape_cast %mul3A_302 : vector<16xf32> to vector<1x16xf32>
        tpu.vector_store %arg7[%swap3A_348, %swap3A_349], %swap3A_352 {strides = array<i32>} : memref<16x1024xf32, #tpu.memory_space<vmem>>, vector<1x16xf32>,
        %swap3A_353 = arith.index_cast %add3A_187 : i32 to index
        %swap3A_354 = arith.constant 176 : index
        %swap3A_355 = tpu.vector_load %arg7[%swap3A_353, %swap3A_354] {strides = array<i32>} : memref<16x1024xf32, #tpu.memory_space<vmem>>, vector<1x16xf32>,
        %swap3A_356 = vector.shape_cast %swap3A_355 : vector<1x16xf32> to vector<16xf32>
        %swap3A_357 = vector.shape_cast %mul3A_309 : vector<16xf32> to vector<1x16xf32>
        tpu.vector_store %arg7[%swap3A_353, %swap3A_354], %swap3A_357 {strides = array<i32>} : memref<16x1024xf32, #tpu.memory_space<vmem>>, vector<1x16xf32>,
        %swap3A_358 = arith.index_cast %add3A_187 : i32 to index
        %swap3A_359 = arith.constant 192 : index
        %swap3A_360 = tpu.vector_load %arg7[%swap3A_358, %swap3A_359] {strides = array<i32>} : memref<16x1024xf32, #tpu.memory_space<vmem>>, vector<1x16xf32>,
        %swap3A_361 = vector.shape_cast %swap3A_360 : vector<1x16xf32> to vector<16xf32>
        %swap3A_362 = vector.shape_cast %mul3A_316 : vector<16xf32> to vector<1x16xf32>
        tpu.vector_store %arg7[%swap3A_358, %swap3A_359], %swap3A_362 {strides = array<i32>} : memref<16x1024xf32, #tpu.memory_space<vmem>>, vector<1x16xf32>,
        %swap3A_363 = arith.index_cast %add3A_187 : i32 to index
        %swap3A_364 = arith.constant 208 : index
        %swap3A_365 = tpu.vector_load %arg7[%swap3A_363, %swap3A_364] {strides = array<i32>} : memref<16x1024xf32, #tpu.memory_space<vmem>>, vector<1x16xf32>,
        %swap3A_366 = vector.shape_cast %swap3A_365 : vector<1x16xf32> to vector<16xf32>
        %swap3A_367 = vector.shape_cast %mul3A_323 : vector<16xf32> to vector<1x16xf32>
        tpu.vector_store %arg7[%swap3A_363, %swap3A_364], %swap3A_367 {strides = array<i32>} : memref<16x1024xf32, #tpu.memory_space<vmem>>, vector<1x16xf32>,
        %swap3A_368 = arith.index_cast %add3A_187 : i32 to index
        %swap3A_369 = arith.constant 224 : index
        %swap3A_370 = tpu.vector_load %arg7[%swap3A_368, %swap3A_369] {strides = array<i32>} : memref<16x1024xf32, #tpu.memory_space<vmem>>, vector<1x16xf32>,
        %swap3A_371 = vector.shape_cast %swap3A_370 : vector<1x16xf32> to vector<16xf32>
        %swap3A_372 = vector.shape_cast %mul3A_330 : vector<16xf32> to vector<1x16xf32>
        tpu.vector_store %arg7[%swap3A_368, %swap3A_369], %swap3A_372 {strides = array<i32>} : memref<16x1024xf32, #tpu.memory_space<vmem>>, vector<1x16xf32>,
        %swap3A_373 = arith.index_cast %add3A_187 : i32 to index
        %swap3A_374 = arith.constant 240 : index
        %swap3A_375 = tpu.vector_load %arg7[%swap3A_373, %swap3A_374] {strides = array<i32>} : memref<16x1024xf32, #tpu.memory_space<vmem>>, vector<1x16xf32>,
        %swap3A_376 = vector.shape_cast %swap3A_375 : vector<1x16xf32> to vector<16xf32>
        %swap3A_377 = vector.shape_cast %mul3A_337 : vector<16xf32> to vector<1x16xf32>
        tpu.vector_store %arg7[%swap3A_373, %swap3A_374], %swap3A_377 {strides = array<i32>} : memref<16x1024xf32, #tpu.memory_space<vmem>>, vector<1x16xf32>,
        %get3A_378 = arith.index_cast %add3A_187 : i32 to index
        %get3A_379 = arith.constant 256 : index
        %get3A_380 = tpu.vector_load %arg7[%get3A_378, %get3A_379] {strides = array<i32>} : memref<16x1024xf32, #tpu.memory_space<vmem>>, vector<1x16xf32>,
        %get3A_381 = vector.shape_cast %get3A_380 : vector<1x16xf32> to vector<16xf32>
        %mul3A_382 = arith.constant 3.200000e+01 : f32
        %mul3A_383 = vector.broadcast %mul3A_382 : f32 to vector<16xf32>
        %mul3A_384 = arith.mulf %get3A_381, %mul3A_383 : vector<16xf32>
        %get3A_385 = arith.index_cast %add3A_187 : i32 to index
        %get3A_386 = arith.constant 272 : index
        %get3A_387 = tpu.vector_load %arg7[%get3A_385, %get3A_386] {strides = array<i32>} : memref<16x1024xf32, #tpu.memory_space<vmem>>, vector<1x16xf32>,
        %get3A_388 = vector.shape_cast %get3A_387 : vector<1x16xf32> to vector<16xf32>
        %mul3A_389 = arith.constant 3.200000e+01 : f32
        %mul3A_390 = vector.broadcast %mul3A_389 : f32 to vector<16xf32>
        %mul3A_391 = arith.mulf %get3A_388, %mul3A_390 : vector<16xf32>
        %get3A_392 = arith.index_cast %add3A_187 : i32 to index
        %get3A_393 = arith.constant 288 : index
        %get3A_394 = tpu.vector_load %arg7[%get3A_392, %get3A_393] {strides = array<i32>} : memref<16x1024xf32, #tpu.memory_space<vmem>>, vector<1x16xf32>,
        %get3A_395 = vector.shape_cast %get3A_394 : vector<1x16xf32> to vector<16xf32>
        %mul3A_396 = arith.constant 3.200000e+01 : f32
        %mul3A_397 = vector.broadcast %mul3A_396 : f32 to vector<16xf32>
        %mul3A_398 = arith.mulf %get3A_395, %mul3A_397 : vector<16xf32>
        %get3A_399 = arith.index_cast %add3A_187 : i32 to index
        %get3A_400 = arith.constant 304 : index
        %get3A_401 = tpu.vector_load %arg7[%get3A_399, %get3A_400] {strides = array<i32>} : memref<16x1024xf32, #tpu.memory_space<vmem>>, vector<1x16xf32>,
        %get3A_402 = vector.shape_cast %get3A_401 : vector<1x16xf32> to vector<16xf32>
        %mul3A_403 = arith.constant 3.200000e+01 : f32
        %mul3A_404 = vector.broadcast %mul3A_403 : f32 to vector<16xf32>
        %mul3A_405 = arith.mulf %get3A_402, %mul3A_404 : vector<16xf32>
        %get3A_406 = arith.index_cast %add3A_187 : i32 to index
        %get3A_407 = arith.constant 320 : index
        %get3A_408 = tpu.vector_load %arg7[%get3A_406, %get3A_407] {strides = array<i32>} : memref<16x1024xf32, #tpu.memory_space<vmem>>, vector<1x16xf32>,
        %get3A_409 = vector.shape_cast %get3A_408 : vector<1x16xf32> to vector<16xf32>
        %mul3A_410 = arith.constant 3.200000e+01 : f32
        %mul3A_411 = vector.broadcast %mul3A_410 : f32 to vector<16xf32>
        %mul3A_412 = arith.mulf %get3A_409, %mul3A_411 : vector<16xf32>
        %get3A_413 = arith.index_cast %add3A_187 : i32 to index
        %get3A_414 = arith.constant 336 : index
        %get3A_415 = tpu.vector_load %arg7[%get3A_413, %get3A_414] {strides = array<i32>} : memref<16x1024xf32, #tpu.memory_space<vmem>>, vector<1x16xf32>,
        %get3A_416 = vector.shape_cast %get3A_415 : vector<1x16xf32> to vector<16xf32>
        %mul3A_417 = arith.constant 3.200000e+01 : f32
        %mul3A_418 = vector.broadcast %mul3A_417 : f32 to vector<16xf32>
        %mul3A_419 = arith.mulf %get3A_416, %mul3A_418 : vector<16xf32>
        %get3A_420 = arith.index_cast %add3A_187 : i32 to index
        %get3A_421 = arith.constant 352 : index
        %get3A_422 = tpu.vector_load %arg7[%get3A_420, %get3A_421] {strides = array<i32>} : memref<16x1024xf32, #tpu.memory_space<vmem>>, vector<1x16xf32>,
        %get3A_423 = vector.shape_cast %get3A_422 : vector<1x16xf32> to vector<16xf32>
        %mul3A_424 = arith.constant 3.200000e+01 : f32
        %mul3A_425 = vector.broadcast %mul3A_424 : f32 to vector<16xf32>
        %mul3A_426 = arith.mulf %get3A_423, %mul3A_425 : vector<16xf32>
        %get3A_427 = arith.index_cast %add3A_187 : i32 to index
        %get3A_428 = arith.constant 368 : index
        %get3A_429 = tpu.vector_load %arg7[%get3A_427, %get3A_428] {strides = array<i32>} : memref<16x1024xf32, #tpu.memory_space<vmem>>, vector<1x16xf32>,
        %get3A_430 = vector.shape_cast %get3A_429 : vector<1x16xf32> to vector<16xf32>
        %mul3A_431 = arith.constant 3.200000e+01 : f32
        %mul3A_432 = vector.broadcast %mul3A_431 : f32 to vector<16xf32>
        %mul3A_433 = arith.mulf %get3A_430, %mul3A_432 : vector<16xf32>
        %swap3A_434 = arith.index_cast %add3A_187 : i32 to index
        %swap3A_435 = arith.constant 256 : index
        %swap3A_436 = tpu.vector_load %arg7[%swap3A_434, %swap3A_435] {strides = array<i32>} : memref<16x1024xf32, #tpu.memory_space<vmem>>, vector<1x16xf32>,
        %swap3A_437 = vector.shape_cast %swap3A_436 : vector<1x16xf32> to vector<16xf32>
        %swap3A_438 = vector.shape_cast %mul3A_384 : vector<16xf32> to vector<1x16xf32>
        tpu.vector_store %arg7[%swap3A_434, %swap3A_435], %swap3A_438 {strides = array<i32>} : memref<16x1024xf32, #tpu.memory_space<vmem>>, vector<1x16xf32>,
        %swap3A_439 = arith.index_cast %add3A_187 : i32 to index
        %swap3A_440 = arith.constant 272 : index
        %swap3A_441 = tpu.vector_load %arg7[%swap3A_439, %swap3A_440] {strides = array<i32>} : memref<16x1024xf32, #tpu.memory_space<vmem>>, vector<1x16xf32>,
        %swap3A_442 = vector.shape_cast %swap3A_441 : vector<1x16xf32> to vector<16xf32>
        %swap3A_443 = vector.shape_cast %mul3A_391 : vector<16xf32> to vector<1x16xf32>
        tpu.vector_store %arg7[%swap3A_439, %swap3A_440], %swap3A_443 {strides = array<i32>} : memref<16x1024xf32, #tpu.memory_space<vmem>>, vector<1x16xf32>,
        %swap3A_444 = arith.index_cast %add3A_187 : i32 to index
        %swap3A_445 = arith.constant 288 : index
        %swap3A_446 = tpu.vector_load %arg7[%swap3A_444, %swap3A_445] {strides = array<i32>} : memref<16x1024xf32, #tpu.memory_space<vmem>>, vector<1x16xf32>,
        %swap3A_447 = vector.shape_cast %swap3A_446 : vector<1x16xf32> to vector<16xf32>
        %swap3A_448 = vector.shape_cast %mul3A_398 : vector<16xf32> to vector<1x16xf32>
        tpu.vector_store %arg7[%swap3A_444, %swap3A_445], %swap3A_448 {strides = array<i32>} : memref<16x1024xf32, #tpu.memory_space<vmem>>, vector<1x16xf32>,
        %swap3A_449 = arith.index_cast %add3A_187 : i32 to index
        %swap3A_450 = arith.constant 304 : index
        %swap3A_451 = tpu.vector_load %arg7[%swap3A_449, %swap3A_450] {strides = array<i32>} : memref<16x1024xf32, #tpu.memory_space<vmem>>, vector<1x16xf32>,
        %swap3A_452 = vector.shape_cast %swap3A_451 : vector<1x16xf32> to vector<16xf32>
        %swap3A_453 = vector.shape_cast %mul3A_405 : vector<16xf32> to vector<1x16xf32>
        tpu.vector_store %arg7[%swap3A_449, %swap3A_450], %swap3A_453 {strides = array<i32>} : memref<16x1024xf32, #tpu.memory_space<vmem>>, vector<1x16xf32>,
        %swap3A_454 = arith.index_cast %add3A_187 : i32 to index
        %swap3A_455 = arith.constant 320 : index
        %swap3A_456 = tpu.vector_load %arg7[%swap3A_454, %swap3A_455] {strides = array<i32>} : memref<16x1024xf32, #tpu.memory_space<vmem>>, vector<1x16xf32>,
        %swap3A_457 = vector.shape_cast %swap3A_456 : vector<1x16xf32> to vector<16xf32>
        %swap3A_458 = vector.shape_cast %mul3A_412 : vector<16xf32> to vector<1x16xf32>
        tpu.vector_store %arg7[%swap3A_454, %swap3A_455], %swap3A_458 {strides = array<i32>} : memref<16x1024xf32, #tpu.memory_space<vmem>>, vector<1x16xf32>,
        %swap3A_459 = arith.index_cast %add3A_187 : i32 to index
        %swap3A_460 = arith.constant 336 : index
        %swap3A_461 = tpu.vector_load %arg7[%swap3A_459, %swap3A_460] {strides = array<i32>} : memref<16x1024xf32, #tpu.memory_space<vmem>>, vector<1x16xf32>,
        %swap3A_462 = vector.shape_cast %swap3A_461 : vector<1x16xf32> to vector<16xf32>
        %swap3A_463 = vector.shape_cast %mul3A_419 : vector<16xf32> to vector<1x16xf32>
        tpu.vector_store %arg7[%swap3A_459, %swap3A_460], %swap3A_463 {strides = array<i32>} : memref<16x1024xf32, #tpu.memory_space<vmem>>, vector<1x16xf32>,
        %swap3A_464 = arith.index_cast %add3A_187 : i32 to index
        %swap3A_465 = arith.constant 352 : index
        %swap3A_466 = tpu.vector_load %arg7[%swap3A_464, %swap3A_465] {strides = array<i32>} : memref<16x1024xf32, #tpu.memory_space<vmem>>, vector<1x16xf32>,
        %swap3A_467 = vector.shape_cast %swap3A_466 : vector<1x16xf32> to vector<16xf32>
        %swap3A_468 = vector.shape_cast %mul3A_426 : vector<16xf32> to vector<1x16xf32>
        tpu.vector_store %arg7[%swap3A_464, %swap3A_465], %swap3A_468 {strides = array<i32>} : memref<16x1024xf32, #tpu.memory_space<vmem>>, vector<1x16xf32>,
        %swap3A_469 = arith.index_cast %add3A_187 : i32 to index
        %swap3A_470 = arith.constant 368 : index
        %swap3A_471 = tpu.vector_load %arg7[%swap3A_469, %swap3A_470] {strides = array<i32>} : memref<16x1024xf32, #tpu.memory_space<vmem>>, vector<1x16xf32>,
        %swap3A_472 = vector.shape_cast %swap3A_471 : vector<1x16xf32> to vector<16xf32>
        %swap3A_473 = vector.shape_cast %mul3A_433 : vector<16xf32> to vector<1x16xf32>
        tpu.vector_store %arg7[%swap3A_469, %swap3A_470], %swap3A_473 {strides = array<i32>} : memref<16x1024xf32, #tpu.memory_space<vmem>>, vector<1x16xf32>,
        %get3A_474 = arith.index_cast %add3A_187 : i32 to index
        %get3A_475 = arith.constant 384 : index
        %get3A_476 = tpu.vector_load %arg7[%get3A_474, %get3A_475] {strides = array<i32>} : memref<16x1024xf32, #tpu.memory_space<vmem>>, vector<1x16xf32>,
        %get3A_477 = vector.shape_cast %get3A_476 : vector<1x16xf32> to vector<16xf32>
        %mul3A_478 = arith.constant 3.200000e+01 : f32
        %mul3A_479 = vector.broadcast %mul3A_478 : f32 to vector<16xf32>
        %mul3A_480 = arith.mulf %get3A_477, %mul3A_479 : vector<16xf32>
        %get3A_481 = arith.index_cast %add3A_187 : i32 to index
        %get3A_482 = arith.constant 400 : index
        %get3A_483 = tpu.vector_load %arg7[%get3A_481, %get3A_482] {strides = array<i32>} : memref<16x1024xf32, #tpu.memory_space<vmem>>, vector<1x16xf32>,
        %get3A_484 = vector.shape_cast %get3A_483 : vector<1x16xf32> to vector<16xf32>
        %mul3A_485 = arith.constant 3.200000e+01 : f32
        %mul3A_486 = vector.broadcast %mul3A_485 : f32 to vector<16xf32>
        %mul3A_487 = arith.mulf %get3A_484, %mul3A_486 : vector<16xf32>
        %get3A_488 = arith.index_cast %add3A_187 : i32 to index
        %get3A_489 = arith.constant 416 : index
        %get3A_490 = tpu.vector_load %arg7[%get3A_488, %get3A_489] {strides = array<i32>} : memref<16x1024xf32, #tpu.memory_space<vmem>>, vector<1x16xf32>,
        %get3A_491 = vector.shape_cast %get3A_490 : vector<1x16xf32> to vector<16xf32>
        %mul3A_492 = arith.constant 3.200000e+01 : f32
        %mul3A_493 = vector.broadcast %mul3A_492 : f32 to vector<16xf32>
        %mul3A_494 = arith.mulf %get3A_491, %mul3A_493 : vector<16xf32>
        %get3A_495 = arith.index_cast %add3A_187 : i32 to index
        %get3A_496 = arith.constant 432 : index
        %get3A_497 = tpu.vector_load %arg7[%get3A_495, %get3A_496] {strides = array<i32>} : memref<16x1024xf32, #tpu.memory_space<vmem>>, vector<1x16xf32>,
        %get3A_498 = vector.shape_cast %get3A_497 : vector<1x16xf32> to vector<16xf32>
        %mul3A_499 = arith.constant 3.200000e+01 : f32
        %mul3A_500 = vector.broadcast %mul3A_499 : f32 to vector<16xf32>
        %mul3A_501 = arith.mulf %get3A_498, %mul3A_500 : vector<16xf32>
        %get3A_502 = arith.index_cast %add3A_187 : i32 to index
        %get3A_503 = arith.constant 448 : index
        %get3A_504 = tpu.vector_load %arg7[%get3A_502, %get3A_503] {strides = array<i32>} : memref<16x1024xf32, #tpu.memory_space<vmem>>, vector<1x16xf32>,
        %get3A_505 = vector.shape_cast %get3A_504 : vector<1x16xf32> to vector<16xf32>
        %mul3A_506 = arith.constant 3.200000e+01 : f32
        %mul3A_507 = vector.broadcast %mul3A_506 : f32 to vector<16xf32>
        %mul3A_508 = arith.mulf %get3A_505, %mul3A_507 : vector<16xf32>
        %get3A_509 = arith.index_cast %add3A_187 : i32 to index
        %get3A_510 = arith.constant 464 : index
        %get3A_511 = tpu.vector_load %arg7[%get3A_509, %get3A_510] {strides = array<i32>} : memref<16x1024xf32, #tpu.memory_space<vmem>>, vector<1x16xf32>,
        %get3A_512 = vector.shape_cast %get3A_511 : vector<1x16xf32> to vector<16xf32>
        %mul3A_513 = arith.constant 3.200000e+01 : f32
        %mul3A_514 = vector.broadcast %mul3A_513 : f32 to vector<16xf32>
        %mul3A_515 = arith.mulf %get3A_512, %mul3A_514 : vector<16xf32>
        %get3A_516 = arith.index_cast %add3A_187 : i32 to index
        %get3A_517 = arith.constant 480 : index
        %get3A_518 = tpu.vector_load %arg7[%get3A_516, %get3A_517] {strides = array<i32>} : memref<16x1024xf32, #tpu.memory_space<vmem>>, vector<1x16xf32>,
        %get3A_519 = vector.shape_cast %get3A_518 : vector<1x16xf32> to vector<16xf32>
        %mul3A_520 = arith.constant 3.200000e+01 : f32
        %mul3A_521 = vector.broadcast %mul3A_520 : f32 to vector<16xf32>
        %mul3A_522 = arith.mulf %get3A_519, %mul3A_521 : vector<16xf32>
        %get3A_523 = arith.index_cast %add3A_187 : i32 to index
        %get3A_524 = arith.constant 496 : index
        %get3A_525 = tpu.vector_load %arg7[%get3A_523, %get3A_524] {strides = array<i32>} : memref<16x1024xf32, #tpu.memory_space<vmem>>, vector<1x16xf32>,
        %get3A_526 = vector.shape_cast %get3A_525 : vector<1x16xf32> to vector<16xf32>
        %mul3A_527 = arith.constant 3.200000e+01 : f32
        %mul3A_528 = vector.broadcast %mul3A_527 : f32 to vector<16xf32>
        %mul3A_529 = arith.mulf %get3A_526, %mul3A_528 : vector<16xf32>
        %swap3A_530 = arith.index_cast %add3A_187 : i32 to index
        %swap3A_531 = arith.constant 384 : index
        %swap3A_532 = tpu.vector_load %arg7[%swap3A_530, %swap3A_531] {strides = array<i32>} : memref<16x1024xf32, #tpu.memory_space<vmem>>, vector<1x16xf32>,
        %swap3A_533 = vector.shape_cast %swap3A_532 : vector<1x16xf32> to vector<16xf32>
        %swap3A_534 = vector.shape_cast %mul3A_480 : vector<16xf32> to vector<1x16xf32>
        tpu.vector_store %arg7[%swap3A_530, %swap3A_531], %swap3A_534 {strides = array<i32>} : memref<16x1024xf32, #tpu.memory_space<vmem>>, vector<1x16xf32>,
        %swap3A_535 = arith.index_cast %add3A_187 : i32 to index
        %swap3A_536 = arith.constant 400 : index
        %swap3A_537 = tpu.vector_load %arg7[%swap3A_535, %swap3A_536] {strides = array<i32>} : memref<16x1024xf32, #tpu.memory_space<vmem>>, vector<1x16xf32>,
        %swap3A_538 = vector.shape_cast %swap3A_537 : vector<1x16xf32> to vector<16xf32>
        %swap3A_539 = vector.shape_cast %mul3A_487 : vector<16xf32> to vector<1x16xf32>
        tpu.vector_store %arg7[%swap3A_535, %swap3A_536], %swap3A_539 {strides = array<i32>} : memref<16x1024xf32, #tpu.memory_space<vmem>>, vector<1x16xf32>,
        %swap3A_540 = arith.index_cast %add3A_187 : i32 to index
        %swap3A_541 = arith.constant 416 : index
        %swap3A_542 = tpu.vector_load %arg7[%swap3A_540, %swap3A_541] {strides = array<i32>} : memref<16x1024xf32, #tpu.memory_space<vmem>>, vector<1x16xf32>,
        %swap3A_543 = vector.shape_cast %swap3A_542 : vector<1x16xf32> to vector<16xf32>
        %swap3A_544 = vector.shape_cast %mul3A_494 : vector<16xf32> to vector<1x16xf32>
        tpu.vector_store %arg7[%swap3A_540, %swap3A_541], %swap3A_544 {strides = array<i32>} : memref<16x1024xf32, #tpu.memory_space<vmem>>, vector<1x16xf32>,
        %swap3A_545 = arith.index_cast %add3A_187 : i32 to index
        %swap3A_546 = arith.constant 432 : index
        %swap3A_547 = tpu.vector_load %arg7[%swap3A_545, %swap3A_546] {strides = array<i32>} : memref<16x1024xf32, #tpu.memory_space<vmem>>, vector<1x16xf32>,
        %swap3A_548 = vector.shape_cast %swap3A_547 : vector<1x16xf32> to vector<16xf32>
        %swap3A_549 = vector.shape_cast %mul3A_501 : vector<16xf32> to vector<1x16xf32>
        tpu.vector_store %arg7[%swap3A_545, %swap3A_546], %swap3A_549 {strides = array<i32>} : memref<16x1024xf32, #tpu.memory_space<vmem>>, vector<1x16xf32>,
        %swap3A_550 = arith.index_cast %add3A_187 : i32 to index
        %swap3A_551 = arith.constant 448 : index
        %swap3A_552 = tpu.vector_load %arg7[%swap3A_550, %swap3A_551] {strides = array<i32>} : memref<16x1024xf32, #tpu.memory_space<vmem>>, vector<1x16xf32>,
        %swap3A_553 = vector.shape_cast %swap3A_552 : vector<1x16xf32> to vector<16xf32>
        %swap3A_554 = vector.shape_cast %mul3A_508 : vector<16xf32> to vector<1x16xf32>
        tpu.vector_store %arg7[%swap3A_550, %swap3A_551], %swap3A_554 {strides = array<i32>} : memref<16x1024xf32, #tpu.memory_space<vmem>>, vector<1x16xf32>,
        %swap3A_555 = arith.index_cast %add3A_187 : i32 to index
        %swap3A_556 = arith.constant 464 : index
        %swap3A_557 = tpu.vector_load %arg7[%swap3A_555, %swap3A_556] {strides = array<i32>} : memref<16x1024xf32, #tpu.memory_space<vmem>>, vector<1x16xf32>,
        %swap3A_558 = vector.shape_cast %swap3A_557 : vector<1x16xf32> to vector<16xf32>
        %swap3A_559 = vector.shape_cast %mul3A_515 : vector<16xf32> to vector<1x16xf32>
        tpu.vector_store %arg7[%swap3A_555, %swap3A_556], %swap3A_559 {strides = array<i32>} : memref<16x1024xf32, #tpu.memory_space<vmem>>, vector<1x16xf32>,
        %swap3A_560 = arith.index_cast %add3A_187 : i32 to index
        %swap3A_561 = arith.constant 480 : index
        %swap3A_562 = tpu.vector_load %arg7[%swap3A_560, %swap3A_561] {strides = array<i32>} : memref<16x1024xf32, #tpu.memory_space<vmem>>, vector<1x16xf32>,
        %swap3A_563 = vector.shape_cast %swap3A_562 : vector<1x16xf32> to vector<16xf32>
        %swap3A_564 = vector.shape_cast %mul3A_522 : vector<16xf32> to vector<1x16xf32>
        tpu.vector_store %arg7[%swap3A_560, %swap3A_561], %swap3A_564 {strides = array<i32>} : memref<16x1024xf32, #tpu.memory_space<vmem>>, vector<1x16xf32>,
        %swap3A_565 = arith.index_cast %add3A_187 : i32 to index
        %swap3A_566 = arith.constant 496 : index
        %swap3A_567 = tpu.vector_load %arg7[%swap3A_565, %swap3A_566] {strides = array<i32>} : memref<16x1024xf32, #tpu.memory_space<vmem>>, vector<1x16xf32>,
        %swap3A_568 = vector.shape_cast %swap3A_567 : vector<1x16xf32> to vector<16xf32>
        %swap3A_569 = vector.shape_cast %mul3A_529 : vector<16xf32> to vector<1x16xf32>
        tpu.vector_store %arg7[%swap3A_565, %swap3A_566], %swap3A_569 {strides = array<i32>} : memref<16x1024xf32, #tpu.memory_space<vmem>>, vector<1x16xf32>,
        %get3A_570 = arith.index_cast %add3A_187 : i32 to index
        %get3A_571 = arith.constant 512 : index
        %get3A_572 = tpu.vector_load %arg7[%get3A_570, %get3A_571] {strides = array<i32>} : memref<16x1024xf32, #tpu.memory_space<vmem>>, vector<1x16xf32>,
        %get3A_573 = vector.shape_cast %get3A_572 : vector<1x16xf32> to vector<16xf32>
        %mul3A_574 = arith.constant 3.200000e+01 : f32
        %mul3A_575 = vector.broadcast %mul3A_574 : f32 to vector<16xf32>
        %mul3A_576 = arith.mulf %get3A_573, %mul3A_575 : vector<16xf32>
        %get3A_577 = arith.index_cast %add3A_187 : i32 to index
        %get3A_578 = arith.constant 528 : index
        %get3A_579 = tpu.vector_load %arg7[%get3A_577, %get3A_578] {strides = array<i32>} : memref<16x1024xf32, #tpu.memory_space<vmem>>, vector<1x16xf32>,
        %get3A_580 = vector.shape_cast %get3A_579 : vector<1x16xf32> to vector<16xf32>
        %mul3A_581 = arith.constant 3.200000e+01 : f32
        %mul3A_582 = vector.broadcast %mul3A_581 : f32 to vector<16xf32>
        %mul3A_583 = arith.mulf %get3A_580, %mul3A_582 : vector<16xf32>
        %get3A_584 = arith.index_cast %add3A_187 : i32 to index
        %get3A_585 = arith.constant 544 : index
        %get3A_586 = tpu.vector_load %arg7[%get3A_584, %get3A_585] {strides = array<i32>} : memref<16x1024xf32, #tpu.memory_space<vmem>>, vector<1x16xf32>,
        %get3A_587 = vector.shape_cast %get3A_586 : vector<1x16xf32> to vector<16xf32>
        %mul3A_588 = arith.constant 3.200000e+01 : f32
        %mul3A_589 = vector.broadcast %mul3A_588 : f32 to vector<16xf32>
        %mul3A_590 = arith.mulf %get3A_587, %mul3A_589 : vector<16xf32>
        %get3A_591 = arith.index_cast %add3A_187 : i32 to index
        %get3A_592 = arith.constant 560 : index
        %get3A_593 = tpu.vector_load %arg7[%get3A_591, %get3A_592] {strides = array<i32>} : memref<16x1024xf32, #tpu.memory_space<vmem>>, vector<1x16xf32>,
        %get3A_594 = vector.shape_cast %get3A_593 : vector<1x16xf32> to vector<16xf32>
        %mul3A_595 = arith.constant 3.200000e+01 : f32
        %mul3A_596 = vector.broadcast %mul3A_595 : f32 to vector<16xf32>
        %mul3A_597 = arith.mulf %get3A_594, %mul3A_596 : vector<16xf32>
        %get3A_598 = arith.index_cast %add3A_187 : i32 to index
        %get3A_599 = arith.constant 576 : index
        %get3A_600 = tpu.vector_load %arg7[%get3A_598, %get3A_599] {strides = array<i32>} : memref<16x1024xf32, #tpu.memory_space<vmem>>, vector<1x16xf32>,
        %get3A_601 = vector.shape_cast %get3A_600 : vector<1x16xf32> to vector<16xf32>
        %mul3A_602 = arith.constant 3.200000e+01 : f32
        %mul3A_603 = vector.broadcast %mul3A_602 : f32 to vector<16xf32>
        %mul3A_604 = arith.mulf %get3A_601, %mul3A_603 : vector<16xf32>
        %get3A_605 = arith.index_cast %add3A_187 : i32 to index
        %get3A_606 = arith.constant 592 : index
        %get3A_607 = tpu.vector_load %arg7[%get3A_605, %get3A_606] {strides = array<i32>} : memref<16x1024xf32, #tpu.memory_space<vmem>>, vector<1x16xf32>,
        %get3A_608 = vector.shape_cast %get3A_607 : vector<1x16xf32> to vector<16xf32>
        %mul3A_609 = arith.constant 3.200000e+01 : f32
        %mul3A_610 = vector.broadcast %mul3A_609 : f32 to vector<16xf32>
        %mul3A_611 = arith.mulf %get3A_608, %mul3A_610 : vector<16xf32>
        %get3A_612 = arith.index_cast %add3A_187 : i32 to index
        %get3A_613 = arith.constant 608 : index
        %get3A_614 = tpu.vector_load %arg7[%get3A_612, %get3A_613] {strides = array<i32>} : memref<16x1024xf32, #tpu.memory_space<vmem>>, vector<1x16xf32>,
        %get3A_615 = vector.shape_cast %get3A_614 : vector<1x16xf32> to vector<16xf32>
        %mul3A_616 = arith.constant 3.200000e+01 : f32
        %mul3A_617 = vector.broadcast %mul3A_616 : f32 to vector<16xf32>
        %mul3A_618 = arith.mulf %get3A_615, %mul3A_617 : vector<16xf32>
        %get3A_619 = arith.index_cast %add3A_187 : i32 to index
        %get3A_620 = arith.constant 624 : index
        %get3A_621 = tpu.vector_load %arg7[%get3A_619, %get3A_620] {strides = array<i32>} : memref<16x1024xf32, #tpu.memory_space<vmem>>, vector<1x16xf32>,
        %get3A_622 = vector.shape_cast %get3A_621 : vector<1x16xf32> to vector<16xf32>
        %mul3A_623 = arith.constant 3.200000e+01 : f32
        %mul3A_624 = vector.broadcast %mul3A_623 : f32 to vector<16xf32>
        %mul3A_625 = arith.mulf %get3A_622, %mul3A_624 : vector<16xf32>
        %swap3A_626 = arith.index_cast %add3A_187 : i32 to index
        %swap3A_627 = arith.constant 512 : index
        %swap3A_628 = tpu.vector_load %arg7[%swap3A_626, %swap3A_627] {strides = array<i32>} : memref<16x1024xf32, #tpu.memory_space<vmem>>, vector<1x16xf32>,
        %swap3A_629 = vector.shape_cast %swap3A_628 : vector<1x16xf32> to vector<16xf32>
        %swap3A_630 = vector.shape_cast %mul3A_576 : vector<16xf32> to vector<1x16xf32>
        tpu.vector_store %arg7[%swap3A_626, %swap3A_627], %swap3A_630 {strides = array<i32>} : memref<16x1024xf32, #tpu.memory_space<vmem>>, vector<1x16xf32>,
        %swap3A_631 = arith.index_cast %add3A_187 : i32 to index
        %swap3A_632 = arith.constant 528 : index
        %swap3A_633 = tpu.vector_load %arg7[%swap3A_631, %swap3A_632] {strides = array<i32>} : memref<16x1024xf32, #tpu.memory_space<vmem>>, vector<1x16xf32>,
        %swap3A_634 = vector.shape_cast %swap3A_633 : vector<1x16xf32> to vector<16xf32>
        %swap3A_635 = vector.shape_cast %mul3A_583 : vector<16xf32> to vector<1x16xf32>
        tpu.vector_store %arg7[%swap3A_631, %swap3A_632], %swap3A_635 {strides = array<i32>} : memref<16x1024xf32, #tpu.memory_space<vmem>>, vector<1x16xf32>,
        %swap3A_636 = arith.index_cast %add3A_187 : i32 to index
        %swap3A_637 = arith.constant 544 : index
        %swap3A_638 = tpu.vector_load %arg7[%swap3A_636, %swap3A_637] {strides = array<i32>} : memref<16x1024xf32, #tpu.memory_space<vmem>>, vector<1x16xf32>,
        %swap3A_639 = vector.shape_cast %swap3A_638 : vector<1x16xf32> to vector<16xf32>
        %swap3A_640 = vector.shape_cast %mul3A_590 : vector<16xf32> to vector<1x16xf32>
        tpu.vector_store %arg7[%swap3A_636, %swap3A_637], %swap3A_640 {strides = array<i32>} : memref<16x1024xf32, #tpu.memory_space<vmem>>, vector<1x16xf32>,
        %swap3A_641 = arith.index_cast %add3A_187 : i32 to index
        %swap3A_642 = arith.constant 560 : index
        %swap3A_643 = tpu.vector_load %arg7[%swap3A_641, %swap3A_642] {strides = array<i32>} : memref<16x1024xf32, #tpu.memory_space<vmem>>, vector<1x16xf32>,
        %swap3A_644 = vector.shape_cast %swap3A_643 : vector<1x16xf32> to vector<16xf32>
        %swap3A_645 = vector.shape_cast %mul3A_597 : vector<16xf32> to vector<1x16xf32>
        tpu.vector_store %arg7[%swap3A_641, %swap3A_642], %swap3A_645 {strides = array<i32>} : memref<16x1024xf32, #tpu.memory_space<vmem>>, vector<1x16xf32>,
        %swap3A_646 = arith.index_cast %add3A_187 : i32 to index
        %swap3A_647 = arith.constant 576 : index
        %swap3A_648 = tpu.vector_load %arg7[%swap3A_646, %swap3A_647] {strides = array<i32>} : memref<16x1024xf32, #tpu.memory_space<vmem>>, vector<1x16xf32>,
        %swap3A_649 = vector.shape_cast %swap3A_648 : vector<1x16xf32> to vector<16xf32>
        %swap3A_650 = vector.shape_cast %mul3A_604 : vector<16xf32> to vector<1x16xf32>
        tpu.vector_store %arg7[%swap3A_646, %swap3A_647], %swap3A_650 {strides = array<i32>} : memref<16x1024xf32, #tpu.memory_space<vmem>>, vector<1x16xf32>,
        %swap3A_651 = arith.index_cast %add3A_187 : i32 to index
        %swap3A_652 = arith.constant 592 : index
        %swap3A_653 = tpu.vector_load %arg7[%swap3A_651, %swap3A_652] {strides = array<i32>} : memref<16x1024xf32, #tpu.memory_space<vmem>>, vector<1x16xf32>,
        %swap3A_654 = vector.shape_cast %swap3A_653 : vector<1x16xf32> to vector<16xf32>
        %swap3A_655 = vector.shape_cast %mul3A_611 : vector<16xf32> to vector<1x16xf32>
        tpu.vector_store %arg7[%swap3A_651, %swap3A_652], %swap3A_655 {strides = array<i32>} : memref<16x1024xf32, #tpu.memory_space<vmem>>, vector<1x16xf32>,
        %swap3A_656 = arith.index_cast %add3A_187 : i32 to index
        %swap3A_657 = arith.constant 608 : index
        %swap3A_658 = tpu.vector_load %arg7[%swap3A_656, %swap3A_657] {strides = array<i32>} : memref<16x1024xf32, #tpu.memory_space<vmem>>, vector<1x16xf32>,
        %swap3A_659 = vector.shape_cast %swap3A_658 : vector<1x16xf32> to vector<16xf32>
        %swap3A_660 = vector.shape_cast %mul3A_618 : vector<16xf32> to vector<1x16xf32>
        tpu.vector_store %arg7[%swap3A_656, %swap3A_657], %swap3A_660 {strides = array<i32>} : memref<16x1024xf32, #tpu.memory_space<vmem>>, vector<1x16xf32>,
        %swap3A_661 = arith.index_cast %add3A_187 : i32 to index
        %swap3A_662 = arith.constant 624 : index
        %swap3A_663 = tpu.vector_load %arg7[%swap3A_661, %swap3A_662] {strides = array<i32>} : memref<16x1024xf32, #tpu.memory_space<vmem>>, vector<1x16xf32>,
        %swap3A_664 = vector.shape_cast %swap3A_663 : vector<1x16xf32> to vector<16xf32>
        %swap3A_665 = vector.shape_cast %mul3A_625 : vector<16xf32> to vector<1x16xf32>
        tpu.vector_store %arg7[%swap3A_661, %swap3A_662], %swap3A_665 {strides = array<i32>} : memref<16x1024xf32, #tpu.memory_space<vmem>>, vector<1x16xf32>,
        %get3A_666 = arith.index_cast %add3A_187 : i32 to index
        %get3A_667 = arith.constant 640 : index
        %get3A_668 = tpu.vector_load %arg7[%get3A_666, %get3A_667] {strides = array<i32>} : memref<16x1024xf32, #tpu.memory_space<vmem>>, vector<1x16xf32>,
        %get3A_669 = vector.shape_cast %get3A_668 : vector<1x16xf32> to vector<16xf32>
        %mul3A_670 = arith.constant 3.200000e+01 : f32
        %mul3A_671 = vector.broadcast %mul3A_670 : f32 to vector<16xf32>
        %mul3A_672 = arith.mulf %get3A_669, %mul3A_671 : vector<16xf32>
        %get3A_673 = arith.index_cast %add3A_187 : i32 to index
        %get3A_674 = arith.constant 656 : index
        %get3A_675 = tpu.vector_load %arg7[%get3A_673, %get3A_674] {strides = array<i32>} : memref<16x1024xf32, #tpu.memory_space<vmem>>, vector<1x16xf32>,
        %get3A_676 = vector.shape_cast %get3A_675 : vector<1x16xf32> to vector<16xf32>
        %mul3A_677 = arith.constant 3.200000e+01 : f32
        %mul3A_678 = vector.broadcast %mul3A_677 : f32 to vector<16xf32>
        %mul3A_679 = arith.mulf %get3A_676, %mul3A_678 : vector<16xf32>
        %get3A_680 = arith.index_cast %add3A_187 : i32 to index
        %get3A_681 = arith.constant 672 : index
        %get3A_682 = tpu.vector_load %arg7[%get3A_680, %get3A_681] {strides = array<i32>} : memref<16x1024xf32, #tpu.memory_space<vmem>>, vector<1x16xf32>,
        %get3A_683 = vector.shape_cast %get3A_682 : vector<1x16xf32> to vector<16xf32>
        %mul3A_684 = arith.constant 3.200000e+01 : f32
        %mul3A_685 = vector.broadcast %mul3A_684 : f32 to vector<16xf32>
        %mul3A_686 = arith.mulf %get3A_683, %mul3A_685 : vector<16xf32>
        %get3A_687 = arith.index_cast %add3A_187 : i32 to index
        %get3A_688 = arith.constant 688 : index
        %get3A_689 = tpu.vector_load %arg7[%get3A_687, %get3A_688] {strides = array<i32>} : memref<16x1024xf32, #tpu.memory_space<vmem>>, vector<1x16xf32>,
        %get3A_690 = vector.shape_cast %get3A_689 : vector<1x16xf32> to vector<16xf32>
        %mul3A_691 = arith.constant 3.200000e+01 : f32
        %mul3A_692 = vector.broadcast %mul3A_691 : f32 to vector<16xf32>
        %mul3A_693 = arith.mulf %get3A_690, %mul3A_692 : vector<16xf32>
        %get3A_694 = arith.index_cast %add3A_187 : i32 to index
        %get3A_695 = arith.constant 704 : index
        %get3A_696 = tpu.vector_load %arg7[%get3A_694, %get3A_695] {strides = array<i32>} : memref<16x1024xf32, #tpu.memory_space<vmem>>, vector<1x16xf32>,
        %get3A_697 = vector.shape_cast %get3A_696 : vector<1x16xf32> to vector<16xf32>
        %mul3A_698 = arith.constant 3.200000e+01 : f32
        %mul3A_699 = vector.broadcast %mul3A_698 : f32 to vector<16xf32>
        %mul3A_700 = arith.mulf %get3A_697, %mul3A_699 : vector<16xf32>
        %get3A_701 = arith.index_cast %add3A_187 : i32 to index
        %get3A_702 = arith.constant 720 : index
        %get3A_703 = tpu.vector_load %arg7[%get3A_701, %get3A_702] {strides = array<i32>} : memref<16x1024xf32, #tpu.memory_space<vmem>>, vector<1x16xf32>,
        %get3A_704 = vector.shape_cast %get3A_703 : vector<1x16xf32> to vector<16xf32>
        %mul3A_705 = arith.constant 3.200000e+01 : f32
        %mul3A_706 = vector.broadcast %mul3A_705 : f32 to vector<16xf32>
        %mul3A_707 = arith.mulf %get3A_704, %mul3A_706 : vector<16xf32>
        %get3A_708 = arith.index_cast %add3A_187 : i32 to index
        %get3A_709 = arith.constant 736 : index
        %get3A_710 = tpu.vector_load %arg7[%get3A_708, %get3A_709] {strides = array<i32>} : memref<16x1024xf32, #tpu.memory_space<vmem>>, vector<1x16xf32>,
        %get3A_711 = vector.shape_cast %get3A_710 : vector<1x16xf32> to vector<16xf32>
        %mul3A_712 = arith.constant 3.200000e+01 : f32
        %mul3A_713 = vector.broadcast %mul3A_712 : f32 to vector<16xf32>
        %mul3A_714 = arith.mulf %get3A_711, %mul3A_713 : vector<16xf32>
        %get3A_715 = arith.index_cast %add3A_187 : i32 to index
        %get3A_716 = arith.constant 752 : index
        %get3A_717 = tpu.vector_load %arg7[%get3A_715, %get3A_716] {strides = array<i32>} : memref<16x1024xf32, #tpu.memory_space<vmem>>, vector<1x16xf32>,
        %get3A_718 = vector.shape_cast %get3A_717 : vector<1x16xf32> to vector<16xf32>
        %mul3A_719 = arith.constant 3.200000e+01 : f32
        %mul3A_720 = vector.broadcast %mul3A_719 : f32 to vector<16xf32>
        %mul3A_721 = arith.mulf %get3A_718, %mul3A_720 : vector<16xf32>
        %swap3A_722 = arith.index_cast %add3A_187 : i32 to index
        %swap3A_723 = arith.constant 640 : index
        %swap3A_724 = tpu.vector_load %arg7[%swap3A_722, %swap3A_723] {strides = array<i32>} : memref<16x1024xf32, #tpu.memory_space<vmem>>, vector<1x16xf32>,
        %swap3A_725 = vector.shape_cast %swap3A_724 : vector<1x16xf32> to vector<16xf32>
        %swap3A_726 = vector.shape_cast %mul3A_672 : vector<16xf32> to vector<1x16xf32>
        tpu.vector_store %arg7[%swap3A_722, %swap3A_723], %swap3A_726 {strides = array<i32>} : memref<16x1024xf32, #tpu.memory_space<vmem>>, vector<1x16xf32>,
        %swap3A_727 = arith.index_cast %add3A_187 : i32 to index
        %swap3A_728 = arith.constant 656 : index
        %swap3A_729 = tpu.vector_load %arg7[%swap3A_727, %swap3A_728] {strides = array<i32>} : memref<16x1024xf32, #tpu.memory_space<vmem>>, vector<1x16xf32>,
        %swap3A_730 = vector.shape_cast %swap3A_729 : vector<1x16xf32> to vector<16xf32>
        %swap3A_731 = vector.shape_cast %mul3A_679 : vector<16xf32> to vector<1x16xf32>
        tpu.vector_store %arg7[%swap3A_727, %swap3A_728], %swap3A_731 {strides = array<i32>} : memref<16x1024xf32, #tpu.memory_space<vmem>>, vector<1x16xf32>,
        %swap3A_732 = arith.index_cast %add3A_187 : i32 to index
        %swap3A_733 = arith.constant 672 : index
        %swap3A_734 = tpu.vector_load %arg7[%swap3A_732, %swap3A_733] {strides = array<i32>} : memref<16x1024xf32, #tpu.memory_space<vmem>>, vector<1x16xf32>,
        %swap3A_735 = vector.shape_cast %swap3A_734 : vector<1x16xf32> to vector<16xf32>
        %swap3A_736 = vector.shape_cast %mul3A_686 : vector<16xf32> to vector<1x16xf32>
        tpu.vector_store %arg7[%swap3A_732, %swap3A_733], %swap3A_736 {strides = array<i32>} : memref<16x1024xf32, #tpu.memory_space<vmem>>, vector<1x16xf32>,
        %swap3A_737 = arith.index_cast %add3A_187 : i32 to index
        %swap3A_738 = arith.constant 688 : index
        %swap3A_739 = tpu.vector_load %arg7[%swap3A_737, %swap3A_738] {strides = array<i32>} : memref<16x1024xf32, #tpu.memory_space<vmem>>, vector<1x16xf32>,
        %swap3A_740 = vector.shape_cast %swap3A_739 : vector<1x16xf32> to vector<16xf32>
        %swap3A_741 = vector.shape_cast %mul3A_693 : vector<16xf32> to vector<1x16xf32>
        tpu.vector_store %arg7[%swap3A_737, %swap3A_738], %swap3A_741 {strides = array<i32>} : memref<16x1024xf32, #tpu.memory_space<vmem>>, vector<1x16xf32>,
        %swap3A_742 = arith.index_cast %add3A_187 : i32 to index
        %swap3A_743 = arith.constant 704 : index
        %swap3A_744 = tpu.vector_load %arg7[%swap3A_742, %swap3A_743] {strides = array<i32>} : memref<16x1024xf32, #tpu.memory_space<vmem>>, vector<1x16xf32>,
        %swap3A_745 = vector.shape_cast %swap3A_744 : vector<1x16xf32> to vector<16xf32>
        %swap3A_746 = vector.shape_cast %mul3A_700 : vector<16xf32> to vector<1x16xf32>
        tpu.vector_store %arg7[%swap3A_742, %swap3A_743], %swap3A_746 {strides = array<i32>} : memref<16x1024xf32, #tpu.memory_space<vmem>>, vector<1x16xf32>,
        %swap3A_747 = arith.index_cast %add3A_187 : i32 to index
        %swap3A_748 = arith.constant 720 : index
        %swap3A_749 = tpu.vector_load %arg7[%swap3A_747, %swap3A_748] {strides = array<i32>} : memref<16x1024xf32, #tpu.memory_space<vmem>>, vector<1x16xf32>,
        %swap3A_750 = vector.shape_cast %swap3A_749 : vector<1x16xf32> to vector<16xf32>
        %swap3A_751 = vector.shape_cast %mul3A_707 : vector<16xf32> to vector<1x16xf32>
        tpu.vector_store %arg7[%swap3A_747, %swap3A_748], %swap3A_751 {strides = array<i32>} : memref<16x1024xf32, #tpu.memory_space<vmem>>, vector<1x16xf32>,
        %swap3A_752 = arith.index_cast %add3A_187 : i32 to index
        %swap3A_753 = arith.constant 736 : index
        %swap3A_754 = tpu.vector_load %arg7[%swap3A_752, %swap3A_753] {strides = array<i32>} : memref<16x1024xf32, #tpu.memory_space<vmem>>, vector<1x16xf32>,
        %swap3A_755 = vector.shape_cast %swap3A_754 : vector<1x16xf32> to vector<16xf32>
        %swap3A_756 = vector.shape_cast %mul3A_714 : vector<16xf32> to vector<1x16xf32>
        tpu.vector_store %arg7[%swap3A_752, %swap3A_753], %swap3A_756 {strides = array<i32>} : memref<16x1024xf32, #tpu.memory_space<vmem>>, vector<1x16xf32>,
        %swap3A_757 = arith.index_cast %add3A_187 : i32 to index
        %swap3A_758 = arith.constant 752 : index
        %swap3A_759 = tpu.vector_load %arg7[%swap3A_757, %swap3A_758] {strides = array<i32>} : memref<16x1024xf32, #tpu.memory_space<vmem>>, vector<1x16xf32>,
        %swap3A_760 = vector.shape_cast %swap3A_759 : vector<1x16xf32> to vector<16xf32>
        %swap3A_761 = vector.shape_cast %mul3A_721 : vector<16xf32> to vector<1x16xf32>
        tpu.vector_store %arg7[%swap3A_757, %swap3A_758], %swap3A_761 {strides = array<i32>} : memref<16x1024xf32, #tpu.memory_space<vmem>>, vector<1x16xf32>,
        %get3A_762 = arith.index_cast %add3A_187 : i32 to index
        %get3A_763 = arith.constant 768 : index
        %get3A_764 = tpu.vector_load %arg7[%get3A_762, %get3A_763] {strides = array<i32>} : memref<16x1024xf32, #tpu.memory_space<vmem>>, vector<1x16xf32>,
        %get3A_765 = vector.shape_cast %get3A_764 : vector<1x16xf32> to vector<16xf32>
        %mul3A_766 = arith.constant 3.200000e+01 : f32
        %mul3A_767 = vector.broadcast %mul3A_766 : f32 to vector<16xf32>
        %mul3A_768 = arith.mulf %get3A_765, %mul3A_767 : vector<16xf32>
        %get3A_769 = arith.index_cast %add3A_187 : i32 to index
        %get3A_770 = arith.constant 784 : index
        %get3A_771 = tpu.vector_load %arg7[%get3A_769, %get3A_770] {strides = array<i32>} : memref<16x1024xf32, #tpu.memory_space<vmem>>, vector<1x16xf32>,
        %get3A_772 = vector.shape_cast %get3A_771 : vector<1x16xf32> to vector<16xf32>
        %mul3A_773 = arith.constant 3.200000e+01 : f32
        %mul3A_774 = vector.broadcast %mul3A_773 : f32 to vector<16xf32>
        %mul3A_775 = arith.mulf %get3A_772, %mul3A_774 : vector<16xf32>
        %get3A_776 = arith.index_cast %add3A_187 : i32 to index
        %get3A_777 = arith.constant 800 : index
        %get3A_778 = tpu.vector_load %arg7[%get3A_776, %get3A_777] {strides = array<i32>} : memref<16x1024xf32, #tpu.memory_space<vmem>>, vector<1x16xf32>,
        %get3A_779 = vector.shape_cast %get3A_778 : vector<1x16xf32> to vector<16xf32>
        %mul3A_780 = arith.constant 3.200000e+01 : f32
        %mul3A_781 = vector.broadcast %mul3A_780 : f32 to vector<16xf32>
        %mul3A_782 = arith.mulf %get3A_779, %mul3A_781 : vector<16xf32>
        %get3A_783 = arith.index_cast %add3A_187 : i32 to index
        %get3A_784 = arith.constant 816 : index
        %get3A_785 = tpu.vector_load %arg7[%get3A_783, %get3A_784] {strides = array<i32>} : memref<16x1024xf32, #tpu.memory_space<vmem>>, vector<1x16xf32>,
        %get3A_786 = vector.shape_cast %get3A_785 : vector<1x16xf32> to vector<16xf32>
        %mul3A_787 = arith.constant 3.200000e+01 : f32
        %mul3A_788 = vector.broadcast %mul3A_787 : f32 to vector<16xf32>
        %mul3A_789 = arith.mulf %get3A_786, %mul3A_788 : vector<16xf32>
        %get3A_790 = arith.index_cast %add3A_187 : i32 to index
        %get3A_791 = arith.constant 832 : index
        %get3A_792 = tpu.vector_load %arg7[%get3A_790, %get3A_791] {strides = array<i32>} : memref<16x1024xf32, #tpu.memory_space<vmem>>, vector<1x16xf32>,
        %get3A_793 = vector.shape_cast %get3A_792 : vector<1x16xf32> to vector<16xf32>
        %mul3A_794 = arith.constant 3.200000e+01 : f32
        %mul3A_795 = vector.broadcast %mul3A_794 : f32 to vector<16xf32>
        %mul3A_796 = arith.mulf %get3A_793, %mul3A_795 : vector<16xf32>
        %get3A_797 = arith.index_cast %add3A_187 : i32 to index
        %get3A_798 = arith.constant 848 : index
        %get3A_799 = tpu.vector_load %arg7[%get3A_797, %get3A_798] {strides = array<i32>} : memref<16x1024xf32, #tpu.memory_space<vmem>>, vector<1x16xf32>,
        %get3A_800 = vector.shape_cast %get3A_799 : vector<1x16xf32> to vector<16xf32>
        %mul3A_801 = arith.constant 3.200000e+01 : f32
        %mul3A_802 = vector.broadcast %mul3A_801 : f32 to vector<16xf32>
        %mul3A_803 = arith.mulf %get3A_800, %mul3A_802 : vector<16xf32>
        %get3A_804 = arith.index_cast %add3A_187 : i32 to index
        %get3A_805 = arith.constant 864 : index
        %get3A_806 = tpu.vector_load %arg7[%get3A_804, %get3A_805] {strides = array<i32>} : memref<16x1024xf32, #tpu.memory_space<vmem>>, vector<1x16xf32>,
        %get3A_807 = vector.shape_cast %get3A_806 : vector<1x16xf32> to vector<16xf32>
        %mul3A_808 = arith.constant 3.200000e+01 : f32
        %mul3A_809 = vector.broadcast %mul3A_808 : f32 to vector<16xf32>
        %mul3A_810 = arith.mulf %get3A_807, %mul3A_809 : vector<16xf32>
        %get3A_811 = arith.index_cast %add3A_187 : i32 to index
        %get3A_812 = arith.constant 880 : index
        %get3A_813 = tpu.vector_load %arg7[%get3A_811, %get3A_812] {strides = array<i32>} : memref<16x1024xf32, #tpu.memory_space<vmem>>, vector<1x16xf32>,
        %get3A_814 = vector.shape_cast %get3A_813 : vector<1x16xf32> to vector<16xf32>
        %mul3A_815 = arith.constant 3.200000e+01 : f32
        %mul3A_816 = vector.broadcast %mul3A_815 : f32 to vector<16xf32>
        %mul3A_817 = arith.mulf %get3A_814, %mul3A_816 : vector<16xf32>
        %swap3A_818 = arith.index_cast %add3A_187 : i32 to index
        %swap3A_819 = arith.constant 768 : index
        %swap3A_820 = tpu.vector_load %arg7[%swap3A_818, %swap3A_819] {strides = array<i32>} : memref<16x1024xf32, #tpu.memory_space<vmem>>, vector<1x16xf32>,
        %swap3A_821 = vector.shape_cast %swap3A_820 : vector<1x16xf32> to vector<16xf32>
        %swap3A_822 = vector.shape_cast %mul3A_768 : vector<16xf32> to vector<1x16xf32>
        tpu.vector_store %arg7[%swap3A_818, %swap3A_819], %swap3A_822 {strides = array<i32>} : memref<16x1024xf32, #tpu.memory_space<vmem>>, vector<1x16xf32>,
        %swap3A_823 = arith.index_cast %add3A_187 : i32 to index
        %swap3A_824 = arith.constant 784 : index
        %swap3A_825 = tpu.vector_load %arg7[%swap3A_823, %swap3A_824] {strides = array<i32>} : memref<16x1024xf32, #tpu.memory_space<vmem>>, vector<1x16xf32>,
        %swap3A_826 = vector.shape_cast %swap3A_825 : vector<1x16xf32> to vector<16xf32>
        %swap3A_827 = vector.shape_cast %mul3A_775 : vector<16xf32> to vector<1x16xf32>
        tpu.vector_store %arg7[%swap3A_823, %swap3A_824], %swap3A_827 {strides = array<i32>} : memref<16x1024xf32, #tpu.memory_space<vmem>>, vector<1x16xf32>,
        %swap3A_828 = arith.index_cast %add3A_187 : i32 to index
        %swap3A_829 = arith.constant 800 : index
        %swap3A_830 = tpu.vector_load %arg7[%swap3A_828, %swap3A_829] {strides = array<i32>} : memref<16x1024xf32, #tpu.memory_space<vmem>>, vector<1x16xf32>,
        %swap3A_831 = vector.shape_cast %swap3A_830 : vector<1x16xf32> to vector<16xf32>
        %swap3A_832 = vector.shape_cast %mul3A_782 : vector<16xf32> to vector<1x16xf32>
        tpu.vector_store %arg7[%swap3A_828, %swap3A_829], %swap3A_832 {strides = array<i32>} : memref<16x1024xf32, #tpu.memory_space<vmem>>, vector<1x16xf32>,
        %swap3A_833 = arith.index_cast %add3A_187 : i32 to index
        %swap3A_834 = arith.constant 816 : index
        %swap3A_835 = tpu.vector_load %arg7[%swap3A_833, %swap3A_834] {strides = array<i32>} : memref<16x1024xf32, #tpu.memory_space<vmem>>, vector<1x16xf32>,
        %swap3A_836 = vector.shape_cast %swap3A_835 : vector<1x16xf32> to vector<16xf32>
        %swap3A_837 = vector.shape_cast %mul3A_789 : vector<16xf32> to vector<1x16xf32>
        tpu.vector_store %arg7[%swap3A_833, %swap3A_834], %swap3A_837 {strides = array<i32>} : memref<16x1024xf32, #tpu.memory_space<vmem>>, vector<1x16xf32>,
        %swap3A_838 = arith.index_cast %add3A_187 : i32 to index
        %swap3A_839 = arith.constant 832 : index
        %swap3A_840 = tpu.vector_load %arg7[%swap3A_838, %swap3A_839] {strides = array<i32>} : memref<16x1024xf32, #tpu.memory_space<vmem>>, vector<1x16xf32>,
        %swap3A_841 = vector.shape_cast %swap3A_840 : vector<1x16xf32> to vector<16xf32>
        %swap3A_842 = vector.shape_cast %mul3A_796 : vector<16xf32> to vector<1x16xf32>
        tpu.vector_store %arg7[%swap3A_838, %swap3A_839], %swap3A_842 {strides = array<i32>} : memref<16x1024xf32, #tpu.memory_space<vmem>>, vector<1x16xf32>,
        %swap3A_843 = arith.index_cast %add3A_187 : i32 to index
        %swap3A_844 = arith.constant 848 : index
        %swap3A_845 = tpu.vector_load %arg7[%swap3A_843, %swap3A_844] {strides = array<i32>} : memref<16x1024xf32, #tpu.memory_space<vmem>>, vector<1x16xf32>,
        %swap3A_846 = vector.shape_cast %swap3A_845 : vector<1x16xf32> to vector<16xf32>
        %swap3A_847 = vector.shape_cast %mul3A_803 : vector<16xf32> to vector<1x16xf32>
        tpu.vector_store %arg7[%swap3A_843, %swap3A_844], %swap3A_847 {strides = array<i32>} : memref<16x1024xf32, #tpu.memory_space<vmem>>, vector<1x16xf32>,
        %swap3A_848 = arith.index_cast %add3A_187 : i32 to index
        %swap3A_849 = arith.constant 864 : index
        %swap3A_850 = tpu.vector_load %arg7[%swap3A_848, %swap3A_849] {strides = array<i32>} : memref<16x1024xf32, #tpu.memory_space<vmem>>, vector<1x16xf32>,
        %swap3A_851 = vector.shape_cast %swap3A_850 : vector<1x16xf32> to vector<16xf32>
        %swap3A_852 = vector.shape_cast %mul3A_810 : vector<16xf32> to vector<1x16xf32>
        tpu.vector_store %arg7[%swap3A_848, %swap3A_849], %swap3A_852 {strides = array<i32>} : memref<16x1024xf32, #tpu.memory_space<vmem>>, vector<1x16xf32>,
        %swap3A_853 = arith.index_cast %add3A_187 : i32 to index
        %swap3A_854 = arith.constant 880 : index
        %swap3A_855 = tpu.vector_load %arg7[%swap3A_853, %swap3A_854] {strides = array<i32>} : memref<16x1024xf32, #tpu.memory_space<vmem>>, vector<1x16xf32>,
        %swap3A_856 = vector.shape_cast %swap3A_855 : vector<1x16xf32> to vector<16xf32>
        %swap3A_857 = vector.shape_cast %mul3A_817 : vector<16xf32> to vector<1x16xf32>
        tpu.vector_store %arg7[%swap3A_853, %swap3A_854], %swap3A_857 {strides = array<i32>} : memref<16x1024xf32, #tpu.memory_space<vmem>>, vector<1x16xf32>,
        %get3A_858 = arith.index_cast %add3A_187 : i32 to index
        %get3A_859 = arith.constant 896 : index
        %get3A_860 = tpu.vector_load %arg7[%get3A_858, %get3A_859] {strides = array<i32>} : memref<16x1024xf32, #tpu.memory_space<vmem>>, vector<1x16xf32>,
        %get3A_861 = vector.shape_cast %get3A_860 : vector<1x16xf32> to vector<16xf32>
        %mul3A_862 = arith.constant 3.200000e+01 : f32
        %mul3A_863 = vector.broadcast %mul3A_862 : f32 to vector<16xf32>
        %mul3A_864 = arith.mulf %get3A_861, %mul3A_863 : vector<16xf32>
        %get3A_865 = arith.index_cast %add3A_187 : i32 to index
        %get3A_866 = arith.constant 912 : index
        %get3A_867 = tpu.vector_load %arg7[%get3A_865, %get3A_866] {strides = array<i32>} : memref<16x1024xf32, #tpu.memory_space<vmem>>, vector<1x16xf32>,
        %get3A_868 = vector.shape_cast %get3A_867 : vector<1x16xf32> to vector<16xf32>
        %mul3A_869 = arith.constant 3.200000e+01 : f32
        %mul3A_870 = vector.broadcast %mul3A_869 : f32 to vector<16xf32>
        %mul3A_871 = arith.mulf %get3A_868, %mul3A_870 : vector<16xf32>
        %get3A_872 = arith.index_cast %add3A_187 : i32 to index
        %get3A_873 = arith.constant 928 : index
        %get3A_874 = tpu.vector_load %arg7[%get3A_872, %get3A_873] {strides = array<i32>} : memref<16x1024xf32, #tpu.memory_space<vmem>>, vector<1x16xf32>,
        %get3A_875 = vector.shape_cast %get3A_874 : vector<1x16xf32> to vector<16xf32>
        %mul3A_876 = arith.constant 3.200000e+01 : f32
        %mul3A_877 = vector.broadcast %mul3A_876 : f32 to vector<16xf32>
        %mul3A_878 = arith.mulf %get3A_875, %mul3A_877 : vector<16xf32>
        %get3A_879 = arith.index_cast %add3A_187 : i32 to index
        %get3A_880 = arith.constant 944 : index
        %get3A_881 = tpu.vector_load %arg7[%get3A_879, %get3A_880] {strides = array<i32>} : memref<16x1024xf32, #tpu.memory_space<vmem>>, vector<1x16xf32>,
        %get3A_882 = vector.shape_cast %get3A_881 : vector<1x16xf32> to vector<16xf32>
        %mul3A_883 = arith.constant 3.200000e+01 : f32
        %mul3A_884 = vector.broadcast %mul3A_883 : f32 to vector<16xf32>
        %mul3A_885 = arith.mulf %get3A_882, %mul3A_884 : vector<16xf32>
        %get3A_886 = arith.index_cast %add3A_187 : i32 to index
        %get3A_887 = arith.constant 960 : index
        %get3A_888 = tpu.vector_load %arg7[%get3A_886, %get3A_887] {strides = array<i32>} : memref<16x1024xf32, #tpu.memory_space<vmem>>, vector<1x16xf32>,
        %get3A_889 = vector.shape_cast %get3A_888 : vector<1x16xf32> to vector<16xf32>
        %mul3A_890 = arith.constant 3.200000e+01 : f32
        %mul3A_891 = vector.broadcast %mul3A_890 : f32 to vector<16xf32>
        %mul3A_892 = arith.mulf %get3A_889, %mul3A_891 : vector<16xf32>
        %get3A_893 = arith.index_cast %add3A_187 : i32 to index
        %get3A_894 = arith.constant 976 : index
        %get3A_895 = tpu.vector_load %arg7[%get3A_893, %get3A_894] {strides = array<i32>} : memref<16x1024xf32, #tpu.memory_space<vmem>>, vector<1x16xf32>,
        %get3A_896 = vector.shape_cast %get3A_895 : vector<1x16xf32> to vector<16xf32>
        %mul3A_897 = arith.constant 3.200000e+01 : f32
        %mul3A_898 = vector.broadcast %mul3A_897 : f32 to vector<16xf32>
        %mul3A_899 = arith.mulf %get3A_896, %mul3A_898 : vector<16xf32>
        %get3A_900 = arith.index_cast %add3A_187 : i32 to index
        %get3A_901 = arith.constant 992 : index
        %get3A_902 = tpu.vector_load %arg7[%get3A_900, %get3A_901] {strides = array<i32>} : memref<16x1024xf32, #tpu.memory_space<vmem>>, vector<1x16xf32>,
        %get3A_903 = vector.shape_cast %get3A_902 : vector<1x16xf32> to vector<16xf32>
        %mul3A_904 = arith.constant 3.200000e+01 : f32
        %mul3A_905 = vector.broadcast %mul3A_904 : f32 to vector<16xf32>
        %mul3A_906 = arith.mulf %get3A_903, %mul3A_905 : vector<16xf32>
        %get3A_907 = arith.index_cast %add3A_187 : i32 to index
        %get3A_908 = arith.constant 1008 : index
        %get3A_909 = tpu.vector_load %arg7[%get3A_907, %get3A_908] {strides = array<i32>} : memref<16x1024xf32, #tpu.memory_space<vmem>>, vector<1x16xf32>,
        %get3A_910 = vector.shape_cast %get3A_909 : vector<1x16xf32> to vector<16xf32>
        %mul3A_911 = arith.constant 3.200000e+01 : f32
        %mul3A_912 = vector.broadcast %mul3A_911 : f32 to vector<16xf32>
        %mul3A_913 = arith.mulf %get3A_910, %mul3A_912 : vector<16xf32>
        %swap3A_914 = arith.index_cast %add3A_187 : i32 to index
        %swap3A_915 = arith.constant 896 : index
        %swap3A_916 = tpu.vector_load %arg7[%swap3A_914, %swap3A_915] {strides = array<i32>} : memref<16x1024xf32, #tpu.memory_space<vmem>>, vector<1x16xf32>,
        %swap3A_917 = vector.shape_cast %swap3A_916 : vector<1x16xf32> to vector<16xf32>
        %swap3A_918 = vector.shape_cast %mul3A_864 : vector<16xf32> to vector<1x16xf32>
        tpu.vector_store %arg7[%swap3A_914, %swap3A_915], %swap3A_918 {strides = array<i32>} : memref<16x1024xf32, #tpu.memory_space<vmem>>, vector<1x16xf32>,
        %swap3A_919 = arith.index_cast %add3A_187 : i32 to index
        %swap3A_920 = arith.constant 912 : index
        %swap3A_921 = tpu.vector_load %arg7[%swap3A_919, %swap3A_920] {strides = array<i32>} : memref<16x1024xf32, #tpu.memory_space<vmem>>, vector<1x16xf32>,
        %swap3A_922 = vector.shape_cast %swap3A_921 : vector<1x16xf32> to vector<16xf32>
        %swap3A_923 = vector.shape_cast %mul3A_871 : vector<16xf32> to vector<1x16xf32>
        tpu.vector_store %arg7[%swap3A_919, %swap3A_920], %swap3A_923 {strides = array<i32>} : memref<16x1024xf32, #tpu.memory_space<vmem>>, vector<1x16xf32>,
        %swap3A_924 = arith.index_cast %add3A_187 : i32 to index
        %swap3A_925 = arith.constant 928 : index
        %swap3A_926 = tpu.vector_load %arg7[%swap3A_924, %swap3A_925] {strides = array<i32>} : memref<16x1024xf32, #tpu.memory_space<vmem>>, vector<1x16xf32>,
        %swap3A_927 = vector.shape_cast %swap3A_926 : vector<1x16xf32> to vector<16xf32>
        %swap3A_928 = vector.shape_cast %mul3A_878 : vector<16xf32> to vector<1x16xf32>
        tpu.vector_store %arg7[%swap3A_924, %swap3A_925], %swap3A_928 {strides = array<i32>} : memref<16x1024xf32, #tpu.memory_space<vmem>>, vector<1x16xf32>,
        %swap3A_929 = arith.index_cast %add3A_187 : i32 to index
        %swap3A_930 = arith.constant 944 : index
        %swap3A_931 = tpu.vector_load %arg7[%swap3A_929, %swap3A_930] {strides = array<i32>} : memref<16x1024xf32, #tpu.memory_space<vmem>>, vector<1x16xf32>,
        %swap3A_932 = vector.shape_cast %swap3A_931 : vector<1x16xf32> to vector<16xf32>
        %swap3A_933 = vector.shape_cast %mul3A_885 : vector<16xf32> to vector<1x16xf32>
        tpu.vector_store %arg7[%swap3A_929, %swap3A_930], %swap3A_933 {strides = array<i32>} : memref<16x1024xf32, #tpu.memory_space<vmem>>, vector<1x16xf32>,
        %swap3A_934 = arith.index_cast %add3A_187 : i32 to index
        %swap3A_935 = arith.constant 960 : index
        %swap3A_936 = tpu.vector_load %arg7[%swap3A_934, %swap3A_935] {strides = array<i32>} : memref<16x1024xf32, #tpu.memory_space<vmem>>, vector<1x16xf32>,
        %swap3A_937 = vector.shape_cast %swap3A_936 : vector<1x16xf32> to vector<16xf32>
        %swap3A_938 = vector.shape_cast %mul3A_892 : vector<16xf32> to vector<1x16xf32>
        tpu.vector_store %arg7[%swap3A_934, %swap3A_935], %swap3A_938 {strides = array<i32>} : memref<16x1024xf32, #tpu.memory_space<vmem>>, vector<1x16xf32>,
        %swap3A_939 = arith.index_cast %add3A_187 : i32 to index
        %swap3A_940 = arith.constant 976 : index
        %swap3A_941 = tpu.vector_load %arg7[%swap3A_939, %swap3A_940] {strides = array<i32>} : memref<16x1024xf32, #tpu.memory_space<vmem>>, vector<1x16xf32>,
        %swap3A_942 = vector.shape_cast %swap3A_941 : vector<1x16xf32> to vector<16xf32>
        %swap3A_943 = vector.shape_cast %mul3A_899 : vector<16xf32> to vector<1x16xf32>
        tpu.vector_store %arg7[%swap3A_939, %swap3A_940], %swap3A_943 {strides = array<i32>} : memref<16x1024xf32, #tpu.memory_space<vmem>>, vector<1x16xf32>,
        %swap3A_944 = arith.index_cast %add3A_187 : i32 to index
        %swap3A_945 = arith.constant 992 : index
        %swap3A_946 = tpu.vector_load %arg7[%swap3A_944, %swap3A_945] {strides = array<i32>} : memref<16x1024xf32, #tpu.memory_space<vmem>>, vector<1x16xf32>,
        %swap3A_947 = vector.shape_cast %swap3A_946 : vector<1x16xf32> to vector<16xf32>
        %swap3A_948 = vector.shape_cast %mul3A_906 : vector<16xf32> to vector<1x16xf32>
        tpu.vector_store %arg7[%swap3A_944, %swap3A_945], %swap3A_948 {strides = array<i32>} : memref<16x1024xf32, #tpu.memory_space<vmem>>, vector<1x16xf32>,
        %swap3A_949 = arith.index_cast %add3A_187 : i32 to index
        %swap3A_950 = arith.constant 1008 : index
        %swap3A_951 = tpu.vector_load %arg7[%swap3A_949, %swap3A_950] {strides = array<i32>} : memref<16x1024xf32, #tpu.memory_space<vmem>>, vector<1x16xf32>,
        %swap3A_952 = vector.shape_cast %swap3A_951 : vector<1x16xf32> to vector<16xf32>
        %swap3A_953 = vector.shape_cast %mul3A_913 : vector<16xf32> to vector<1x16xf32>
        tpu.vector_store %arg7[%swap3A_949, %swap3A_950], %swap3A_953 {strides = array<i32>} : memref<16x1024xf32, #tpu.memory_space<vmem>>, vector<1x16xf32>,
      }
      %scan3A_101 = arith.constant 16 : i32
      %mul3A_102 = arith.constant 16 : i32
      %mul3A_103 = arith.muli %add3A_73, %mul3A_102 : i32
      %add3A_104 = arith.addi %mul3A_2, %mul3A_103 : i32
      %dma_start3A_105 = arith.constant 0 : i32
      %dma_start3A_106 = tpu.memref_slice %arg4[%add3A_104, %dma_start3A_105] : memref<16384x1024xf32, #tpu.memory_space<hbm>> -> memref<16x1024xf32, #tpu.memory_space<hbm>>
      %dma_start3A_107 = arith.constant 0 : i32
      %dma_start3A_108 = tpu.memref_slice %arg4[%add3A_104, %dma_start3A_107] : memref<16384x1024xf32, #tpu.memory_space<hbm>> -> memref<16x1024xf32, #tpu.memory_space<hbm>>
      tpu.enqueue_dma source(%arg7 : memref<16x1024xf32, #tpu.memory_space<vmem>>) target(%dma_start3A_108 : memref<16x1024xf32, #tpu.memory_space<hbm>>) target_semaphore(%arg15 : memref<!tpu.dma_semaphore, #tpu.memory_space<semaphore_mem>>)
      %add3A_109 = arith.constant 2 : i32
      %add3A_110 = arith.addi %add3A_40, %add3A_109 : i32
      %add3A_111 = arith.constant 4 : i32
      %add3A_112 = arith.addi %add3A_110, %add3A_111 : i32
      %sub3A_113 = arith.constant 1 : i32
      %sub3A_114 = arith.subi %add3A_112, %sub3A_113 : i32
      %lt3A_115 = arith.constant 32 : i32
      %lt3A_116 = arith.cmpi slt, %sub3A_114, %lt3A_115 : i32
      %ge3A_117 = arith.constant 1 : i32
      %ge3A_118 = arith.cmpi sge, %add3A_110, %ge3A_117 : i32
      %and3A_119 = arith.andi %lt3A_116, %ge3A_118 : i1
      %convert_element_type3A_120 = arith.extui %and3A_119 : i1 to i32
      %cond3A_121 = arith.constant 0 : i32
      %cond3A_122 = arith.cmpi ne, %convert_element_type3A_120, %cond3A_121 : i32
      scf.if %cond3A_122 {
        %dma_wait3A_183 = arith.constant 0 : i32
        %dma_wait3A_184 = tpu.memref_slice %arg4[%mul3A_2, %dma_wait3A_183] : memref<16384x1024xf32, #tpu.memory_space<hbm>> -> memref<16x1024xf32, #tpu.memory_space<hbm>>
        %dma_wait3A_185 = arith.constant 0 : i32
        %dma_wait3A_186 = tpu.memref_slice %arg4[%mul3A_2, %dma_wait3A_185] : memref<16384x1024xf32, #tpu.memory_space<hbm>> -> memref<16x1024xf32, #tpu.memory_space<hbm>>
        tpu.wait_dma2 semaphore(%arg15 : memref<!tpu.dma_semaphore, #tpu.memory_space<semaphore_mem>>) src(%arg7 : memref<16x1024xf32, #tpu.memory_space<vmem>>) dst(%dma_wait3A_186 : memref<16x1024xf32, #tpu.memory_space<hbm>>)
      } else {
      }
      %lt3A_123 = arith.constant 32 : i32
      %lt3A_124 = arith.cmpi slt, %sub3A_114, %lt3A_123 : i32
      %convert_element_type3A_125 = arith.extui %lt3A_124 : i1 to i32
      %cond3A_126 = arith.constant 0 : i32
      %cond3A_127 = arith.cmpi ne, %convert_element_type3A_125, %cond3A_126 : i32
      scf.if %cond3A_127 {
        %mul3A_183 = arith.constant 16 : i32
        %mul3A_184 = arith.muli %sub3A_114, %mul3A_183 : i32
        %dma_start3A_185 = tpu.memref_slice %arg5[%mul3A_184] : memref<512xi32, #tpu.memory_space<vmem>> -> memref<16xi32, #tpu.memory_space<vmem>>
        %dma_start3A_186 = arith.constant 0 : i32
        %dma_start3A_187 = arith.constant 0 : i32
        %dma_start3A_188 = tpu.memref_slice %arg2[%dma_start3A_186, %dma_start3A_187] : memref<32128x1024xf32, #tpu.memory_space<hbm>> -> memref<32128x1024xf32, #tpu.memory_space<hbm>>
        tpu.enqueue_indirect_dma source(%dma_start3A_188 : memref<32128x1024xf32, #tpu.memory_space<hbm>>) target(%arg7 : memref<16x1024xf32, #tpu.memory_space<vmem>>) offsets(%dma_start3A_185 : memref<16xi32, #tpu.memory_space<vmem>>) semaphore(%arg11 : memref<!tpu.dma_semaphore, #tpu.memory_space<semaphore_mem>>)
      } else {
      }
      %dma_wait3A_128 = arith.constant 0 : i32
      %dma_wait3A_129 = arith.constant 0 : i32
      %dma_wait3A_130 = tpu.memref_slice %arg2[%dma_wait3A_128, %dma_wait3A_129] : memref<32128x1024xf32, #tpu.memory_space<hbm>> -> memref<16x1024xf32, #tpu.memory_space<hbm>>
      %dma_wait3A_131 = arith.constant 0 : i32
      %dma_wait3A_132 = arith.constant 0 : i32
      %dma_wait3A_133 = tpu.memref_slice %arg2[%dma_wait3A_131, %dma_wait3A_132] : memref<32128x1024xf32, #tpu.memory_space<hbm>> -> memref<16x1024xf32, #tpu.memory_space<hbm>>
      tpu.wait_dma2 semaphore(%arg12 : memref<!tpu.dma_semaphore, #tpu.memory_space<semaphore_mem>>) src(%dma_wait3A_133 : memref<16x1024xf32, #tpu.memory_space<hbm>>) dst(%arg8 : memref<16x1024xf32, #tpu.memory_space<vmem>>)
      %scan3A_134 = arith.constant 0 : i32
      %scan3A_135 = arith.constant 16 : i32
      %scan3A_136 = arith.addi %scan3A_134, %scan3A_135 : i32
      %scan3A_137 = arith.constant 1 : i32
      scf.for %scan3A_183 = %scan3A_134 to %scan3A_136 step %scan3A_137  : i32 {
        %mul3A_184 = arith.constant 1 : i32
        %mul3A_185 = arith.muli %scan3A_183, %mul3A_184 : i32
        %add3A_186 = arith.constant 0 : i32
        %add3A_187 = arith.addi %add3A_186, %mul3A_185 : i32
        %get3A = arith.index_cast %add3A_187 : i32 to index
        %get3A_188 = arith.constant 0 : index
        %get3A_189 = tpu.vector_load %arg8[%get3A, %get3A_188] {strides = array<i32>} : memref<16x1024xf32, #tpu.memory_space<vmem>>, vector<1x16xf32>,
        %get3A_190 = vector.shape_cast %get3A_189 : vector<1x16xf32> to vector<16xf32>
        %mul3A_191 = arith.constant 3.200000e+01 : f32
        %mul3A_192 = vector.broadcast %mul3A_191 : f32 to vector<16xf32>
        %mul3A_193 = arith.mulf %get3A_190, %mul3A_192 : vector<16xf32>
        %get3A_194 = arith.index_cast %add3A_187 : i32 to index
        %get3A_195 = arith.constant 16 : index
        %get3A_196 = tpu.vector_load %arg8[%get3A_194, %get3A_195] {strides = array<i32>} : memref<16x1024xf32, #tpu.memory_space<vmem>>, vector<1x16xf32>,
        %get3A_197 = vector.shape_cast %get3A_196 : vector<1x16xf32> to vector<16xf32>
        %mul3A_198 = arith.constant 3.200000e+01 : f32
        %mul3A_199 = vector.broadcast %mul3A_198 : f32 to vector<16xf32>
        %mul3A_200 = arith.mulf %get3A_197, %mul3A_199 : vector<16xf32>
        %get3A_201 = arith.index_cast %add3A_187 : i32 to index
        %get3A_202 = arith.constant 32 : index
        %get3A_203 = tpu.vector_load %arg8[%get3A_201, %get3A_202] {strides = array<i32>} : memref<16x1024xf32, #tpu.memory_space<vmem>>, vector<1x16xf32>,
        %get3A_204 = vector.shape_cast %get3A_203 : vector<1x16xf32> to vector<16xf32>
        %mul3A_205 = arith.constant 3.200000e+01 : f32
        %mul3A_206 = vector.broadcast %mul3A_205 : f32 to vector<16xf32>
        %mul3A_207 = arith.mulf %get3A_204, %mul3A_206 : vector<16xf32>
        %get3A_208 = arith.index_cast %add3A_187 : i32 to index
        %get3A_209 = arith.constant 48 : index
        %get3A_210 = tpu.vector_load %arg8[%get3A_208, %get3A_209] {strides = array<i32>} : memref<16x1024xf32, #tpu.memory_space<vmem>>, vector<1x16xf32>,
        %get3A_211 = vector.shape_cast %get3A_210 : vector<1x16xf32> to vector<16xf32>
        %mul3A_212 = arith.constant 3.200000e+01 : f32
        %mul3A_213 = vector.broadcast %mul3A_212 : f32 to vector<16xf32>
        %mul3A_214 = arith.mulf %get3A_211, %mul3A_213 : vector<16xf32>
        %get3A_215 = arith.index_cast %add3A_187 : i32 to index
        %get3A_216 = arith.constant 64 : index
        %get3A_217 = tpu.vector_load %arg8[%get3A_215, %get3A_216] {strides = array<i32>} : memref<16x1024xf32, #tpu.memory_space<vmem>>, vector<1x16xf32>,
        %get3A_218 = vector.shape_cast %get3A_217 : vector<1x16xf32> to vector<16xf32>
        %mul3A_219 = arith.constant 3.200000e+01 : f32
        %mul3A_220 = vector.broadcast %mul3A_219 : f32 to vector<16xf32>
        %mul3A_221 = arith.mulf %get3A_218, %mul3A_220 : vector<16xf32>
        %get3A_222 = arith.index_cast %add3A_187 : i32 to index
        %get3A_223 = arith.constant 80 : index
        %get3A_224 = tpu.vector_load %arg8[%get3A_222, %get3A_223] {strides = array<i32>} : memref<16x1024xf32, #tpu.memory_space<vmem>>, vector<1x16xf32>,
        %get3A_225 = vector.shape_cast %get3A_224 : vector<1x16xf32> to vector<16xf32>
        %mul3A_226 = arith.constant 3.200000e+01 : f32
        %mul3A_227 = vector.broadcast %mul3A_226 : f32 to vector<16xf32>
        %mul3A_228 = arith.mulf %get3A_225, %mul3A_227 : vector<16xf32>
        %get3A_229 = arith.index_cast %add3A_187 : i32 to index
        %get3A_230 = arith.constant 96 : index
        %get3A_231 = tpu.vector_load %arg8[%get3A_229, %get3A_230] {strides = array<i32>} : memref<16x1024xf32, #tpu.memory_space<vmem>>, vector<1x16xf32>,
        %get3A_232 = vector.shape_cast %get3A_231 : vector<1x16xf32> to vector<16xf32>
        %mul3A_233 = arith.constant 3.200000e+01 : f32
        %mul3A_234 = vector.broadcast %mul3A_233 : f32 to vector<16xf32>
        %mul3A_235 = arith.mulf %get3A_232, %mul3A_234 : vector<16xf32>
        %get3A_236 = arith.index_cast %add3A_187 : i32 to index
        %get3A_237 = arith.constant 112 : index
        %get3A_238 = tpu.vector_load %arg8[%get3A_236, %get3A_237] {strides = array<i32>} : memref<16x1024xf32, #tpu.memory_space<vmem>>, vector<1x16xf32>,
        %get3A_239 = vector.shape_cast %get3A_238 : vector<1x16xf32> to vector<16xf32>
        %mul3A_240 = arith.constant 3.200000e+01 : f32
        %mul3A_241 = vector.broadcast %mul3A_240 : f32 to vector<16xf32>
        %mul3A_242 = arith.mulf %get3A_239, %mul3A_241 : vector<16xf32>
        %swap3A = arith.index_cast %add3A_187 : i32 to index
        %swap3A_243 = arith.constant 0 : index
        %swap3A_244 = tpu.vector_load %arg8[%swap3A, %swap3A_243] {strides = array<i32>} : memref<16x1024xf32, #tpu.memory_space<vmem>>, vector<1x16xf32>,
        %swap3A_245 = vector.shape_cast %swap3A_244 : vector<1x16xf32> to vector<16xf32>
        %swap3A_246 = vector.shape_cast %mul3A_193 : vector<16xf32> to vector<1x16xf32>
        tpu.vector_store %arg8[%swap3A, %swap3A_243], %swap3A_246 {strides = array<i32>} : memref<16x1024xf32, #tpu.memory_space<vmem>>, vector<1x16xf32>,
        %swap3A_247 = arith.index_cast %add3A_187 : i32 to index
        %swap3A_248 = arith.constant 16 : index
        %swap3A_249 = tpu.vector_load %arg8[%swap3A_247, %swap3A_248] {strides = array<i32>} : memref<16x1024xf32, #tpu.memory_space<vmem>>, vector<1x16xf32>,
        %swap3A_250 = vector.shape_cast %swap3A_249 : vector<1x16xf32> to vector<16xf32>
        %swap3A_251 = vector.shape_cast %mul3A_200 : vector<16xf32> to vector<1x16xf32>
        tpu.vector_store %arg8[%swap3A_247, %swap3A_248], %swap3A_251 {strides = array<i32>} : memref<16x1024xf32, #tpu.memory_space<vmem>>, vector<1x16xf32>,
        %swap3A_252 = arith.index_cast %add3A_187 : i32 to index
        %swap3A_253 = arith.constant 32 : index
        %swap3A_254 = tpu.vector_load %arg8[%swap3A_252, %swap3A_253] {strides = array<i32>} : memref<16x1024xf32, #tpu.memory_space<vmem>>, vector<1x16xf32>,
        %swap3A_255 = vector.shape_cast %swap3A_254 : vector<1x16xf32> to vector<16xf32>
        %swap3A_256 = vector.shape_cast %mul3A_207 : vector<16xf32> to vector<1x16xf32>
        tpu.vector_store %arg8[%swap3A_252, %swap3A_253], %swap3A_256 {strides = array<i32>} : memref<16x1024xf32, #tpu.memory_space<vmem>>, vector<1x16xf32>,
        %swap3A_257 = arith.index_cast %add3A_187 : i32 to index
        %swap3A_258 = arith.constant 48 : index
        %swap3A_259 = tpu.vector_load %arg8[%swap3A_257, %swap3A_258] {strides = array<i32>} : memref<16x1024xf32, #tpu.memory_space<vmem>>, vector<1x16xf32>,
        %swap3A_260 = vector.shape_cast %swap3A_259 : vector<1x16xf32> to vector<16xf32>
        %swap3A_261 = vector.shape_cast %mul3A_214 : vector<16xf32> to vector<1x16xf32>
        tpu.vector_store %arg8[%swap3A_257, %swap3A_258], %swap3A_261 {strides = array<i32>} : memref<16x1024xf32, #tpu.memory_space<vmem>>, vector<1x16xf32>,
        %swap3A_262 = arith.index_cast %add3A_187 : i32 to index
        %swap3A_263 = arith.constant 64 : index
        %swap3A_264 = tpu.vector_load %arg8[%swap3A_262, %swap3A_263] {strides = array<i32>} : memref<16x1024xf32, #tpu.memory_space<vmem>>, vector<1x16xf32>,
        %swap3A_265 = vector.shape_cast %swap3A_264 : vector<1x16xf32> to vector<16xf32>
        %swap3A_266 = vector.shape_cast %mul3A_221 : vector<16xf32> to vector<1x16xf32>
        tpu.vector_store %arg8[%swap3A_262, %swap3A_263], %swap3A_266 {strides = array<i32>} : memref<16x1024xf32, #tpu.memory_space<vmem>>, vector<1x16xf32>,
        %swap3A_267 = arith.index_cast %add3A_187 : i32 to index
        %swap3A_268 = arith.constant 80 : index
        %swap3A_269 = tpu.vector_load %arg8[%swap3A_267, %swap3A_268] {strides = array<i32>} : memref<16x1024xf32, #tpu.memory_space<vmem>>, vector<1x16xf32>,
        %swap3A_270 = vector.shape_cast %swap3A_269 : vector<1x16xf32> to vector<16xf32>
        %swap3A_271 = vector.shape_cast %mul3A_228 : vector<16xf32> to vector<1x16xf32>
        tpu.vector_store %arg8[%swap3A_267, %swap3A_268], %swap3A_271 {strides = array<i32>} : memref<16x1024xf32, #tpu.memory_space<vmem>>, vector<1x16xf32>,
        %swap3A_272 = arith.index_cast %add3A_187 : i32 to index
        %swap3A_273 = arith.constant 96 : index
        %swap3A_274 = tpu.vector_load %arg8[%swap3A_272, %swap3A_273] {strides = array<i32>} : memref<16x1024xf32, #tpu.memory_space<vmem>>, vector<1x16xf32>,
        %swap3A_275 = vector.shape_cast %swap3A_274 : vector<1x16xf32> to vector<16xf32>
        %swap3A_276 = vector.shape_cast %mul3A_235 : vector<16xf32> to vector<1x16xf32>
        tpu.vector_store %arg8[%swap3A_272, %swap3A_273], %swap3A_276 {strides = array<i32>} : memref<16x1024xf32, #tpu.memory_space<vmem>>, vector<1x16xf32>,
        %swap3A_277 = arith.index_cast %add3A_187 : i32 to index
        %swap3A_278 = arith.constant 112 : index
        %swap3A_279 = tpu.vector_load %arg8[%swap3A_277, %swap3A_278] {strides = array<i32>} : memref<16x1024xf32, #tpu.memory_space<vmem>>, vector<1x16xf32>,
        %swap3A_280 = vector.shape_cast %swap3A_279 : vector<1x16xf32> to vector<16xf32>
        %swap3A_281 = vector.shape_cast %mul3A_242 : vector<16xf32> to vector<1x16xf32>
        tpu.vector_store %arg8[%swap3A_277, %swap3A_278], %swap3A_281 {strides = array<i32>} : memref<16x1024xf32, #tpu.memory_space<vmem>>, vector<1x16xf32>,
        %get3A_282 = arith.index_cast %add3A_187 : i32 to index
        %get3A_283 = arith.constant 128 : index
        %get3A_284 = tpu.vector_load %arg8[%get3A_282, %get3A_283] {strides = array<i32>} : memref<16x1024xf32, #tpu.memory_space<vmem>>, vector<1x16xf32>,
        %get3A_285 = vector.shape_cast %get3A_284 : vector<1x16xf32> to vector<16xf32>
        %mul3A_286 = arith.constant 3.200000e+01 : f32
        %mul3A_287 = vector.broadcast %mul3A_286 : f32 to vector<16xf32>
        %mul3A_288 = arith.mulf %get3A_285, %mul3A_287 : vector<16xf32>
        %get3A_289 = arith.index_cast %add3A_187 : i32 to index
        %get3A_290 = arith.constant 144 : index
        %get3A_291 = tpu.vector_load %arg8[%get3A_289, %get3A_290] {strides = array<i32>} : memref<16x1024xf32, #tpu.memory_space<vmem>>, vector<1x16xf32>,
        %get3A_292 = vector.shape_cast %get3A_291 : vector<1x16xf32> to vector<16xf32>
        %mul3A_293 = arith.constant 3.200000e+01 : f32
        %mul3A_294 = vector.broadcast %mul3A_293 : f32 to vector<16xf32>
        %mul3A_295 = arith.mulf %get3A_292, %mul3A_294 : vector<16xf32>
        %get3A_296 = arith.index_cast %add3A_187 : i32 to index
        %get3A_297 = arith.constant 160 : index
        %get3A_298 = tpu.vector_load %arg8[%get3A_296, %get3A_297] {strides = array<i32>} : memref<16x1024xf32, #tpu.memory_space<vmem>>, vector<1x16xf32>,
        %get3A_299 = vector.shape_cast %get3A_298 : vector<1x16xf32> to vector<16xf32>
        %mul3A_300 = arith.constant 3.200000e+01 : f32
        %mul3A_301 = vector.broadcast %mul3A_300 : f32 to vector<16xf32>
        %mul3A_302 = arith.mulf %get3A_299, %mul3A_301 : vector<16xf32>
        %get3A_303 = arith.index_cast %add3A_187 : i32 to index
        %get3A_304 = arith.constant 176 : index
        %get3A_305 = tpu.vector_load %arg8[%get3A_303, %get3A_304] {strides = array<i32>} : memref<16x1024xf32, #tpu.memory_space<vmem>>, vector<1x16xf32>,
        %get3A_306 = vector.shape_cast %get3A_305 : vector<1x16xf32> to vector<16xf32>
        %mul3A_307 = arith.constant 3.200000e+01 : f32
        %mul3A_308 = vector.broadcast %mul3A_307 : f32 to vector<16xf32>
        %mul3A_309 = arith.mulf %get3A_306, %mul3A_308 : vector<16xf32>
        %get3A_310 = arith.index_cast %add3A_187 : i32 to index
        %get3A_311 = arith.constant 192 : index
        %get3A_312 = tpu.vector_load %arg8[%get3A_310, %get3A_311] {strides = array<i32>} : memref<16x1024xf32, #tpu.memory_space<vmem>>, vector<1x16xf32>,
        %get3A_313 = vector.shape_cast %get3A_312 : vector<1x16xf32> to vector<16xf32>
        %mul3A_314 = arith.constant 3.200000e+01 : f32
        %mul3A_315 = vector.broadcast %mul3A_314 : f32 to vector<16xf32>
        %mul3A_316 = arith.mulf %get3A_313, %mul3A_315 : vector<16xf32>
        %get3A_317 = arith.index_cast %add3A_187 : i32 to index
        %get3A_318 = arith.constant 208 : index
        %get3A_319 = tpu.vector_load %arg8[%get3A_317, %get3A_318] {strides = array<i32>} : memref<16x1024xf32, #tpu.memory_space<vmem>>, vector<1x16xf32>,
        %get3A_320 = vector.shape_cast %get3A_319 : vector<1x16xf32> to vector<16xf32>
        %mul3A_321 = arith.constant 3.200000e+01 : f32
        %mul3A_322 = vector.broadcast %mul3A_321 : f32 to vector<16xf32>
        %mul3A_323 = arith.mulf %get3A_320, %mul3A_322 : vector<16xf32>
        %get3A_324 = arith.index_cast %add3A_187 : i32 to index
        %get3A_325 = arith.constant 224 : index
        %get3A_326 = tpu.vector_load %arg8[%get3A_324, %get3A_325] {strides = array<i32>} : memref<16x1024xf32, #tpu.memory_space<vmem>>, vector<1x16xf32>,
        %get3A_327 = vector.shape_cast %get3A_326 : vector<1x16xf32> to vector<16xf32>
        %mul3A_328 = arith.constant 3.200000e+01 : f32
        %mul3A_329 = vector.broadcast %mul3A_328 : f32 to vector<16xf32>
        %mul3A_330 = arith.mulf %get3A_327, %mul3A_329 : vector<16xf32>
        %get3A_331 = arith.index_cast %add3A_187 : i32 to index
        %get3A_332 = arith.constant 240 : index
        %get3A_333 = tpu.vector_load %arg8[%get3A_331, %get3A_332] {strides = array<i32>} : memref<16x1024xf32, #tpu.memory_space<vmem>>, vector<1x16xf32>,
        %get3A_334 = vector.shape_cast %get3A_333 : vector<1x16xf32> to vector<16xf32>
        %mul3A_335 = arith.constant 3.200000e+01 : f32
        %mul3A_336 = vector.broadcast %mul3A_335 : f32 to vector<16xf32>
        %mul3A_337 = arith.mulf %get3A_334, %mul3A_336 : vector<16xf32>
        %swap3A_338 = arith.index_cast %add3A_187 : i32 to index
        %swap3A_339 = arith.constant 128 : index
        %swap3A_340 = tpu.vector_load %arg8[%swap3A_338, %swap3A_339] {strides = array<i32>} : memref<16x1024xf32, #tpu.memory_space<vmem>>, vector<1x16xf32>,
        %swap3A_341 = vector.shape_cast %swap3A_340 : vector<1x16xf32> to vector<16xf32>
        %swap3A_342 = vector.shape_cast %mul3A_288 : vector<16xf32> to vector<1x16xf32>
        tpu.vector_store %arg8[%swap3A_338, %swap3A_339], %swap3A_342 {strides = array<i32>} : memref<16x1024xf32, #tpu.memory_space<vmem>>, vector<1x16xf32>,
        %swap3A_343 = arith.index_cast %add3A_187 : i32 to index
        %swap3A_344 = arith.constant 144 : index
        %swap3A_345 = tpu.vector_load %arg8[%swap3A_343, %swap3A_344] {strides = array<i32>} : memref<16x1024xf32, #tpu.memory_space<vmem>>, vector<1x16xf32>,
        %swap3A_346 = vector.shape_cast %swap3A_345 : vector<1x16xf32> to vector<16xf32>
        %swap3A_347 = vector.shape_cast %mul3A_295 : vector<16xf32> to vector<1x16xf32>
        tpu.vector_store %arg8[%swap3A_343, %swap3A_344], %swap3A_347 {strides = array<i32>} : memref<16x1024xf32, #tpu.memory_space<vmem>>, vector<1x16xf32>,
        %swap3A_348 = arith.index_cast %add3A_187 : i32 to index
        %swap3A_349 = arith.constant 160 : index
        %swap3A_350 = tpu.vector_load %arg8[%swap3A_348, %swap3A_349] {strides = array<i32>} : memref<16x1024xf32, #tpu.memory_space<vmem>>, vector<1x16xf32>,
        %swap3A_351 = vector.shape_cast %swap3A_350 : vector<1x16xf32> to vector<16xf32>
        %swap3A_352 = vector.shape_cast %mul3A_302 : vector<16xf32> to vector<1x16xf32>
        tpu.vector_store %arg8[%swap3A_348, %swap3A_349], %swap3A_352 {strides = array<i32>} : memref<16x1024xf32, #tpu.memory_space<vmem>>, vector<1x16xf32>,
        %swap3A_353 = arith.index_cast %add3A_187 : i32 to index
        %swap3A_354 = arith.constant 176 : index
        %swap3A_355 = tpu.vector_load %arg8[%swap3A_353, %swap3A_354] {strides = array<i32>} : memref<16x1024xf32, #tpu.memory_space<vmem>>, vector<1x16xf32>,
        %swap3A_356 = vector.shape_cast %swap3A_355 : vector<1x16xf32> to vector<16xf32>
        %swap3A_357 = vector.shape_cast %mul3A_309 : vector<16xf32> to vector<1x16xf32>
        tpu.vector_store %arg8[%swap3A_353, %swap3A_354], %swap3A_357 {strides = array<i32>} : memref<16x1024xf32, #tpu.memory_space<vmem>>, vector<1x16xf32>,
        %swap3A_358 = arith.index_cast %add3A_187 : i32 to index
        %swap3A_359 = arith.constant 192 : index
        %swap3A_360 = tpu.vector_load %arg8[%swap3A_358, %swap3A_359] {strides = array<i32>} : memref<16x1024xf32, #tpu.memory_space<vmem>>, vector<1x16xf32>,
        %swap3A_361 = vector.shape_cast %swap3A_360 : vector<1x16xf32> to vector<16xf32>
        %swap3A_362 = vector.shape_cast %mul3A_316 : vector<16xf32> to vector<1x16xf32>
        tpu.vector_store %arg8[%swap3A_358, %swap3A_359], %swap3A_362 {strides = array<i32>} : memref<16x1024xf32, #tpu.memory_space<vmem>>, vector<1x16xf32>,
        %swap3A_363 = arith.index_cast %add3A_187 : i32 to index
        %swap3A_364 = arith.constant 208 : index
        %swap3A_365 = tpu.vector_load %arg8[%swap3A_363, %swap3A_364] {strides = array<i32>} : memref<16x1024xf32, #tpu.memory_space<vmem>>, vector<1x16xf32>,
        %swap3A_366 = vector.shape_cast %swap3A_365 : vector<1x16xf32> to vector<16xf32>
        %swap3A_367 = vector.shape_cast %mul3A_323 : vector<16xf32> to vector<1x16xf32>
        tpu.vector_store %arg8[%swap3A_363, %swap3A_364], %swap3A_367 {strides = array<i32>} : memref<16x1024xf32, #tpu.memory_space<vmem>>, vector<1x16xf32>,
        %swap3A_368 = arith.index_cast %add3A_187 : i32 to index
        %swap3A_369 = arith.constant 224 : index
        %swap3A_370 = tpu.vector_load %arg8[%swap3A_368, %swap3A_369] {strides = array<i32>} : memref<16x1024xf32, #tpu.memory_space<vmem>>, vector<1x16xf32>,
        %swap3A_371 = vector.shape_cast %swap3A_370 : vector<1x16xf32> to vector<16xf32>
        %swap3A_372 = vector.shape_cast %mul3A_330 : vector<16xf32> to vector<1x16xf32>
        tpu.vector_store %arg8[%swap3A_368, %swap3A_369], %swap3A_372 {strides = array<i32>} : memref<16x1024xf32, #tpu.memory_space<vmem>>, vector<1x16xf32>,
        %swap3A_373 = arith.index_cast %add3A_187 : i32 to index
        %swap3A_374 = arith.constant 240 : index
        %swap3A_375 = tpu.vector_load %arg8[%swap3A_373, %swap3A_374] {strides = array<i32>} : memref<16x1024xf32, #tpu.memory_space<vmem>>, vector<1x16xf32>,
        %swap3A_376 = vector.shape_cast %swap3A_375 : vector<1x16xf32> to vector<16xf32>
        %swap3A_377 = vector.shape_cast %mul3A_337 : vector<16xf32> to vector<1x16xf32>
        tpu.vector_store %arg8[%swap3A_373, %swap3A_374], %swap3A_377 {strides = array<i32>} : memref<16x1024xf32, #tpu.memory_space<vmem>>, vector<1x16xf32>,
        %get3A_378 = arith.index_cast %add3A_187 : i32 to index
        %get3A_379 = arith.constant 256 : index
        %get3A_380 = tpu.vector_load %arg8[%get3A_378, %get3A_379] {strides = array<i32>} : memref<16x1024xf32, #tpu.memory_space<vmem>>, vector<1x16xf32>,
        %get3A_381 = vector.shape_cast %get3A_380 : vector<1x16xf32> to vector<16xf32>
        %mul3A_382 = arith.constant 3.200000e+01 : f32
        %mul3A_383 = vector.broadcast %mul3A_382 : f32 to vector<16xf32>
        %mul3A_384 = arith.mulf %get3A_381, %mul3A_383 : vector<16xf32>
        %get3A_385 = arith.index_cast %add3A_187 : i32 to index
        %get3A_386 = arith.constant 272 : index
        %get3A_387 = tpu.vector_load %arg8[%get3A_385, %get3A_386] {strides = array<i32>} : memref<16x1024xf32, #tpu.memory_space<vmem>>, vector<1x16xf32>,
        %get3A_388 = vector.shape_cast %get3A_387 : vector<1x16xf32> to vector<16xf32>
        %mul3A_389 = arith.constant 3.200000e+01 : f32
        %mul3A_390 = vector.broadcast %mul3A_389 : f32 to vector<16xf32>
        %mul3A_391 = arith.mulf %get3A_388, %mul3A_390 : vector<16xf32>
        %get3A_392 = arith.index_cast %add3A_187 : i32 to index
        %get3A_393 = arith.constant 288 : index
        %get3A_394 = tpu.vector_load %arg8[%get3A_392, %get3A_393] {strides = array<i32>} : memref<16x1024xf32, #tpu.memory_space<vmem>>, vector<1x16xf32>,
        %get3A_395 = vector.shape_cast %get3A_394 : vector<1x16xf32> to vector<16xf32>
        %mul3A_396 = arith.constant 3.200000e+01 : f32
        %mul3A_397 = vector.broadcast %mul3A_396 : f32 to vector<16xf32>
        %mul3A_398 = arith.mulf %get3A_395, %mul3A_397 : vector<16xf32>
        %get3A_399 = arith.index_cast %add3A_187 : i32 to index
        %get3A_400 = arith.constant 304 : index
        %get3A_401 = tpu.vector_load %arg8[%get3A_399, %get3A_400] {strides = array<i32>} : memref<16x1024xf32, #tpu.memory_space<vmem>>, vector<1x16xf32>,
        %get3A_402 = vector.shape_cast %get3A_401 : vector<1x16xf32> to vector<16xf32>
        %mul3A_403 = arith.constant 3.200000e+01 : f32
        %mul3A_404 = vector.broadcast %mul3A_403 : f32 to vector<16xf32>
        %mul3A_405 = arith.mulf %get3A_402, %mul3A_404 : vector<16xf32>
        %get3A_406 = arith.index_cast %add3A_187 : i32 to index
        %get3A_407 = arith.constant 320 : index
        %get3A_408 = tpu.vector_load %arg8[%get3A_406, %get3A_407] {strides = array<i32>} : memref<16x1024xf32, #tpu.memory_space<vmem>>, vector<1x16xf32>,
        %get3A_409 = vector.shape_cast %get3A_408 : vector<1x16xf32> to vector<16xf32>
        %mul3A_410 = arith.constant 3.200000e+01 : f32
        %mul3A_411 = vector.broadcast %mul3A_410 : f32 to vector<16xf32>
        %mul3A_412 = arith.mulf %get3A_409, %mul3A_411 : vector<16xf32>
        %get3A_413 = arith.index_cast %add3A_187 : i32 to index
        %get3A_414 = arith.constant 336 : index
        %get3A_415 = tpu.vector_load %arg8[%get3A_413, %get3A_414] {strides = array<i32>} : memref<16x1024xf32, #tpu.memory_space<vmem>>, vector<1x16xf32>,
        %get3A_416 = vector.shape_cast %get3A_415 : vector<1x16xf32> to vector<16xf32>
        %mul3A_417 = arith.constant 3.200000e+01 : f32
        %mul3A_418 = vector.broadcast %mul3A_417 : f32 to vector<16xf32>
        %mul3A_419 = arith.mulf %get3A_416, %mul3A_418 : vector<16xf32>
        %get3A_420 = arith.index_cast %add3A_187 : i32 to index
        %get3A_421 = arith.constant 352 : index
        %get3A_422 = tpu.vector_load %arg8[%get3A_420, %get3A_421] {strides = array<i32>} : memref<16x1024xf32, #tpu.memory_space<vmem>>, vector<1x16xf32>,
        %get3A_423 = vector.shape_cast %get3A_422 : vector<1x16xf32> to vector<16xf32>
        %mul3A_424 = arith.constant 3.200000e+01 : f32
        %mul3A_425 = vector.broadcast %mul3A_424 : f32 to vector<16xf32>
        %mul3A_426 = arith.mulf %get3A_423, %mul3A_425 : vector<16xf32>
        %get3A_427 = arith.index_cast %add3A_187 : i32 to index
        %get3A_428 = arith.constant 368 : index
        %get3A_429 = tpu.vector_load %arg8[%get3A_427, %get3A_428] {strides = array<i32>} : memref<16x1024xf32, #tpu.memory_space<vmem>>, vector<1x16xf32>,
        %get3A_430 = vector.shape_cast %get3A_429 : vector<1x16xf32> to vector<16xf32>
        %mul3A_431 = arith.constant 3.200000e+01 : f32
        %mul3A_432 = vector.broadcast %mul3A_431 : f32 to vector<16xf32>
        %mul3A_433 = arith.mulf %get3A_430, %mul3A_432 : vector<16xf32>
        %swap3A_434 = arith.index_cast %add3A_187 : i32 to index
        %swap3A_435 = arith.constant 256 : index
        %swap3A_436 = tpu.vector_load %arg8[%swap3A_434, %swap3A_435] {strides = array<i32>} : memref<16x1024xf32, #tpu.memory_space<vmem>>, vector<1x16xf32>,
        %swap3A_437 = vector.shape_cast %swap3A_436 : vector<1x16xf32> to vector<16xf32>
        %swap3A_438 = vector.shape_cast %mul3A_384 : vector<16xf32> to vector<1x16xf32>
        tpu.vector_store %arg8[%swap3A_434, %swap3A_435], %swap3A_438 {strides = array<i32>} : memref<16x1024xf32, #tpu.memory_space<vmem>>, vector<1x16xf32>,
        %swap3A_439 = arith.index_cast %add3A_187 : i32 to index
        %swap3A_440 = arith.constant 272 : index
        %swap3A_441 = tpu.vector_load %arg8[%swap3A_439, %swap3A_440] {strides = array<i32>} : memref<16x1024xf32, #tpu.memory_space<vmem>>, vector<1x16xf32>,
        %swap3A_442 = vector.shape_cast %swap3A_441 : vector<1x16xf32> to vector<16xf32>
        %swap3A_443 = vector.shape_cast %mul3A_391 : vector<16xf32> to vector<1x16xf32>
        tpu.vector_store %arg8[%swap3A_439, %swap3A_440], %swap3A_443 {strides = array<i32>} : memref<16x1024xf32, #tpu.memory_space<vmem>>, vector<1x16xf32>,
        %swap3A_444 = arith.index_cast %add3A_187 : i32 to index
        %swap3A_445 = arith.constant 288 : index
        %swap3A_446 = tpu.vector_load %arg8[%swap3A_444, %swap3A_445] {strides = array<i32>} : memref<16x1024xf32, #tpu.memory_space<vmem>>, vector<1x16xf32>,
        %swap3A_447 = vector.shape_cast %swap3A_446 : vector<1x16xf32> to vector<16xf32>
        %swap3A_448 = vector.shape_cast %mul3A_398 : vector<16xf32> to vector<1x16xf32>
        tpu.vector_store %arg8[%swap3A_444, %swap3A_445], %swap3A_448 {strides = array<i32>} : memref<16x1024xf32, #tpu.memory_space<vmem>>, vector<1x16xf32>,
        %swap3A_449 = arith.index_cast %add3A_187 : i32 to index
        %swap3A_450 = arith.constant 304 : index
        %swap3A_451 = tpu.vector_load %arg8[%swap3A_449, %swap3A_450] {strides = array<i32>} : memref<16x1024xf32, #tpu.memory_space<vmem>>, vector<1x16xf32>,
        %swap3A_452 = vector.shape_cast %swap3A_451 : vector<1x16xf32> to vector<16xf32>
        %swap3A_453 = vector.shape_cast %mul3A_405 : vector<16xf32> to vector<1x16xf32>
        tpu.vector_store %arg8[%swap3A_449, %swap3A_450], %swap3A_453 {strides = array<i32>} : memref<16x1024xf32, #tpu.memory_space<vmem>>, vector<1x16xf32>,
        %swap3A_454 = arith.index_cast %add3A_187 : i32 to index
        %swap3A_455 = arith.constant 320 : index
        %swap3A_456 = tpu.vector_load %arg8[%swap3A_454, %swap3A_455] {strides = array<i32>} : memref<16x1024xf32, #tpu.memory_space<vmem>>, vector<1x16xf32>,
        %swap3A_457 = vector.shape_cast %swap3A_456 : vector<1x16xf32> to vector<16xf32>
        %swap3A_458 = vector.shape_cast %mul3A_412 : vector<16xf32> to vector<1x16xf32>
        tpu.vector_store %arg8[%swap3A_454, %swap3A_455], %swap3A_458 {strides = array<i32>} : memref<16x1024xf32, #tpu.memory_space<vmem>>, vector<1x16xf32>,
        %swap3A_459 = arith.index_cast %add3A_187 : i32 to index
        %swap3A_460 = arith.constant 336 : index
        %swap3A_461 = tpu.vector_load %arg8[%swap3A_459, %swap3A_460] {strides = array<i32>} : memref<16x1024xf32, #tpu.memory_space<vmem>>, vector<1x16xf32>,
        %swap3A_462 = vector.shape_cast %swap3A_461 : vector<1x16xf32> to vector<16xf32>
        %swap3A_463 = vector.shape_cast %mul3A_419 : vector<16xf32> to vector<1x16xf32>
        tpu.vector_store %arg8[%swap3A_459, %swap3A_460], %swap3A_463 {strides = array<i32>} : memref<16x1024xf32, #tpu.memory_space<vmem>>, vector<1x16xf32>,
        %swap3A_464 = arith.index_cast %add3A_187 : i32 to index
        %swap3A_465 = arith.constant 352 : index
        %swap3A_466 = tpu.vector_load %arg8[%swap3A_464, %swap3A_465] {strides = array<i32>} : memref<16x1024xf32, #tpu.memory_space<vmem>>, vector<1x16xf32>,
        %swap3A_467 = vector.shape_cast %swap3A_466 : vector<1x16xf32> to vector<16xf32>
        %swap3A_468 = vector.shape_cast %mul3A_426 : vector<16xf32> to vector<1x16xf32>
        tpu.vector_store %arg8[%swap3A_464, %swap3A_465], %swap3A_468 {strides = array<i32>} : memref<16x1024xf32, #tpu.memory_space<vmem>>, vector<1x16xf32>,
        %swap3A_469 = arith.index_cast %add3A_187 : i32 to index
        %swap3A_470 = arith.constant 368 : index
        %swap3A_471 = tpu.vector_load %arg8[%swap3A_469, %swap3A_470] {strides = array<i32>} : memref<16x1024xf32, #tpu.memory_space<vmem>>, vector<1x16xf32>,
        %swap3A_472 = vector.shape_cast %swap3A_471 : vector<1x16xf32> to vector<16xf32>
        %swap3A_473 = vector.shape_cast %mul3A_433 : vector<16xf32> to vector<1x16xf32>
        tpu.vector_store %arg8[%swap3A_469, %swap3A_470], %swap3A_473 {strides = array<i32>} : memref<16x1024xf32, #tpu.memory_space<vmem>>, vector<1x16xf32>,
        %get3A_474 = arith.index_cast %add3A_187 : i32 to index
        %get3A_475 = arith.constant 384 : index
        %get3A_476 = tpu.vector_load %arg8[%get3A_474, %get3A_475] {strides = array<i32>} : memref<16x1024xf32, #tpu.memory_space<vmem>>, vector<1x16xf32>,
        %get3A_477 = vector.shape_cast %get3A_476 : vector<1x16xf32> to vector<16xf32>
        %mul3A_478 = arith.constant 3.200000e+01 : f32
        %mul3A_479 = vector.broadcast %mul3A_478 : f32 to vector<16xf32>
        %mul3A_480 = arith.mulf %get3A_477, %mul3A_479 : vector<16xf32>
        %get3A_481 = arith.index_cast %add3A_187 : i32 to index
        %get3A_482 = arith.constant 400 : index
        %get3A_483 = tpu.vector_load %arg8[%get3A_481, %get3A_482] {strides = array<i32>} : memref<16x1024xf32, #tpu.memory_space<vmem>>, vector<1x16xf32>,
        %get3A_484 = vector.shape_cast %get3A_483 : vector<1x16xf32> to vector<16xf32>
        %mul3A_485 = arith.constant 3.200000e+01 : f32
        %mul3A_486 = vector.broadcast %mul3A_485 : f32 to vector<16xf32>
        %mul3A_487 = arith.mulf %get3A_484, %mul3A_486 : vector<16xf32>
        %get3A_488 = arith.index_cast %add3A_187 : i32 to index
        %get3A_489 = arith.constant 416 : index
        %get3A_490 = tpu.vector_load %arg8[%get3A_488, %get3A_489] {strides = array<i32>} : memref<16x1024xf32, #tpu.memory_space<vmem>>, vector<1x16xf32>,
        %get3A_491 = vector.shape_cast %get3A_490 : vector<1x16xf32> to vector<16xf32>
        %mul3A_492 = arith.constant 3.200000e+01 : f32
        %mul3A_493 = vector.broadcast %mul3A_492 : f32 to vector<16xf32>
        %mul3A_494 = arith.mulf %get3A_491, %mul3A_493 : vector<16xf32>
        %get3A_495 = arith.index_cast %add3A_187 : i32 to index
        %get3A_496 = arith.constant 432 : index
        %get3A_497 = tpu.vector_load %arg8[%get3A_495, %get3A_496] {strides = array<i32>} : memref<16x1024xf32, #tpu.memory_space<vmem>>, vector<1x16xf32>,
        %get3A_498 = vector.shape_cast %get3A_497 : vector<1x16xf32> to vector<16xf32>
        %mul3A_499 = arith.constant 3.200000e+01 : f32
        %mul3A_500 = vector.broadcast %mul3A_499 : f32 to vector<16xf32>
        %mul3A_501 = arith.mulf %get3A_498, %mul3A_500 : vector<16xf32>
        %get3A_502 = arith.index_cast %add3A_187 : i32 to index
        %get3A_503 = arith.constant 448 : index
        %get3A_504 = tpu.vector_load %arg8[%get3A_502, %get3A_503] {strides = array<i32>} : memref<16x1024xf32, #tpu.memory_space<vmem>>, vector<1x16xf32>,
        %get3A_505 = vector.shape_cast %get3A_504 : vector<1x16xf32> to vector<16xf32>
        %mul3A_506 = arith.constant 3.200000e+01 : f32
        %mul3A_507 = vector.broadcast %mul3A_506 : f32 to vector<16xf32>
        %mul3A_508 = arith.mulf %get3A_505, %mul3A_507 : vector<16xf32>
        %get3A_509 = arith.index_cast %add3A_187 : i32 to index
        %get3A_510 = arith.constant 464 : index
        %get3A_511 = tpu.vector_load %arg8[%get3A_509, %get3A_510] {strides = array<i32>} : memref<16x1024xf32, #tpu.memory_space<vmem>>, vector<1x16xf32>,
        %get3A_512 = vector.shape_cast %get3A_511 : vector<1x16xf32> to vector<16xf32>
        %mul3A_513 = arith.constant 3.200000e+01 : f32
        %mul3A_514 = vector.broadcast %mul3A_513 : f32 to vector<16xf32>
        %mul3A_515 = arith.mulf %get3A_512, %mul3A_514 : vector<16xf32>
        %get3A_516 = arith.index_cast %add3A_187 : i32 to index
        %get3A_517 = arith.constant 480 : index
        %get3A_518 = tpu.vector_load %arg8[%get3A_516, %get3A_517] {strides = array<i32>} : memref<16x1024xf32, #tpu.memory_space<vmem>>, vector<1x16xf32>,
        %get3A_519 = vector.shape_cast %get3A_518 : vector<1x16xf32> to vector<16xf32>
        %mul3A_520 = arith.constant 3.200000e+01 : f32
        %mul3A_521 = vector.broadcast %mul3A_520 : f32 to vector<16xf32>
        %mul3A_522 = arith.mulf %get3A_519, %mul3A_521 : vector<16xf32>
        %get3A_523 = arith.index_cast %add3A_187 : i32 to index
        %get3A_524 = arith.constant 496 : index
        %get3A_525 = tpu.vector_load %arg8[%get3A_523, %get3A_524] {strides = array<i32>} : memref<16x1024xf32, #tpu.memory_space<vmem>>, vector<1x16xf32>,
        %get3A_526 = vector.shape_cast %get3A_525 : vector<1x16xf32> to vector<16xf32>
        %mul3A_527 = arith.constant 3.200000e+01 : f32
        %mul3A_528 = vector.broadcast %mul3A_527 : f32 to vector<16xf32>
        %mul3A_529 = arith.mulf %get3A_526, %mul3A_528 : vector<16xf32>
        %swap3A_530 = arith.index_cast %add3A_187 : i32 to index
        %swap3A_531 = arith.constant 384 : index
        %swap3A_532 = tpu.vector_load %arg8[%swap3A_530, %swap3A_531] {strides = array<i32>} : memref<16x1024xf32, #tpu.memory_space<vmem>>, vector<1x16xf32>,
        %swap3A_533 = vector.shape_cast %swap3A_532 : vector<1x16xf32> to vector<16xf32>
        %swap3A_534 = vector.shape_cast %mul3A_480 : vector<16xf32> to vector<1x16xf32>
        tpu.vector_store %arg8[%swap3A_530, %swap3A_531], %swap3A_534 {strides = array<i32>} : memref<16x1024xf32, #tpu.memory_space<vmem>>, vector<1x16xf32>,
        %swap3A_535 = arith.index_cast %add3A_187 : i32 to index
        %swap3A_536 = arith.constant 400 : index
        %swap3A_537 = tpu.vector_load %arg8[%swap3A_535, %swap3A_536] {strides = array<i32>} : memref<16x1024xf32, #tpu.memory_space<vmem>>, vector<1x16xf32>,
        %swap3A_538 = vector.shape_cast %swap3A_537 : vector<1x16xf32> to vector<16xf32>
        %swap3A_539 = vector.shape_cast %mul3A_487 : vector<16xf32> to vector<1x16xf32>
        tpu.vector_store %arg8[%swap3A_535, %swap3A_536], %swap3A_539 {strides = array<i32>} : memref<16x1024xf32, #tpu.memory_space<vmem>>, vector<1x16xf32>,
        %swap3A_540 = arith.index_cast %add3A_187 : i32 to index
        %swap3A_541 = arith.constant 416 : index
        %swap3A_542 = tpu.vector_load %arg8[%swap3A_540, %swap3A_541] {strides = array<i32>} : memref<16x1024xf32, #tpu.memory_space<vmem>>, vector<1x16xf32>,
        %swap3A_543 = vector.shape_cast %swap3A_542 : vector<1x16xf32> to vector<16xf32>
        %swap3A_544 = vector.shape_cast %mul3A_494 : vector<16xf32> to vector<1x16xf32>
        tpu.vector_store %arg8[%swap3A_540, %swap3A_541], %swap3A_544 {strides = array<i32>} : memref<16x1024xf32, #tpu.memory_space<vmem>>, vector<1x16xf32>,
        %swap3A_545 = arith.index_cast %add3A_187 : i32 to index
        %swap3A_546 = arith.constant 432 : index
        %swap3A_547 = tpu.vector_load %arg8[%swap3A_545, %swap3A_546] {strides = array<i32>} : memref<16x1024xf32, #tpu.memory_space<vmem>>, vector<1x16xf32>,
        %swap3A_548 = vector.shape_cast %swap3A_547 : vector<1x16xf32> to vector<16xf32>
        %swap3A_549 = vector.shape_cast %mul3A_501 : vector<16xf32> to vector<1x16xf32>
        tpu.vector_store %arg8[%swap3A_545, %swap3A_546], %swap3A_549 {strides = array<i32>} : memref<16x1024xf32, #tpu.memory_space<vmem>>, vector<1x16xf32>,
        %swap3A_550 = arith.index_cast %add3A_187 : i32 to index
        %swap3A_551 = arith.constant 448 : index
        %swap3A_552 = tpu.vector_load %arg8[%swap3A_550, %swap3A_551] {strides = array<i32>} : memref<16x1024xf32, #tpu.memory_space<vmem>>, vector<1x16xf32>,
        %swap3A_553 = vector.shape_cast %swap3A_552 : vector<1x16xf32> to vector<16xf32>
        %swap3A_554 = vector.shape_cast %mul3A_508 : vector<16xf32> to vector<1x16xf32>
        tpu.vector_store %arg8[%swap3A_550, %swap3A_551], %swap3A_554 {strides = array<i32>} : memref<16x1024xf32, #tpu.memory_space<vmem>>, vector<1x16xf32>,
        %swap3A_555 = arith.index_cast %add3A_187 : i32 to index
        %swap3A_556 = arith.constant 464 : index
        %swap3A_557 = tpu.vector_load %arg8[%swap3A_555, %swap3A_556] {strides = array<i32>} : memref<16x1024xf32, #tpu.memory_space<vmem>>, vector<1x16xf32>,
        %swap3A_558 = vector.shape_cast %swap3A_557 : vector<1x16xf32> to vector<16xf32>
        %swap3A_559 = vector.shape_cast %mul3A_515 : vector<16xf32> to vector<1x16xf32>
        tpu.vector_store %arg8[%swap3A_555, %swap3A_556], %swap3A_559 {strides = array<i32>} : memref<16x1024xf32, #tpu.memory_space<vmem>>, vector<1x16xf32>,
        %swap3A_560 = arith.index_cast %add3A_187 : i32 to index
        %swap3A_561 = arith.constant 480 : index
        %swap3A_562 = tpu.vector_load %arg8[%swap3A_560, %swap3A_561] {strides = array<i32>} : memref<16x1024xf32, #tpu.memory_space<vmem>>, vector<1x16xf32>,
        %swap3A_563 = vector.shape_cast %swap3A_562 : vector<1x16xf32> to vector<16xf32>
        %swap3A_564 = vector.shape_cast %mul3A_522 : vector<16xf32> to vector<1x16xf32>
        tpu.vector_store %arg8[%swap3A_560, %swap3A_561], %swap3A_564 {strides = array<i32>} : memref<16x1024xf32, #tpu.memory_space<vmem>>, vector<1x16xf32>,
        %swap3A_565 = arith.index_cast %add3A_187 : i32 to index
        %swap3A_566 = arith.constant 496 : index
        %swap3A_567 = tpu.vector_load %arg8[%swap3A_565, %swap3A_566] {strides = array<i32>} : memref<16x1024xf32, #tpu.memory_space<vmem>>, vector<1x16xf32>,
        %swap3A_568 = vector.shape_cast %swap3A_567 : vector<1x16xf32> to vector<16xf32>
        %swap3A_569 = vector.shape_cast %mul3A_529 : vector<16xf32> to vector<1x16xf32>
        tpu.vector_store %arg8[%swap3A_565, %swap3A_566], %swap3A_569 {strides = array<i32>} : memref<16x1024xf32, #tpu.memory_space<vmem>>, vector<1x16xf32>,
        %get3A_570 = arith.index_cast %add3A_187 : i32 to index
        %get3A_571 = arith.constant 512 : index
        %get3A_572 = tpu.vector_load %arg8[%get3A_570, %get3A_571] {strides = array<i32>} : memref<16x1024xf32, #tpu.memory_space<vmem>>, vector<1x16xf32>,
        %get3A_573 = vector.shape_cast %get3A_572 : vector<1x16xf32> to vector<16xf32>
        %mul3A_574 = arith.constant 3.200000e+01 : f32
        %mul3A_575 = vector.broadcast %mul3A_574 : f32 to vector<16xf32>
        %mul3A_576 = arith.mulf %get3A_573, %mul3A_575 : vector<16xf32>
        %get3A_577 = arith.index_cast %add3A_187 : i32 to index
        %get3A_578 = arith.constant 528 : index
        %get3A_579 = tpu.vector_load %arg8[%get3A_577, %get3A_578] {strides = array<i32>} : memref<16x1024xf32, #tpu.memory_space<vmem>>, vector<1x16xf32>,
        %get3A_580 = vector.shape_cast %get3A_579 : vector<1x16xf32> to vector<16xf32>
        %mul3A_581 = arith.constant 3.200000e+01 : f32
        %mul3A_582 = vector.broadcast %mul3A_581 : f32 to vector<16xf32>
        %mul3A_583 = arith.mulf %get3A_580, %mul3A_582 : vector<16xf32>
        %get3A_584 = arith.index_cast %add3A_187 : i32 to index
        %get3A_585 = arith.constant 544 : index
        %get3A_586 = tpu.vector_load %arg8[%get3A_584, %get3A_585] {strides = array<i32>} : memref<16x1024xf32, #tpu.memory_space<vmem>>, vector<1x16xf32>,
        %get3A_587 = vector.shape_cast %get3A_586 : vector<1x16xf32> to vector<16xf32>
        %mul3A_588 = arith.constant 3.200000e+01 : f32
        %mul3A_589 = vector.broadcast %mul3A_588 : f32 to vector<16xf32>
        %mul3A_590 = arith.mulf %get3A_587, %mul3A_589 : vector<16xf32>
        %get3A_591 = arith.index_cast %add3A_187 : i32 to index
        %get3A_592 = arith.constant 560 : index
        %get3A_593 = tpu.vector_load %arg8[%get3A_591, %get3A_592] {strides = array<i32>} : memref<16x1024xf32, #tpu.memory_space<vmem>>, vector<1x16xf32>,
        %get3A_594 = vector.shape_cast %get3A_593 : vector<1x16xf32> to vector<16xf32>
        %mul3A_595 = arith.constant 3.200000e+01 : f32
        %mul3A_596 = vector.broadcast %mul3A_595 : f32 to vector<16xf32>
        %mul3A_597 = arith.mulf %get3A_594, %mul3A_596 : vector<16xf32>
        %get3A_598 = arith.index_cast %add3A_187 : i32 to index
        %get3A_599 = arith.constant 576 : index
        %get3A_600 = tpu.vector_load %arg8[%get3A_598, %get3A_599] {strides = array<i32>} : memref<16x1024xf32, #tpu.memory_space<vmem>>, vector<1x16xf32>,
        %get3A_601 = vector.shape_cast %get3A_600 : vector<1x16xf32> to vector<16xf32>
        %mul3A_602 = arith.constant 3.200000e+01 : f32
        %mul3A_603 = vector.broadcast %mul3A_602 : f32 to vector<16xf32>
        %mul3A_604 = arith.mulf %get3A_601, %mul3A_603 : vector<16xf32>
        %get3A_605 = arith.index_cast %add3A_187 : i32 to index
        %get3A_606 = arith.constant 592 : index
        %get3A_607 = tpu.vector_load %arg8[%get3A_605, %get3A_606] {strides = array<i32>} : memref<16x1024xf32, #tpu.memory_space<vmem>>, vector<1x16xf32>,
        %get3A_608 = vector.shape_cast %get3A_607 : vector<1x16xf32> to vector<16xf32>
        %mul3A_609 = arith.constant 3.200000e+01 : f32
        %mul3A_610 = vector.broadcast %mul3A_609 : f32 to vector<16xf32>
        %mul3A_611 = arith.mulf %get3A_608, %mul3A_610 : vector<16xf32>
        %get3A_612 = arith.index_cast %add3A_187 : i32 to index
        %get3A_613 = arith.constant 608 : index
        %get3A_614 = tpu.vector_load %arg8[%get3A_612, %get3A_613] {strides = array<i32>} : memref<16x1024xf32, #tpu.memory_space<vmem>>, vector<1x16xf32>,
        %get3A_615 = vector.shape_cast %get3A_614 : vector<1x16xf32> to vector<16xf32>
        %mul3A_616 = arith.constant 3.200000e+01 : f32
        %mul3A_617 = vector.broadcast %mul3A_616 : f32 to vector<16xf32>
        %mul3A_618 = arith.mulf %get3A_615, %mul3A_617 : vector<16xf32>
        %get3A_619 = arith.index_cast %add3A_187 : i32 to index
        %get3A_620 = arith.constant 624 : index
        %get3A_621 = tpu.vector_load %arg8[%get3A_619, %get3A_620] {strides = array<i32>} : memref<16x1024xf32, #tpu.memory_space<vmem>>, vector<1x16xf32>,
        %get3A_622 = vector.shape_cast %get3A_621 : vector<1x16xf32> to vector<16xf32>
        %mul3A_623 = arith.constant 3.200000e+01 : f32
        %mul3A_624 = vector.broadcast %mul3A_623 : f32 to vector<16xf32>
        %mul3A_625 = arith.mulf %get3A_622, %mul3A_624 : vector<16xf32>
        %swap3A_626 = arith.index_cast %add3A_187 : i32 to index
        %swap3A_627 = arith.constant 512 : index
        %swap3A_628 = tpu.vector_load %arg8[%swap3A_626, %swap3A_627] {strides = array<i32>} : memref<16x1024xf32, #tpu.memory_space<vmem>>, vector<1x16xf32>,
        %swap3A_629 = vector.shape_cast %swap3A_628 : vector<1x16xf32> to vector<16xf32>
        %swap3A_630 = vector.shape_cast %mul3A_576 : vector<16xf32> to vector<1x16xf32>
        tpu.vector_store %arg8[%swap3A_626, %swap3A_627], %swap3A_630 {strides = array<i32>} : memref<16x1024xf32, #tpu.memory_space<vmem>>, vector<1x16xf32>,
        %swap3A_631 = arith.index_cast %add3A_187 : i32 to index
        %swap3A_632 = arith.constant 528 : index
        %swap3A_633 = tpu.vector_load %arg8[%swap3A_631, %swap3A_632] {strides = array<i32>} : memref<16x1024xf32, #tpu.memory_space<vmem>>, vector<1x16xf32>,
        %swap3A_634 = vector.shape_cast %swap3A_633 : vector<1x16xf32> to vector<16xf32>
        %swap3A_635 = vector.shape_cast %mul3A_583 : vector<16xf32> to vector<1x16xf32>
        tpu.vector_store %arg8[%swap3A_631, %swap3A_632], %swap3A_635 {strides = array<i32>} : memref<16x1024xf32, #tpu.memory_space<vmem>>, vector<1x16xf32>,
        %swap3A_636 = arith.index_cast %add3A_187 : i32 to index
        %swap3A_637 = arith.constant 544 : index
        %swap3A_638 = tpu.vector_load %arg8[%swap3A_636, %swap3A_637] {strides = array<i32>} : memref<16x1024xf32, #tpu.memory_space<vmem>>, vector<1x16xf32>,
        %swap3A_639 = vector.shape_cast %swap3A_638 : vector<1x16xf32> to vector<16xf32>
        %swap3A_640 = vector.shape_cast %mul3A_590 : vector<16xf32> to vector<1x16xf32>
        tpu.vector_store %arg8[%swap3A_636, %swap3A_637], %swap3A_640 {strides = array<i32>} : memref<16x1024xf32, #tpu.memory_space<vmem>>, vector<1x16xf32>,
        %swap3A_641 = arith.index_cast %add3A_187 : i32 to index
        %swap3A_642 = arith.constant 560 : index
        %swap3A_643 = tpu.vector_load %arg8[%swap3A_641, %swap3A_642] {strides = array<i32>} : memref<16x1024xf32, #tpu.memory_space<vmem>>, vector<1x16xf32>,
        %swap3A_644 = vector.shape_cast %swap3A_643 : vector<1x16xf32> to vector<16xf32>
        %swap3A_645 = vector.shape_cast %mul3A_597 : vector<16xf32> to vector<1x16xf32>
        tpu.vector_store %arg8[%swap3A_641, %swap3A_642], %swap3A_645 {strides = array<i32>} : memref<16x1024xf32, #tpu.memory_space<vmem>>, vector<1x16xf32>,
        %swap3A_646 = arith.index_cast %add3A_187 : i32 to index
        %swap3A_647 = arith.constant 576 : index
        %swap3A_648 = tpu.vector_load %arg8[%swap3A_646, %swap3A_647] {strides = array<i32>} : memref<16x1024xf32, #tpu.memory_space<vmem>>, vector<1x16xf32>,
        %swap3A_649 = vector.shape_cast %swap3A_648 : vector<1x16xf32> to vector<16xf32>
        %swap3A_650 = vector.shape_cast %mul3A_604 : vector<16xf32> to vector<1x16xf32>
        tpu.vector_store %arg8[%swap3A_646, %swap3A_647], %swap3A_650 {strides = array<i32>} : memref<16x1024xf32, #tpu.memory_space<vmem>>, vector<1x16xf32>,
        %swap3A_651 = arith.index_cast %add3A_187 : i32 to index
        %swap3A_652 = arith.constant 592 : index
        %swap3A_653 = tpu.vector_load %arg8[%swap3A_651, %swap3A_652] {strides = array<i32>} : memref<16x1024xf32, #tpu.memory_space<vmem>>, vector<1x16xf32>,
        %swap3A_654 = vector.shape_cast %swap3A_653 : vector<1x16xf32> to vector<16xf32>
        %swap3A_655 = vector.shape_cast %mul3A_611 : vector<16xf32> to vector<1x16xf32>
        tpu.vector_store %arg8[%swap3A_651, %swap3A_652], %swap3A_655 {strides = array<i32>} : memref<16x1024xf32, #tpu.memory_space<vmem>>, vector<1x16xf32>,
        %swap3A_656 = arith.index_cast %add3A_187 : i32 to index
        %swap3A_657 = arith.constant 608 : index
        %swap3A_658 = tpu.vector_load %arg8[%swap3A_656, %swap3A_657] {strides = array<i32>} : memref<16x1024xf32, #tpu.memory_space<vmem>>, vector<1x16xf32>,
        %swap3A_659 = vector.shape_cast %swap3A_658 : vector<1x16xf32> to vector<16xf32>
        %swap3A_660 = vector.shape_cast %mul3A_618 : vector<16xf32> to vector<1x16xf32>
        tpu.vector_store %arg8[%swap3A_656, %swap3A_657], %swap3A_660 {strides = array<i32>} : memref<16x1024xf32, #tpu.memory_space<vmem>>, vector<1x16xf32>,
        %swap3A_661 = arith.index_cast %add3A_187 : i32 to index
        %swap3A_662 = arith.constant 624 : index
        %swap3A_663 = tpu.vector_load %arg8[%swap3A_661, %swap3A_662] {strides = array<i32>} : memref<16x1024xf32, #tpu.memory_space<vmem>>, vector<1x16xf32>,
        %swap3A_664 = vector.shape_cast %swap3A_663 : vector<1x16xf32> to vector<16xf32>
        %swap3A_665 = vector.shape_cast %mul3A_625 : vector<16xf32> to vector<1x16xf32>
        tpu.vector_store %arg8[%swap3A_661, %swap3A_662], %swap3A_665 {strides = array<i32>} : memref<16x1024xf32, #tpu.memory_space<vmem>>, vector<1x16xf32>,
        %get3A_666 = arith.index_cast %add3A_187 : i32 to index
        %get3A_667 = arith.constant 640 : index
        %get3A_668 = tpu.vector_load %arg8[%get3A_666, %get3A_667] {strides = array<i32>} : memref<16x1024xf32, #tpu.memory_space<vmem>>, vector<1x16xf32>,
        %get3A_669 = vector.shape_cast %get3A_668 : vector<1x16xf32> to vector<16xf32>
        %mul3A_670 = arith.constant 3.200000e+01 : f32
        %mul3A_671 = vector.broadcast %mul3A_670 : f32 to vector<16xf32>
        %mul3A_672 = arith.mulf %get3A_669, %mul3A_671 : vector<16xf32>
        %get3A_673 = arith.index_cast %add3A_187 : i32 to index
        %get3A_674 = arith.constant 656 : index
        %get3A_675 = tpu.vector_load %arg8[%get3A_673, %get3A_674] {strides = array<i32>} : memref<16x1024xf32, #tpu.memory_space<vmem>>, vector<1x16xf32>,
        %get3A_676 = vector.shape_cast %get3A_675 : vector<1x16xf32> to vector<16xf32>
        %mul3A_677 = arith.constant 3.200000e+01 : f32
        %mul3A_678 = vector.broadcast %mul3A_677 : f32 to vector<16xf32>
        %mul3A_679 = arith.mulf %get3A_676, %mul3A_678 : vector<16xf32>
        %get3A_680 = arith.index_cast %add3A_187 : i32 to index
        %get3A_681 = arith.constant 672 : index
        %get3A_682 = tpu.vector_load %arg8[%get3A_680, %get3A_681] {strides = array<i32>} : memref<16x1024xf32, #tpu.memory_space<vmem>>, vector<1x16xf32>,
        %get3A_683 = vector.shape_cast %get3A_682 : vector<1x16xf32> to vector<16xf32>
        %mul3A_684 = arith.constant 3.200000e+01 : f32
        %mul3A_685 = vector.broadcast %mul3A_684 : f32 to vector<16xf32>
        %mul3A_686 = arith.mulf %get3A_683, %mul3A_685 : vector<16xf32>
        %get3A_687 = arith.index_cast %add3A_187 : i32 to index
        %get3A_688 = arith.constant 688 : index
        %get3A_689 = tpu.vector_load %arg8[%get3A_687, %get3A_688] {strides = array<i32>} : memref<16x1024xf32, #tpu.memory_space<vmem>>, vector<1x16xf32>,
        %get3A_690 = vector.shape_cast %get3A_689 : vector<1x16xf32> to vector<16xf32>
        %mul3A_691 = arith.constant 3.200000e+01 : f32
        %mul3A_692 = vector.broadcast %mul3A_691 : f32 to vector<16xf32>
        %mul3A_693 = arith.mulf %get3A_690, %mul3A_692 : vector<16xf32>
        %get3A_694 = arith.index_cast %add3A_187 : i32 to index
        %get3A_695 = arith.constant 704 : index
        %get3A_696 = tpu.vector_load %arg8[%get3A_694, %get3A_695] {strides = array<i32>} : memref<16x1024xf32, #tpu.memory_space<vmem>>, vector<1x16xf32>,
        %get3A_697 = vector.shape_cast %get3A_696 : vector<1x16xf32> to vector<16xf32>
        %mul3A_698 = arith.constant 3.200000e+01 : f32
        %mul3A_699 = vector.broadcast %mul3A_698 : f32 to vector<16xf32>
        %mul3A_700 = arith.mulf %get3A_697, %mul3A_699 : vector<16xf32>
        %get3A_701 = arith.index_cast %add3A_187 : i32 to index
        %get3A_702 = arith.constant 720 : index
        %get3A_703 = tpu.vector_load %arg8[%get3A_701, %get3A_702] {strides = array<i32>} : memref<16x1024xf32, #tpu.memory_space<vmem>>, vector<1x16xf32>,
        %get3A_704 = vector.shape_cast %get3A_703 : vector<1x16xf32> to vector<16xf32>
        %mul3A_705 = arith.constant 3.200000e+01 : f32
        %mul3A_706 = vector.broadcast %mul3A_705 : f32 to vector<16xf32>
        %mul3A_707 = arith.mulf %get3A_704, %mul3A_706 : vector<16xf32>
        %get3A_708 = arith.index_cast %add3A_187 : i32 to index
        %get3A_709 = arith.constant 736 : index
        %get3A_710 = tpu.vector_load %arg8[%get3A_708, %get3A_709] {strides = array<i32>} : memref<16x1024xf32, #tpu.memory_space<vmem>>, vector<1x16xf32>,
        %get3A_711 = vector.shape_cast %get3A_710 : vector<1x16xf32> to vector<16xf32>
        %mul3A_712 = arith.constant 3.200000e+01 : f32
        %mul3A_713 = vector.broadcast %mul3A_712 : f32 to vector<16xf32>
        %mul3A_714 = arith.mulf %get3A_711, %mul3A_713 : vector<16xf32>
        %get3A_715 = arith.index_cast %add3A_187 : i32 to index
        %get3A_716 = arith.constant 752 : index
        %get3A_717 = tpu.vector_load %arg8[%get3A_715, %get3A_716] {strides = array<i32>} : memref<16x1024xf32, #tpu.memory_space<vmem>>, vector<1x16xf32>,
        %get3A_718 = vector.shape_cast %get3A_717 : vector<1x16xf32> to vector<16xf32>
        %mul3A_719 = arith.constant 3.200000e+01 : f32
        %mul3A_720 = vector.broadcast %mul3A_719 : f32 to vector<16xf32>
        %mul3A_721 = arith.mulf %get3A_718, %mul3A_720 : vector<16xf32>
        %swap3A_722 = arith.index_cast %add3A_187 : i32 to index
        %swap3A_723 = arith.constant 640 : index
        %swap3A_724 = tpu.vector_load %arg8[%swap3A_722, %swap3A_723] {strides = array<i32>} : memref<16x1024xf32, #tpu.memory_space<vmem>>, vector<1x16xf32>,
        %swap3A_725 = vector.shape_cast %swap3A_724 : vector<1x16xf32> to vector<16xf32>
        %swap3A_726 = vector.shape_cast %mul3A_672 : vector<16xf32> to vector<1x16xf32>
        tpu.vector_store %arg8[%swap3A_722, %swap3A_723], %swap3A_726 {strides = array<i32>} : memref<16x1024xf32, #tpu.memory_space<vmem>>, vector<1x16xf32>,
        %swap3A_727 = arith.index_cast %add3A_187 : i32 to index
        %swap3A_728 = arith.constant 656 : index
        %swap3A_729 = tpu.vector_load %arg8[%swap3A_727, %swap3A_728] {strides = array<i32>} : memref<16x1024xf32, #tpu.memory_space<vmem>>, vector<1x16xf32>,
        %swap3A_730 = vector.shape_cast %swap3A_729 : vector<1x16xf32> to vector<16xf32>
        %swap3A_731 = vector.shape_cast %mul3A_679 : vector<16xf32> to vector<1x16xf32>
        tpu.vector_store %arg8[%swap3A_727, %swap3A_728], %swap3A_731 {strides = array<i32>} : memref<16x1024xf32, #tpu.memory_space<vmem>>, vector<1x16xf32>,
        %swap3A_732 = arith.index_cast %add3A_187 : i32 to index
        %swap3A_733 = arith.constant 672 : index
        %swap3A_734 = tpu.vector_load %arg8[%swap3A_732, %swap3A_733] {strides = array<i32>} : memref<16x1024xf32, #tpu.memory_space<vmem>>, vector<1x16xf32>,
        %swap3A_735 = vector.shape_cast %swap3A_734 : vector<1x16xf32> to vector<16xf32>
        %swap3A_736 = vector.shape_cast %mul3A_686 : vector<16xf32> to vector<1x16xf32>
        tpu.vector_store %arg8[%swap3A_732, %swap3A_733], %swap3A_736 {strides = array<i32>} : memref<16x1024xf32, #tpu.memory_space<vmem>>, vector<1x16xf32>,
        %swap3A_737 = arith.index_cast %add3A_187 : i32 to index
        %swap3A_738 = arith.constant 688 : index
        %swap3A_739 = tpu.vector_load %arg8[%swap3A_737, %swap3A_738] {strides = array<i32>} : memref<16x1024xf32, #tpu.memory_space<vmem>>, vector<1x16xf32>,
        %swap3A_740 = vector.shape_cast %swap3A_739 : vector<1x16xf32> to vector<16xf32>
        %swap3A_741 = vector.shape_cast %mul3A_693 : vector<16xf32> to vector<1x16xf32>
        tpu.vector_store %arg8[%swap3A_737, %swap3A_738], %swap3A_741 {strides = array<i32>} : memref<16x1024xf32, #tpu.memory_space<vmem>>, vector<1x16xf32>,
        %swap3A_742 = arith.index_cast %add3A_187 : i32 to index
        %swap3A_743 = arith.constant 704 : index
        %swap3A_744 = tpu.vector_load %arg8[%swap3A_742, %swap3A_743] {strides = array<i32>} : memref<16x1024xf32, #tpu.memory_space<vmem>>, vector<1x16xf32>,
        %swap3A_745 = vector.shape_cast %swap3A_744 : vector<1x16xf32> to vector<16xf32>
        %swap3A_746 = vector.shape_cast %mul3A_700 : vector<16xf32> to vector<1x16xf32>
        tpu.vector_store %arg8[%swap3A_742, %swap3A_743], %swap3A_746 {strides = array<i32>} : memref<16x1024xf32, #tpu.memory_space<vmem>>, vector<1x16xf32>,
        %swap3A_747 = arith.index_cast %add3A_187 : i32 to index
        %swap3A_748 = arith.constant 720 : index
        %swap3A_749 = tpu.vector_load %arg8[%swap3A_747, %swap3A_748] {strides = array<i32>} : memref<16x1024xf32, #tpu.memory_space<vmem>>, vector<1x16xf32>,
        %swap3A_750 = vector.shape_cast %swap3A_749 : vector<1x16xf32> to vector<16xf32>
        %swap3A_751 = vector.shape_cast %mul3A_707 : vector<16xf32> to vector<1x16xf32>
        tpu.vector_store %arg8[%swap3A_747, %swap3A_748], %swap3A_751 {strides = array<i32>} : memref<16x1024xf32, #tpu.memory_space<vmem>>, vector<1x16xf32>,
        %swap3A_752 = arith.index_cast %add3A_187 : i32 to index
        %swap3A_753 = arith.constant 736 : index
        %swap3A_754 = tpu.vector_load %arg8[%swap3A_752, %swap3A_753] {strides = array<i32>} : memref<16x1024xf32, #tpu.memory_space<vmem>>, vector<1x16xf32>,
        %swap3A_755 = vector.shape_cast %swap3A_754 : vector<1x16xf32> to vector<16xf32>
        %swap3A_756 = vector.shape_cast %mul3A_714 : vector<16xf32> to vector<1x16xf32>
        tpu.vector_store %arg8[%swap3A_752, %swap3A_753], %swap3A_756 {strides = array<i32>} : memref<16x1024xf32, #tpu.memory_space<vmem>>, vector<1x16xf32>,
        %swap3A_757 = arith.index_cast %add3A_187 : i32 to index
        %swap3A_758 = arith.constant 752 : index
        %swap3A_759 = tpu.vector_load %arg8[%swap3A_757, %swap3A_758] {strides = array<i32>} : memref<16x1024xf32, #tpu.memory_space<vmem>>, vector<1x16xf32>,
        %swap3A_760 = vector.shape_cast %swap3A_759 : vector<1x16xf32> to vector<16xf32>
        %swap3A_761 = vector.shape_cast %mul3A_721 : vector<16xf32> to vector<1x16xf32>
        tpu.vector_store %arg8[%swap3A_757, %swap3A_758], %swap3A_761 {strides = array<i32>} : memref<16x1024xf32, #tpu.memory_space<vmem>>, vector<1x16xf32>,
        %get3A_762 = arith.index_cast %add3A_187 : i32 to index
        %get3A_763 = arith.constant 768 : index
        %get3A_764 = tpu.vector_load %arg8[%get3A_762, %get3A_763] {strides = array<i32>} : memref<16x1024xf32, #tpu.memory_space<vmem>>, vector<1x16xf32>,
        %get3A_765 = vector.shape_cast %get3A_764 : vector<1x16xf32> to vector<16xf32>
        %mul3A_766 = arith.constant 3.200000e+01 : f32
        %mul3A_767 = vector.broadcast %mul3A_766 : f32 to vector<16xf32>
        %mul3A_768 = arith.mulf %get3A_765, %mul3A_767 : vector<16xf32>
        %get3A_769 = arith.index_cast %add3A_187 : i32 to index
        %get3A_770 = arith.constant 784 : index
        %get3A_771 = tpu.vector_load %arg8[%get3A_769, %get3A_770] {strides = array<i32>} : memref<16x1024xf32, #tpu.memory_space<vmem>>, vector<1x16xf32>,
        %get3A_772 = vector.shape_cast %get3A_771 : vector<1x16xf32> to vector<16xf32>
        %mul3A_773 = arith.constant 3.200000e+01 : f32
        %mul3A_774 = vector.broadcast %mul3A_773 : f32 to vector<16xf32>
        %mul3A_775 = arith.mulf %get3A_772, %mul3A_774 : vector<16xf32>
        %get3A_776 = arith.index_cast %add3A_187 : i32 to index
        %get3A_777 = arith.constant 800 : index
        %get3A_778 = tpu.vector_load %arg8[%get3A_776, %get3A_777] {strides = array<i32>} : memref<16x1024xf32, #tpu.memory_space<vmem>>, vector<1x16xf32>,
        %get3A_779 = vector.shape_cast %get3A_778 : vector<1x16xf32> to vector<16xf32>
        %mul3A_780 = arith.constant 3.200000e+01 : f32
        %mul3A_781 = vector.broadcast %mul3A_780 : f32 to vector<16xf32>
        %mul3A_782 = arith.mulf %get3A_779, %mul3A_781 : vector<16xf32>
        %get3A_783 = arith.index_cast %add3A_187 : i32 to index
        %get3A_784 = arith.constant 816 : index
        %get3A_785 = tpu.vector_load %arg8[%get3A_783, %get3A_784] {strides = array<i32>} : memref<16x1024xf32, #tpu.memory_space<vmem>>, vector<1x16xf32>,
        %get3A_786 = vector.shape_cast %get3A_785 : vector<1x16xf32> to vector<16xf32>
        %mul3A_787 = arith.constant 3.200000e+01 : f32
        %mul3A_788 = vector.broadcast %mul3A_787 : f32 to vector<16xf32>
        %mul3A_789 = arith.mulf %get3A_786, %mul3A_788 : vector<16xf32>
        %get3A_790 = arith.index_cast %add3A_187 : i32 to index
        %get3A_791 = arith.constant 832 : index
        %get3A_792 = tpu.vector_load %arg8[%get3A_790, %get3A_791] {strides = array<i32>} : memref<16x1024xf32, #tpu.memory_space<vmem>>, vector<1x16xf32>,
        %get3A_793 = vector.shape_cast %get3A_792 : vector<1x16xf32> to vector<16xf32>
        %mul3A_794 = arith.constant 3.200000e+01 : f32
        %mul3A_795 = vector.broadcast %mul3A_794 : f32 to vector<16xf32>
        %mul3A_796 = arith.mulf %get3A_793, %mul3A_795 : vector<16xf32>
        %get3A_797 = arith.index_cast %add3A_187 : i32 to index
        %get3A_798 = arith.constant 848 : index
        %get3A_799 = tpu.vector_load %arg8[%get3A_797, %get3A_798] {strides = array<i32>} : memref<16x1024xf32, #tpu.memory_space<vmem>>, vector<1x16xf32>,
        %get3A_800 = vector.shape_cast %get3A_799 : vector<1x16xf32> to vector<16xf32>
        %mul3A_801 = arith.constant 3.200000e+01 : f32
        %mul3A_802 = vector.broadcast %mul3A_801 : f32 to vector<16xf32>
        %mul3A_803 = arith.mulf %get3A_800, %mul3A_802 : vector<16xf32>
        %get3A_804 = arith.index_cast %add3A_187 : i32 to index
        %get3A_805 = arith.constant 864 : index
        %get3A_806 = tpu.vector_load %arg8[%get3A_804, %get3A_805] {strides = array<i32>} : memref<16x1024xf32, #tpu.memory_space<vmem>>, vector<1x16xf32>,
        %get3A_807 = vector.shape_cast %get3A_806 : vector<1x16xf32> to vector<16xf32>
        %mul3A_808 = arith.constant 3.200000e+01 : f32
        %mul3A_809 = vector.broadcast %mul3A_808 : f32 to vector<16xf32>
        %mul3A_810 = arith.mulf %get3A_807, %mul3A_809 : vector<16xf32>
        %get3A_811 = arith.index_cast %add3A_187 : i32 to index
        %get3A_812 = arith.constant 880 : index
        %get3A_813 = tpu.vector_load %arg8[%get3A_811, %get3A_812] {strides = array<i32>} : memref<16x1024xf32, #tpu.memory_space<vmem>>, vector<1x16xf32>,
        %get3A_814 = vector.shape_cast %get3A_813 : vector<1x16xf32> to vector<16xf32>
        %mul3A_815 = arith.constant 3.200000e+01 : f32
        %mul3A_816 = vector.broadcast %mul3A_815 : f32 to vector<16xf32>
        %mul3A_817 = arith.mulf %get3A_814, %mul3A_816 : vector<16xf32>
        %swap3A_818 = arith.index_cast %add3A_187 : i32 to index
        %swap3A_819 = arith.constant 768 : index
        %swap3A_820 = tpu.vector_load %arg8[%swap3A_818, %swap3A_819] {strides = array<i32>} : memref<16x1024xf32, #tpu.memory_space<vmem>>, vector<1x16xf32>,
        %swap3A_821 = vector.shape_cast %swap3A_820 : vector<1x16xf32> to vector<16xf32>
        %swap3A_822 = vector.shape_cast %mul3A_768 : vector<16xf32> to vector<1x16xf32>
        tpu.vector_store %arg8[%swap3A_818, %swap3A_819], %swap3A_822 {strides = array<i32>} : memref<16x1024xf32, #tpu.memory_space<vmem>>, vector<1x16xf32>,
        %swap3A_823 = arith.index_cast %add3A_187 : i32 to index
        %swap3A_824 = arith.constant 784 : index
        %swap3A_825 = tpu.vector_load %arg8[%swap3A_823, %swap3A_824] {strides = array<i32>} : memref<16x1024xf32, #tpu.memory_space<vmem>>, vector<1x16xf32>,
        %swap3A_826 = vector.shape_cast %swap3A_825 : vector<1x16xf32> to vector<16xf32>
        %swap3A_827 = vector.shape_cast %mul3A_775 : vector<16xf32> to vector<1x16xf32>
        tpu.vector_store %arg8[%swap3A_823, %swap3A_824], %swap3A_827 {strides = array<i32>} : memref<16x1024xf32, #tpu.memory_space<vmem>>, vector<1x16xf32>,
        %swap3A_828 = arith.index_cast %add3A_187 : i32 to index
        %swap3A_829 = arith.constant 800 : index
        %swap3A_830 = tpu.vector_load %arg8[%swap3A_828, %swap3A_829] {strides = array<i32>} : memref<16x1024xf32, #tpu.memory_space<vmem>>, vector<1x16xf32>,
        %swap3A_831 = vector.shape_cast %swap3A_830 : vector<1x16xf32> to vector<16xf32>
        %swap3A_832 = vector.shape_cast %mul3A_782 : vector<16xf32> to vector<1x16xf32>
        tpu.vector_store %arg8[%swap3A_828, %swap3A_829], %swap3A_832 {strides = array<i32>} : memref<16x1024xf32, #tpu.memory_space<vmem>>, vector<1x16xf32>,
        %swap3A_833 = arith.index_cast %add3A_187 : i32 to index
        %swap3A_834 = arith.constant 816 : index
        %swap3A_835 = tpu.vector_load %arg8[%swap3A_833, %swap3A_834] {strides = array<i32>} : memref<16x1024xf32, #tpu.memory_space<vmem>>, vector<1x16xf32>,
        %swap3A_836 = vector.shape_cast %swap3A_835 : vector<1x16xf32> to vector<16xf32>
        %swap3A_837 = vector.shape_cast %mul3A_789 : vector<16xf32> to vector<1x16xf32>
        tpu.vector_store %arg8[%swap3A_833, %swap3A_834], %swap3A_837 {strides = array<i32>} : memref<16x1024xf32, #tpu.memory_space<vmem>>, vector<1x16xf32>,
        %swap3A_838 = arith.index_cast %add3A_187 : i32 to index
        %swap3A_839 = arith.constant 832 : index
        %swap3A_840 = tpu.vector_load %arg8[%swap3A_838, %swap3A_839] {strides = array<i32>} : memref<16x1024xf32, #tpu.memory_space<vmem>>, vector<1x16xf32>,
        %swap3A_841 = vector.shape_cast %swap3A_840 : vector<1x16xf32> to vector<16xf32>
        %swap3A_842 = vector.shape_cast %mul3A_796 : vector<16xf32> to vector<1x16xf32>
        tpu.vector_store %arg8[%swap3A_838, %swap3A_839], %swap3A_842 {strides = array<i32>} : memref<16x1024xf32, #tpu.memory_space<vmem>>, vector<1x16xf32>,
        %swap3A_843 = arith.index_cast %add3A_187 : i32 to index
        %swap3A_844 = arith.constant 848 : index
        %swap3A_845 = tpu.vector_load %arg8[%swap3A_843, %swap3A_844] {strides = array<i32>} : memref<16x1024xf32, #tpu.memory_space<vmem>>, vector<1x16xf32>,
        %swap3A_846 = vector.shape_cast %swap3A_845 : vector<1x16xf32> to vector<16xf32>
        %swap3A_847 = vector.shape_cast %mul3A_803 : vector<16xf32> to vector<1x16xf32>
        tpu.vector_store %arg8[%swap3A_843, %swap3A_844], %swap3A_847 {strides = array<i32>} : memref<16x1024xf32, #tpu.memory_space<vmem>>, vector<1x16xf32>,
        %swap3A_848 = arith.index_cast %add3A_187 : i32 to index
        %swap3A_849 = arith.constant 864 : index
        %swap3A_850 = tpu.vector_load %arg8[%swap3A_848, %swap3A_849] {strides = array<i32>} : memref<16x1024xf32, #tpu.memory_space<vmem>>, vector<1x16xf32>,
        %swap3A_851 = vector.shape_cast %swap3A_850 : vector<1x16xf32> to vector<16xf32>
        %swap3A_852 = vector.shape_cast %mul3A_810 : vector<16xf32> to vector<1x16xf32>
        tpu.vector_store %arg8[%swap3A_848, %swap3A_849], %swap3A_852 {strides = array<i32>} : memref<16x1024xf32, #tpu.memory_space<vmem>>, vector<1x16xf32>,
        %swap3A_853 = arith.index_cast %add3A_187 : i32 to index
        %swap3A_854 = arith.constant 880 : index
        %swap3A_855 = tpu.vector_load %arg8[%swap3A_853, %swap3A_854] {strides = array<i32>} : memref<16x1024xf32, #tpu.memory_space<vmem>>, vector<1x16xf32>,
        %swap3A_856 = vector.shape_cast %swap3A_855 : vector<1x16xf32> to vector<16xf32>
        %swap3A_857 = vector.shape_cast %mul3A_817 : vector<16xf32> to vector<1x16xf32>
        tpu.vector_store %arg8[%swap3A_853, %swap3A_854], %swap3A_857 {strides = array<i32>} : memref<16x1024xf32, #tpu.memory_space<vmem>>, vector<1x16xf32>,
        %get3A_858 = arith.index_cast %add3A_187 : i32 to index
        %get3A_859 = arith.constant 896 : index
        %get3A_860 = tpu.vector_load %arg8[%get3A_858, %get3A_859] {strides = array<i32>} : memref<16x1024xf32, #tpu.memory_space<vmem>>, vector<1x16xf32>,
        %get3A_861 = vector.shape_cast %get3A_860 : vector<1x16xf32> to vector<16xf32>
        %mul3A_862 = arith.constant 3.200000e+01 : f32
        %mul3A_863 = vector.broadcast %mul3A_862 : f32 to vector<16xf32>
        %mul3A_864 = arith.mulf %get3A_861, %mul3A_863 : vector<16xf32>
        %get3A_865 = arith.index_cast %add3A_187 : i32 to index
        %get3A_866 = arith.constant 912 : index
        %get3A_867 = tpu.vector_load %arg8[%get3A_865, %get3A_866] {strides = array<i32>} : memref<16x1024xf32, #tpu.memory_space<vmem>>, vector<1x16xf32>,
        %get3A_868 = vector.shape_cast %get3A_867 : vector<1x16xf32> to vector<16xf32>
        %mul3A_869 = arith.constant 3.200000e+01 : f32
        %mul3A_870 = vector.broadcast %mul3A_869 : f32 to vector<16xf32>
        %mul3A_871 = arith.mulf %get3A_868, %mul3A_870 : vector<16xf32>
        %get3A_872 = arith.index_cast %add3A_187 : i32 to index
        %get3A_873 = arith.constant 928 : index
        %get3A_874 = tpu.vector_load %arg8[%get3A_872, %get3A_873] {strides = array<i32>} : memref<16x1024xf32, #tpu.memory_space<vmem>>, vector<1x16xf32>,
        %get3A_875 = vector.shape_cast %get3A_874 : vector<1x16xf32> to vector<16xf32>
        %mul3A_876 = arith.constant 3.200000e+01 : f32
        %mul3A_877 = vector.broadcast %mul3A_876 : f32 to vector<16xf32>
        %mul3A_878 = arith.mulf %get3A_875, %mul3A_877 : vector<16xf32>
        %get3A_879 = arith.index_cast %add3A_187 : i32 to index
        %get3A_880 = arith.constant 944 : index
        %get3A_881 = tpu.vector_load %arg8[%get3A_879, %get3A_880] {strides = array<i32>} : memref<16x1024xf32, #tpu.memory_space<vmem>>, vector<1x16xf32>,
        %get3A_882 = vector.shape_cast %get3A_881 : vector<1x16xf32> to vector<16xf32>
        %mul3A_883 = arith.constant 3.200000e+01 : f32
        %mul3A_884 = vector.broadcast %mul3A_883 : f32 to vector<16xf32>
        %mul3A_885 = arith.mulf %get3A_882, %mul3A_884 : vector<16xf32>
        %get3A_886 = arith.index_cast %add3A_187 : i32 to index
        %get3A_887 = arith.constant 960 : index
        %get3A_888 = tpu.vector_load %arg8[%get3A_886, %get3A_887] {strides = array<i32>} : memref<16x1024xf32, #tpu.memory_space<vmem>>, vector<1x16xf32>,
        %get3A_889 = vector.shape_cast %get3A_888 : vector<1x16xf32> to vector<16xf32>
        %mul3A_890 = arith.constant 3.200000e+01 : f32
        %mul3A_891 = vector.broadcast %mul3A_890 : f32 to vector<16xf32>
        %mul3A_892 = arith.mulf %get3A_889, %mul3A_891 : vector<16xf32>
        %get3A_893 = arith.index_cast %add3A_187 : i32 to index
        %get3A_894 = arith.constant 976 : index
        %get3A_895 = tpu.vector_load %arg8[%get3A_893, %get3A_894] {strides = array<i32>} : memref<16x1024xf32, #tpu.memory_space<vmem>>, vector<1x16xf32>,
        %get3A_896 = vector.shape_cast %get3A_895 : vector<1x16xf32> to vector<16xf32>
        %mul3A_897 = arith.constant 3.200000e+01 : f32
        %mul3A_898 = vector.broadcast %mul3A_897 : f32 to vector<16xf32>
        %mul3A_899 = arith.mulf %get3A_896, %mul3A_898 : vector<16xf32>
        %get3A_900 = arith.index_cast %add3A_187 : i32 to index
        %get3A_901 = arith.constant 992 : index
        %get3A_902 = tpu.vector_load %arg8[%get3A_900, %get3A_901] {strides = array<i32>} : memref<16x1024xf32, #tpu.memory_space<vmem>>, vector<1x16xf32>,
        %get3A_903 = vector.shape_cast %get3A_902 : vector<1x16xf32> to vector<16xf32>
        %mul3A_904 = arith.constant 3.200000e+01 : f32
        %mul3A_905 = vector.broadcast %mul3A_904 : f32 to vector<16xf32>
        %mul3A_906 = arith.mulf %get3A_903, %mul3A_905 : vector<16xf32>
        %get3A_907 = arith.index_cast %add3A_187 : i32 to index
        %get3A_908 = arith.constant 1008 : index
        %get3A_909 = tpu.vector_load %arg8[%get3A_907, %get3A_908] {strides = array<i32>} : memref<16x1024xf32, #tpu.memory_space<vmem>>, vector<1x16xf32>,
        %get3A_910 = vector.shape_cast %get3A_909 : vector<1x16xf32> to vector<16xf32>
        %mul3A_911 = arith.constant 3.200000e+01 : f32
        %mul3A_912 = vector.broadcast %mul3A_911 : f32 to vector<16xf32>
        %mul3A_913 = arith.mulf %get3A_910, %mul3A_912 : vector<16xf32>
        %swap3A_914 = arith.index_cast %add3A_187 : i32 to index
        %swap3A_915 = arith.constant 896 : index
        %swap3A_916 = tpu.vector_load %arg8[%swap3A_914, %swap3A_915] {strides = array<i32>} : memref<16x1024xf32, #tpu.memory_space<vmem>>, vector<1x16xf32>,
        %swap3A_917 = vector.shape_cast %swap3A_916 : vector<1x16xf32> to vector<16xf32>
        %swap3A_918 = vector.shape_cast %mul3A_864 : vector<16xf32> to vector<1x16xf32>
        tpu.vector_store %arg8[%swap3A_914, %swap3A_915], %swap3A_918 {strides = array<i32>} : memref<16x1024xf32, #tpu.memory_space<vmem>>, vector<1x16xf32>,
        %swap3A_919 = arith.index_cast %add3A_187 : i32 to index
        %swap3A_920 = arith.constant 912 : index
        %swap3A_921 = tpu.vector_load %arg8[%swap3A_919, %swap3A_920] {strides = array<i32>} : memref<16x1024xf32, #tpu.memory_space<vmem>>, vector<1x16xf32>,
        %swap3A_922 = vector.shape_cast %swap3A_921 : vector<1x16xf32> to vector<16xf32>
        %swap3A_923 = vector.shape_cast %mul3A_871 : vector<16xf32> to vector<1x16xf32>
        tpu.vector_store %arg8[%swap3A_919, %swap3A_920], %swap3A_923 {strides = array<i32>} : memref<16x1024xf32, #tpu.memory_space<vmem>>, vector<1x16xf32>,
        %swap3A_924 = arith.index_cast %add3A_187 : i32 to index
        %swap3A_925 = arith.constant 928 : index
        %swap3A_926 = tpu.vector_load %arg8[%swap3A_924, %swap3A_925] {strides = array<i32>} : memref<16x1024xf32, #tpu.memory_space<vmem>>, vector<1x16xf32>,
        %swap3A_927 = vector.shape_cast %swap3A_926 : vector<1x16xf32> to vector<16xf32>
        %swap3A_928 = vector.shape_cast %mul3A_878 : vector<16xf32> to vector<1x16xf32>
        tpu.vector_store %arg8[%swap3A_924, %swap3A_925], %swap3A_928 {strides = array<i32>} : memref<16x1024xf32, #tpu.memory_space<vmem>>, vector<1x16xf32>,
        %swap3A_929 = arith.index_cast %add3A_187 : i32 to index
        %swap3A_930 = arith.constant 944 : index
        %swap3A_931 = tpu.vector_load %arg8[%swap3A_929, %swap3A_930] {strides = array<i32>} : memref<16x1024xf32, #tpu.memory_space<vmem>>, vector<1x16xf32>,
        %swap3A_932 = vector.shape_cast %swap3A_931 : vector<1x16xf32> to vector<16xf32>
        %swap3A_933 = vector.shape_cast %mul3A_885 : vector<16xf32> to vector<1x16xf32>
        tpu.vector_store %arg8[%swap3A_929, %swap3A_930], %swap3A_933 {strides = array<i32>} : memref<16x1024xf32, #tpu.memory_space<vmem>>, vector<1x16xf32>,
        %swap3A_934 = arith.index_cast %add3A_187 : i32 to index
        %swap3A_935 = arith.constant 960 : index
        %swap3A_936 = tpu.vector_load %arg8[%swap3A_934, %swap3A_935] {strides = array<i32>} : memref<16x1024xf32, #tpu.memory_space<vmem>>, vector<1x16xf32>,
        %swap3A_937 = vector.shape_cast %swap3A_936 : vector<1x16xf32> to vector<16xf32>
        %swap3A_938 = vector.shape_cast %mul3A_892 : vector<16xf32> to vector<1x16xf32>
        tpu.vector_store %arg8[%swap3A_934, %swap3A_935], %swap3A_938 {strides = array<i32>} : memref<16x1024xf32, #tpu.memory_space<vmem>>, vector<1x16xf32>,
        %swap3A_939 = arith.index_cast %add3A_187 : i32 to index
        %swap3A_940 = arith.constant 976 : index
        %swap3A_941 = tpu.vector_load %arg8[%swap3A_939, %swap3A_940] {strides = array<i32>} : memref<16x1024xf32, #tpu.memory_space<vmem>>, vector<1x16xf32>,
        %swap3A_942 = vector.shape_cast %swap3A_941 : vector<1x16xf32> to vector<16xf32>
        %swap3A_943 = vector.shape_cast %mul3A_899 : vector<16xf32> to vector<1x16xf32>
        tpu.vector_store %arg8[%swap3A_939, %swap3A_940], %swap3A_943 {strides = array<i32>} : memref<16x1024xf32, #tpu.memory_space<vmem>>, vector<1x16xf32>,
        %swap3A_944 = arith.index_cast %add3A_187 : i32 to index
        %swap3A_945 = arith.constant 992 : index
        %swap3A_946 = tpu.vector_load %arg8[%swap3A_944, %swap3A_945] {strides = array<i32>} : memref<16x1024xf32, #tpu.memory_space<vmem>>, vector<1x16xf32>,
        %swap3A_947 = vector.shape_cast %swap3A_946 : vector<1x16xf32> to vector<16xf32>
        %swap3A_948 = vector.shape_cast %mul3A_906 : vector<16xf32> to vector<1x16xf32>
        tpu.vector_store %arg8[%swap3A_944, %swap3A_945], %swap3A_948 {strides = array<i32>} : memref<16x1024xf32, #tpu.memory_space<vmem>>, vector<1x16xf32>,
        %swap3A_949 = arith.index_cast %add3A_187 : i32 to index
        %swap3A_950 = arith.constant 1008 : index
        %swap3A_951 = tpu.vector_load %arg8[%swap3A_949, %swap3A_950] {strides = array<i32>} : memref<16x1024xf32, #tpu.memory_space<vmem>>, vector<1x16xf32>,
        %swap3A_952 = vector.shape_cast %swap3A_951 : vector<1x16xf32> to vector<16xf32>
        %swap3A_953 = vector.shape_cast %mul3A_913 : vector<16xf32> to vector<1x16xf32>
        tpu.vector_store %arg8[%swap3A_949, %swap3A_950], %swap3A_953 {strides = array<i32>} : memref<16x1024xf32, #tpu.memory_space<vmem>>, vector<1x16xf32>,
      }
      %scan3A_138 = arith.constant 16 : i32
      %mul3A_139 = arith.constant 16 : i32
      %mul3A_140 = arith.muli %add3A_110, %mul3A_139 : i32
      %add3A_141 = arith.addi %mul3A_2, %mul3A_140 : i32
      %dma_start3A_142 = arith.constant 0 : i32
      %dma_start3A_143 = tpu.memref_slice %arg4[%add3A_141, %dma_start3A_142] : memref<16384x1024xf32, #tpu.memory_space<hbm>> -> memref<16x1024xf32, #tpu.memory_space<hbm>>
      %dma_start3A_144 = arith.constant 0 : i32
      %dma_start3A_145 = tpu.memref_slice %arg4[%add3A_141, %dma_start3A_144] : memref<16384x1024xf32, #tpu.memory_space<hbm>> -> memref<16x1024xf32, #tpu.memory_space<hbm>>
      tpu.enqueue_dma source(%arg8 : memref<16x1024xf32, #tpu.memory_space<vmem>>) target(%dma_start3A_145 : memref<16x1024xf32, #tpu.memory_space<hbm>>) target_semaphore(%arg16 : memref<!tpu.dma_semaphore, #tpu.memory_space<semaphore_mem>>)
      %add3A_146 = arith.constant 3 : i32
      %add3A_147 = arith.addi %add3A_40, %add3A_146 : i32
      %add3A_148 = arith.constant 4 : i32
      %add3A_149 = arith.addi %add3A_147, %add3A_148 : i32
      %sub3A_150 = arith.constant 1 : i32
      %sub3A_151 = arith.subi %add3A_149, %sub3A_150 : i32
      %lt3A_152 = arith.constant 32 : i32
      %lt3A_153 = arith.cmpi slt, %sub3A_151, %lt3A_152 : i32
      %ge3A_154 = arith.constant 1 : i32
      %ge3A_155 = arith.cmpi sge, %add3A_147, %ge3A_154 : i32
      %and3A_156 = arith.andi %lt3A_153, %ge3A_155 : i1
      %convert_element_type3A_157 = arith.extui %and3A_156 : i1 to i32
      %cond3A_158 = arith.constant 0 : i32
      %cond3A_159 = arith.cmpi ne, %convert_element_type3A_157, %cond3A_158 : i32
      scf.if %cond3A_159 {
        %dma_wait3A_183 = arith.constant 0 : i32
        %dma_wait3A_184 = tpu.memref_slice %arg4[%mul3A_2, %dma_wait3A_183] : memref<16384x1024xf32, #tpu.memory_space<hbm>> -> memref<16x1024xf32, #tpu.memory_space<hbm>>
        %dma_wait3A_185 = arith.constant 0 : i32
        %dma_wait3A_186 = tpu.memref_slice %arg4[%mul3A_2, %dma_wait3A_185] : memref<16384x1024xf32, #tpu.memory_space<hbm>> -> memref<16x1024xf32, #tpu.memory_space<hbm>>
        tpu.wait_dma2 semaphore(%arg16 : memref<!tpu.dma_semaphore, #tpu.memory_space<semaphore_mem>>) src(%arg8 : memref<16x1024xf32, #tpu.memory_space<vmem>>) dst(%dma_wait3A_186 : memref<16x1024xf32, #tpu.memory_space<hbm>>)
      } else {
      }
      %lt3A_160 = arith.constant 32 : i32
      %lt3A_161 = arith.cmpi slt, %sub3A_151, %lt3A_160 : i32
      %convert_element_type3A_162 = arith.extui %lt3A_161 : i1 to i32
      %cond3A_163 = arith.constant 0 : i32
      %cond3A_164 = arith.cmpi ne, %convert_element_type3A_162, %cond3A_163 : i32
      scf.if %cond3A_164 {
        %mul3A_183 = arith.constant 16 : i32
        %mul3A_184 = arith.muli %sub3A_151, %mul3A_183 : i32
        %dma_start3A_185 = tpu.memref_slice %arg5[%mul3A_184] : memref<512xi32, #tpu.memory_space<vmem>> -> memref<16xi32, #tpu.memory_space<vmem>>
        %dma_start3A_186 = arith.constant 0 : i32
        %dma_start3A_187 = arith.constant 0 : i32
        %dma_start3A_188 = tpu.memref_slice %arg2[%dma_start3A_186, %dma_start3A_187] : memref<32128x1024xf32, #tpu.memory_space<hbm>> -> memref<32128x1024xf32, #tpu.memory_space<hbm>>
        tpu.enqueue_indirect_dma source(%dma_start3A_188 : memref<32128x1024xf32, #tpu.memory_space<hbm>>) target(%arg8 : memref<16x1024xf32, #tpu.memory_space<vmem>>) offsets(%dma_start3A_185 : memref<16xi32, #tpu.memory_space<vmem>>) semaphore(%arg12 : memref<!tpu.dma_semaphore, #tpu.memory_space<semaphore_mem>>)
      } else {
      }
      %dma_wait3A_165 = arith.constant 0 : i32
      %dma_wait3A_166 = arith.constant 0 : i32
      %dma_wait3A_167 = tpu.memref_slice %arg2[%dma_wait3A_165, %dma_wait3A_166] : memref<32128x1024xf32, #tpu.memory_space<hbm>> -> memref<16x1024xf32, #tpu.memory_space<hbm>>
      %dma_wait3A_168 = arith.constant 0 : i32
      %dma_wait3A_169 = arith.constant 0 : i32
      %dma_wait3A_170 = tpu.memref_slice %arg2[%dma_wait3A_168, %dma_wait3A_169] : memref<32128x1024xf32, #tpu.memory_space<hbm>> -> memref<16x1024xf32, #tpu.memory_space<hbm>>
      tpu.wait_dma2 semaphore(%arg13 : memref<!tpu.dma_semaphore, #tpu.memory_space<semaphore_mem>>) src(%dma_wait3A_170 : memref<16x1024xf32, #tpu.memory_space<hbm>>) dst(%arg9 : memref<16x1024xf32, #tpu.memory_space<vmem>>)
      %scan3A_171 = arith.constant 0 : i32
      %scan3A_172 = arith.constant 16 : i32
      %scan3A_173 = arith.addi %scan3A_171, %scan3A_172 : i32
      %scan3A_174 = arith.constant 1 : i32
      scf.for %scan3A_183 = %scan3A_171 to %scan3A_173 step %scan3A_174  : i32 {
        %mul3A_184 = arith.constant 1 : i32
        %mul3A_185 = arith.muli %scan3A_183, %mul3A_184 : i32
        %add3A_186 = arith.constant 0 : i32
        %add3A_187 = arith.addi %add3A_186, %mul3A_185 : i32
        %get3A = arith.index_cast %add3A_187 : i32 to index
        %get3A_188 = arith.constant 0 : index
        %get3A_189 = tpu.vector_load %arg9[%get3A, %get3A_188] {strides = array<i32>} : memref<16x1024xf32, #tpu.memory_space<vmem>>, vector<1x16xf32>,
        %get3A_190 = vector.shape_cast %get3A_189 : vector<1x16xf32> to vector<16xf32>
        %mul3A_191 = arith.constant 3.200000e+01 : f32
        %mul3A_192 = vector.broadcast %mul3A_191 : f32 to vector<16xf32>
        %mul3A_193 = arith.mulf %get3A_190, %mul3A_192 : vector<16xf32>
        %get3A_194 = arith.index_cast %add3A_187 : i32 to index
        %get3A_195 = arith.constant 16 : index
        %get3A_196 = tpu.vector_load %arg9[%get3A_194, %get3A_195] {strides = array<i32>} : memref<16x1024xf32, #tpu.memory_space<vmem>>, vector<1x16xf32>,
        %get3A_197 = vector.shape_cast %get3A_196 : vector<1x16xf32> to vector<16xf32>
        %mul3A_198 = arith.constant 3.200000e+01 : f32
        %mul3A_199 = vector.broadcast %mul3A_198 : f32 to vector<16xf32>
        %mul3A_200 = arith.mulf %get3A_197, %mul3A_199 : vector<16xf32>
        %get3A_201 = arith.index_cast %add3A_187 : i32 to index
        %get3A_202 = arith.constant 32 : index
        %get3A_203 = tpu.vector_load %arg9[%get3A_201, %get3A_202] {strides = array<i32>} : memref<16x1024xf32, #tpu.memory_space<vmem>>, vector<1x16xf32>,
        %get3A_204 = vector.shape_cast %get3A_203 : vector<1x16xf32> to vector<16xf32>
        %mul3A_205 = arith.constant 3.200000e+01 : f32
        %mul3A_206 = vector.broadcast %mul3A_205 : f32 to vector<16xf32>
        %mul3A_207 = arith.mulf %get3A_204, %mul3A_206 : vector<16xf32>
        %get3A_208 = arith.index_cast %add3A_187 : i32 to index
        %get3A_209 = arith.constant 48 : index
        %get3A_210 = tpu.vector_load %arg9[%get3A_208, %get3A_209] {strides = array<i32>} : memref<16x1024xf32, #tpu.memory_space<vmem>>, vector<1x16xf32>,
        %get3A_211 = vector.shape_cast %get3A_210 : vector<1x16xf32> to vector<16xf32>
        %mul3A_212 = arith.constant 3.200000e+01 : f32
        %mul3A_213 = vector.broadcast %mul3A_212 : f32 to vector<16xf32>
        %mul3A_214 = arith.mulf %get3A_211, %mul3A_213 : vector<16xf32>
        %get3A_215 = arith.index_cast %add3A_187 : i32 to index
        %get3A_216 = arith.constant 64 : index
        %get3A_217 = tpu.vector_load %arg9[%get3A_215, %get3A_216] {strides = array<i32>} : memref<16x1024xf32, #tpu.memory_space<vmem>>, vector<1x16xf32>,
        %get3A_218 = vector.shape_cast %get3A_217 : vector<1x16xf32> to vector<16xf32>
        %mul3A_219 = arith.constant 3.200000e+01 : f32
        %mul3A_220 = vector.broadcast %mul3A_219 : f32 to vector<16xf32>
        %mul3A_221 = arith.mulf %get3A_218, %mul3A_220 : vector<16xf32>
        %get3A_222 = arith.index_cast %add3A_187 : i32 to index
        %get3A_223 = arith.constant 80 : index
        %get3A_224 = tpu.vector_load %arg9[%get3A_222, %get3A_223] {strides = array<i32>} : memref<16x1024xf32, #tpu.memory_space<vmem>>, vector<1x16xf32>,
        %get3A_225 = vector.shape_cast %get3A_224 : vector<1x16xf32> to vector<16xf32>
        %mul3A_226 = arith.constant 3.200000e+01 : f32
        %mul3A_227 = vector.broadcast %mul3A_226 : f32 to vector<16xf32>
        %mul3A_228 = arith.mulf %get3A_225, %mul3A_227 : vector<16xf32>
        %get3A_229 = arith.index_cast %add3A_187 : i32 to index
        %get3A_230 = arith.constant 96 : index
        %get3A_231 = tpu.vector_load %arg9[%get3A_229, %get3A_230] {strides = array<i32>} : memref<16x1024xf32, #tpu.memory_space<vmem>>, vector<1x16xf32>,
        %get3A_232 = vector.shape_cast %get3A_231 : vector<1x16xf32> to vector<16xf32>
        %mul3A_233 = arith.constant 3.200000e+01 : f32
        %mul3A_234 = vector.broadcast %mul3A_233 : f32 to vector<16xf32>
        %mul3A_235 = arith.mulf %get3A_232, %mul3A_234 : vector<16xf32>
        %get3A_236 = arith.index_cast %add3A_187 : i32 to index
        %get3A_237 = arith.constant 112 : index
        %get3A_238 = tpu.vector_load %arg9[%get3A_236, %get3A_237] {strides = array<i32>} : memref<16x1024xf32, #tpu.memory_space<vmem>>, vector<1x16xf32>,
        %get3A_239 = vector.shape_cast %get3A_238 : vector<1x16xf32> to vector<16xf32>
        %mul3A_240 = arith.constant 3.200000e+01 : f32
        %mul3A_241 = vector.broadcast %mul3A_240 : f32 to vector<16xf32>
        %mul3A_242 = arith.mulf %get3A_239, %mul3A_241 : vector<16xf32>
        %swap3A = arith.index_cast %add3A_187 : i32 to index
        %swap3A_243 = arith.constant 0 : index
        %swap3A_244 = tpu.vector_load %arg9[%swap3A, %swap3A_243] {strides = array<i32>} : memref<16x1024xf32, #tpu.memory_space<vmem>>, vector<1x16xf32>,
        %swap3A_245 = vector.shape_cast %swap3A_244 : vector<1x16xf32> to vector<16xf32>
        %swap3A_246 = vector.shape_cast %mul3A_193 : vector<16xf32> to vector<1x16xf32>
        tpu.vector_store %arg9[%swap3A, %swap3A_243], %swap3A_246 {strides = array<i32>} : memref<16x1024xf32, #tpu.memory_space<vmem>>, vector<1x16xf32>,
        %swap3A_247 = arith.index_cast %add3A_187 : i32 to index
        %swap3A_248 = arith.constant 16 : index
        %swap3A_249 = tpu.vector_load %arg9[%swap3A_247, %swap3A_248] {strides = array<i32>} : memref<16x1024xf32, #tpu.memory_space<vmem>>, vector<1x16xf32>,
        %swap3A_250 = vector.shape_cast %swap3A_249 : vector<1x16xf32> to vector<16xf32>
        %swap3A_251 = vector.shape_cast %mul3A_200 : vector<16xf32> to vector<1x16xf32>
        tpu.vector_store %arg9[%swap3A_247, %swap3A_248], %swap3A_251 {strides = array<i32>} : memref<16x1024xf32, #tpu.memory_space<vmem>>, vector<1x16xf32>,
        %swap3A_252 = arith.index_cast %add3A_187 : i32 to index
        %swap3A_253 = arith.constant 32 : index
        %swap3A_254 = tpu.vector_load %arg9[%swap3A_252, %swap3A_253] {strides = array<i32>} : memref<16x1024xf32, #tpu.memory_space<vmem>>, vector<1x16xf32>,
        %swap3A_255 = vector.shape_cast %swap3A_254 : vector<1x16xf32> to vector<16xf32>
        %swap3A_256 = vector.shape_cast %mul3A_207 : vector<16xf32> to vector<1x16xf32>
        tpu.vector_store %arg9[%swap3A_252, %swap3A_253], %swap3A_256 {strides = array<i32>} : memref<16x1024xf32, #tpu.memory_space<vmem>>, vector<1x16xf32>,
        %swap3A_257 = arith.index_cast %add3A_187 : i32 to index
        %swap3A_258 = arith.constant 48 : index
        %swap3A_259 = tpu.vector_load %arg9[%swap3A_257, %swap3A_258] {strides = array<i32>} : memref<16x1024xf32, #tpu.memory_space<vmem>>, vector<1x16xf32>,
        %swap3A_260 = vector.shape_cast %swap3A_259 : vector<1x16xf32> to vector<16xf32>
        %swap3A_261 = vector.shape_cast %mul3A_214 : vector<16xf32> to vector<1x16xf32>
        tpu.vector_store %arg9[%swap3A_257, %swap3A_258], %swap3A_261 {strides = array<i32>} : memref<16x1024xf32, #tpu.memory_space<vmem>>, vector<1x16xf32>,
        %swap3A_262 = arith.index_cast %add3A_187 : i32 to index
        %swap3A_263 = arith.constant 64 : index
        %swap3A_264 = tpu.vector_load %arg9[%swap3A_262, %swap3A_263] {strides = array<i32>} : memref<16x1024xf32, #tpu.memory_space<vmem>>, vector<1x16xf32>,
        %swap3A_265 = vector.shape_cast %swap3A_264 : vector<1x16xf32> to vector<16xf32>
        %swap3A_266 = vector.shape_cast %mul3A_221 : vector<16xf32> to vector<1x16xf32>
        tpu.vector_store %arg9[%swap3A_262, %swap3A_263], %swap3A_266 {strides = array<i32>} : memref<16x1024xf32, #tpu.memory_space<vmem>>, vector<1x16xf32>,
        %swap3A_267 = arith.index_cast %add3A_187 : i32 to index
        %swap3A_268 = arith.constant 80 : index
        %swap3A_269 = tpu.vector_load %arg9[%swap3A_267, %swap3A_268] {strides = array<i32>} : memref<16x1024xf32, #tpu.memory_space<vmem>>, vector<1x16xf32>,
        %swap3A_270 = vector.shape_cast %swap3A_269 : vector<1x16xf32> to vector<16xf32>
        %swap3A_271 = vector.shape_cast %mul3A_228 : vector<16xf32> to vector<1x16xf32>
        tpu.vector_store %arg9[%swap3A_267, %swap3A_268], %swap3A_271 {strides = array<i32>} : memref<16x1024xf32, #tpu.memory_space<vmem>>, vector<1x16xf32>,
        %swap3A_272 = arith.index_cast %add3A_187 : i32 to index
        %swap3A_273 = arith.constant 96 : index
        %swap3A_274 = tpu.vector_load %arg9[%swap3A_272, %swap3A_273] {strides = array<i32>} : memref<16x1024xf32, #tpu.memory_space<vmem>>, vector<1x16xf32>,
        %swap3A_275 = vector.shape_cast %swap3A_274 : vector<1x16xf32> to vector<16xf32>
        %swap3A_276 = vector.shape_cast %mul3A_235 : vector<16xf32> to vector<1x16xf32>
        tpu.vector_store %arg9[%swap3A_272, %swap3A_273], %swap3A_276 {strides = array<i32>} : memref<16x1024xf32, #tpu.memory_space<vmem>>, vector<1x16xf32>,
        %swap3A_277 = arith.index_cast %add3A_187 : i32 to index
        %swap3A_278 = arith.constant 112 : index
        %swap3A_279 = tpu.vector_load %arg9[%swap3A_277, %swap3A_278] {strides = array<i32>} : memref<16x1024xf32, #tpu.memory_space<vmem>>, vector<1x16xf32>,
        %swap3A_280 = vector.shape_cast %swap3A_279 : vector<1x16xf32> to vector<16xf32>
        %swap3A_281 = vector.shape_cast %mul3A_242 : vector<16xf32> to vector<1x16xf32>
        tpu.vector_store %arg9[%swap3A_277, %swap3A_278], %swap3A_281 {strides = array<i32>} : memref<16x1024xf32, #tpu.memory_space<vmem>>, vector<1x16xf32>,
        %get3A_282 = arith.index_cast %add3A_187 : i32 to index
        %get3A_283 = arith.constant 128 : index
        %get3A_284 = tpu.vector_load %arg9[%get3A_282, %get3A_283] {strides = array<i32>} : memref<16x1024xf32, #tpu.memory_space<vmem>>, vector<1x16xf32>,
        %get3A_285 = vector.shape_cast %get3A_284 : vector<1x16xf32> to vector<16xf32>
        %mul3A_286 = arith.constant 3.200000e+01 : f32
        %mul3A_287 = vector.broadcast %mul3A_286 : f32 to vector<16xf32>
        %mul3A_288 = arith.mulf %get3A_285, %mul3A_287 : vector<16xf32>
        %get3A_289 = arith.index_cast %add3A_187 : i32 to index
        %get3A_290 = arith.constant 144 : index
        %get3A_291 = tpu.vector_load %arg9[%get3A_289, %get3A_290] {strides = array<i32>} : memref<16x1024xf32, #tpu.memory_space<vmem>>, vector<1x16xf32>,
        %get3A_292 = vector.shape_cast %get3A_291 : vector<1x16xf32> to vector<16xf32>
        %mul3A_293 = arith.constant 3.200000e+01 : f32
        %mul3A_294 = vector.broadcast %mul3A_293 : f32 to vector<16xf32>
        %mul3A_295 = arith.mulf %get3A_292, %mul3A_294 : vector<16xf32>
        %get3A_296 = arith.index_cast %add3A_187 : i32 to index
        %get3A_297 = arith.constant 160 : index
        %get3A_298 = tpu.vector_load %arg9[%get3A_296, %get3A_297] {strides = array<i32>} : memref<16x1024xf32, #tpu.memory_space<vmem>>, vector<1x16xf32>,
        %get3A_299 = vector.shape_cast %get3A_298 : vector<1x16xf32> to vector<16xf32>
        %mul3A_300 = arith.constant 3.200000e+01 : f32
        %mul3A_301 = vector.broadcast %mul3A_300 : f32 to vector<16xf32>
        %mul3A_302 = arith.mulf %get3A_299, %mul3A_301 : vector<16xf32>
        %get3A_303 = arith.index_cast %add3A_187 : i32 to index
        %get3A_304 = arith.constant 176 : index
        %get3A_305 = tpu.vector_load %arg9[%get3A_303, %get3A_304] {strides = array<i32>} : memref<16x1024xf32, #tpu.memory_space<vmem>>, vector<1x16xf32>,
        %get3A_306 = vector.shape_cast %get3A_305 : vector<1x16xf32> to vector<16xf32>
        %mul3A_307 = arith.constant 3.200000e+01 : f32
        %mul3A_308 = vector.broadcast %mul3A_307 : f32 to vector<16xf32>
        %mul3A_309 = arith.mulf %get3A_306, %mul3A_308 : vector<16xf32>
        %get3A_310 = arith.index_cast %add3A_187 : i32 to index
        %get3A_311 = arith.constant 192 : index
        %get3A_312 = tpu.vector_load %arg9[%get3A_310, %get3A_311] {strides = array<i32>} : memref<16x1024xf32, #tpu.memory_space<vmem>>, vector<1x16xf32>,
        %get3A_313 = vector.shape_cast %get3A_312 : vector<1x16xf32> to vector<16xf32>
        %mul3A_314 = arith.constant 3.200000e+01 : f32
        %mul3A_315 = vector.broadcast %mul3A_314 : f32 to vector<16xf32>
        %mul3A_316 = arith.mulf %get3A_313, %mul3A_315 : vector<16xf32>
        %get3A_317 = arith.index_cast %add3A_187 : i32 to index
        %get3A_318 = arith.constant 208 : index
        %get3A_319 = tpu.vector_load %arg9[%get3A_317, %get3A_318] {strides = array<i32>} : memref<16x1024xf32, #tpu.memory_space<vmem>>, vector<1x16xf32>,
        %get3A_320 = vector.shape_cast %get3A_319 : vector<1x16xf32> to vector<16xf32>
        %mul3A_321 = arith.constant 3.200000e+01 : f32
        %mul3A_322 = vector.broadcast %mul3A_321 : f32 to vector<16xf32>
        %mul3A_323 = arith.mulf %get3A_320, %mul3A_322 : vector<16xf32>
        %get3A_324 = arith.index_cast %add3A_187 : i32 to index
        %get3A_325 = arith.constant 224 : index
        %get3A_326 = tpu.vector_load %arg9[%get3A_324, %get3A_325] {strides = array<i32>} : memref<16x1024xf32, #tpu.memory_space<vmem>>, vector<1x16xf32>,
        %get3A_327 = vector.shape_cast %get3A_326 : vector<1x16xf32> to vector<16xf32>
        %mul3A_328 = arith.constant 3.200000e+01 : f32
        %mul3A_329 = vector.broadcast %mul3A_328 : f32 to vector<16xf32>
        %mul3A_330 = arith.mulf %get3A_327, %mul3A_329 : vector<16xf32>
        %get3A_331 = arith.index_cast %add3A_187 : i32 to index
        %get3A_332 = arith.constant 240 : index
        %get3A_333 = tpu.vector_load %arg9[%get3A_331, %get3A_332] {strides = array<i32>} : memref<16x1024xf32, #tpu.memory_space<vmem>>, vector<1x16xf32>,
        %get3A_334 = vector.shape_cast %get3A_333 : vector<1x16xf32> to vector<16xf32>
        %mul3A_335 = arith.constant 3.200000e+01 : f32
        %mul3A_336 = vector.broadcast %mul3A_335 : f32 to vector<16xf32>
        %mul3A_337 = arith.mulf %get3A_334, %mul3A_336 : vector<16xf32>
        %swap3A_338 = arith.index_cast %add3A_187 : i32 to index
        %swap3A_339 = arith.constant 128 : index
        %swap3A_340 = tpu.vector_load %arg9[%swap3A_338, %swap3A_339] {strides = array<i32>} : memref<16x1024xf32, #tpu.memory_space<vmem>>, vector<1x16xf32>,
        %swap3A_341 = vector.shape_cast %swap3A_340 : vector<1x16xf32> to vector<16xf32>
        %swap3A_342 = vector.shape_cast %mul3A_288 : vector<16xf32> to vector<1x16xf32>
        tpu.vector_store %arg9[%swap3A_338, %swap3A_339], %swap3A_342 {strides = array<i32>} : memref<16x1024xf32, #tpu.memory_space<vmem>>, vector<1x16xf32>,
        %swap3A_343 = arith.index_cast %add3A_187 : i32 to index
        %swap3A_344 = arith.constant 144 : index
        %swap3A_345 = tpu.vector_load %arg9[%swap3A_343, %swap3A_344] {strides = array<i32>} : memref<16x1024xf32, #tpu.memory_space<vmem>>, vector<1x16xf32>,
        %swap3A_346 = vector.shape_cast %swap3A_345 : vector<1x16xf32> to vector<16xf32>
        %swap3A_347 = vector.shape_cast %mul3A_295 : vector<16xf32> to vector<1x16xf32>
        tpu.vector_store %arg9[%swap3A_343, %swap3A_344], %swap3A_347 {strides = array<i32>} : memref<16x1024xf32, #tpu.memory_space<vmem>>, vector<1x16xf32>,
        %swap3A_348 = arith.index_cast %add3A_187 : i32 to index
        %swap3A_349 = arith.constant 160 : index
        %swap3A_350 = tpu.vector_load %arg9[%swap3A_348, %swap3A_349] {strides = array<i32>} : memref<16x1024xf32, #tpu.memory_space<vmem>>, vector<1x16xf32>,
        %swap3A_351 = vector.shape_cast %swap3A_350 : vector<1x16xf32> to vector<16xf32>
        %swap3A_352 = vector.shape_cast %mul3A_302 : vector<16xf32> to vector<1x16xf32>
        tpu.vector_store %arg9[%swap3A_348, %swap3A_349], %swap3A_352 {strides = array<i32>} : memref<16x1024xf32, #tpu.memory_space<vmem>>, vector<1x16xf32>,
        %swap3A_353 = arith.index_cast %add3A_187 : i32 to index
        %swap3A_354 = arith.constant 176 : index
        %swap3A_355 = tpu.vector_load %arg9[%swap3A_353, %swap3A_354] {strides = array<i32>} : memref<16x1024xf32, #tpu.memory_space<vmem>>, vector<1x16xf32>,
        %swap3A_356 = vector.shape_cast %swap3A_355 : vector<1x16xf32> to vector<16xf32>
        %swap3A_357 = vector.shape_cast %mul3A_309 : vector<16xf32> to vector<1x16xf32>
        tpu.vector_store %arg9[%swap3A_353, %swap3A_354], %swap3A_357 {strides = array<i32>} : memref<16x1024xf32, #tpu.memory_space<vmem>>, vector<1x16xf32>,
        %swap3A_358 = arith.index_cast %add3A_187 : i32 to index
        %swap3A_359 = arith.constant 192 : index
        %swap3A_360 = tpu.vector_load %arg9[%swap3A_358, %swap3A_359] {strides = array<i32>} : memref<16x1024xf32, #tpu.memory_space<vmem>>, vector<1x16xf32>,
        %swap3A_361 = vector.shape_cast %swap3A_360 : vector<1x16xf32> to vector<16xf32>
        %swap3A_362 = vector.shape_cast %mul3A_316 : vector<16xf32> to vector<1x16xf32>
        tpu.vector_store %arg9[%swap3A_358, %swap3A_359], %swap3A_362 {strides = array<i32>} : memref<16x1024xf32, #tpu.memory_space<vmem>>, vector<1x16xf32>,
        %swap3A_363 = arith.index_cast %add3A_187 : i32 to index
        %swap3A_364 = arith.constant 208 : index
        %swap3A_365 = tpu.vector_load %arg9[%swap3A_363, %swap3A_364] {strides = array<i32>} : memref<16x1024xf32, #tpu.memory_space<vmem>>, vector<1x16xf32>,
        %swap3A_366 = vector.shape_cast %swap3A_365 : vector<1x16xf32> to vector<16xf32>
        %swap3A_367 = vector.shape_cast %mul3A_323 : vector<16xf32> to vector<1x16xf32>
        tpu.vector_store %arg9[%swap3A_363, %swap3A_364], %swap3A_367 {strides = array<i32>} : memref<16x1024xf32, #tpu.memory_space<vmem>>, vector<1x16xf32>,
        %swap3A_368 = arith.index_cast %add3A_187 : i32 to index
        %swap3A_369 = arith.constant 224 : index
        %swap3A_370 = tpu.vector_load %arg9[%swap3A_368, %swap3A_369] {strides = array<i32>} : memref<16x1024xf32, #tpu.memory_space<vmem>>, vector<1x16xf32>,
        %swap3A_371 = vector.shape_cast %swap3A_370 : vector<1x16xf32> to vector<16xf32>
        %swap3A_372 = vector.shape_cast %mul3A_330 : vector<16xf32> to vector<1x16xf32>
        tpu.vector_store %arg9[%swap3A_368, %swap3A_369], %swap3A_372 {strides = array<i32>} : memref<16x1024xf32, #tpu.memory_space<vmem>>, vector<1x16xf32>,
        %swap3A_373 = arith.index_cast %add3A_187 : i32 to index
        %swap3A_374 = arith.constant 240 : index
        %swap3A_375 = tpu.vector_load %arg9[%swap3A_373, %swap3A_374] {strides = array<i32>} : memref<16x1024xf32, #tpu.memory_space<vmem>>, vector<1x16xf32>,
        %swap3A_376 = vector.shape_cast %swap3A_375 : vector<1x16xf32> to vector<16xf32>
        %swap3A_377 = vector.shape_cast %mul3A_337 : vector<16xf32> to vector<1x16xf32>
        tpu.vector_store %arg9[%swap3A_373, %swap3A_374], %swap3A_377 {strides = array<i32>} : memref<16x1024xf32, #tpu.memory_space<vmem>>, vector<1x16xf32>,
        %get3A_378 = arith.index_cast %add3A_187 : i32 to index
        %get3A_379 = arith.constant 256 : index
        %get3A_380 = tpu.vector_load %arg9[%get3A_378, %get3A_379] {strides = array<i32>} : memref<16x1024xf32, #tpu.memory_space<vmem>>, vector<1x16xf32>,
        %get3A_381 = vector.shape_cast %get3A_380 : vector<1x16xf32> to vector<16xf32>
        %mul3A_382 = arith.constant 3.200000e+01 : f32
        %mul3A_383 = vector.broadcast %mul3A_382 : f32 to vector<16xf32>
        %mul3A_384 = arith.mulf %get3A_381, %mul3A_383 : vector<16xf32>
        %get3A_385 = arith.index_cast %add3A_187 : i32 to index
        %get3A_386 = arith.constant 272 : index
        %get3A_387 = tpu.vector_load %arg9[%get3A_385, %get3A_386] {strides = array<i32>} : memref<16x1024xf32, #tpu.memory_space<vmem>>, vector<1x16xf32>,
        %get3A_388 = vector.shape_cast %get3A_387 : vector<1x16xf32> to vector<16xf32>
        %mul3A_389 = arith.constant 3.200000e+01 : f32
        %mul3A_390 = vector.broadcast %mul3A_389 : f32 to vector<16xf32>
        %mul3A_391 = arith.mulf %get3A_388, %mul3A_390 : vector<16xf32>
        %get3A_392 = arith.index_cast %add3A_187 : i32 to index
        %get3A_393 = arith.constant 288 : index
        %get3A_394 = tpu.vector_load %arg9[%get3A_392, %get3A_393] {strides = array<i32>} : memref<16x1024xf32, #tpu.memory_space<vmem>>, vector<1x16xf32>,
        %get3A_395 = vector.shape_cast %get3A_394 : vector<1x16xf32> to vector<16xf32>
        %mul3A_396 = arith.constant 3.200000e+01 : f32
        %mul3A_397 = vector.broadcast %mul3A_396 : f32 to vector<16xf32>
        %mul3A_398 = arith.mulf %get3A_395, %mul3A_397 : vector<16xf32>
        %get3A_399 = arith.index_cast %add3A_187 : i32 to index
        %get3A_400 = arith.constant 304 : index
        %get3A_401 = tpu.vector_load %arg9[%get3A_399, %get3A_400] {strides = array<i32>} : memref<16x1024xf32, #tpu.memory_space<vmem>>, vector<1x16xf32>,
        %get3A_402 = vector.shape_cast %get3A_401 : vector<1x16xf32> to vector<16xf32>
        %mul3A_403 = arith.constant 3.200000e+01 : f32
        %mul3A_404 = vector.broadcast %mul3A_403 : f32 to vector<16xf32>
        %mul3A_405 = arith.mulf %get3A_402, %mul3A_404 : vector<16xf32>
        %get3A_406 = arith.index_cast %add3A_187 : i32 to index
        %get3A_407 = arith.constant 320 : index
        %get3A_408 = tpu.vector_load %arg9[%get3A_406, %get3A_407] {strides = array<i32>} : memref<16x1024xf32, #tpu.memory_space<vmem>>, vector<1x16xf32>,
        %get3A_409 = vector.shape_cast %get3A_408 : vector<1x16xf32> to vector<16xf32>
        %mul3A_410 = arith.constant 3.200000e+01 : f32
        %mul3A_411 = vector.broadcast %mul3A_410 : f32 to vector<16xf32>
        %mul3A_412 = arith.mulf %get3A_409, %mul3A_411 : vector<16xf32>
        %get3A_413 = arith.index_cast %add3A_187 : i32 to index
        %get3A_414 = arith.constant 336 : index
        %get3A_415 = tpu.vector_load %arg9[%get3A_413, %get3A_414] {strides = array<i32>} : memref<16x1024xf32, #tpu.memory_space<vmem>>, vector<1x16xf32>,
        %get3A_416 = vector.shape_cast %get3A_415 : vector<1x16xf32> to vector<16xf32>
        %mul3A_417 = arith.constant 3.200000e+01 : f32
        %mul3A_418 = vector.broadcast %mul3A_417 : f32 to vector<16xf32>
        %mul3A_419 = arith.mulf %get3A_416, %mul3A_418 : vector<16xf32>
        %get3A_420 = arith.index_cast %add3A_187 : i32 to index
        %get3A_421 = arith.constant 352 : index
        %get3A_422 = tpu.vector_load %arg9[%get3A_420, %get3A_421] {strides = array<i32>} : memref<16x1024xf32, #tpu.memory_space<vmem>>, vector<1x16xf32>,
        %get3A_423 = vector.shape_cast %get3A_422 : vector<1x16xf32> to vector<16xf32>
        %mul3A_424 = arith.constant 3.200000e+01 : f32
        %mul3A_425 = vector.broadcast %mul3A_424 : f32 to vector<16xf32>
        %mul3A_426 = arith.mulf %get3A_423, %mul3A_425 : vector<16xf32>
        %get3A_427 = arith.index_cast %add3A_187 : i32 to index
        %get3A_428 = arith.constant 368 : index
        %get3A_429 = tpu.vector_load %arg9[%get3A_427, %get3A_428] {strides = array<i32>} : memref<16x1024xf32, #tpu.memory_space<vmem>>, vector<1x16xf32>,
        %get3A_430 = vector.shape_cast %get3A_429 : vector<1x16xf32> to vector<16xf32>
        %mul3A_431 = arith.constant 3.200000e+01 : f32
        %mul3A_432 = vector.broadcast %mul3A_431 : f32 to vector<16xf32>
        %mul3A_433 = arith.mulf %get3A_430, %mul3A_432 : vector<16xf32>
        %swap3A_434 = arith.index_cast %add3A_187 : i32 to index
        %swap3A_435 = arith.constant 256 : index
        %swap3A_436 = tpu.vector_load %arg9[%swap3A_434, %swap3A_435] {strides = array<i32>} : memref<16x1024xf32, #tpu.memory_space<vmem>>, vector<1x16xf32>,
        %swap3A_437 = vector.shape_cast %swap3A_436 : vector<1x16xf32> to vector<16xf32>
        %swap3A_438 = vector.shape_cast %mul3A_384 : vector<16xf32> to vector<1x16xf32>
        tpu.vector_store %arg9[%swap3A_434, %swap3A_435], %swap3A_438 {strides = array<i32>} : memref<16x1024xf32, #tpu.memory_space<vmem>>, vector<1x16xf32>,
        %swap3A_439 = arith.index_cast %add3A_187 : i32 to index
        %swap3A_440 = arith.constant 272 : index
        %swap3A_441 = tpu.vector_load %arg9[%swap3A_439, %swap3A_440] {strides = array<i32>} : memref<16x1024xf32, #tpu.memory_space<vmem>>, vector<1x16xf32>,
        %swap3A_442 = vector.shape_cast %swap3A_441 : vector<1x16xf32> to vector<16xf32>
        %swap3A_443 = vector.shape_cast %mul3A_391 : vector<16xf32> to vector<1x16xf32>
        tpu.vector_store %arg9[%swap3A_439, %swap3A_440], %swap3A_443 {strides = array<i32>} : memref<16x1024xf32, #tpu.memory_space<vmem>>, vector<1x16xf32>,
        %swap3A_444 = arith.index_cast %add3A_187 : i32 to index
        %swap3A_445 = arith.constant 288 : index
        %swap3A_446 = tpu.vector_load %arg9[%swap3A_444, %swap3A_445] {strides = array<i32>} : memref<16x1024xf32, #tpu.memory_space<vmem>>, vector<1x16xf32>,
        %swap3A_447 = vector.shape_cast %swap3A_446 : vector<1x16xf32> to vector<16xf32>
        %swap3A_448 = vector.shape_cast %mul3A_398 : vector<16xf32> to vector<1x16xf32>
        tpu.vector_store %arg9[%swap3A_444, %swap3A_445], %swap3A_448 {strides = array<i32>} : memref<16x1024xf32, #tpu.memory_space<vmem>>, vector<1x16xf32>,
        %swap3A_449 = arith.index_cast %add3A_187 : i32 to index
        %swap3A_450 = arith.constant 304 : index
        %swap3A_451 = tpu.vector_load %arg9[%swap3A_449, %swap3A_450] {strides = array<i32>} : memref<16x1024xf32, #tpu.memory_space<vmem>>, vector<1x16xf32>,
        %swap3A_452 = vector.shape_cast %swap3A_451 : vector<1x16xf32> to vector<16xf32>
        %swap3A_453 = vector.shape_cast %mul3A_405 : vector<16xf32> to vector<1x16xf32>
        tpu.vector_store %arg9[%swap3A_449, %swap3A_450], %swap3A_453 {strides = array<i32>} : memref<16x1024xf32, #tpu.memory_space<vmem>>, vector<1x16xf32>,
        %swap3A_454 = arith.index_cast %add3A_187 : i32 to index
        %swap3A_455 = arith.constant 320 : index
        %swap3A_456 = tpu.vector_load %arg9[%swap3A_454, %swap3A_455] {strides = array<i32>} : memref<16x1024xf32, #tpu.memory_space<vmem>>, vector<1x16xf32>,
        %swap3A_457 = vector.shape_cast %swap3A_456 : vector<1x16xf32> to vector<16xf32>
        %swap3A_458 = vector.shape_cast %mul3A_412 : vector<16xf32> to vector<1x16xf32>
        tpu.vector_store %arg9[%swap3A_454, %swap3A_455], %swap3A_458 {strides = array<i32>} : memref<16x1024xf32, #tpu.memory_space<vmem>>, vector<1x16xf32>,
        %swap3A_459 = arith.index_cast %add3A_187 : i32 to index
        %swap3A_460 = arith.constant 336 : index
        %swap3A_461 = tpu.vector_load %arg9[%swap3A_459, %swap3A_460] {strides = array<i32>} : memref<16x1024xf32, #tpu.memory_space<vmem>>, vector<1x16xf32>,
        %swap3A_462 = vector.shape_cast %swap3A_461 : vector<1x16xf32> to vector<16xf32>
        %swap3A_463 = vector.shape_cast %mul3A_419 : vector<16xf32> to vector<1x16xf32>
        tpu.vector_store %arg9[%swap3A_459, %swap3A_460], %swap3A_463 {strides = array<i32>} : memref<16x1024xf32, #tpu.memory_space<vmem>>, vector<1x16xf32>,
        %swap3A_464 = arith.index_cast %add3A_187 : i32 to index
        %swap3A_465 = arith.constant 352 : index
        %swap3A_466 = tpu.vector_load %arg9[%swap3A_464, %swap3A_465] {strides = array<i32>} : memref<16x1024xf32, #tpu.memory_space<vmem>>, vector<1x16xf32>,
        %swap3A_467 = vector.shape_cast %swap3A_466 : vector<1x16xf32> to vector<16xf32>
        %swap3A_468 = vector.shape_cast %mul3A_426 : vector<16xf32> to vector<1x16xf32>
        tpu.vector_store %arg9[%swap3A_464, %swap3A_465], %swap3A_468 {strides = array<i32>} : memref<16x1024xf32, #tpu.memory_space<vmem>>, vector<1x16xf32>,
        %swap3A_469 = arith.index_cast %add3A_187 : i32 to index
        %swap3A_470 = arith.constant 368 : index
        %swap3A_471 = tpu.vector_load %arg9[%swap3A_469, %swap3A_470] {strides = array<i32>} : memref<16x1024xf32, #tpu.memory_space<vmem>>, vector<1x16xf32>,
        %swap3A_472 = vector.shape_cast %swap3A_471 : vector<1x16xf32> to vector<16xf32>
        %swap3A_473 = vector.shape_cast %mul3A_433 : vector<16xf32> to vector<1x16xf32>
        tpu.vector_store %arg9[%swap3A_469, %swap3A_470], %swap3A_473 {strides = array<i32>} : memref<16x1024xf32, #tpu.memory_space<vmem>>, vector<1x16xf32>,
        %get3A_474 = arith.index_cast %add3A_187 : i32 to index
        %get3A_475 = arith.constant 384 : index
        %get3A_476 = tpu.vector_load %arg9[%get3A_474, %get3A_475] {strides = array<i32>} : memref<16x1024xf32, #tpu.memory_space<vmem>>, vector<1x16xf32>,
        %get3A_477 = vector.shape_cast %get3A_476 : vector<1x16xf32> to vector<16xf32>
        %mul3A_478 = arith.constant 3.200000e+01 : f32
        %mul3A_479 = vector.broadcast %mul3A_478 : f32 to vector<16xf32>
        %mul3A_480 = arith.mulf %get3A_477, %mul3A_479 : vector<16xf32>
        %get3A_481 = arith.index_cast %add3A_187 : i32 to index
        %get3A_482 = arith.constant 400 : index
        %get3A_483 = tpu.vector_load %arg9[%get3A_481, %get3A_482] {strides = array<i32>} : memref<16x1024xf32, #tpu.memory_space<vmem>>, vector<1x16xf32>,
        %get3A_484 = vector.shape_cast %get3A_483 : vector<1x16xf32> to vector<16xf32>
        %mul3A_485 = arith.constant 3.200000e+01 : f32
        %mul3A_486 = vector.broadcast %mul3A_485 : f32 to vector<16xf32>
        %mul3A_487 = arith.mulf %get3A_484, %mul3A_486 : vector<16xf32>
        %get3A_488 = arith.index_cast %add3A_187 : i32 to index
        %get3A_489 = arith.constant 416 : index
        %get3A_490 = tpu.vector_load %arg9[%get3A_488, %get3A_489] {strides = array<i32>} : memref<16x1024xf32, #tpu.memory_space<vmem>>, vector<1x16xf32>,
        %get3A_491 = vector.shape_cast %get3A_490 : vector<1x16xf32> to vector<16xf32>
        %mul3A_492 = arith.constant 3.200000e+01 : f32
        %mul3A_493 = vector.broadcast %mul3A_492 : f32 to vector<16xf32>
        %mul3A_494 = arith.mulf %get3A_491, %mul3A_493 : vector<16xf32>
        %get3A_495 = arith.index_cast %add3A_187 : i32 to index
        %get3A_496 = arith.constant 432 : index
        %get3A_497 = tpu.vector_load %arg9[%get3A_495, %get3A_496] {strides = array<i32>} : memref<16x1024xf32, #tpu.memory_space<vmem>>, vector<1x16xf32>,
        %get3A_498 = vector.shape_cast %get3A_497 : vector<1x16xf32> to vector<16xf32>
        %mul3A_499 = arith.constant 3.200000e+01 : f32
        %mul3A_500 = vector.broadcast %mul3A_499 : f32 to vector<16xf32>
        %mul3A_501 = arith.mulf %get3A_498, %mul3A_500 : vector<16xf32>
        %get3A_502 = arith.index_cast %add3A_187 : i32 to index
        %get3A_503 = arith.constant 448 : index
        %get3A_504 = tpu.vector_load %arg9[%get3A_502, %get3A_503] {strides = array<i32>} : memref<16x1024xf32, #tpu.memory_space<vmem>>, vector<1x16xf32>,
        %get3A_505 = vector.shape_cast %get3A_504 : vector<1x16xf32> to vector<16xf32>
        %mul3A_506 = arith.constant 3.200000e+01 : f32
        %mul3A_507 = vector.broadcast %mul3A_506 : f32 to vector<16xf32>
        %mul3A_508 = arith.mulf %get3A_505, %mul3A_507 : vector<16xf32>
        %get3A_509 = arith.index_cast %add3A_187 : i32 to index
        %get3A_510 = arith.constant 464 : index
        %get3A_511 = tpu.vector_load %arg9[%get3A_509, %get3A_510] {strides = array<i32>} : memref<16x1024xf32, #tpu.memory_space<vmem>>, vector<1x16xf32>,
        %get3A_512 = vector.shape_cast %get3A_511 : vector<1x16xf32> to vector<16xf32>
        %mul3A_513 = arith.constant 3.200000e+01 : f32
        %mul3A_514 = vector.broadcast %mul3A_513 : f32 to vector<16xf32>
        %mul3A_515 = arith.mulf %get3A_512, %mul3A_514 : vector<16xf32>
        %get3A_516 = arith.index_cast %add3A_187 : i32 to index
        %get3A_517 = arith.constant 480 : index
        %get3A_518 = tpu.vector_load %arg9[%get3A_516, %get3A_517] {strides = array<i32>} : memref<16x1024xf32, #tpu.memory_space<vmem>>, vector<1x16xf32>,
        %get3A_519 = vector.shape_cast %get3A_518 : vector<1x16xf32> to vector<16xf32>
        %mul3A_520 = arith.constant 3.200000e+01 : f32
        %mul3A_521 = vector.broadcast %mul3A_520 : f32 to vector<16xf32>
        %mul3A_522 = arith.mulf %get3A_519, %mul3A_521 : vector<16xf32>
        %get3A_523 = arith.index_cast %add3A_187 : i32 to index
        %get3A_524 = arith.constant 496 : index
        %get3A_525 = tpu.vector_load %arg9[%get3A_523, %get3A_524] {strides = array<i32>} : memref<16x1024xf32, #tpu.memory_space<vmem>>, vector<1x16xf32>,
        %get3A_526 = vector.shape_cast %get3A_525 : vector<1x16xf32> to vector<16xf32>
        %mul3A_527 = arith.constant 3.200000e+01 : f32
        %mul3A_528 = vector.broadcast %mul3A_527 : f32 to vector<16xf32>
        %mul3A_529 = arith.mulf %get3A_526, %mul3A_528 : vector<16xf32>
        %swap3A_530 = arith.index_cast %add3A_187 : i32 to index
        %swap3A_531 = arith.constant 384 : index
        %swap3A_532 = tpu.vector_load %arg9[%swap3A_530, %swap3A_531] {strides = array<i32>} : memref<16x1024xf32, #tpu.memory_space<vmem>>, vector<1x16xf32>,
        %swap3A_533 = vector.shape_cast %swap3A_532 : vector<1x16xf32> to vector<16xf32>
        %swap3A_534 = vector.shape_cast %mul3A_480 : vector<16xf32> to vector<1x16xf32>
        tpu.vector_store %arg9[%swap3A_530, %swap3A_531], %swap3A_534 {strides = array<i32>} : memref<16x1024xf32, #tpu.memory_space<vmem>>, vector<1x16xf32>,
        %swap3A_535 = arith.index_cast %add3A_187 : i32 to index
        %swap3A_536 = arith.constant 400 : index
        %swap3A_537 = tpu.vector_load %arg9[%swap3A_535, %swap3A_536] {strides = array<i32>} : memref<16x1024xf32, #tpu.memory_space<vmem>>, vector<1x16xf32>,
        %swap3A_538 = vector.shape_cast %swap3A_537 : vector<1x16xf32> to vector<16xf32>
        %swap3A_539 = vector.shape_cast %mul3A_487 : vector<16xf32> to vector<1x16xf32>
        tpu.vector_store %arg9[%swap3A_535, %swap3A_536], %swap3A_539 {strides = array<i32>} : memref<16x1024xf32, #tpu.memory_space<vmem>>, vector<1x16xf32>,
        %swap3A_540 = arith.index_cast %add3A_187 : i32 to index
        %swap3A_541 = arith.constant 416 : index
        %swap3A_542 = tpu.vector_load %arg9[%swap3A_540, %swap3A_541] {strides = array<i32>} : memref<16x1024xf32, #tpu.memory_space<vmem>>, vector<1x16xf32>,
        %swap3A_543 = vector.shape_cast %swap3A_542 : vector<1x16xf32> to vector<16xf32>
        %swap3A_544 = vector.shape_cast %mul3A_494 : vector<16xf32> to vector<1x16xf32>
        tpu.vector_store %arg9[%swap3A_540, %swap3A_541], %swap3A_544 {strides = array<i32>} : memref<16x1024xf32, #tpu.memory_space<vmem>>, vector<1x16xf32>,
        %swap3A_545 = arith.index_cast %add3A_187 : i32 to index
        %swap3A_546 = arith.constant 432 : index
        %swap3A_547 = tpu.vector_load %arg9[%swap3A_545, %swap3A_546] {strides = array<i32>} : memref<16x1024xf32, #tpu.memory_space<vmem>>, vector<1x16xf32>,
        %swap3A_548 = vector.shape_cast %swap3A_547 : vector<1x16xf32> to vector<16xf32>
        %swap3A_549 = vector.shape_cast %mul3A_501 : vector<16xf32> to vector<1x16xf32>
        tpu.vector_store %arg9[%swap3A_545, %swap3A_546], %swap3A_549 {strides = array<i32>} : memref<16x1024xf32, #tpu.memory_space<vmem>>, vector<1x16xf32>,
        %swap3A_550 = arith.index_cast %add3A_187 : i32 to index
        %swap3A_551 = arith.constant 448 : index
        %swap3A_552 = tpu.vector_load %arg9[%swap3A_550, %swap3A_551] {strides = array<i32>} : memref<16x1024xf32, #tpu.memory_space<vmem>>, vector<1x16xf32>,
        %swap3A_553 = vector.shape_cast %swap3A_552 : vector<1x16xf32> to vector<16xf32>
        %swap3A_554 = vector.shape_cast %mul3A_508 : vector<16xf32> to vector<1x16xf32>
        tpu.vector_store %arg9[%swap3A_550, %swap3A_551], %swap3A_554 {strides = array<i32>} : memref<16x1024xf32, #tpu.memory_space<vmem>>, vector<1x16xf32>,
        %swap3A_555 = arith.index_cast %add3A_187 : i32 to index
        %swap3A_556 = arith.constant 464 : index
        %swap3A_557 = tpu.vector_load %arg9[%swap3A_555, %swap3A_556] {strides = array<i32>} : memref<16x1024xf32, #tpu.memory_space<vmem>>, vector<1x16xf32>,
        %swap3A_558 = vector.shape_cast %swap3A_557 : vector<1x16xf32> to vector<16xf32>
        %swap3A_559 = vector.shape_cast %mul3A_515 : vector<16xf32> to vector<1x16xf32>
        tpu.vector_store %arg9[%swap3A_555, %swap3A_556], %swap3A_559 {strides = array<i32>} : memref<16x1024xf32, #tpu.memory_space<vmem>>, vector<1x16xf32>,
        %swap3A_560 = arith.index_cast %add3A_187 : i32 to index
        %swap3A_561 = arith.constant 480 : index
        %swap3A_562 = tpu.vector_load %arg9[%swap3A_560, %swap3A_561] {strides = array<i32>} : memref<16x1024xf32, #tpu.memory_space<vmem>>, vector<1x16xf32>,
        %swap3A_563 = vector.shape_cast %swap3A_562 : vector<1x16xf32> to vector<16xf32>
        %swap3A_564 = vector.shape_cast %mul3A_522 : vector<16xf32> to vector<1x16xf32>
        tpu.vector_store %arg9[%swap3A_560, %swap3A_561], %swap3A_564 {strides = array<i32>} : memref<16x1024xf32, #tpu.memory_space<vmem>>, vector<1x16xf32>,
        %swap3A_565 = arith.index_cast %add3A_187 : i32 to index
        %swap3A_566 = arith.constant 496 : index
        %swap3A_567 = tpu.vector_load %arg9[%swap3A_565, %swap3A_566] {strides = array<i32>} : memref<16x1024xf32, #tpu.memory_space<vmem>>, vector<1x16xf32>,
        %swap3A_568 = vector.shape_cast %swap3A_567 : vector<1x16xf32> to vector<16xf32>
        %swap3A_569 = vector.shape_cast %mul3A_529 : vector<16xf32> to vector<1x16xf32>
        tpu.vector_store %arg9[%swap3A_565, %swap3A_566], %swap3A_569 {strides = array<i32>} : memref<16x1024xf32, #tpu.memory_space<vmem>>, vector<1x16xf32>,
        %get3A_570 = arith.index_cast %add3A_187 : i32 to index
        %get3A_571 = arith.constant 512 : index
        %get3A_572 = tpu.vector_load %arg9[%get3A_570, %get3A_571] {strides = array<i32>} : memref<16x1024xf32, #tpu.memory_space<vmem>>, vector<1x16xf32>,
        %get3A_573 = vector.shape_cast %get3A_572 : vector<1x16xf32> to vector<16xf32>
        %mul3A_574 = arith.constant 3.200000e+01 : f32
        %mul3A_575 = vector.broadcast %mul3A_574 : f32 to vector<16xf32>
        %mul3A_576 = arith.mulf %get3A_573, %mul3A_575 : vector<16xf32>
        %get3A_577 = arith.index_cast %add3A_187 : i32 to index
        %get3A_578 = arith.constant 528 : index
        %get3A_579 = tpu.vector_load %arg9[%get3A_577, %get3A_578] {strides = array<i32>} : memref<16x1024xf32, #tpu.memory_space<vmem>>, vector<1x16xf32>,
        %get3A_580 = vector.shape_cast %get3A_579 : vector<1x16xf32> to vector<16xf32>
        %mul3A_581 = arith.constant 3.200000e+01 : f32
        %mul3A_582 = vector.broadcast %mul3A_581 : f32 to vector<16xf32>
        %mul3A_583 = arith.mulf %get3A_580, %mul3A_582 : vector<16xf32>
        %get3A_584 = arith.index_cast %add3A_187 : i32 to index
        %get3A_585 = arith.constant 544 : index
        %get3A_586 = tpu.vector_load %arg9[%get3A_584, %get3A_585] {strides = array<i32>} : memref<16x1024xf32, #tpu.memory_space<vmem>>, vector<1x16xf32>,
        %get3A_587 = vector.shape_cast %get3A_586 : vector<1x16xf32> to vector<16xf32>
        %mul3A_588 = arith.constant 3.200000e+01 : f32
        %mul3A_589 = vector.broadcast %mul3A_588 : f32 to vector<16xf32>
        %mul3A_590 = arith.mulf %get3A_587, %mul3A_589 : vector<16xf32>
        %get3A_591 = arith.index_cast %add3A_187 : i32 to index
        %get3A_592 = arith.constant 560 : index
        %get3A_593 = tpu.vector_load %arg9[%get3A_591, %get3A_592] {strides = array<i32>} : memref<16x1024xf32, #tpu.memory_space<vmem>>, vector<1x16xf32>,
        %get3A_594 = vector.shape_cast %get3A_593 : vector<1x16xf32> to vector<16xf32>
        %mul3A_595 = arith.constant 3.200000e+01 : f32
        %mul3A_596 = vector.broadcast %mul3A_595 : f32 to vector<16xf32>
        %mul3A_597 = arith.mulf %get3A_594, %mul3A_596 : vector<16xf32>
        %get3A_598 = arith.index_cast %add3A_187 : i32 to index
        %get3A_599 = arith.constant 576 : index
        %get3A_600 = tpu.vector_load %arg9[%get3A_598, %get3A_599] {strides = array<i32>} : memref<16x1024xf32, #tpu.memory_space<vmem>>, vector<1x16xf32>,
        %get3A_601 = vector.shape_cast %get3A_600 : vector<1x16xf32> to vector<16xf32>
        %mul3A_602 = arith.constant 3.200000e+01 : f32
        %mul3A_603 = vector.broadcast %mul3A_602 : f32 to vector<16xf32>
        %mul3A_604 = arith.mulf %get3A_601, %mul3A_603 : vector<16xf32>
        %get3A_605 = arith.index_cast %add3A_187 : i32 to index
        %get3A_606 = arith.constant 592 : index
        %get3A_607 = tpu.vector_load %arg9[%get3A_605, %get3A_606] {strides = array<i32>} : memref<16x1024xf32, #tpu.memory_space<vmem>>, vector<1x16xf32>,
        %get3A_608 = vector.shape_cast %get3A_607 : vector<1x16xf32> to vector<16xf32>
        %mul3A_609 = arith.constant 3.200000e+01 : f32
        %mul3A_610 = vector.broadcast %mul3A_609 : f32 to vector<16xf32>
        %mul3A_611 = arith.mulf %get3A_608, %mul3A_610 : vector<16xf32>
        %get3A_612 = arith.index_cast %add3A_187 : i32 to index
        %get3A_613 = arith.constant 608 : index
        %get3A_614 = tpu.vector_load %arg9[%get3A_612, %get3A_613] {strides = array<i32>} : memref<16x1024xf32, #tpu.memory_space<vmem>>, vector<1x16xf32>,
        %get3A_615 = vector.shape_cast %get3A_614 : vector<1x16xf32> to vector<16xf32>
        %mul3A_616 = arith.constant 3.200000e+01 : f32
        %mul3A_617 = vector.broadcast %mul3A_616 : f32 to vector<16xf32>
        %mul3A_618 = arith.mulf %get3A_615, %mul3A_617 : vector<16xf32>
        %get3A_619 = arith.index_cast %add3A_187 : i32 to index
        %get3A_620 = arith.constant 624 : index
        %get3A_621 = tpu.vector_load %arg9[%get3A_619, %get3A_620] {strides = array<i32>} : memref<16x1024xf32, #tpu.memory_space<vmem>>, vector<1x16xf32>,
        %get3A_622 = vector.shape_cast %get3A_621 : vector<1x16xf32> to vector<16xf32>
        %mul3A_623 = arith.constant 3.200000e+01 : f32
        %mul3A_624 = vector.broadcast %mul3A_623 : f32 to vector<16xf32>
        %mul3A_625 = arith.mulf %get3A_622, %mul3A_624 : vector<16xf32>
        %swap3A_626 = arith.index_cast %add3A_187 : i32 to index
        %swap3A_627 = arith.constant 512 : index
        %swap3A_628 = tpu.vector_load %arg9[%swap3A_626, %swap3A_627] {strides = array<i32>} : memref<16x1024xf32, #tpu.memory_space<vmem>>, vector<1x16xf32>,
        %swap3A_629 = vector.shape_cast %swap3A_628 : vector<1x16xf32> to vector<16xf32>
        %swap3A_630 = vector.shape_cast %mul3A_576 : vector<16xf32> to vector<1x16xf32>
        tpu.vector_store %arg9[%swap3A_626, %swap3A_627], %swap3A_630 {strides = array<i32>} : memref<16x1024xf32, #tpu.memory_space<vmem>>, vector<1x16xf32>,
        %swap3A_631 = arith.index_cast %add3A_187 : i32 to index
        %swap3A_632 = arith.constant 528 : index
        %swap3A_633 = tpu.vector_load %arg9[%swap3A_631, %swap3A_632] {strides = array<i32>} : memref<16x1024xf32, #tpu.memory_space<vmem>>, vector<1x16xf32>,
        %swap3A_634 = vector.shape_cast %swap3A_633 : vector<1x16xf32> to vector<16xf32>
        %swap3A_635 = vector.shape_cast %mul3A_583 : vector<16xf32> to vector<1x16xf32>
        tpu.vector_store %arg9[%swap3A_631, %swap3A_632], %swap3A_635 {strides = array<i32>} : memref<16x1024xf32, #tpu.memory_space<vmem>>, vector<1x16xf32>,
        %swap3A_636 = arith.index_cast %add3A_187 : i32 to index
        %swap3A_637 = arith.constant 544 : index
        %swap3A_638 = tpu.vector_load %arg9[%swap3A_636, %swap3A_637] {strides = array<i32>} : memref<16x1024xf32, #tpu.memory_space<vmem>>, vector<1x16xf32>,
        %swap3A_639 = vector.shape_cast %swap3A_638 : vector<1x16xf32> to vector<16xf32>
        %swap3A_640 = vector.shape_cast %mul3A_590 : vector<16xf32> to vector<1x16xf32>
        tpu.vector_store %arg9[%swap3A_636, %swap3A_637], %swap3A_640 {strides = array<i32>} : memref<16x1024xf32, #tpu.memory_space<vmem>>, vector<1x16xf32>,
        %swap3A_641 = arith.index_cast %add3A_187 : i32 to index
        %swap3A_642 = arith.constant 560 : index
        %swap3A_643 = tpu.vector_load %arg9[%swap3A_641, %swap3A_642] {strides = array<i32>} : memref<16x1024xf32, #tpu.memory_space<vmem>>, vector<1x16xf32>,
        %swap3A_644 = vector.shape_cast %swap3A_643 : vector<1x16xf32> to vector<16xf32>
        %swap3A_645 = vector.shape_cast %mul3A_597 : vector<16xf32> to vector<1x16xf32>
        tpu.vector_store %arg9[%swap3A_641, %swap3A_642], %swap3A_645 {strides = array<i32>} : memref<16x1024xf32, #tpu.memory_space<vmem>>, vector<1x16xf32>,
        %swap3A_646 = arith.index_cast %add3A_187 : i32 to index
        %swap3A_647 = arith.constant 576 : index
        %swap3A_648 = tpu.vector_load %arg9[%swap3A_646, %swap3A_647] {strides = array<i32>} : memref<16x1024xf32, #tpu.memory_space<vmem>>, vector<1x16xf32>,
        %swap3A_649 = vector.shape_cast %swap3A_648 : vector<1x16xf32> to vector<16xf32>
        %swap3A_650 = vector.shape_cast %mul3A_604 : vector<16xf32> to vector<1x16xf32>
        tpu.vector_store %arg9[%swap3A_646, %swap3A_647], %swap3A_650 {strides = array<i32>} : memref<16x1024xf32, #tpu.memory_space<vmem>>, vector<1x16xf32>,
        %swap3A_651 = arith.index_cast %add3A_187 : i32 to index
        %swap3A_652 = arith.constant 592 : index
        %swap3A_653 = tpu.vector_load %arg9[%swap3A_651, %swap3A_652] {strides = array<i32>} : memref<16x1024xf32, #tpu.memory_space<vmem>>, vector<1x16xf32>,
        %swap3A_654 = vector.shape_cast %swap3A_653 : vector<1x16xf32> to vector<16xf32>
        %swap3A_655 = vector.shape_cast %mul3A_611 : vector<16xf32> to vector<1x16xf32>
        tpu.vector_store %arg9[%swap3A_651, %swap3A_652], %swap3A_655 {strides = array<i32>} : memref<16x1024xf32, #tpu.memory_space<vmem>>, vector<1x16xf32>,
        %swap3A_656 = arith.index_cast %add3A_187 : i32 to index
        %swap3A_657 = arith.constant 608 : index
        %swap3A_658 = tpu.vector_load %arg9[%swap3A_656, %swap3A_657] {strides = array<i32>} : memref<16x1024xf32, #tpu.memory_space<vmem>>, vector<1x16xf32>,
        %swap3A_659 = vector.shape_cast %swap3A_658 : vector<1x16xf32> to vector<16xf32>
        %swap3A_660 = vector.shape_cast %mul3A_618 : vector<16xf32> to vector<1x16xf32>
        tpu.vector_store %arg9[%swap3A_656, %swap3A_657], %swap3A_660 {strides = array<i32>} : memref<16x1024xf32, #tpu.memory_space<vmem>>, vector<1x16xf32>,
        %swap3A_661 = arith.index_cast %add3A_187 : i32 to index
        %swap3A_662 = arith.constant 624 : index
        %swap3A_663 = tpu.vector_load %arg9[%swap3A_661, %swap3A_662] {strides = array<i32>} : memref<16x1024xf32, #tpu.memory_space<vmem>>, vector<1x16xf32>,
        %swap3A_664 = vector.shape_cast %swap3A_663 : vector<1x16xf32> to vector<16xf32>
        %swap3A_665 = vector.shape_cast %mul3A_625 : vector<16xf32> to vector<1x16xf32>
        tpu.vector_store %arg9[%swap3A_661, %swap3A_662], %swap3A_665 {strides = array<i32>} : memref<16x1024xf32, #tpu.memory_space<vmem>>, vector<1x16xf32>,
        %get3A_666 = arith.index_cast %add3A_187 : i32 to index
        %get3A_667 = arith.constant 640 : index
        %get3A_668 = tpu.vector_load %arg9[%get3A_666, %get3A_667] {strides = array<i32>} : memref<16x1024xf32, #tpu.memory_space<vmem>>, vector<1x16xf32>,
        %get3A_669 = vector.shape_cast %get3A_668 : vector<1x16xf32> to vector<16xf32>
        %mul3A_670 = arith.constant 3.200000e+01 : f32
        %mul3A_671 = vector.broadcast %mul3A_670 : f32 to vector<16xf32>
        %mul3A_672 = arith.mulf %get3A_669, %mul3A_671 : vector<16xf32>
        %get3A_673 = arith.index_cast %add3A_187 : i32 to index
        %get3A_674 = arith.constant 656 : index
        %get3A_675 = tpu.vector_load %arg9[%get3A_673, %get3A_674] {strides = array<i32>} : memref<16x1024xf32, #tpu.memory_space<vmem>>, vector<1x16xf32>,
        %get3A_676 = vector.shape_cast %get3A_675 : vector<1x16xf32> to vector<16xf32>
        %mul3A_677 = arith.constant 3.200000e+01 : f32
        %mul3A_678 = vector.broadcast %mul3A_677 : f32 to vector<16xf32>
        %mul3A_679 = arith.mulf %get3A_676, %mul3A_678 : vector<16xf32>
        %get3A_680 = arith.index_cast %add3A_187 : i32 to index
        %get3A_681 = arith.constant 672 : index
        %get3A_682 = tpu.vector_load %arg9[%get3A_680, %get3A_681] {strides = array<i32>} : memref<16x1024xf32, #tpu.memory_space<vmem>>, vector<1x16xf32>,
        %get3A_683 = vector.shape_cast %get3A_682 : vector<1x16xf32> to vector<16xf32>
        %mul3A_684 = arith.constant 3.200000e+01 : f32
        %mul3A_685 = vector.broadcast %mul3A_684 : f32 to vector<16xf32>
        %mul3A_686 = arith.mulf %get3A_683, %mul3A_685 : vector<16xf32>
        %get3A_687 = arith.index_cast %add3A_187 : i32 to index
        %get3A_688 = arith.constant 688 : index
        %get3A_689 = tpu.vector_load %arg9[%get3A_687, %get3A_688] {strides = array<i32>} : memref<16x1024xf32, #tpu.memory_space<vmem>>, vector<1x16xf32>,
        %get3A_690 = vector.shape_cast %get3A_689 : vector<1x16xf32> to vector<16xf32>
        %mul3A_691 = arith.constant 3.200000e+01 : f32
        %mul3A_692 = vector.broadcast %mul3A_691 : f32 to vector<16xf32>
        %mul3A_693 = arith.mulf %get3A_690, %mul3A_692 : vector<16xf32>
        %get3A_694 = arith.index_cast %add3A_187 : i32 to index
        %get3A_695 = arith.constant 704 : index
        %get3A_696 = tpu.vector_load %arg9[%get3A_694, %get3A_695] {strides = array<i32>} : memref<16x1024xf32, #tpu.memory_space<vmem>>, vector<1x16xf32>,
        %get3A_697 = vector.shape_cast %get3A_696 : vector<1x16xf32> to vector<16xf32>
        %mul3A_698 = arith.constant 3.200000e+01 : f32
        %mul3A_699 = vector.broadcast %mul3A_698 : f32 to vector<16xf32>
        %mul3A_700 = arith.mulf %get3A_697, %mul3A_699 : vector<16xf32>
        %get3A_701 = arith.index_cast %add3A_187 : i32 to index
        %get3A_702 = arith.constant 720 : index
        %get3A_703 = tpu.vector_load %arg9[%get3A_701, %get3A_702] {strides = array<i32>} : memref<16x1024xf32, #tpu.memory_space<vmem>>, vector<1x16xf32>,
        %get3A_704 = vector.shape_cast %get3A_703 : vector<1x16xf32> to vector<16xf32>
        %mul3A_705 = arith.constant 3.200000e+01 : f32
        %mul3A_706 = vector.broadcast %mul3A_705 : f32 to vector<16xf32>
        %mul3A_707 = arith.mulf %get3A_704, %mul3A_706 : vector<16xf32>
        %get3A_708 = arith.index_cast %add3A_187 : i32 to index
        %get3A_709 = arith.constant 736 : index
        %get3A_710 = tpu.vector_load %arg9[%get3A_708, %get3A_709] {strides = array<i32>} : memref<16x1024xf32, #tpu.memory_space<vmem>>, vector<1x16xf32>,
        %get3A_711 = vector.shape_cast %get3A_710 : vector<1x16xf32> to vector<16xf32>
        %mul3A_712 = arith.constant 3.200000e+01 : f32
        %mul3A_713 = vector.broadcast %mul3A_712 : f32 to vector<16xf32>
        %mul3A_714 = arith.mulf %get3A_711, %mul3A_713 : vector<16xf32>
        %get3A_715 = arith.index_cast %add3A_187 : i32 to index
        %get3A_716 = arith.constant 752 : index
        %get3A_717 = tpu.vector_load %arg9[%get3A_715, %get3A_716] {strides = array<i32>} : memref<16x1024xf32, #tpu.memory_space<vmem>>, vector<1x16xf32>,
        %get3A_718 = vector.shape_cast %get3A_717 : vector<1x16xf32> to vector<16xf32>
        %mul3A_719 = arith.constant 3.200000e+01 : f32
        %mul3A_720 = vector.broadcast %mul3A_719 : f32 to vector<16xf32>
        %mul3A_721 = arith.mulf %get3A_718, %mul3A_720 : vector<16xf32>
        %swap3A_722 = arith.index_cast %add3A_187 : i32 to index
        %swap3A_723 = arith.constant 640 : index
        %swap3A_724 = tpu.vector_load %arg9[%swap3A_722, %swap3A_723] {strides = array<i32>} : memref<16x1024xf32, #tpu.memory_space<vmem>>, vector<1x16xf32>,
        %swap3A_725 = vector.shape_cast %swap3A_724 : vector<1x16xf32> to vector<16xf32>
        %swap3A_726 = vector.shape_cast %mul3A_672 : vector<16xf32> to vector<1x16xf32>
        tpu.vector_store %arg9[%swap3A_722, %swap3A_723], %swap3A_726 {strides = array<i32>} : memref<16x1024xf32, #tpu.memory_space<vmem>>, vector<1x16xf32>,
        %swap3A_727 = arith.index_cast %add3A_187 : i32 to index
        %swap3A_728 = arith.constant 656 : index
        %swap3A_729 = tpu.vector_load %arg9[%swap3A_727, %swap3A_728] {strides = array<i32>} : memref<16x1024xf32, #tpu.memory_space<vmem>>, vector<1x16xf32>,
        %swap3A_730 = vector.shape_cast %swap3A_729 : vector<1x16xf32> to vector<16xf32>
        %swap3A_731 = vector.shape_cast %mul3A_679 : vector<16xf32> to vector<1x16xf32>
        tpu.vector_store %arg9[%swap3A_727, %swap3A_728], %swap3A_731 {strides = array<i32>} : memref<16x1024xf32, #tpu.memory_space<vmem>>, vector<1x16xf32>,
        %swap3A_732 = arith.index_cast %add3A_187 : i32 to index
        %swap3A_733 = arith.constant 672 : index
        %swap3A_734 = tpu.vector_load %arg9[%swap3A_732, %swap3A_733] {strides = array<i32>} : memref<16x1024xf32, #tpu.memory_space<vmem>>, vector<1x16xf32>,
        %swap3A_735 = vector.shape_cast %swap3A_734 : vector<1x16xf32> to vector<16xf32>
        %swap3A_736 = vector.shape_cast %mul3A_686 : vector<16xf32> to vector<1x16xf32>
        tpu.vector_store %arg9[%swap3A_732, %swap3A_733], %swap3A_736 {strides = array<i32>} : memref<16x1024xf32, #tpu.memory_space<vmem>>, vector<1x16xf32>,
        %swap3A_737 = arith.index_cast %add3A_187 : i32 to index
        %swap3A_738 = arith.constant 688 : index
        %swap3A_739 = tpu.vector_load %arg9[%swap3A_737, %swap3A_738] {strides = array<i32>} : memref<16x1024xf32, #tpu.memory_space<vmem>>, vector<1x16xf32>,
        %swap3A_740 = vector.shape_cast %swap3A_739 : vector<1x16xf32> to vector<16xf32>
        %swap3A_741 = vector.shape_cast %mul3A_693 : vector<16xf32> to vector<1x16xf32>
        tpu.vector_store %arg9[%swap3A_737, %swap3A_738], %swap3A_741 {strides = array<i32>} : memref<16x1024xf32, #tpu.memory_space<vmem>>, vector<1x16xf32>,
        %swap3A_742 = arith.index_cast %add3A_187 : i32 to index
        %swap3A_743 = arith.constant 704 : index
        %swap3A_744 = tpu.vector_load %arg9[%swap3A_742, %swap3A_743] {strides = array<i32>} : memref<16x1024xf32, #tpu.memory_space<vmem>>, vector<1x16xf32>,
        %swap3A_745 = vector.shape_cast %swap3A_744 : vector<1x16xf32> to vector<16xf32>
        %swap3A_746 = vector.shape_cast %mul3A_700 : vector<16xf32> to vector<1x16xf32>
        tpu.vector_store %arg9[%swap3A_742, %swap3A_743], %swap3A_746 {strides = array<i32>} : memref<16x1024xf32, #tpu.memory_space<vmem>>, vector<1x16xf32>,
        %swap3A_747 = arith.index_cast %add3A_187 : i32 to index
        %swap3A_748 = arith.constant 720 : index
        %swap3A_749 = tpu.vector_load %arg9[%swap3A_747, %swap3A_748] {strides = array<i32>} : memref<16x1024xf32, #tpu.memory_space<vmem>>, vector<1x16xf32>,
        %swap3A_750 = vector.shape_cast %swap3A_749 : vector<1x16xf32> to vector<16xf32>
        %swap3A_751 = vector.shape_cast %mul3A_707 : vector<16xf32> to vector<1x16xf32>
        tpu.vector_store %arg9[%swap3A_747, %swap3A_748], %swap3A_751 {strides = array<i32>} : memref<16x1024xf32, #tpu.memory_space<vmem>>, vector<1x16xf32>,
        %swap3A_752 = arith.index_cast %add3A_187 : i32 to index
        %swap3A_753 = arith.constant 736 : index
        %swap3A_754 = tpu.vector_load %arg9[%swap3A_752, %swap3A_753] {strides = array<i32>} : memref<16x1024xf32, #tpu.memory_space<vmem>>, vector<1x16xf32>,
        %swap3A_755 = vector.shape_cast %swap3A_754 : vector<1x16xf32> to vector<16xf32>
        %swap3A_756 = vector.shape_cast %mul3A_714 : vector<16xf32> to vector<1x16xf32>
        tpu.vector_store %arg9[%swap3A_752, %swap3A_753], %swap3A_756 {strides = array<i32>} : memref<16x1024xf32, #tpu.memory_space<vmem>>, vector<1x16xf32>,
        %swap3A_757 = arith.index_cast %add3A_187 : i32 to index
        %swap3A_758 = arith.constant 752 : index
        %swap3A_759 = tpu.vector_load %arg9[%swap3A_757, %swap3A_758] {strides = array<i32>} : memref<16x1024xf32, #tpu.memory_space<vmem>>, vector<1x16xf32>,
        %swap3A_760 = vector.shape_cast %swap3A_759 : vector<1x16xf32> to vector<16xf32>
        %swap3A_761 = vector.shape_cast %mul3A_721 : vector<16xf32> to vector<1x16xf32>
        tpu.vector_store %arg9[%swap3A_757, %swap3A_758], %swap3A_761 {strides = array<i32>} : memref<16x1024xf32, #tpu.memory_space<vmem>>, vector<1x16xf32>,
        %get3A_762 = arith.index_cast %add3A_187 : i32 to index
        %get3A_763 = arith.constant 768 : index
        %get3A_764 = tpu.vector_load %arg9[%get3A_762, %get3A_763] {strides = array<i32>} : memref<16x1024xf32, #tpu.memory_space<vmem>>, vector<1x16xf32>,
        %get3A_765 = vector.shape_cast %get3A_764 : vector<1x16xf32> to vector<16xf32>
        %mul3A_766 = arith.constant 3.200000e+01 : f32
        %mul3A_767 = vector.broadcast %mul3A_766 : f32 to vector<16xf32>
        %mul3A_768 = arith.mulf %get3A_765, %mul3A_767 : vector<16xf32>
        %get3A_769 = arith.index_cast %add3A_187 : i32 to index
        %get3A_770 = arith.constant 784 : index
        %get3A_771 = tpu.vector_load %arg9[%get3A_769, %get3A_770] {strides = array<i32>} : memref<16x1024xf32, #tpu.memory_space<vmem>>, vector<1x16xf32>,
        %get3A_772 = vector.shape_cast %get3A_771 : vector<1x16xf32> to vector<16xf32>
        %mul3A_773 = arith.constant 3.200000e+01 : f32
        %mul3A_774 = vector.broadcast %mul3A_773 : f32 to vector<16xf32>
        %mul3A_775 = arith.mulf %get3A_772, %mul3A_774 : vector<16xf32>
        %get3A_776 = arith.index_cast %add3A_187 : i32 to index
        %get3A_777 = arith.constant 800 : index
        %get3A_778 = tpu.vector_load %arg9[%get3A_776, %get3A_777] {strides = array<i32>} : memref<16x1024xf32, #tpu.memory_space<vmem>>, vector<1x16xf32>,
        %get3A_779 = vector.shape_cast %get3A_778 : vector<1x16xf32> to vector<16xf32>
        %mul3A_780 = arith.constant 3.200000e+01 : f32
        %mul3A_781 = vector.broadcast %mul3A_780 : f32 to vector<16xf32>
        %mul3A_782 = arith.mulf %get3A_779, %mul3A_781 : vector<16xf32>
        %get3A_783 = arith.index_cast %add3A_187 : i32 to index
        %get3A_784 = arith.constant 816 : index
        %get3A_785 = tpu.vector_load %arg9[%get3A_783, %get3A_784] {strides = array<i32>} : memref<16x1024xf32, #tpu.memory_space<vmem>>, vector<1x16xf32>,
        %get3A_786 = vector.shape_cast %get3A_785 : vector<1x16xf32> to vector<16xf32>
        %mul3A_787 = arith.constant 3.200000e+01 : f32
        %mul3A_788 = vector.broadcast %mul3A_787 : f32 to vector<16xf32>
        %mul3A_789 = arith.mulf %get3A_786, %mul3A_788 : vector<16xf32>
        %get3A_790 = arith.index_cast %add3A_187 : i32 to index
        %get3A_791 = arith.constant 832 : index
        %get3A_792 = tpu.vector_load %arg9[%get3A_790, %get3A_791] {strides = array<i32>} : memref<16x1024xf32, #tpu.memory_space<vmem>>, vector<1x16xf32>,
        %get3A_793 = vector.shape_cast %get3A_792 : vector<1x16xf32> to vector<16xf32>
        %mul3A_794 = arith.constant 3.200000e+01 : f32
        %mul3A_795 = vector.broadcast %mul3A_794 : f32 to vector<16xf32>
        %mul3A_796 = arith.mulf %get3A_793, %mul3A_795 : vector<16xf32>
        %get3A_797 = arith.index_cast %add3A_187 : i32 to index
        %get3A_798 = arith.constant 848 : index
        %get3A_799 = tpu.vector_load %arg9[%get3A_797, %get3A_798] {strides = array<i32>} : memref<16x1024xf32, #tpu.memory_space<vmem>>, vector<1x16xf32>,
        %get3A_800 = vector.shape_cast %get3A_799 : vector<1x16xf32> to vector<16xf32>
        %mul3A_801 = arith.constant 3.200000e+01 : f32
        %mul3A_802 = vector.broadcast %mul3A_801 : f32 to vector<16xf32>
        %mul3A_803 = arith.mulf %get3A_800, %mul3A_802 : vector<16xf32>
        %get3A_804 = arith.index_cast %add3A_187 : i32 to index
        %get3A_805 = arith.constant 864 : index
        %get3A_806 = tpu.vector_load %arg9[%get3A_804, %get3A_805] {strides = array<i32>} : memref<16x1024xf32, #tpu.memory_space<vmem>>, vector<1x16xf32>,
        %get3A_807 = vector.shape_cast %get3A_806 : vector<1x16xf32> to vector<16xf32>
        %mul3A_808 = arith.constant 3.200000e+01 : f32
        %mul3A_809 = vector.broadcast %mul3A_808 : f32 to vector<16xf32>
        %mul3A_810 = arith.mulf %get3A_807, %mul3A_809 : vector<16xf32>
        %get3A_811 = arith.index_cast %add3A_187 : i32 to index
        %get3A_812 = arith.constant 880 : index
        %get3A_813 = tpu.vector_load %arg9[%get3A_811, %get3A_812] {strides = array<i32>} : memref<16x1024xf32, #tpu.memory_space<vmem>>, vector<1x16xf32>,
        %get3A_814 = vector.shape_cast %get3A_813 : vector<1x16xf32> to vector<16xf32>
        %mul3A_815 = arith.constant 3.200000e+01 : f32
        %mul3A_816 = vector.broadcast %mul3A_815 : f32 to vector<16xf32>
        %mul3A_817 = arith.mulf %get3A_814, %mul3A_816 : vector<16xf32>
        %swap3A_818 = arith.index_cast %add3A_187 : i32 to index
        %swap3A_819 = arith.constant 768 : index
        %swap3A_820 = tpu.vector_load %arg9[%swap3A_818, %swap3A_819] {strides = array<i32>} : memref<16x1024xf32, #tpu.memory_space<vmem>>, vector<1x16xf32>,
        %swap3A_821 = vector.shape_cast %swap3A_820 : vector<1x16xf32> to vector<16xf32>
        %swap3A_822 = vector.shape_cast %mul3A_768 : vector<16xf32> to vector<1x16xf32>
        tpu.vector_store %arg9[%swap3A_818, %swap3A_819], %swap3A_822 {strides = array<i32>} : memref<16x1024xf32, #tpu.memory_space<vmem>>, vector<1x16xf32>,
        %swap3A_823 = arith.index_cast %add3A_187 : i32 to index
        %swap3A_824 = arith.constant 784 : index
        %swap3A_825 = tpu.vector_load %arg9[%swap3A_823, %swap3A_824] {strides = array<i32>} : memref<16x1024xf32, #tpu.memory_space<vmem>>, vector<1x16xf32>,
        %swap3A_826 = vector.shape_cast %swap3A_825 : vector<1x16xf32> to vector<16xf32>
        %swap3A_827 = vector.shape_cast %mul3A_775 : vector<16xf32> to vector<1x16xf32>
        tpu.vector_store %arg9[%swap3A_823, %swap3A_824], %swap3A_827 {strides = array<i32>} : memref<16x1024xf32, #tpu.memory_space<vmem>>, vector<1x16xf32>,
        %swap3A_828 = arith.index_cast %add3A_187 : i32 to index
        %swap3A_829 = arith.constant 800 : index
        %swap3A_830 = tpu.vector_load %arg9[%swap3A_828, %swap3A_829] {strides = array<i32>} : memref<16x1024xf32, #tpu.memory_space<vmem>>, vector<1x16xf32>,
        %swap3A_831 = vector.shape_cast %swap3A_830 : vector<1x16xf32> to vector<16xf32>
        %swap3A_832 = vector.shape_cast %mul3A_782 : vector<16xf32> to vector<1x16xf32>
        tpu.vector_store %arg9[%swap3A_828, %swap3A_829], %swap3A_832 {strides = array<i32>} : memref<16x1024xf32, #tpu.memory_space<vmem>>, vector<1x16xf32>,
        %swap3A_833 = arith.index_cast %add3A_187 : i32 to index
        %swap3A_834 = arith.constant 816 : index
        %swap3A_835 = tpu.vector_load %arg9[%swap3A_833, %swap3A_834] {strides = array<i32>} : memref<16x1024xf32, #tpu.memory_space<vmem>>, vector<1x16xf32>,
        %swap3A_836 = vector.shape_cast %swap3A_835 : vector<1x16xf32> to vector<16xf32>
        %swap3A_837 = vector.shape_cast %mul3A_789 : vector<16xf32> to vector<1x16xf32>
        tpu.vector_store %arg9[%swap3A_833, %swap3A_834], %swap3A_837 {strides = array<i32>} : memref<16x1024xf32, #tpu.memory_space<vmem>>, vector<1x16xf32>,
        %swap3A_838 = arith.index_cast %add3A_187 : i32 to index
        %swap3A_839 = arith.constant 832 : index
        %swap3A_840 = tpu.vector_load %arg9[%swap3A_838, %swap3A_839] {strides = array<i32>} : memref<16x1024xf32, #tpu.memory_space<vmem>>, vector<1x16xf32>,
        %swap3A_841 = vector.shape_cast %swap3A_840 : vector<1x16xf32> to vector<16xf32>
        %swap3A_842 = vector.shape_cast %mul3A_796 : vector<16xf32> to vector<1x16xf32>
        tpu.vector_store %arg9[%swap3A_838, %swap3A_839], %swap3A_842 {strides = array<i32>} : memref<16x1024xf32, #tpu.memory_space<vmem>>, vector<1x16xf32>,
        %swap3A_843 = arith.index_cast %add3A_187 : i32 to index
        %swap3A_844 = arith.constant 848 : index
        %swap3A_845 = tpu.vector_load %arg9[%swap3A_843, %swap3A_844] {strides = array<i32>} : memref<16x1024xf32, #tpu.memory_space<vmem>>, vector<1x16xf32>,
        %swap3A_846 = vector.shape_cast %swap3A_845 : vector<1x16xf32> to vector<16xf32>
        %swap3A_847 = vector.shape_cast %mul3A_803 : vector<16xf32> to vector<1x16xf32>
        tpu.vector_store %arg9[%swap3A_843, %swap3A_844], %swap3A_847 {strides = array<i32>} : memref<16x1024xf32, #tpu.memory_space<vmem>>, vector<1x16xf32>,
        %swap3A_848 = arith.index_cast %add3A_187 : i32 to index
        %swap3A_849 = arith.constant 864 : index
        %swap3A_850 = tpu.vector_load %arg9[%swap3A_848, %swap3A_849] {strides = array<i32>} : memref<16x1024xf32, #tpu.memory_space<vmem>>, vector<1x16xf32>,
        %swap3A_851 = vector.shape_cast %swap3A_850 : vector<1x16xf32> to vector<16xf32>
        %swap3A_852 = vector.shape_cast %mul3A_810 : vector<16xf32> to vector<1x16xf32>
        tpu.vector_store %arg9[%swap3A_848, %swap3A_849], %swap3A_852 {strides = array<i32>} : memref<16x1024xf32, #tpu.memory_space<vmem>>, vector<1x16xf32>,
        %swap3A_853 = arith.index_cast %add3A_187 : i32 to index
        %swap3A_854 = arith.constant 880 : index
        %swap3A_855 = tpu.vector_load %arg9[%swap3A_853, %swap3A_854] {strides = array<i32>} : memref<16x1024xf32, #tpu.memory_space<vmem>>, vector<1x16xf32>,
        %swap3A_856 = vector.shape_cast %swap3A_855 : vector<1x16xf32> to vector<16xf32>
        %swap3A_857 = vector.shape_cast %mul3A_817 : vector<16xf32> to vector<1x16xf32>
        tpu.vector_store %arg9[%swap3A_853, %swap3A_854], %swap3A_857 {strides = array<i32>} : memref<16x1024xf32, #tpu.memory_space<vmem>>, vector<1x16xf32>,
        %get3A_858 = arith.index_cast %add3A_187 : i32 to index
        %get3A_859 = arith.constant 896 : index
        %get3A_860 = tpu.vector_load %arg9[%get3A_858, %get3A_859] {strides = array<i32>} : memref<16x1024xf32, #tpu.memory_space<vmem>>, vector<1x16xf32>,
        %get3A_861 = vector.shape_cast %get3A_860 : vector<1x16xf32> to vector<16xf32>
        %mul3A_862 = arith.constant 3.200000e+01 : f32
        %mul3A_863 = vector.broadcast %mul3A_862 : f32 to vector<16xf32>
        %mul3A_864 = arith.mulf %get3A_861, %mul3A_863 : vector<16xf32>
        %get3A_865 = arith.index_cast %add3A_187 : i32 to index
        %get3A_866 = arith.constant 912 : index
        %get3A_867 = tpu.vector_load %arg9[%get3A_865, %get3A_866] {strides = array<i32>} : memref<16x1024xf32, #tpu.memory_space<vmem>>, vector<1x16xf32>,
        %get3A_868 = vector.shape_cast %get3A_867 : vector<1x16xf32> to vector<16xf32>
        %mul3A_869 = arith.constant 3.200000e+01 : f32
        %mul3A_870 = vector.broadcast %mul3A_869 : f32 to vector<16xf32>
        %mul3A_871 = arith.mulf %get3A_868, %mul3A_870 : vector<16xf32>
        %get3A_872 = arith.index_cast %add3A_187 : i32 to index
        %get3A_873 = arith.constant 928 : index
        %get3A_874 = tpu.vector_load %arg9[%get3A_872, %get3A_873] {strides = array<i32>} : memref<16x1024xf32, #tpu.memory_space<vmem>>, vector<1x16xf32>,
        %get3A_875 = vector.shape_cast %get3A_874 : vector<1x16xf32> to vector<16xf32>
        %mul3A_876 = arith.constant 3.200000e+01 : f32
        %mul3A_877 = vector.broadcast %mul3A_876 : f32 to vector<16xf32>
        %mul3A_878 = arith.mulf %get3A_875, %mul3A_877 : vector<16xf32>
        %get3A_879 = arith.index_cast %add3A_187 : i32 to index
        %get3A_880 = arith.constant 944 : index
        %get3A_881 = tpu.vector_load %arg9[%get3A_879, %get3A_880] {strides = array<i32>} : memref<16x1024xf32, #tpu.memory_space<vmem>>, vector<1x16xf32>,
        %get3A_882 = vector.shape_cast %get3A_881 : vector<1x16xf32> to vector<16xf32>
        %mul3A_883 = arith.constant 3.200000e+01 : f32
        %mul3A_884 = vector.broadcast %mul3A_883 : f32 to vector<16xf32>
        %mul3A_885 = arith.mulf %get3A_882, %mul3A_884 : vector<16xf32>
        %get3A_886 = arith.index_cast %add3A_187 : i32 to index
        %get3A_887 = arith.constant 960 : index
        %get3A_888 = tpu.vector_load %arg9[%get3A_886, %get3A_887] {strides = array<i32>} : memref<16x1024xf32, #tpu.memory_space<vmem>>, vector<1x16xf32>,
        %get3A_889 = vector.shape_cast %get3A_888 : vector<1x16xf32> to vector<16xf32>
        %mul3A_890 = arith.constant 3.200000e+01 : f32
        %mul3A_891 = vector.broadcast %mul3A_890 : f32 to vector<16xf32>
        %mul3A_892 = arith.mulf %get3A_889, %mul3A_891 : vector<16xf32>
        %get3A_893 = arith.index_cast %add3A_187 : i32 to index
        %get3A_894 = arith.constant 976 : index
        %get3A_895 = tpu.vector_load %arg9[%get3A_893, %get3A_894] {strides = array<i32>} : memref<16x1024xf32, #tpu.memory_space<vmem>>, vector<1x16xf32>,
        %get3A_896 = vector.shape_cast %get3A_895 : vector<1x16xf32> to vector<16xf32>
        %mul3A_897 = arith.constant 3.200000e+01 : f32
        %mul3A_898 = vector.broadcast %mul3A_897 : f32 to vector<16xf32>
        %mul3A_899 = arith.mulf %get3A_896, %mul3A_898 : vector<16xf32>
        %get3A_900 = arith.index_cast %add3A_187 : i32 to index
        %get3A_901 = arith.constant 992 : index
        %get3A_902 = tpu.vector_load %arg9[%get3A_900, %get3A_901] {strides = array<i32>} : memref<16x1024xf32, #tpu.memory_space<vmem>>, vector<1x16xf32>,
        %get3A_903 = vector.shape_cast %get3A_902 : vector<1x16xf32> to vector<16xf32>
        %mul3A_904 = arith.constant 3.200000e+01 : f32
        %mul3A_905 = vector.broadcast %mul3A_904 : f32 to vector<16xf32>
        %mul3A_906 = arith.mulf %get3A_903, %mul3A_905 : vector<16xf32>
        %get3A_907 = arith.index_cast %add3A_187 : i32 to index
        %get3A_908 = arith.constant 1008 : index
        %get3A_909 = tpu.vector_load %arg9[%get3A_907, %get3A_908] {strides = array<i32>} : memref<16x1024xf32, #tpu.memory_space<vmem>>, vector<1x16xf32>,
        %get3A_910 = vector.shape_cast %get3A_909 : vector<1x16xf32> to vector<16xf32>
        %mul3A_911 = arith.constant 3.200000e+01 : f32
        %mul3A_912 = vector.broadcast %mul3A_911 : f32 to vector<16xf32>
        %mul3A_913 = arith.mulf %get3A_910, %mul3A_912 : vector<16xf32>
        %swap3A_914 = arith.index_cast %add3A_187 : i32 to index
        %swap3A_915 = arith.constant 896 : index
        %swap3A_916 = tpu.vector_load %arg9[%swap3A_914, %swap3A_915] {strides = array<i32>} : memref<16x1024xf32, #tpu.memory_space<vmem>>, vector<1x16xf32>,
        %swap3A_917 = vector.shape_cast %swap3A_916 : vector<1x16xf32> to vector<16xf32>
        %swap3A_918 = vector.shape_cast %mul3A_864 : vector<16xf32> to vector<1x16xf32>
        tpu.vector_store %arg9[%swap3A_914, %swap3A_915], %swap3A_918 {strides = array<i32>} : memref<16x1024xf32, #tpu.memory_space<vmem>>, vector<1x16xf32>,
        %swap3A_919 = arith.index_cast %add3A_187 : i32 to index
        %swap3A_920 = arith.constant 912 : index
        %swap3A_921 = tpu.vector_load %arg9[%swap3A_919, %swap3A_920] {strides = array<i32>} : memref<16x1024xf32, #tpu.memory_space<vmem>>, vector<1x16xf32>,
        %swap3A_922 = vector.shape_cast %swap3A_921 : vector<1x16xf32> to vector<16xf32>
        %swap3A_923 = vector.shape_cast %mul3A_871 : vector<16xf32> to vector<1x16xf32>
        tpu.vector_store %arg9[%swap3A_919, %swap3A_920], %swap3A_923 {strides = array<i32>} : memref<16x1024xf32, #tpu.memory_space<vmem>>, vector<1x16xf32>,
        %swap3A_924 = arith.index_cast %add3A_187 : i32 to index
        %swap3A_925 = arith.constant 928 : index
        %swap3A_926 = tpu.vector_load %arg9[%swap3A_924, %swap3A_925] {strides = array<i32>} : memref<16x1024xf32, #tpu.memory_space<vmem>>, vector<1x16xf32>,
        %swap3A_927 = vector.shape_cast %swap3A_926 : vector<1x16xf32> to vector<16xf32>
        %swap3A_928 = vector.shape_cast %mul3A_878 : vector<16xf32> to vector<1x16xf32>
        tpu.vector_store %arg9[%swap3A_924, %swap3A_925], %swap3A_928 {strides = array<i32>} : memref<16x1024xf32, #tpu.memory_space<vmem>>, vector<1x16xf32>,
        %swap3A_929 = arith.index_cast %add3A_187 : i32 to index
        %swap3A_930 = arith.constant 944 : index
        %swap3A_931 = tpu.vector_load %arg9[%swap3A_929, %swap3A_930] {strides = array<i32>} : memref<16x1024xf32, #tpu.memory_space<vmem>>, vector<1x16xf32>,
        %swap3A_932 = vector.shape_cast %swap3A_931 : vector<1x16xf32> to vector<16xf32>
        %swap3A_933 = vector.shape_cast %mul3A_885 : vector<16xf32> to vector<1x16xf32>
        tpu.vector_store %arg9[%swap3A_929, %swap3A_930], %swap3A_933 {strides = array<i32>} : memref<16x1024xf32, #tpu.memory_space<vmem>>, vector<1x16xf32>,
        %swap3A_934 = arith.index_cast %add3A_187 : i32 to index
        %swap3A_935 = arith.constant 960 : index
        %swap3A_936 = tpu.vector_load %arg9[%swap3A_934, %swap3A_935] {strides = array<i32>} : memref<16x1024xf32, #tpu.memory_space<vmem>>, vector<1x16xf32>,
        %swap3A_937 = vector.shape_cast %swap3A_936 : vector<1x16xf32> to vector<16xf32>
        %swap3A_938 = vector.shape_cast %mul3A_892 : vector<16xf32> to vector<1x16xf32>
        tpu.vector_store %arg9[%swap3A_934, %swap3A_935], %swap3A_938 {strides = array<i32>} : memref<16x1024xf32, #tpu.memory_space<vmem>>, vector<1x16xf32>,
        %swap3A_939 = arith.index_cast %add3A_187 : i32 to index
        %swap3A_940 = arith.constant 976 : index
        %swap3A_941 = tpu.vector_load %arg9[%swap3A_939, %swap3A_940] {strides = array<i32>} : memref<16x1024xf32, #tpu.memory_space<vmem>>, vector<1x16xf32>,
        %swap3A_942 = vector.shape_cast %swap3A_941 : vector<1x16xf32> to vector<16xf32>
        %swap3A_943 = vector.shape_cast %mul3A_899 : vector<16xf32> to vector<1x16xf32>
        tpu.vector_store %arg9[%swap3A_939, %swap3A_940], %swap3A_943 {strides = array<i32>} : memref<16x1024xf32, #tpu.memory_space<vmem>>, vector<1x16xf32>,
        %swap3A_944 = arith.index_cast %add3A_187 : i32 to index
        %swap3A_945 = arith.constant 992 : index
        %swap3A_946 = tpu.vector_load %arg9[%swap3A_944, %swap3A_945] {strides = array<i32>} : memref<16x1024xf32, #tpu.memory_space<vmem>>, vector<1x16xf32>,
        %swap3A_947 = vector.shape_cast %swap3A_946 : vector<1x16xf32> to vector<16xf32>
        %swap3A_948 = vector.shape_cast %mul3A_906 : vector<16xf32> to vector<1x16xf32>
        tpu.vector_store %arg9[%swap3A_944, %swap3A_945], %swap3A_948 {strides = array<i32>} : memref<16x1024xf32, #tpu.memory_space<vmem>>, vector<1x16xf32>,
        %swap3A_949 = arith.index_cast %add3A_187 : i32 to index
        %swap3A_950 = arith.constant 1008 : index
        %swap3A_951 = tpu.vector_load %arg9[%swap3A_949, %swap3A_950] {strides = array<i32>} : memref<16x1024xf32, #tpu.memory_space<vmem>>, vector<1x16xf32>,
        %swap3A_952 = vector.shape_cast %swap3A_951 : vector<1x16xf32> to vector<16xf32>
        %swap3A_953 = vector.shape_cast %mul3A_913 : vector<16xf32> to vector<1x16xf32>
        tpu.vector_store %arg9[%swap3A_949, %swap3A_950], %swap3A_953 {strides = array<i32>} : memref<16x1024xf32, #tpu.memory_space<vmem>>, vector<1x16xf32>,
      }
      %scan3A_175 = arith.constant 16 : i32
      %mul3A_176 = arith.constant 16 : i32
      %mul3A_177 = arith.muli %add3A_147, %mul3A_176 : i32
      %add3A_178 = arith.addi %mul3A_2, %mul3A_177 : i32
      %dma_start3A_179 = arith.constant 0 : i32
      %dma_start3A_180 = tpu.memref_slice %arg4[%add3A_178, %dma_start3A_179] : memref<16384x1024xf32, #tpu.memory_space<hbm>> -> memref<16x1024xf32, #tpu.memory_space<hbm>>
      %dma_start3A_181 = arith.constant 0 : i32
      %dma_start3A_182 = tpu.memref_slice %arg4[%add3A_178, %dma_start3A_181] : memref<16384x1024xf32, #tpu.memory_space<hbm>> -> memref<16x1024xf32, #tpu.memory_space<hbm>>
      tpu.enqueue_dma source(%arg9 : memref<16x1024xf32, #tpu.memory_space<vmem>>) target(%dma_start3A_182 : memref<16x1024xf32, #tpu.memory_space<hbm>>) target_semaphore(%arg17 : memref<!tpu.dma_semaphore, #tpu.memory_space<semaphore_mem>>)
    }
    %scan3A_20 = arith.constant 8 : i32
    %dma_wait3A = arith.constant 0 : i32
    %dma_wait3A_21 = tpu.memref_slice %arg4[%mul3A_2, %dma_wait3A] : memref<16384x1024xf32, #tpu.memory_space<hbm>> -> memref<16x1024xf32, #tpu.memory_space<hbm>>
    %dma_wait3A_22 = arith.constant 0 : i32
    %dma_wait3A_23 = tpu.memref_slice %arg4[%mul3A_2, %dma_wait3A_22] : memref<16384x1024xf32, #tpu.memory_space<hbm>> -> memref<16x1024xf32, #tpu.memory_space<hbm>>
    tpu.wait_dma2 semaphore(%arg14 : memref<!tpu.dma_semaphore, #tpu.memory_space<semaphore_mem>>) src(%arg6 : memref<16x1024xf32, #tpu.memory_space<vmem>>) dst(%dma_wait3A_23 : memref<16x1024xf32, #tpu.memory_space<hbm>>)
    %dma_wait3A_24 = arith.constant 0 : i32
    %dma_wait3A_25 = tpu.memref_slice %arg4[%mul3A_2, %dma_wait3A_24] : memref<16384x1024xf32, #tpu.memory_space<hbm>> -> memref<16x1024xf32, #tpu.memory_space<hbm>>
    %dma_wait3A_26 = arith.constant 0 : i32
    %dma_wait3A_27 = tpu.memref_slice %arg4[%mul3A_2, %dma_wait3A_26] : memref<16384x1024xf32, #tpu.memory_space<hbm>> -> memref<16x1024xf32, #tpu.memory_space<hbm>>
    tpu.wait_dma2 semaphore(%arg15 : memref<!tpu.dma_semaphore, #tpu.memory_space<semaphore_mem>>) src(%arg7 : memref<16x1024xf32, #tpu.memory_space<vmem>>) dst(%dma_wait3A_27 : memref<16x1024xf32, #tpu.memory_space<hbm>>)
    %dma_wait3A_28 = arith.constant 0 : i32
    %dma_wait3A_29 = tpu.memref_slice %arg4[%mul3A_2, %dma_wait3A_28] : memref<16384x1024xf32, #tpu.memory_space<hbm>> -> memref<16x1024xf32, #tpu.memory_space<hbm>>
    %dma_wait3A_30 = arith.constant 0 : i32
    %dma_wait3A_31 = tpu.memref_slice %arg4[%mul3A_2, %dma_wait3A_30] : memref<16384x1024xf32, #tpu.memory_space<hbm>> -> memref<16x1024xf32, #tpu.memory_space<hbm>>
    tpu.wait_dma2 semaphore(%arg16 : memref<!tpu.dma_semaphore, #tpu.memory_space<semaphore_mem>>) src(%arg8 : memref<16x1024xf32, #tpu.memory_space<vmem>>) dst(%dma_wait3A_31 : memref<16x1024xf32, #tpu.memory_space<hbm>>)
    %dma_wait3A_32 = arith.constant 0 : i32
    %dma_wait3A_33 = tpu.memref_slice %arg4[%mul3A_2, %dma_wait3A_32] : memref<16384x1024xf32, #tpu.memory_space<hbm>> -> memref<16x1024xf32, #tpu.memory_space<hbm>>
    %dma_wait3A_34 = arith.constant 0 : i32
    %dma_wait3A_35 = tpu.memref_slice %arg4[%mul3A_2, %dma_wait3A_34] : memref<16384x1024xf32, #tpu.memory_space<hbm>> -> memref<16x1024xf32, #tpu.memory_space<hbm>>
    tpu.wait_dma2 semaphore(%arg17 : memref<!tpu.dma_semaphore, #tpu.memory_space<semaphore_mem>>) src(%arg9 : memref<16x1024xf32, #tpu.memory_space<vmem>>) dst(%dma_wait3A_35 : memref<16x1024xf32, #tpu.memory_space<hbm>>)
    return
  }
}

</mosaic_0001>

<sc_bundles>
// kernel: kernel.3.cloned.1.call-start
scs
__scs_entry_jumppad:
0x0: {  	(pc) =	sbr.rel $0x88, $3  }
0x1: {  	(tag) =	ssettag $0x0;
	lr =	simm.s32 $0x1  }
0x2: {  	[smem:$0x3F9F] =	sst lr;
	_ =	strace $0xD0000000  }
0x3: {  	_ = 	snop  }
0x4: {  	_ = 	snop  }
0x5: {  	_ = 	snop  }
0x6: {  	_ = 	snop  }
0x7: {  	_ = 	snop  }
__scs_overlays_trampoline_lowered:
0x8: {  	[smem:$0x3FAE] =	sst s0  }
0x9: {  	[smem:$0x3FAF] =	sst s1  }
0xa: {  	[smem:$0x3FB0] =	sst s2  }
0xb: {  	[smem:$0x3FB1] =	sst s3  }
0xc: {  	[smem:$0x3FB2] =	sst s4  }
0xd: {  	[smem:$0x3FB3] =	sst s5  }
0xe: {  	[smem:$0x3FB4] =	sst s6  }
0xf: {  	[smem:$0x3FB5] =	sst s7  }
0x10: {  	[smem:$0x3FB6] =	sst s8  }
0x11: {  	[smem:$0x3FB7] =	sst s9;
	s0 =	simm.s32 @!p0 $0x0  }
0x12: {  	s1 =	sld [smem:$0x3F9D];
	s0 =	simm.s32 @p0 $0x1  }
0x13: {  	[smem:$0x3FB8] =	sst s0;
	s0 =	simm.s32 @!p1 $0x0  }
0x14: {  	s2 =	sld [smem:$0x3F9C];
	s0 =	simm.s32 @p1 $0x1  }
0x15: {  	[smem:$0x3FB9] =	sst s0;
	s0 =	simm.s32 @!p2 $0x0  }
0x16: {  	s3 =	sld [smem:$0x3FDB];
	s0 =	simm.s32 @p2 $0x1  }
0x17: {  	s4 =	simm.s32 $0x1BF5;
	[smem:$0x3FBB] =	sst s0  }
0x18: {  	s0 =	sld [smem:$0x3F9E];
	_ =	swait.ge [sflag:s4], $0x0  }
0x19: {  	s7 =	sld [smem:$0x3F9F]  }
0x1a: {  	s8 =	sadd.s32 $0xFFFFE003, lr  }
0x1b: {  	s9 =	sadd.s32 $0xFFFFFEF7, lr;
	s5 =	simm.s32 $0xFFFFFFFF;
	p2 =	slt.u32 s8, $0xFFFFF086  }
0x1c: {  	p1 =	slt.u32 s9, $0xF7A;
	s5 =	simm.s32 @!p2 $0x0  }
0x1d: {  	s5 =	simm.s32 @p1 $0x1;
	p0 =	seq.s32 s7, s2  }
0x1e: {  	s7 =	smul.u32 @!p0 $0xF7A, s2;
	p2 =	seq.s32 @!p0 s5, $0x0  }
0x1f: {  	s9 =	smul.u32 $0xF7A, s1;
	s8 =	simm.s32 @!p0 $0x1BF5;
	p2 =	por !p2, p0  }
0x20: {  	[sflag:s8] =	ssyncset.s32 @!p0 $0xFFFFF086;
	s6 =	sadd.s32 @!p0 s3, s7;
	s7 =	simm.s32 @!p0 $0x108  }
0x21: {  	s3 =	sadd.s32 s3, s9;
	s6 =	sadd.s32 @!p0 $0x88, s6;
	s7 =	simm.s32 @p2 $0x1082  }
0x22: {  	[simem:s7], [sflag:s8] =	dma.local @!p0 [hbm:s6], $0xF7A  }
0x23: {  	s9 =	sor.u32 $0xD0000000, s2;
	s6 =	simm.s32 $0x108;
	_ =	swait.ge @!p0 [sflag:s8], $0x0  }
0x24: {  	s3 =	sadd.s32 $0x88, s3;
	s6 =	simm.s32 @!p1 $0x1082;
	[sflag:s4] =	ssyncset.s32 $0xFFFFF086  }
0x25: {  	[simem:s6], [sflag:s4] =	dma.local [hbm:s3], $0xF7A  }
0x26: {  	[smem:$0x3F9F] =	sst s1;
	(tag) =	ssettag s2;
	_ =	strace s9  }
0x27: {  	s1 =	sld [smem:$0x3FAF]  }
0x28: {  	s2 =	sld [smem:$0x3FB0]  }
0x29: {  	s4 =	sld [smem:$0x3FB2]  }
0x2a: {  	p0 =	seq.s32 s5, $0x0;
	s5 =	sld [smem:$0x3FB3]  }
0x2b: {  	s6 =	sld [smem:$0x3FB4]  }
0x2c: {  	s7 =	sld [smem:$0x3FB5]  }
0x2d: {  	s3 =	simm.s32 $0x108;
	s8 =	sld [smem:$0x3FB6]  }
0x2e: {  	s3 =	simm.s32 @!p0 $0x1082;
	s9 =	sld [smem:$0x3FB7]  }
0x2f: {  	lr =	sadd.s32 s0, s3;
	s0 =	sld [smem:$0x3FAE]  }
0x30: {  	s3 =	sld [smem:$0x3FB1]  }
0x31: {  	[smem:$0x3FBA] =	sst s10  }
0x32: {  	s10 =	sld [smem:$0x3FB8];
	_ =	sdelay $0x3  }
0x33: {  	p0 =	seq.s32 s10, $0x1;
	s10 =	sld [smem:$0x3FBA];
	_ =	sdelay $0x3  }
0x34: {  	[smem:$0x3FBA] =	sst s10  }
0x35: {  	s10 =	sld [smem:$0x3FB9];
	_ =	sdelay $0x3  }
0x36: {  	p1 =	seq.s32 s10, $0x1;
	s10 =	sld [smem:$0x3FBA];
	_ =	sdelay $0x3  }
0x37: {  	[smem:$0x3FBA] =	sst s10  }
0x38: {  	s10 =	sld [smem:$0x3FBB]  }
0x39: {  	_ = 	snop;
	(pc) =	sbr.ind lr, $3  }
0x3a: {  	_ = 	snop  }
0x3b: {  	_ = 	snop  }
0x3c: {  	p2 =	seq.s32 s10, $0x1;
	s10 =	sld [smem:$0x3FBA]  }
0x3d: {  	_ =	shalt  }
0x3e: {  	_ =	shalt  }
0x3f: {  	_ =	shalt  }
0x40: {  	_ =	shalt  }
0x41: {  	_ =	shalt  }
0x42: {  	_ =	shalt  }
0x43: {  	_ =	shalt  }
0x44: {  	_ =	shalt  }
0x45: {  	_ =	shalt  }
0x46: {  	_ =	shalt  }
0x47: {  	_ =	shalt  }
0x48: {  	_ =	shalt  }
0x49: {  	_ =	shalt  }
0x4a: {  	_ =	shalt  }
0x4b: {  	_ =	shalt  }
0x4c: {  	_ =	shalt  }
0x4d: {  	_ =	shalt  }
0x4e: {  	_ =	shalt  }
0x4f: {  	_ =	shalt  }
0x50: {  	_ =	shalt  }
0x51: {  	_ =	shalt  }
0x52: {  	_ =	shalt  }
0x53: {  	_ =	shalt  }
0x54: {  	_ =	shalt  }
0x55: {  	_ =	shalt  }
0x56: {  	_ =	shalt  }
0x57: {  	_ =	shalt  }
0x58: {  	_ =	shalt  }
0x59: {  	_ =	shalt  }
0x5a: {  	_ =	shalt  }
0x5b: {  	_ =	shalt  }
0x5c: {  	_ =	shalt  }
0x5d: {  	_ =	shalt  }
0x5e: {  	_ =	shalt  }
0x5f: {  	_ =	shalt  }
0x60: {  	_ =	shalt  }
0x61: {  	_ =	shalt  }
0x62: {  	_ =	shalt  }
0x63: {  	_ =	shalt  }
0x64: {  	_ =	shalt  }
0x65: {  	_ =	shalt  }
0x66: {  	_ =	shalt  }
0x67: {  	_ =	shalt  }
0x68: {  	_ =	shalt  }
0x69: {  	_ =	shalt  }
0x6a: {  	_ =	shalt  }
0x6b: {  	_ =	shalt  }
0x6c: {  	_ =	shalt  }
0x6d: {  	_ =	shalt  }
0x6e: {  	_ =	shalt  }
0x6f: {  	_ =	shalt  }
0x70: {  	_ =	shalt  }
0x71: {  	_ =	shalt  }
0x72: {  	_ =	shalt  }
0x73: {  	_ =	shalt  }
0x74: {  	_ =	shalt  }
0x75: {  	_ =	shalt  }
0x76: {  	_ =	shalt  }
0x77: {  	_ =	shalt  }
0x78: {  	_ =	shalt  }
0x79: {  	_ =	shalt  }
0x7a: {  	_ =	shalt  }
0x7b: {  	_ =	shalt  }
0x7c: {  	_ =	shalt  }
0x7d: {  	_ =	shalt  }
0x7e: {  	_ =	shalt  }
0x7f: {  	_ =	shalt  }
0x80: {  	_ =	shalt  }
0x81: {  	_ =	shalt  }
0x82: {  	_ =	shalt  }
0x83: {  	_ =	shalt  }
0x84: {  	_ =	shalt  }
0x85: {  	_ =	shalt  }
0x86: {  	_ =	shalt  }
0x87: {  	_ =	shalt  }
.Lfunc_end0:
.L_simem_size_0:
called_computation_lowered:
.L_overlay_start_0:
0x88: {  	s2 =	sld [smem:$0x3FD9]  }
0x89: {  	s3 =	sld [smem:$0x3FFE];
	_ =	sdelay $0x1  }
0x8a: {  	s1 =	srdreg.scid  }
0x8b: {  	s0 =	sand.u32 $0x1, s1  }
0x8c: {  	s17 =	sshll.u32 s0, $0xA;
	s2 =	sadd.s32 s3, s2  }
0x8d: {  	s2 =	sadd.s32 s2, s17  }
0x8e: {  	[smem:$0x3FC6] =	sst s2  }
0x8f: {  	_ = 	snop  }
0x90: {  	s2 =	sld [smem:$0x3FC8]  }
0x91: {  	s18 =	sld [smem:$0x3FD0];
	(tm) =	ssettm $0x1  }
0x92: {  	s4 =	sld [smem:$0x3FFB];
	_ =	sdelay $0x3  }
0x93: {  	_ =	strace s4  }
0x94: {  	s4 =	sld [smem:$0x3FFC];
	_ =	sdelay $0x3  }
0x95: {  	_ =	strace s4  }
0x96: {  	s4 =	sld [smem:$0x3FFD];
	_ =	sdelay $0x3  }
0x97: {  	_ =	strace s4  }
0x98: {  	_ =	strace $0x8FFFFFFF  }
0x99: {  	s19 =	sld [smem:$0x3FDB];
	_ =	sdelay $0x1  }
0x9a: {  	s5 =	simm.s32 $_scs_section_size  }
0x9b: {  	s6 =	simm.s32 $_size__tile_overlayer_lowered;
	s7 =	simm.s32 $_tile_overlayer_lowered  }
0x9c: {  	s22 =	simm.s32 $0x1BFF;
	s21 =	sshll.u32 s7, $0x1;
	s4 =	sadd.s32 s5, s19  }
0x9d: {  	s8 =	simm.s32 $0x0;
	s20 =	sshll.u32 s6, $0x1;
	s6 =	sadd.s32 s21, s4  }
0x9e: {  	[timem:s8], [sflag:s22] =	dma.local [hbm:s6], s20  }
0x9f: {  	_ =	swait.ge [sflag:s22], s20  }
0xa0: {  	s5 =	ssub.s32 $0x0, s20;
	[sflag:s22] =	ssyncset.done $0x0  }
0xa1: {  	[sflag:s22] =	ssyncadd.s32 s5;
	_ =	sdelay $0x1  }
0xa2: {  	s23 =	simm.s32 $0x1B8B  }
0xa3: {  	_ =	swait.ge [sflag:s23], $0x1  }
0xa4: {  	[sflag:s23] =	ssyncset.done $0x0  }
0xa5: {  	s25 =	simm.s32 $0x1B8E;
	s24 =	sld [smem:$0x3FFE];
	[sflag:s23] =	ssyncadd.s32 $0xFFFFFFFF  }
0xa6: {  	s26 =	simm.s32 $execute0_lowered;
	[smem:$0x3FD2] =	sst s25  }
0xa7: {  	s6 =	sshll.u32 s26, $0x1;
	_ =	strace $0x80000046;
	[dreg:$0x1] =	wrdreg $0xFFFFFFFF  }
0xa8: {  	s28 =	simm.s32 $_size_execute0_lowered;
	s4 =	sadd.s32 s4, s6;
	[dreg:$0x0] =	wrdreg $0x0  }
0xa9: {  	s6 =	sshll.u32 s28, $0x1;
	[dreg:$0x2] =	wrdreg s4  }
0xaa: {  	[dreg:$0x3] =	wrdreg s6  }
0xab: {  	[dreg:$0x4] =	wrdreg $0xC0  }
0xac: {  	_ =	task [dreg:s8], $0x5FFFF  }
0xad: {  	[dreg:$0x1] =	wrdreg $0xFFFFFFFF  }
0xae: {  	[dreg:$0x0] =	wrdreg $0x60  }
0xaf: {  	[dreg:$0x2] =	wrdreg s2  }
0xb0: {  	[dreg:$0x3] =	wrdreg s24  }
0xb1: {  	[dreg:$0x4] =	wrdreg s18  }
0xb2: {  	[dreg:$0x5] =	wrdreg $0x9  }
0xb3: {  	_ =	task.clear_ibuf [dreg:s8], $0x6FFFF;
	_ =	strace $0x90000046  }
0xb4: {  	s29 =	simm.s32 $0x9;
	_ =	strace $0x80000048  }
0xb5: {  	_ =	swait.ge [sflag:s29], $0x1  }
0xb6: {  	[sflag:s29] =	ssyncadd.s32 $0xFFFFFFFF  }
0xb7: {  	_ =	strace $0x90000048  }
0xb8: {  	_ =	sfence  }
0xb9: {  	s30 =	sld [smem:$0x0];
	_ =	sdelay $0x2  }
0xba: {  	s31 =	sshll.u32 s1, $0xD;
	s1 =	sshrl.u32 s1, $0x2  }
0xbb: {  	s3 =	sand.u32 $0x4000, s31;
	s1 =	sadd.s32 s1, s30  }
0xbc: {  	s0 =	sor.u32 s3, s0;
	s1 =	sshll.u32 s1, $0x11  }
0xbd: {  	s0 =	sor.u32 s1, s0  }
0xbe: {  	s0 =	sadd.s32 $0x8F2B, s0  }
0xbf: {  	[sflag:s0] =	ssyncadd.remote.s32 $0x1  }
0xc0: {  	_ =	sfence.sel $0xFFFF  }
0xc1: {  	[dreg:$0x0] =	wrdreg $0xFFFFFFFF;
	(pc) =	sbr.abs _section_cstart, $3  }
0xc2: {  	[dreg:$0x1] =	wrdreg $0xFFFFFFFF  }
0xc3: {  	_ =	task.clear_ibuf [dreg:s8], $0x2FFFF;
	_ =	strace $0x9FFFFFFF  }
0xc4: {  	(tm) =	ssettm $0x7FFFFFFF  }
0xc5: {  	_ =	shalt  }
tec
execute0_lowered:
.L_overlay_start_1:
0x0: {  	(tag) =	ssettag $0x1  }
0x1: {  	s1 =	rddreg [dreg:$0x0]  }
0x2: {  	s0 =	srdreg.scid;
	s2 =	rddreg [dreg:$0x1]  }
0x3: {  	s3 =	stileid.u32;
	s6 =	rddreg [dreg:$0x2]  }
0x4: {  	s5 =	simm.s32 $0x0;
	s13 =	simm.s32 $0x200;
	s21 =	simm.s32 $0x4200  }
0x5: {  	s30 =	simm.s32 $0x8200;
	s18 =	simm.s32 $0xC200;
	s28 =	simm.s32 $0x1  }
0x6: {  	s29 =	simm.s32 $0x2;
	s31 =	simm.s32 $0x3;
	s0 =	sand.u32 $0x1, s0  }
0x7: {  	s3 =	sshll.u32 s3, $0xA;
	[smem:$0x7FF] =	sst s5;
	s7 =	sadd.s32 $0x100, s1  }
0x8: {  	s8 =	sadd.s32 $0x200, s1;
	s4 =	sshll.u32 s0, $0x9;
	s0 =	ssub.s32 $0x2, s0  }
0x9: {  	s9 =	sadd.s32 $0x300, s1;
	s4 =	sor.u32 s4, s3;
	s25 =	sshrl.u32 s0, $0x1  }
0xa: {  	_ =	strace $0x80000047;
	s3 =	sshrl.u32 s4, $0x3;
	s0 =	ssub.s32 s0, s25  }
0xb: {  	v2 =	vlaneseq.u32;
	s26 =	sshll.u32 s4, $0x7;
	s2 =	sadd.s32 s3, s2;
	s0 =	smax.u32 s0, $0x1  }
0xc: {  	vm0 =	vmmov $0xffff;
	v1 =	vshrl.u32 v2, $0x3;
	s10 =	sadd.s32 s6, s26;
	s2 =	sadd.s32 $0x400, s2;
	[dreg:$0x5] =	wrdreg s0  }
0xd: {  	v0 =	vand.u32 $0x7, v2;
	v2 =	vor.u32 $0x8, v2;
	v1 =	vmul.u32 $0x8, v1;
	s6 =	simm.s32 $0x0;
	[dreg:$0x4] =	wrdreg s2;
	s2 =	simm.s32 $0x4  }
.LBB2_1:
0xe: {  	[dreg:$0x6] =	wrdreg s6  }
0xf: {  	s0 =	rddreg [dreg:$0x4];
	s19 =	simm.s32 $0x9  }
0x10: {  	[tilespmem:s5], [sflag:$0x9] =	stream.linear.gather [hbm4b:s0+s5], $0x200, $0x38;
	[tilespmem:$0x10200] =	vst v63  }
0x11: {  	_ =	swait.ge [sflag:s19], $0x200  }
0x12: {  	[sflag:s19] =	ssyncset.done $0x0  }
0x13: {  	[sflag:s19] =	ssyncadd.s32 $0xFFFFFE00  }
0x14: {  	v3 =	vld [tilespmem:$0x0];
	_ =	sdelay $0x4  }
0x15: {  	v4 =	vshll.u32 v3, $0x3  }
0x16: {  	v3 =	vand.u32 $0x7, v3;
	v4 =	vand.u32 $0xFFFFFFC0, v4  }
0x17: {  	v3 =	vor.u32 v3, v4  }
0x18: {  	v4 =	vperm.xlane v3, v0;
	_ =	sdelay $0x1  }
0x19: {  	v4 =	vadd.s32 v1, v4;
	_ =	sdelay $0x4  }
0x1a: {  	[tilespmem:s13], [sflag:$0x1] =	stream.indirect_vreg.gather [hbm4b:s1+s5], $0x80, v4, vm0, $0xb8;
	[tilespmem:$0x10200] =	vst v63  }
0x1b: {  	s20 =	simm.s32 $0xA00;
	v3 =	vperm.xlane v3, v2  }
0x1c: {  	[tilespmem:s20], [sflag:$0x1] =	stream.indirect_vreg.gather [hbm4b:s7+s5], $0x80, v4, vm0, $0xb8;
	[tilespmem:$0x10200] =	vst v63  }
0x1d: {  	s22 =	simm.s32 $0x1200;
	v3 =	vadd.s32 v1, v3  }
0x1e: {  	[tilespmem:s22], [sflag:$0x1] =	stream.indirect_vreg.gather [hbm4b:s8+s5], $0x80, v4, vm0, $0xb8;
	[tilespmem:$0x10200] =	vst v63  }
0x1f: {  	s23 =	simm.s32 $0x1A00  }
0x20: {  	[tilespmem:s23], [sflag:$0x1] =	stream.indirect_vreg.gather [hbm4b:s9+s5], $0x80, v4, vm0, $0xb8;
	[tilespmem:$0x10200] =	vst v63  }
0x21: {  	s24 =	simm.s32 $0x2200  }
0x22: {  	[tilespmem:s24], [sflag:$0x1] =	stream.indirect_vreg.gather [hbm4b:s1+s5], $0x80, v3, vm0, $0xb8;
	[tilespmem:$0x10200] =	vst v63  }
0x23: {  	s25 =	simm.s32 $0x2A00  }
0x24: {  	[tilespmem:s25], [sflag:$0x1] =	stream.indirect_vreg.gather [hbm4b:s7+s5], $0x80, v3, vm0, $0xb8;
	[tilespmem:$0x10200] =	vst v63  }
0x25: {  	s26 =	simm.s32 $0x3200  }
0x26: {  	[tilespmem:s26], [sflag:$0x1] =	stream.indirect_vreg.gather [hbm4b:s8+s5], $0x80, v3, vm0, $0xb8;
	[tilespmem:$0x10200] =	vst v63  }
0x27: {  	s3 =	simm.s32 $0x3A00  }
0x28: {  	[tilespmem:s3], [sflag:$0x1] =	stream.indirect_vreg.gather [hbm4b:s9+s5], $0x80, v3, vm0, $0xb8;
	[tilespmem:$0x10200] =	vst v63  }
0x29: {  	v3 =	vld [tilespmem:$0x10];
	_ =	sdelay $0x4  }
0x2a: {  	v62 =	vshll.u32 v3, $0x3  }
0x2b: {  	v3 =	vand.u32 $0x7, v3;
	v4 =	vand.u32 $0xFFFFFFC0, v62  }
0x2c: {  	v3 =	vor.u32 v3, v4  }
0x2d: {  	v4 =	vperm.xlane v3, v0;
	_ =	sdelay $0x1  }
0x2e: {  	v4 =	vadd.s32 v1, v4;
	_ =	sdelay $0x4  }
0x2f: {  	[tilespmem:s21], [sflag:$0x2] =	stream.indirect_vreg.gather [hbm4b:s1+s5], $0x80, v4, vm0, $0xb8;
	[tilespmem:$0x10200] =	vst v63  }
0x30: {  	s6 =	simm.s32 $0x4A00;
	v3 =	vperm.xlane v3, v2  }
0x31: {  	[tilespmem:s6], [sflag:$0x2] =	stream.indirect_vreg.gather [hbm4b:s7+s5], $0x80, v4, vm0, $0xb8;
	[tilespmem:$0x10200] =	vst v63  }
0x32: {  	s11 =	simm.s32 $0x5200;
	v3 =	vadd.s32 v1, v3  }
0x33: {  	[tilespmem:s11], [sflag:$0x2] =	stream.indirect_vreg.gather [hbm4b:s8+s5], $0x80, v4, vm0, $0xb8;
	[tilespmem:$0x10200] =	vst v63  }
0x34: {  	s12 =	simm.s32 $0x5A00  }
0x35: {  	[tilespmem:s12], [sflag:$0x2] =	stream.indirect_vreg.gather [hbm4b:s9+s5], $0x80, v4, vm0, $0xb8;
	[tilespmem:$0x10200] =	vst v63  }
0x36: {  	s14 =	simm.s32 $0x6200  }
0x37: {  	[tilespmem:s14], [sflag:$0x2] =	stream.indirect_vreg.gather [hbm4b:s1+s5], $0x80, v3, vm0, $0xb8;
	[tilespmem:$0x10200] =	vst v63  }
0x38: {  	s15 =	simm.s32 $0x6A00  }
0x39: {  	[tilespmem:s15], [sflag:$0x2] =	stream.indirect_vreg.gather [hbm4b:s7+s5], $0x80, v3, vm0, $0xb8;
	[tilespmem:$0x10200] =	vst v63  }
0x3a: {  	s16 =	simm.s32 $0x7200  }
0x3b: {  	[tilespmem:s16], [sflag:$0x2] =	stream.indirect_vreg.gather [hbm4b:s8+s5], $0x80, v3, vm0, $0xb8;
	[tilespmem:$0x10200] =	vst v63  }
0x3c: {  	s17 =	simm.s32 $0x7A00  }
0x3d: {  	[tilespmem:s17], [sflag:$0x2] =	stream.indirect_vreg.gather [hbm4b:s9+s5], $0x80, v3, vm0, $0xb8;
	[tilespmem:$0x10200] =	vst v63  }
0x3e: {  	v3 =	vld [tilespmem:$0x20];
	_ =	sdelay $0x4  }
0x3f: {  	v63 =	vshll.u32 v3, $0x3  }
0x40: {  	v3 =	vand.u32 $0x7, v3;
	v4 =	vand.u32 $0xFFFFFFC0, v63  }
0x41: {  	v3 =	vor.u32 v3, v4  }
0x42: {  	v4 =	vperm.xlane v3, v0;
	_ =	sdelay $0x1  }
0x43: {  	v4 =	vadd.s32 v1, v4;
	_ =	sdelay $0x4  }
0x44: {  	[tilespmem:s30], [sflag:$0x3] =	stream.indirect_vreg.gather [hbm4b:s1+s5], $0x80, v4, vm0, $0xb8;
	[tilespmem:$0x10200] =	vst v63  }
0x45: {  	s19 =	simm.s32 $0x8A00;
	v3 =	vperm.xlane v3, v2  }
0x46: {  	[tilespmem:s19], [sflag:$0x3] =	stream.indirect_vreg.gather [hbm4b:s7+s5], $0x80, v4, vm0, $0xb8;
	[tilespmem:$0x10200] =	vst v63  }
0x47: {  	s20 =	simm.s32 $0x9200;
	v3 =	vadd.s32 v1, v3  }
0x48: {  	[tilespmem:s20], [sflag:$0x3] =	stream.indirect_vreg.gather [hbm4b:s8+s5], $0x80, v4, vm0, $0xb8;
	[tilespmem:$0x10200] =	vst v63  }
0x49: {  	s22 =	simm.s32 $0x9A00  }
0x4a: {  	[tilespmem:s22], [sflag:$0x3] =	stream.indirect_vreg.gather [hbm4b:s9+s5], $0x80, v4, vm0, $0xb8;
	[tilespmem:$0x10200] =	vst v63  }
0x4b: {  	s23 =	simm.s32 $0xA200  }
0x4c: {  	[tilespmem:s23], [sflag:$0x3] =	stream.indirect_vreg.gather [hbm4b:s1+s5], $0x80, v3, vm0, $0xb8;
	[tilespmem:$0x10200] =	vst v63  }
0x4d: {  	s24 =	simm.s32 $0xAA00  }
0x4e: {  	[tilespmem:s24], [sflag:$0x3] =	stream.indirect_vreg.gather [hbm4b:s7+s5], $0x80, v3, vm0, $0xb8;
	[tilespmem:$0x10200] =	vst v63  }
0x4f: {  	s25 =	simm.s32 $0xB200  }
0x50: {  	[tilespmem:s25], [sflag:$0x3] =	stream.indirect_vreg.gather [hbm4b:s8+s5], $0x80, v3, vm0, $0xb8;
	[tilespmem:$0x10200] =	vst v63  }
0x51: {  	s26 =	simm.s32 $0xBA00;
	s6 =	simm.s32 $0x0  }
0x52: {  	[tilespmem:s26], [sflag:$0x3] =	stream.indirect_vreg.gather [hbm4b:s9+s5], $0x80, v3, vm0, $0xb8;
	[tilespmem:$0x10200] =	vst v63  }
.LBB2_2:
0x53: {  	p0 =	seq.s32 s6, $0x0  }
0x54: {  	s0 =	simm.s32 @!p0 $0x8  }
0x55: {  	s11 =	sshllo.u32 s6, $0x2;
	_ =	swait.ge @!p0 [sflag:s0], $0x4000  }
0x56: {  	s3 =	sshll.u32 s11, $0x4;
	[sflag:s0] =	ssyncset.done @!p0 $0x0  }
0x57: {  	s17 =	sand.u32 $0x3FFFFFF0, s3;
	[sflag:s0] =	ssyncadd.s32 @!p0 $0xFFFFC000  }
0x58: {  	v3 =	vld [tilespmem:s17+$0x0];
	_ =	sdelay $0x4  }
0x59: {  	v4 =	vshll.u32 v3, $0x3  }
0x5a: {  	v3 =	vand.u32 $0x7, v3;
	v4 =	vand.u32 $0xFFFFFFC0, v4  }
0x5b: {  	v3 =	vor.u32 v3, v4  }
0x5c: {  	v4 =	vperm.xlane v3, v0;
	_ =	sdelay $0x1  }
0x5d: {  	v4 =	vadd.s32 v1, v4;
	_ =	sdelay $0x3  }
0x5e: {  	s0 =	simm.s32 $0x0  }
0x5f: {  	[tilespmem:s18], [sflag:$0x4] =	stream.indirect_vreg.gather [hbm4b:s1+s0], $0x80, v4, vm0, $0xb8;
	[tilespmem:$0x10200] =	vst v63  }
0x60: {  	s19 =	simm.s32 $0xCA00;
	v3 =	vperm.xlane v3, v2  }
0x61: {  	[tilespmem:s19], [sflag:$0x4] =	stream.indirect_vreg.gather [hbm4b:s7+s0], $0x80, v4, vm0, $0xb8;
	[tilespmem:$0x10200] =	vst v63  }
0x62: {  	s20 =	simm.s32 $0xD200;
	v3 =	vadd.s32 v1, v3  }
0x63: {  	[tilespmem:s20], [sflag:$0x4] =	stream.indirect_vreg.gather [hbm4b:s8+s0], $0x80, v4, vm0, $0xb8;
	[tilespmem:$0x10200] =	vst v63  }
0x64: {  	s22 =	simm.s32 $0xDA00  }
0x65: {  	[tilespmem:s22], [sflag:$0x4] =	stream.indirect_vreg.gather [hbm4b:s9+s0], $0x80, v4, vm0, $0xb8;
	[tilespmem:$0x10200] =	vst v63  }
0x66: {  	s23 =	simm.s32 $0xE200  }
0x67: {  	[tilespmem:s23], [sflag:$0x4] =	stream.indirect_vreg.gather [hbm4b:s1+s0], $0x80, v3, vm0, $0xb8;
	[tilespmem:$0x10200] =	vst v63  }
0x68: {  	s24 =	simm.s32 $0xEA00  }
0x69: {  	[tilespmem:s24], [sflag:$0x4] =	stream.indirect_vreg.gather [hbm4b:s7+s0], $0x80, v3, vm0, $0xb8;
	[tilespmem:$0x10200] =	vst v63  }
0x6a: {  	s25 =	simm.s32 $0xF200  }
0x6b: {  	[tilespmem:s25], [sflag:$0x4] =	stream.indirect_vreg.gather [hbm4b:s8+s0], $0x80, v3, vm0, $0xb8;
	[tilespmem:$0x10200] =	vst v63  }
0x6c: {  	s26 =	simm.s32 $0xFA00  }
0x6d: {  	[tilespmem:s26], [sflag:$0x4] =	stream.indirect_vreg.gather [hbm4b:s9+s0], $0x80, v3, vm0, $0xb8;
	[tilespmem:$0x10200] =	vst v63  }
0x6e: {  	_ =	swait.ge [sflag:s28], $0x4000  }
0x6f: {  	s12 =	simm.s32 $0xFFFFC000;
	[sflag:s28] =	ssyncset.done $0x0  }
0x70: {  	s14 =	simm.s32 $0x0;
	s15 =	simm.s32 $0x0;
	[sflag:s28] =	ssyncadd.s32 $0xFFFFC000  }
.LBB2_3:
0x71: {  	s3 =	sadd.s32 $0x4000, s12  }
0x72: {  	s16 =	sand.u32 $0x380, s15;
	s3 =	sand.u32 $0x2000, s3  }
0x73: {  	s16 =	sor.u32 s16, s3  }
0x74: {  	v3 =	vld [tilespmem:s16+$0x200]  }
0x75: {  	v4 =	vld [tilespmem:s16+$0x210]  }
0x76: {  	v5 =	vld [tilespmem:s16+$0x220]  }
0x77: {  	v7 =	vld [tilespmem:s16+$0x240]  }
0x78: {  	v8 =	vld [tilespmem:s16+$0x250]  }
0x79: {  	v9 =	vld [tilespmem:s16+$0x260];
	v3 =	vmul.f32 $3.200000000e+01, v3  }
0x7a: {  	v6 =	vld [tilespmem:s16+$0x230];
	v4 =	vmul.f32 $3.200000000e+01, v4  }
0x7b: {  	v10 =	vld [tilespmem:s16+$0x270];
	v5 =	vmul.f32 $3.200000000e+01, v5;
	[tilespmem:s16+$0x200] =	vst v3  }
0x7c: {  	v40 =	vld [tilespmem:s16+$0x630];
	v36 =	vmul.f32 $3.200000000e+01, v7;
	[tilespmem:s16+$0x210] =	vst v4  }
0x7d: {  	v42 =	vld [tilespmem:s16+$0x640];
	v38 =	vmul.f32 $3.200000000e+01, v8;
	[tilespmem:s16+$0x220] =	vst v5  }
0x7e: {  	v43 =	vld [tilespmem:s16+$0x650];
	v39 =	vmul.f32 $3.200000000e+01, v9;
	[tilespmem:s16+$0x240] =	vst v36  }
0x7f: {  	v44 =	vld [tilespmem:s16+$0x660];
	v3 =	vmul.f32 $3.200000000e+01, v6;
	[tilespmem:s16+$0x250] =	vst v38  }
0x80: {  	v45 =	vld [tilespmem:s16+$0x670];
	v41 =	vmul.f32 $3.200000000e+01, v10;
	[tilespmem:s16+$0x260] =	vst v39  }
0x81: {  	v46 =	vmul.f32 $3.200000000e+01, v40;
	[tilespmem:s16+$0x230] =	vst v3;
	v3 =	vld [tilespmem:s16+$0x620]  }
0x82: {  	v52 =	vld [tilespmem:s16+$0xA30];
	v48 =	vmul.f32 $3.200000000e+01, v42;
	[tilespmem:s16+$0x270] =	vst v41  }
0x83: {  	v54 =	vld [tilespmem:s16+$0xA40];
	v49 =	vmul.f32 $3.200000000e+01, v43;
	[tilespmem:s16+$0x630] =	vst v46  }
0x84: {  	v55 =	vld [tilespmem:s16+$0xA50];
	v51 =	vmul.f32 $3.200000000e+01, v44;
	[tilespmem:s16+$0x640] =	vst v48  }
0x85: {  	v56 =	vld [tilespmem:s16+$0xA60];
	v53 =	vmul.f32 $3.200000000e+01, v45;
	[tilespmem:s16+$0x650] =	vst v49  }
0x86: {  	v57 =	vld [tilespmem:s16+$0xA70];
	[tilespmem:s16+$0x660] =	vst v51;
	v3 =	vmul.f32 $3.200000000e+01, v3  }
0x87: {  	v14 =	vld [tilespmem:s16+$0xE40];
	v58 =	vmul.f32 $3.200000000e+01, v52;
	[tilespmem:s16+$0x670] =	vst v53  }
0x88: {  	v59 =	vmul.f32 $3.200000000e+01, v54;
	[tilespmem:s16+$0x620] =	vst v3;
	v3 =	vld [tilespmem:s16+$0xA10]  }
0x89: {  	v15 =	vld [tilespmem:s16+$0xE50];
	v61 =	vmul.f32 $3.200000000e+01, v55;
	[tilespmem:s16+$0xA30] =	vst v58  }
0x8a: {  	v16 =	vld [tilespmem:s16+$0xE60];
	v63 =	vmul.f32 $3.200000000e+01, v56;
	[tilespmem:s16+$0xA40] =	vst v59  }
0x8b: {  	v17 =	vld [tilespmem:s16+$0xE70];
	v13 =	vmul.f32 $3.200000000e+01, v57;
	[tilespmem:s16+$0xA50] =	vst v61  }
0x8c: {  	v23 =	vld [tilespmem:s16+$0x1230];
	v19 =	vmul.f32 $3.200000000e+01, v14;
	[tilespmem:s16+$0xA60] =	vst v63  }
0x8d: {  	v25 =	vld [tilespmem:s16+$0x1240];
	[tilespmem:s16+$0xA70] =	vst v13;
	v3 =	vmul.f32 $3.200000000e+01, v3  }
0x8e: {  	v26 =	vld [tilespmem:s16+$0x1250];
	v21 =	vmul.f32 $3.200000000e+01, v15;
	[tilespmem:s16+$0xE40] =	vst v19  }
0x8f: {  	v22 =	vmul.f32 $3.200000000e+01, v16;
	[tilespmem:s16+$0xA10] =	vst v3;
	v3 =	vld [tilespmem:s16+$0xE00]  }
0x90: {  	v27 =	vld [tilespmem:s16+$0x1260];
	v24 =	vmul.f32 $3.200000000e+01, v17;
	[tilespmem:s16+$0xE50] =	vst v21  }
0x91: {  	v12 =	vld [tilespmem:s16+$0xE30];
	v29 =	vmul.f32 $3.200000000e+01, v23;
	[tilespmem:s16+$0xE60] =	vst v22  }
0x92: {  	v35 =	vld [tilespmem:s16+$0x600];
	v31 =	vmul.f32 $3.200000000e+01, v25;
	[tilespmem:s16+$0xE70] =	vst v24  }
0x93: {  	v37 =	vld [tilespmem:s16+$0x610];
	v32 =	vmul.f32 $3.200000000e+01, v26;
	[tilespmem:s16+$0x1230] =	vst v29  }
0x94: {  	v28 =	vld [tilespmem:s16+$0x1270];
	[tilespmem:s16+$0x1240] =	vst v31;
	v3 =	vmul.f32 $3.200000000e+01, v3  }
0x95: {  	v47 =	vld [tilespmem:s16+$0xA00];
	v34 =	vmul.f32 $3.200000000e+01, v27;
	[tilespmem:s16+$0x1250] =	vst v32  }
0x96: {  	v50 =	vld [tilespmem:s16+$0xA20];
	[tilespmem:s16+$0xE00] =	vst v3;
	v3 =	vmul.f32 $3.200000000e+01, v12  }
0x97: {  	v40 =	vld [tilespmem:s16+$0x1670];
	v4 =	vmul.f32 $3.200000000e+01, v35;
	[tilespmem:s16+$0x1260] =	vst v34  }
0x98: {  	v5 =	vmul.f32 $3.200000000e+01, v37;
	[tilespmem:s16+$0xE30] =	vst v3;
	v3 =	vld [tilespmem:s16+$0x1220]  }
0x99: {  	v52 =	vld [tilespmem:s16+$0x1A40];
	v36 =	vmul.f32 $3.200000000e+01, v28;
	[tilespmem:s16+$0x600] =	vst v4  }
0x9a: {  	v60 =	vld [tilespmem:s16+$0xE10];
	[tilespmem:s16+$0x610] =	vst v5;
	v5 =	vmul.f32 $3.200000000e+01, v47  }
0x9b: {  	v62 =	vld [tilespmem:s16+$0xE20];
	v4 =	vmul.f32 $3.200000000e+01, v50;
	[tilespmem:s16+$0x1270] =	vst v36  }
0x9c: {  	v35 =	vld [tilespmem:s16+$0x1630];
	v48 =	vmul.f32 $3.200000000e+01, v40;
	[tilespmem:s16+$0xA00] =	vst v5  }
0x9d: {  	v38 =	vld [tilespmem:s16+$0x1650];
	[tilespmem:s16+$0xA20] =	vst v4;
	v3 =	vmul.f32 $3.200000000e+01, v3  }
0x9e: {  	v39 =	vld [tilespmem:s16+$0x1660];
	v55 =	vmul.f32 $3.200000000e+01, v52;
	[tilespmem:s16+$0x1670] =	vst v48  }
0x9f: {  	v4 =	vmul.f32 $3.200000000e+01, v60;
	[tilespmem:s16+$0x1220] =	vst v3;
	v3 =	vld [tilespmem:s16+$0x1610]  }
0xa0: {  	v49 =	vld [tilespmem:s16+$0x1A50];
	v5 =	vmul.f32 $3.200000000e+01, v62;
	[tilespmem:s16+$0x1A40] =	vst v55  }
0xa1: {  	v18 =	vld [tilespmem:s16+$0x1200];
	v41 =	vmul.f32 $3.200000000e+01, v35;
	[tilespmem:s16+$0xE10] =	vst v4  }
0xa2: {  	v20 =	vld [tilespmem:s16+$0x1210];
	v44 =	vmul.f32 $3.200000000e+01, v38;
	[tilespmem:s16+$0xE20] =	vst v5  }
0xa3: {  	v50 =	vld [tilespmem:s16+$0x1A60];
	v46 =	vmul.f32 $3.200000000e+01, v39;
	[tilespmem:s16+$0x1630] =	vst v41  }
0xa4: {  	v30 =	vld [tilespmem:s16+$0x1600];
	[tilespmem:s16+$0x1650] =	vst v44;
	v3 =	vmul.f32 $3.200000000e+01, v3  }
0xa5: {  	v33 =	vld [tilespmem:s16+$0x1620];
	v53 =	vmul.f32 $3.200000000e+01, v49;
	[tilespmem:s16+$0x1660] =	vst v46  }
0xa6: {  	v4 =	vmul.f32 $3.200000000e+01, v18;
	[tilespmem:s16+$0x1610] =	vst v3;
	v3 =	vld [tilespmem:s16+$0x1A00]  }
0xa7: {  	v43 =	vld [tilespmem:s16+$0x1A10];
	v5 =	vmul.f32 $3.200000000e+01, v20;
	[tilespmem:s16+$0x1A50] =	vst v53  }
0xa8: {  	v47 =	vld [tilespmem:s16+$0x1A30];
	v54 =	vmul.f32 $3.200000000e+01, v50;
	[tilespmem:s16+$0x1200] =	vst v4  }
0xa9: {  	v45 =	vld [tilespmem:s16+$0x1A20];
	[tilespmem:s16+$0x1210] =	vst v5;
	v5 =	vmul.f32 $3.200000000e+01, v30  }
0xaa: {  	v51 =	vld [tilespmem:s16+$0x1A70];
	v4 =	vmul.f32 $3.200000000e+01, v33;
	[tilespmem:s16+$0x1A60] =	vst v54  }
0xab: {  	v37 =	vld [tilespmem:s16+$0x1640];
	[tilespmem:s16+$0x1600] =	vst v5;
	v3 =	vmul.f32 $3.200000000e+01, v3  }
0xac: {  	[tilespmem:s16+$0x1620] =	vst v4;
	v4 =	vmul.f32 $3.200000000e+01, v43  }
0xad: {  	[tilespmem:s16+$0x1A00] =	vst v3;
	v3 =	vmul.f32 $3.200000000e+01, v47  }
0xae: {  	s25 =	sand.u32 $0x7, s0;
	v5 =	vmul.f32 $3.200000000e+01, v45;
	[tilespmem:s16+$0x1A10] =	vst v4  }
0xaf: {  	s3 =	sshll.u32 s25, $0x7;
	[tilespmem:s16+$0x1A30] =	vst v3;
	v3 =	vmul.f32 $3.200000000e+01, v51  }
0xb0: {  	s3 =	sadd.s32 s3, s14;
	v42 =	vmul.f32 $3.200000000e+01, v37;
	[tilespmem:s16+$0x1A20] =	vst v5  }
0xb1: {  	s17 =	sor.u32 $0x1C00, s3;
	[tilespmem:s16+$0x1A70] =	vst v3  }
0xb2: {  	s26 =	sor.u32 $0x1C10, s3;
	[tilespmem:s16+$0x1640] =	vst v42;
	v3 =	vld [tilespmem:s17+$0x200]  }
0xb3: {  	s19 =	sor.u32 $0x1C20, s3;
	v4 =	vld [tilespmem:s26+$0x200]  }
0xb4: {  	s20 =	sor.u32 $0x1C30, s3;
	v5 =	vld [tilespmem:s19+$0x200]  }
0xb5: {  	s22 =	sor.u32 $0x1C40, s3;
	v56 =	vld [tilespmem:s20+$0x200]  }
0xb6: {  	s23 =	sor.u32 $0x1C50, s3;
	v57 =	vld [tilespmem:s22+$0x200]  }
0xb7: {  	s24 =	sor.u32 $0x1C60, s3;
	v58 =	vld [tilespmem:s23+$0x200];
	v3 =	vmul.f32 $3.200000000e+01, v3  }
0xb8: {  	s3 =	sor.u32 $0x1C70, s3;
	v59 =	vld [tilespmem:s24+$0x200];
	v4 =	vmul.f32 $3.200000000e+01, v4  }
0xb9: {  	v60 =	vld [tilespmem:s3+$0x200];
	v5 =	vmul.f32 $3.200000000e+01, v5;
	[tilespmem:s17+$0x200] =	vst v3  }
0xba: {  	v3 =	vmul.f32 $3.200000000e+01, v56;
	[tilespmem:s26+$0x200] =	vst v4  }
0xbb: {  	p0 =	sne.s32 s15, $0x780;
	v61 =	vmul.f32 $3.200000000e+01, v57;
	[tilespmem:s19+$0x200] =	vst v5  }
.Ltmp0:
0xbc: {  	v62 =	vmul.f32 $3.200000000e+01, v58;
	[tilespmem:s20+$0x200] =	vst v3;
	(pc) =	sbr.rel @p0 .LBB2_3-.Ltmp0, $4  }
0xbd: {  	v3 =	vmul.f32 $3.200000000e+01, v59;
	[tilespmem:s22+$0x200] =	vst v61  }
0xbe: {  	v63 =	vmul.f32 $3.200000000e+01, v60;
	[tilespmem:s23+$0x200] =	vst v62  }
0xbf: {  	s0 =	sadd.s32 $0x1, s0;
	[tilespmem:s24+$0x200] =	vst v3  }
0xc0: {  	s12 =	sadd.s32 $0x400, s12;
	s15 =	sadd.s32 $0x80, s15;
	s14 =	sadd.s32 $0x400, s14;
	[tilespmem:s3+$0x200] =	vst v63  }
0xc1: {  	s0 =	sshll.u32 s6, $0xD  }
0xc2: {  	p0 =	seq.s32 s6, $0x7;
	s0 =	sadd.s32 s0, s10  }
0xc3: {  	[hbm4b:s0+s5] =	stream.linear.scatter [tilespmem:s13], [sflag:$0x5], $0x4000, $0x38;
	[tilespmem:$0x10200] =	vst v63  }
0xc4: {  	s0 =	simm.s32 @!p0 $0x5  }
0xc5: {  	_ =	swait.ge @!p0 [sflag:s0], $0x4000  }
0xc6: {  	s3 =	sshll.u32 @!p0 s6, $0x6;
	[sflag:s0] =	ssyncset.done @!p0 $0x0  }
0xc7: {  	s12 =	sand.u32 @!p0 $0x3FFFFFC0, s3;
	[sflag:s0] =	ssyncadd.s32 @!p0 $0xFFFFC000  }
0xc8: {  	v3 =	vld @!p0 [tilespmem:s12+$0x40];
	_ =	sdelay $0x4  }
0xc9: {  	v4 =	vshll.u32 @!p0 v3, $0x3  }
0xca: {  	v5 =	vlaneseq.u32 @!p0;
	v3 =	vand.u32 @!p0 $0x7, v3;
	v4 =	vand.u32 @!p0 $0xFFFFFFC0, v4  }
0xcb: {  	v6 =	vshrl.u32 @!p0 v5, $0x3;
	v3 =	vor.u32 @!p0 v3, v4;
	v4 =	vand.u32 @!p0 $0x7, v5  }
0xcc: {  	v6 =	vmul.u32 @!p0 $0x8, v6;
	v4 =	vperm.xlane @!p0 v3, v4;
	_ =	sdelay $0x1  }
0xcd: {  	v4 =	vadd.s32 @!p0 v6, v4;
	_ =	sdelay $0x3  }
0xce: {  	vm1 =	vmmov @!p0 $0xffff;
	s3 =	simm.s32 @!p0 $0x200;
	s0 =	simm.s32 @!p0 $0x0  }
0xcf: {  	v5 =	vor.u32 @!p0 $0x8, v5;
	[tilespmem:s3], [sflag:$0x1] =	stream.indirect_vreg.gather @!p0 [hbm4b:s1+s0], $0x80, v4, vm1, $0xb8;
	[tilespmem:$0x10200] =	vst v63  }
0xd0: {  	v3 =	vperm.xlane @!p0 v3, v5;
	s3 =	simm.s32 @!p0 $0xA00  }
0xd1: {  	[tilespmem:s3], [sflag:$0x1] =	stream.indirect_vreg.gather @!p0 [hbm4b:s7+s0], $0x80, v4, vm1, $0xb8;
	[tilespmem:$0x10200] =	vst v63  }
0xd2: {  	v3 =	vadd.s32 @!p0 v6, v3;
	s3 =	simm.s32 @!p0 $0x1200  }
0xd3: {  	[tilespmem:s3], [sflag:$0x1] =	stream.indirect_vreg.gather @!p0 [hbm4b:s8+s0], $0x80, v4, vm1, $0xb8;
	[tilespmem:$0x10200] =	vst v63  }
0xd4: {  	s3 =	simm.s32 @!p0 $0x1A00  }
0xd5: {  	[tilespmem:s3], [sflag:$0x1] =	stream.indirect_vreg.gather @!p0 [hbm4b:s9+s0], $0x80, v4, vm1, $0xb8;
	[tilespmem:$0x10200] =	vst v63  }
0xd6: {  	s3 =	simm.s32 @!p0 $0x2200  }
0xd7: {  	[tilespmem:s3], [sflag:$0x1] =	stream.indirect_vreg.gather @!p0 [hbm4b:s1+s0], $0x80, v3, vm1, $0xb8;
	[tilespmem:$0x10200] =	vst v63  }
0xd8: {  	s3 =	simm.s32 @!p0 $0x2A00  }
0xd9: {  	[tilespmem:s3], [sflag:$0x1] =	stream.indirect_vreg.gather @!p0 [hbm4b:s7+s0], $0x80, v3, vm1, $0xb8;
	[tilespmem:$0x10200] =	vst v63  }
0xda: {  	s3 =	simm.s32 @!p0 $0x3200  }
0xdb: {  	[tilespmem:s3], [sflag:$0x1] =	stream.indirect_vreg.gather @!p0 [hbm4b:s8+s0], $0x80, v3, vm1, $0xb8;
	[tilespmem:$0x10200] =	vst v63  }
0xdc: {  	s3 =	simm.s32 @!p0 $0x3A00  }
0xdd: {  	[tilespmem:s3], [sflag:$0x1] =	stream.indirect_vreg.gather @!p0 [hbm4b:s9+s0], $0x80, v3, vm1, $0xb8;
	[tilespmem:$0x10200] =	vst v63  }
0xde: {  	_ =	swait.ge [sflag:s29], $0x4000  }
0xdf: {  	s14 =	simm.s32 $0xFFFFC000;
	s15 =	simm.s32 $0x0;
	[sflag:s29] =	ssyncset.done $0x0  }
0xe0: {  	s16 =	simm.s32 $0x0;
	s0 =	simm.s32 $0x0;
	[sflag:s29] =	ssyncadd.s32 $0xFFFFC000  }
.LBB2_5:
0xe1: {  	s3 =	sadd.s32 $0x4000, s14  }
0xe2: {  	s17 =	sand.u32 $0x380, s16;
	s3 =	sand.u32 $0x2000, s3  }
0xe3: {  	s17 =	sor.u32 s17, s3  }
0xe4: {  	v3 =	vld [tilespmem:s17+$0x4200]  }
0xe5: {  	v4 =	vld [tilespmem:s17+$0x4210]  }
0xe6: {  	v5 =	vld [tilespmem:s17+$0x4220]  }
0xe7: {  	v7 =	vld [tilespmem:s17+$0x4240]  }
0xe8: {  	v8 =	vld [tilespmem:s17+$0x4250]  }
0xe9: {  	v9 =	vld [tilespmem:s17+$0x4260];
	v3 =	vmul.f32 $3.200000000e+01, v3  }
0xea: {  	v6 =	vld [tilespmem:s17+$0x4230];
	v4 =	vmul.f32 $3.200000000e+01, v4  }
0xeb: {  	v10 =	vld [tilespmem:s17+$0x4270];
	v5 =	vmul.f32 $3.200000000e+01, v5;
	[tilespmem:s17+$0x4200] =	vst v3  }
0xec: {  	v40 =	vld [tilespmem:s17+$0x4630];
	v36 =	vmul.f32 $3.200000000e+01, v7;
	[tilespmem:s17+$0x4210] =	vst v4  }
0xed: {  	v42 =	vld [tilespmem:s17+$0x4640];
	v38 =	vmul.f32 $3.200000000e+01, v8;
	[tilespmem:s17+$0x4220] =	vst v5  }
0xee: {  	v43 =	vld [tilespmem:s17+$0x4650];
	v39 =	vmul.f32 $3.200000000e+01, v9;
	[tilespmem:s17+$0x4240] =	vst v36  }
0xef: {  	v44 =	vld [tilespmem:s17+$0x4660];
	v3 =	vmul.f32 $3.200000000e+01, v6;
	[tilespmem:s17+$0x4250] =	vst v38  }
0xf0: {  	v45 =	vld [tilespmem:s17+$0x4670];
	v41 =	vmul.f32 $3.200000000e+01, v10;
	[tilespmem:s17+$0x4260] =	vst v39  }
0xf1: {  	v46 =	vmul.f32 $3.200000000e+01, v40;
	[tilespmem:s17+$0x4230] =	vst v3;
	v3 =	vld [tilespmem:s17+$0x4620]  }
0xf2: {  	v52 =	vld [tilespmem:s17+$0x4A30];
	v48 =	vmul.f32 $3.200000000e+01, v42;
	[tilespmem:s17+$0x4270] =	vst v41  }
0xf3: {  	v54 =	vld [tilespmem:s17+$0x4A40];
	v49 =	vmul.f32 $3.200000000e+01, v43;
	[tilespmem:s17+$0x4630] =	vst v46  }
0xf4: {  	v55 =	vld [tilespmem:s17+$0x4A50];
	v51 =	vmul.f32 $3.200000000e+01, v44;
	[tilespmem:s17+$0x4640] =	vst v48  }
0xf5: {  	v56 =	vld [tilespmem:s17+$0x4A60];
	v53 =	vmul.f32 $3.200000000e+01, v45;
	[tilespmem:s17+$0x4650] =	vst v49  }
0xf6: {  	v57 =	vld [tilespmem:s17+$0x4A70];
	[tilespmem:s17+$0x4660] =	vst v51;
	v3 =	vmul.f32 $3.200000000e+01, v3  }
0xf7: {  	v14 =	vld [tilespmem:s17+$0x4E40];
	v58 =	vmul.f32 $3.200000000e+01, v52;
	[tilespmem:s17+$0x4670] =	vst v53  }
0xf8: {  	v59 =	vmul.f32 $3.200000000e+01, v54;
	[tilespmem:s17+$0x4620] =	vst v3;
	v3 =	vld [tilespmem:s17+$0x4A10]  }
0xf9: {  	v15 =	vld [tilespmem:s17+$0x4E50];
	v61 =	vmul.f32 $3.200000000e+01, v55;
	[tilespmem:s17+$0x4A30] =	vst v58  }
0xfa: {  	v16 =	vld [tilespmem:s17+$0x4E60];
	v63 =	vmul.f32 $3.200000000e+01, v56;
	[tilespmem:s17+$0x4A40] =	vst v59  }
0xfb: {  	v17 =	vld [tilespmem:s17+$0x4E70];
	v13 =	vmul.f32 $3.200000000e+01, v57;
	[tilespmem:s17+$0x4A50] =	vst v61  }
0xfc: {  	v23 =	vld [tilespmem:s17+$0x5230];
	v19 =	vmul.f32 $3.200000000e+01, v14;
	[tilespmem:s17+$0x4A60] =	vst v63  }
0xfd: {  	v25 =	vld [tilespmem:s17+$0x5240];
	[tilespmem:s17+$0x4A70] =	vst v13;
	v3 =	vmul.f32 $3.200000000e+01, v3  }
0xfe: {  	v26 =	vld [tilespmem:s17+$0x5250];
	v21 =	vmul.f32 $3.200000000e+01, v15;
	[tilespmem:s17+$0x4E40] =	vst v19  }
0xff: {  	v22 =	vmul.f32 $3.200000000e+01, v16;
	[tilespmem:s17+$0x4A10] =	vst v3;
	v3 =	vld [tilespmem:s17+$0x4E00]  }
0x100: {  	v27 =	vld [tilespmem:s17+$0x5260];
	v24 =	vmul.f32 $3.200000000e+01, v17;
	[tilespmem:s17+$0x4E50] =	vst v21  }
0x101: {  	v12 =	vld [tilespmem:s17+$0x4E30];
	v29 =	vmul.f32 $3.200000000e+01, v23;
	[tilespmem:s17+$0x4E60] =	vst v22  }
0x102: {  	v35 =	vld [tilespmem:s17+$0x4600];
	v31 =	vmul.f32 $3.200000000e+01, v25;
	[tilespmem:s17+$0x4E70] =	vst v24  }
0x103: {  	v37 =	vld [tilespmem:s17+$0x4610];
	v32 =	vmul.f32 $3.200000000e+01, v26;
	[tilespmem:s17+$0x5230] =	vst v29  }
0x104: {  	v28 =	vld [tilespmem:s17+$0x5270];
	[tilespmem:s17+$0x5240] =	vst v31;
	v3 =	vmul.f32 $3.200000000e+01, v3  }
0x105: {  	v47 =	vld [tilespmem:s17+$0x4A00];
	v34 =	vmul.f32 $3.200000000e+01, v27;
	[tilespmem:s17+$0x5250] =	vst v32  }
0x106: {  	v50 =	vld [tilespmem:s17+$0x4A20];
	[tilespmem:s17+$0x4E00] =	vst v3;
	v3 =	vmul.f32 $3.200000000e+01, v12  }
0x107: {  	v40 =	vld [tilespmem:s17+$0x5670];
	v4 =	vmul.f32 $3.200000000e+01, v35;
	[tilespmem:s17+$0x5260] =	vst v34  }
0x108: {  	v5 =	vmul.f32 $3.200000000e+01, v37;
	[tilespmem:s17+$0x4E30] =	vst v3;
	v3 =	vld [tilespmem:s17+$0x5220]  }
0x109: {  	v52 =	vld [tilespmem:s17+$0x5A40];
	v36 =	vmul.f32 $3.200000000e+01, v28;
	[tilespmem:s17+$0x4600] =	vst v4  }
0x10a: {  	v60 =	vld [tilespmem:s17+$0x4E10];
	[tilespmem:s17+$0x4610] =	vst v5;
	v5 =	vmul.f32 $3.200000000e+01, v47  }
0x10b: {  	v62 =	vld [tilespmem:s17+$0x4E20];
	v4 =	vmul.f32 $3.200000000e+01, v50;
	[tilespmem:s17+$0x5270] =	vst v36  }
0x10c: {  	v35 =	vld [tilespmem:s17+$0x5630];
	v48 =	vmul.f32 $3.200000000e+01, v40;
	[tilespmem:s17+$0x4A00] =	vst v5  }
0x10d: {  	v38 =	vld [tilespmem:s17+$0x5650];
	[tilespmem:s17+$0x4A20] =	vst v4;
	v3 =	vmul.f32 $3.200000000e+01, v3  }
0x10e: {  	v39 =	vld [tilespmem:s17+$0x5660];
	v55 =	vmul.f32 $3.200000000e+01, v52;
	[tilespmem:s17+$0x5670] =	vst v48  }
0x10f: {  	v4 =	vmul.f32 $3.200000000e+01, v60;
	[tilespmem:s17+$0x5220] =	vst v3;
	v3 =	vld [tilespmem:s17+$0x5610]  }
0x110: {  	v49 =	vld [tilespmem:s17+$0x5A50];
	v5 =	vmul.f32 $3.200000000e+01, v62;
	[tilespmem:s17+$0x5A40] =	vst v55  }
0x111: {  	v18 =	vld [tilespmem:s17+$0x5200];
	v41 =	vmul.f32 $3.200000000e+01, v35;
	[tilespmem:s17+$0x4E10] =	vst v4  }
0x112: {  	v20 =	vld [tilespmem:s17+$0x5210];
	v44 =	vmul.f32 $3.200000000e+01, v38;
	[tilespmem:s17+$0x4E20] =	vst v5  }
0x113: {  	v50 =	vld [tilespmem:s17+$0x5A60];
	v46 =	vmul.f32 $3.200000000e+01, v39;
	[tilespmem:s17+$0x5630] =	vst v41  }
0x114: {  	v30 =	vld [tilespmem:s17+$0x5600];
	[tilespmem:s17+$0x5650] =	vst v44;
	v3 =	vmul.f32 $3.200000000e+01, v3  }
0x115: {  	v33 =	vld [tilespmem:s17+$0x5620];
	v53 =	vmul.f32 $3.200000000e+01, v49;
	[tilespmem:s17+$0x5660] =	vst v46  }
0x116: {  	v4 =	vmul.f32 $3.200000000e+01, v18;
	[tilespmem:s17+$0x5610] =	vst v3;
	v3 =	vld [tilespmem:s17+$0x5A00]  }
0x117: {  	v43 =	vld [tilespmem:s17+$0x5A10];
	v5 =	vmul.f32 $3.200000000e+01, v20;
	[tilespmem:s17+$0x5A50] =	vst v53  }
0x118: {  	v47 =	vld [tilespmem:s17+$0x5A30];
	v54 =	vmul.f32 $3.200000000e+01, v50;
	[tilespmem:s17+$0x5200] =	vst v4  }
0x119: {  	v45 =	vld [tilespmem:s17+$0x5A20];
	[tilespmem:s17+$0x5210] =	vst v5;
	v5 =	vmul.f32 $3.200000000e+01, v30  }
0x11a: {  	v51 =	vld [tilespmem:s17+$0x5A70];
	v4 =	vmul.f32 $3.200000000e+01, v33;
	[tilespmem:s17+$0x5A60] =	vst v54  }
0x11b: {  	v37 =	vld [tilespmem:s17+$0x5640];
	[tilespmem:s17+$0x5600] =	vst v5;
	v3 =	vmul.f32 $3.200000000e+01, v3  }
0x11c: {  	[tilespmem:s17+$0x5620] =	vst v4;
	v4 =	vmul.f32 $3.200000000e+01, v43  }
0x11d: {  	[tilespmem:s17+$0x5A00] =	vst v3;
	v3 =	vmul.f32 $3.200000000e+01, v47  }
0x11e: {  	s25 =	sand.u32 $0x7, s0;
	v5 =	vmul.f32 $3.200000000e+01, v45;
	[tilespmem:s17+$0x5A10] =	vst v4  }
0x11f: {  	s3 =	sshll.u32 s25, $0x7;
	[tilespmem:s17+$0x5A30] =	vst v3;
	v3 =	vmul.f32 $3.200000000e+01, v51  }
0x120: {  	s3 =	sadd.s32 s3, s15;
	v42 =	vmul.f32 $3.200000000e+01, v37;
	[tilespmem:s17+$0x5A20] =	vst v5  }
0x121: {  	s19 =	sor.u32 $0x1C00, s3;
	[tilespmem:s17+$0x5A70] =	vst v3  }
0x122: {  	s26 =	sor.u32 $0x1C10, s3;
	[tilespmem:s17+$0x5640] =	vst v42;
	v3 =	vld [tilespmem:s19+$0x4200]  }
0x123: {  	s20 =	sor.u32 $0x1C20, s3;
	v4 =	vld [tilespmem:s26+$0x4200]  }
0x124: {  	s22 =	sor.u32 $0x1C30, s3;
	v5 =	vld [tilespmem:s20+$0x4200]  }
0x125: {  	s23 =	sor.u32 $0x1C40, s3;
	v56 =	vld [tilespmem:s22+$0x4200]  }
0x126: {  	s24 =	sor.u32 $0x1C50, s3;
	v57 =	vld [tilespmem:s23+$0x4200]  }
0x127: {  	s25 =	sor.u32 $0x1C60, s3;
	v58 =	vld [tilespmem:s24+$0x4200];
	v3 =	vmul.f32 $3.200000000e+01, v3  }
0x128: {  	s3 =	sor.u32 $0x1C70, s3;
	v59 =	vld [tilespmem:s25+$0x4200];
	v4 =	vmul.f32 $3.200000000e+01, v4  }
0x129: {  	v60 =	vld [tilespmem:s3+$0x4200];
	v5 =	vmul.f32 $3.200000000e+01, v5;
	[tilespmem:s19+$0x4200] =	vst v3  }
0x12a: {  	v3 =	vmul.f32 $3.200000000e+01, v56;
	[tilespmem:s26+$0x4200] =	vst v4  }
0x12b: {  	p1 =	sne.s32 s16, $0x780;
	v61 =	vmul.f32 $3.200000000e+01, v57;
	[tilespmem:s20+$0x4200] =	vst v5  }
.Ltmp1:
0x12c: {  	v62 =	vmul.f32 $3.200000000e+01, v58;
	[tilespmem:s22+$0x4200] =	vst v3;
	(pc) =	sbr.rel @p1 .LBB2_5-.Ltmp1, $4  }
0x12d: {  	v3 =	vmul.f32 $3.200000000e+01, v59;
	[tilespmem:s23+$0x4200] =	vst v61  }
0x12e: {  	v63 =	vmul.f32 $3.200000000e+01, v60;
	[tilespmem:s24+$0x4200] =	vst v62  }
0x12f: {  	s0 =	sadd.s32 $0x1, s0;
	[tilespmem:s25+$0x4200] =	vst v3  }
0x130: {  	s14 =	sadd.s32 $0x400, s14;
	s16 =	sadd.s32 $0x80, s16;
	s15 =	sadd.s32 $0x400, s15;
	[tilespmem:s3+$0x4200] =	vst v63  }
0x131: {  	s0 =	sshll.u32 s6, $0x6  }
0x132: {  	s0 =	sadd.s32 s0, s4  }
0x133: {  	s3 =	rddreg [dreg:$0x2];
	s0 =	sshll.u32 s0, $0x7  }
0x134: {  	s0 =	sadd.s32 s3, s0  }
0x135: {  	s3 =	sadd.s32 $0x800, s0  }
0x136: {  	[hbm4b:s3+s5] =	stream.linear.scatter [tilespmem:s21], [sflag:$0x6], $0x4000, $0x38;
	[tilespmem:$0x10200] =	vst v63  }
0x137: {  	s3 =	simm.s32 @!p0 $0x6  }
0x138: {  	_ =	swait.ge @!p0 [sflag:s3], $0x4000  }
0x139: {  	[sflag:s3] =	ssyncset.done @!p0 $0x0  }
0x13a: {  	[sflag:s3] =	ssyncadd.s32 @!p0 $0xFFFFC000  }
0x13b: {  	v3 =	vld @!p0 [tilespmem:s12+$0x50];
	_ =	sdelay $0x4  }
0x13c: {  	v4 =	vshll.u32 @!p0 v3, $0x3  }
0x13d: {  	v5 =	vlaneseq.u32 @!p0;
	v3 =	vand.u32 @!p0 $0x7, v3;
	v4 =	vand.u32 @!p0 $0xFFFFFFC0, v4  }
0x13e: {  	v6 =	vshrl.u32 @!p0 v5, $0x3;
	v3 =	vor.u32 @!p0 v3, v4;
	v4 =	vand.u32 @!p0 $0x7, v5  }
0x13f: {  	v6 =	vmul.u32 @!p0 $0x8, v6;
	v4 =	vperm.xlane @!p0 v3, v4;
	_ =	sdelay $0x1  }
0x140: {  	v4 =	vadd.s32 @!p0 v6, v4;
	_ =	sdelay $0x3  }
0x141: {  	s14 =	simm.s32 @!p0 $0x4200;
	s3 =	simm.s32 @!p0 $0x0  }
0x142: {  	v5 =	vor.u32 @!p0 $0x8, v5;
	[tilespmem:s14], [sflag:$0x2] =	stream.indirect_vreg.gather @!p0 [hbm4b:s1+s3], $0x80, v4, vm1, $0xb8;
	[tilespmem:$0x10200] =	vst v63  }
0x143: {  	v3 =	vperm.xlane @!p0 v3, v5;
	s14 =	simm.s32 @!p0 $0x4A00  }
0x144: {  	[tilespmem:s14], [sflag:$0x2] =	stream.indirect_vreg.gather @!p0 [hbm4b:s7+s3], $0x80, v4, vm1, $0xb8;
	[tilespmem:$0x10200] =	vst v63  }
0x145: {  	v3 =	vadd.s32 @!p0 v6, v3;
	s14 =	simm.s32 @!p0 $0x5200  }
0x146: {  	[tilespmem:s14], [sflag:$0x2] =	stream.indirect_vreg.gather @!p0 [hbm4b:s8+s3], $0x80, v4, vm1, $0xb8;
	[tilespmem:$0x10200] =	vst v63  }
0x147: {  	s14 =	simm.s32 @!p0 $0x5A00  }
0x148: {  	[tilespmem:s14], [sflag:$0x2] =	stream.indirect_vreg.gather @!p0 [hbm4b:s9+s3], $0x80, v4, vm1, $0xb8;
	[tilespmem:$0x10200] =	vst v63  }
0x149: {  	s14 =	simm.s32 @!p0 $0x6200  }
0x14a: {  	[tilespmem:s14], [sflag:$0x2] =	stream.indirect_vreg.gather @!p0 [hbm4b:s1+s3], $0x80, v3, vm1, $0xb8;
	[tilespmem:$0x10200] =	vst v63  }
0x14b: {  	s14 =	simm.s32 @!p0 $0x6A00  }
0x14c: {  	[tilespmem:s14], [sflag:$0x2] =	stream.indirect_vreg.gather @!p0 [hbm4b:s7+s3], $0x80, v3, vm1, $0xb8;
	[tilespmem:$0x10200] =	vst v63  }
0x14d: {  	s14 =	simm.s32 @!p0 $0x7200  }
0x14e: {  	[tilespmem:s14], [sflag:$0x2] =	stream.indirect_vreg.gather @!p0 [hbm4b:s8+s3], $0x80, v3, vm1, $0xb8;
	[tilespmem:$0x10200] =	vst v63  }
0x14f: {  	s14 =	simm.s32 @!p0 $0x7A00  }
0x150: {  	[tilespmem:s14], [sflag:$0x2] =	stream.indirect_vreg.gather @!p0 [hbm4b:s9+s3], $0x80, v3, vm1, $0xb8;
	[tilespmem:$0x10200] =	vst v63  }
0x151: {  	_ =	swait.ge [sflag:s31], $0x4000  }
0x152: {  	s15 =	simm.s32 $0xFFFFC000;
	s16 =	simm.s32 $0x0;
	[sflag:s31] =	ssyncset.done $0x0  }
0x153: {  	s17 =	simm.s32 $0x0;
	s14 =	simm.s32 $0x0;
	[sflag:s31] =	ssyncadd.s32 $0xFFFFC000  }
.LBB2_7:
0x154: {  	s3 =	sadd.s32 $0x4000, s15  }
0x155: {  	s19 =	sand.u32 $0x380, s17;
	s3 =	sand.u32 $0x2000, s3  }
0x156: {  	s3 =	sor.u32 s19, s3  }
0x157: {  	v3 =	vld [tilespmem:s3+$0x8200]  }
0x158: {  	v4 =	vld [tilespmem:s3+$0x8210]  }
0x159: {  	v5 =	vld [tilespmem:s3+$0x8220]  }
0x15a: {  	v7 =	vld [tilespmem:s3+$0x8240]  }
0x15b: {  	v8 =	vld [tilespmem:s3+$0x8250]  }
0x15c: {  	v9 =	vld [tilespmem:s3+$0x8260];
	v3 =	vmul.f32 $3.200000000e+01, v3  }
0x15d: {  	v6 =	vld [tilespmem:s3+$0x8230];
	v4 =	vmul.f32 $3.200000000e+01, v4  }
0x15e: {  	v10 =	vld [tilespmem:s3+$0x8270];
	v5 =	vmul.f32 $3.200000000e+01, v5;
	[tilespmem:s3+$0x8200] =	vst v3  }
0x15f: {  	v40 =	vld [tilespmem:s3+$0x8630];
	v36 =	vmul.f32 $3.200000000e+01, v7;
	[tilespmem:s3+$0x8210] =	vst v4  }
0x160: {  	v42 =	vld [tilespmem:s3+$0x8640];
	v38 =	vmul.f32 $3.200000000e+01, v8;
	[tilespmem:s3+$0x8220] =	vst v5  }
0x161: {  	v43 =	vld [tilespmem:s3+$0x8650];
	v39 =	vmul.f32 $3.200000000e+01, v9;
	[tilespmem:s3+$0x8240] =	vst v36  }
0x162: {  	v44 =	vld [tilespmem:s3+$0x8660];
	v3 =	vmul.f32 $3.200000000e+01, v6;
	[tilespmem:s3+$0x8250] =	vst v38  }
0x163: {  	v45 =	vld [tilespmem:s3+$0x8670];
	v41 =	vmul.f32 $3.200000000e+01, v10;
	[tilespmem:s3+$0x8260] =	vst v39  }
0x164: {  	v46 =	vmul.f32 $3.200000000e+01, v40;
	[tilespmem:s3+$0x8230] =	vst v3;
	v3 =	vld [tilespmem:s3+$0x8620]  }
0x165: {  	v52 =	vld [tilespmem:s3+$0x8A30];
	v48 =	vmul.f32 $3.200000000e+01, v42;
	[tilespmem:s3+$0x8270] =	vst v41  }
0x166: {  	v54 =	vld [tilespmem:s3+$0x8A40];
	v49 =	vmul.f32 $3.200000000e+01, v43;
	[tilespmem:s3+$0x8630] =	vst v46  }
0x167: {  	v55 =	vld [tilespmem:s3+$0x8A50];
	v51 =	vmul.f32 $3.200000000e+01, v44;
	[tilespmem:s3+$0x8640] =	vst v48  }
0x168: {  	v56 =	vld [tilespmem:s3+$0x8A60];
	v53 =	vmul.f32 $3.200000000e+01, v45;
	[tilespmem:s3+$0x8650] =	vst v49  }
0x169: {  	v57 =	vld [tilespmem:s3+$0x8A70];
	[tilespmem:s3+$0x8660] =	vst v51;
	v3 =	vmul.f32 $3.200000000e+01, v3  }
0x16a: {  	v14 =	vld [tilespmem:s3+$0x8E40];
	v58 =	vmul.f32 $3.200000000e+01, v52;
	[tilespmem:s3+$0x8670] =	vst v53  }
0x16b: {  	v59 =	vmul.f32 $3.200000000e+01, v54;
	[tilespmem:s3+$0x8620] =	vst v3;
	v3 =	vld [tilespmem:s3+$0x8A10]  }
0x16c: {  	v15 =	vld [tilespmem:s3+$0x8E50];
	v61 =	vmul.f32 $3.200000000e+01, v55;
	[tilespmem:s3+$0x8A30] =	vst v58  }
0x16d: {  	v16 =	vld [tilespmem:s3+$0x8E60];
	v63 =	vmul.f32 $3.200000000e+01, v56;
	[tilespmem:s3+$0x8A40] =	vst v59  }
0x16e: {  	v17 =	vld [tilespmem:s3+$0x8E70];
	v13 =	vmul.f32 $3.200000000e+01, v57;
	[tilespmem:s3+$0x8A50] =	vst v61  }
0x16f: {  	v23 =	vld [tilespmem:s3+$0x9230];
	v19 =	vmul.f32 $3.200000000e+01, v14;
	[tilespmem:s3+$0x8A60] =	vst v63  }
0x170: {  	v25 =	vld [tilespmem:s3+$0x9240];
	[tilespmem:s3+$0x8A70] =	vst v13;
	v3 =	vmul.f32 $3.200000000e+01, v3  }
0x171: {  	v26 =	vld [tilespmem:s3+$0x9250];
	v21 =	vmul.f32 $3.200000000e+01, v15;
	[tilespmem:s3+$0x8E40] =	vst v19  }
0x172: {  	v22 =	vmul.f32 $3.200000000e+01, v16;
	[tilespmem:s3+$0x8A10] =	vst v3;
	v3 =	vld [tilespmem:s3+$0x8E00]  }
0x173: {  	v27 =	vld [tilespmem:s3+$0x9260];
	v24 =	vmul.f32 $3.200000000e+01, v17;
	[tilespmem:s3+$0x8E50] =	vst v21  }
0x174: {  	v12 =	vld [tilespmem:s3+$0x8E30];
	v29 =	vmul.f32 $3.200000000e+01, v23;
	[tilespmem:s3+$0x8E60] =	vst v22  }
0x175: {  	v35 =	vld [tilespmem:s3+$0x8600];
	v31 =	vmul.f32 $3.200000000e+01, v25;
	[tilespmem:s3+$0x8E70] =	vst v24  }
0x176: {  	v37 =	vld [tilespmem:s3+$0x8610];
	v32 =	vmul.f32 $3.200000000e+01, v26;
	[tilespmem:s3+$0x9230] =	vst v29  }
0x177: {  	v28 =	vld [tilespmem:s3+$0x9270];
	[tilespmem:s3+$0x9240] =	vst v31;
	v3 =	vmul.f32 $3.200000000e+01, v3  }
0x178: {  	v47 =	vld [tilespmem:s3+$0x8A00];
	v34 =	vmul.f32 $3.200000000e+01, v27;
	[tilespmem:s3+$0x9250] =	vst v32  }
0x179: {  	v50 =	vld [tilespmem:s3+$0x8A20];
	[tilespmem:s3+$0x8E00] =	vst v3;
	v3 =	vmul.f32 $3.200000000e+01, v12  }
0x17a: {  	v40 =	vld [tilespmem:s3+$0x9670];
	v4 =	vmul.f32 $3.200000000e+01, v35;
	[tilespmem:s3+$0x9260] =	vst v34  }
0x17b: {  	v5 =	vmul.f32 $3.200000000e+01, v37;
	[tilespmem:s3+$0x8E30] =	vst v3;
	v3 =	vld [tilespmem:s3+$0x9220]  }
0x17c: {  	v52 =	vld [tilespmem:s3+$0x9A40];
	v36 =	vmul.f32 $3.200000000e+01, v28;
	[tilespmem:s3+$0x8600] =	vst v4  }
0x17d: {  	v60 =	vld [tilespmem:s3+$0x8E10];
	[tilespmem:s3+$0x8610] =	vst v5;
	v5 =	vmul.f32 $3.200000000e+01, v47  }
0x17e: {  	v62 =	vld [tilespmem:s3+$0x8E20];
	v4 =	vmul.f32 $3.200000000e+01, v50;
	[tilespmem:s3+$0x9270] =	vst v36  }
0x17f: {  	v35 =	vld [tilespmem:s3+$0x9630];
	v48 =	vmul.f32 $3.200000000e+01, v40;
	[tilespmem:s3+$0x8A00] =	vst v5  }
0x180: {  	v38 =	vld [tilespmem:s3+$0x9650];
	[tilespmem:s3+$0x8A20] =	vst v4;
	v3 =	vmul.f32 $3.200000000e+01, v3  }
0x181: {  	v39 =	vld [tilespmem:s3+$0x9660];
	v55 =	vmul.f32 $3.200000000e+01, v52;
	[tilespmem:s3+$0x9670] =	vst v48  }
0x182: {  	v4 =	vmul.f32 $3.200000000e+01, v60;
	[tilespmem:s3+$0x9220] =	vst v3;
	v3 =	vld [tilespmem:s3+$0x9610]  }
0x183: {  	v49 =	vld [tilespmem:s3+$0x9A50];
	v5 =	vmul.f32 $3.200000000e+01, v62;
	[tilespmem:s3+$0x9A40] =	vst v55  }
0x184: {  	v18 =	vld [tilespmem:s3+$0x9200];
	v41 =	vmul.f32 $3.200000000e+01, v35;
	[tilespmem:s3+$0x8E10] =	vst v4  }
0x185: {  	v20 =	vld [tilespmem:s3+$0x9210];
	v44 =	vmul.f32 $3.200000000e+01, v38;
	[tilespmem:s3+$0x8E20] =	vst v5  }
0x186: {  	v50 =	vld [tilespmem:s3+$0x9A60];
	v46 =	vmul.f32 $3.200000000e+01, v39;
	[tilespmem:s3+$0x9630] =	vst v41  }
0x187: {  	v30 =	vld [tilespmem:s3+$0x9600];
	[tilespmem:s3+$0x9650] =	vst v44;
	v3 =	vmul.f32 $3.200000000e+01, v3  }
0x188: {  	v33 =	vld [tilespmem:s3+$0x9620];
	v53 =	vmul.f32 $3.200000000e+01, v49;
	[tilespmem:s3+$0x9660] =	vst v46  }
0x189: {  	v4 =	vmul.f32 $3.200000000e+01, v18;
	[tilespmem:s3+$0x9610] =	vst v3;
	v3 =	vld [tilespmem:s3+$0x9A00]  }
0x18a: {  	v43 =	vld [tilespmem:s3+$0x9A10];
	v5 =	vmul.f32 $3.200000000e+01, v20;
	[tilespmem:s3+$0x9A50] =	vst v53  }
0x18b: {  	v47 =	vld [tilespmem:s3+$0x9A30];
	v54 =	vmul.f32 $3.200000000e+01, v50;
	[tilespmem:s3+$0x9200] =	vst v4  }
0x18c: {  	v45 =	vld [tilespmem:s3+$0x9A20];
	[tilespmem:s3+$0x9210] =	vst v5;
	v5 =	vmul.f32 $3.200000000e+01, v30  }
0x18d: {  	v51 =	vld [tilespmem:s3+$0x9A70];
	v4 =	vmul.f32 $3.200000000e+01, v33;
	[tilespmem:s3+$0x9A60] =	vst v54  }
0x18e: {  	v37 =	vld [tilespmem:s3+$0x9640];
	[tilespmem:s3+$0x9600] =	vst v5;
	v3 =	vmul.f32 $3.200000000e+01, v3  }
0x18f: {  	[tilespmem:s3+$0x9620] =	vst v4;
	v4 =	vmul.f32 $3.200000000e+01, v43  }
0x190: {  	[tilespmem:s3+$0x9A00] =	vst v3;
	v3 =	vmul.f32 $3.200000000e+01, v47  }
0x191: {  	s26 =	sand.u32 $0x7, s14;
	v5 =	vmul.f32 $3.200000000e+01, v45;
	[tilespmem:s3+$0x9A10] =	vst v4  }
0x192: {  	s19 =	sshll.u32 s26, $0x7;
	[tilespmem:s3+$0x9A30] =	vst v3;
	v3 =	vmul.f32 $3.200000000e+01, v51  }
0x193: {  	s19 =	sadd.s32 s19, s16;
	v42 =	vmul.f32 $3.200000000e+01, v37;
	[tilespmem:s3+$0x9A20] =	vst v5  }
0x194: {  	s20 =	sor.u32 $0x1C00, s19;
	[tilespmem:s3+$0x9A70] =	vst v3  }
0x195: {  	[tilespmem:s3+$0x9640] =	vst v42;
	s3 =	sor.u32 $0x1C10, s19;
	v3 =	vld [tilespmem:s20+$0x8200]  }
0x196: {  	s22 =	sor.u32 $0x1C20, s19;
	v4 =	vld [tilespmem:s3+$0x8200]  }
0x197: {  	s23 =	sor.u32 $0x1C30, s19;
	v5 =	vld [tilespmem:s22+$0x8200]  }
0x198: {  	s24 =	sor.u32 $0x1C40, s19;
	v56 =	vld [tilespmem:s23+$0x8200]  }
0x199: {  	s25 =	sor.u32 $0x1C50, s19;
	v57 =	vld [tilespmem:s24+$0x8200]  }
0x19a: {  	s26 =	sor.u32 $0x1C60, s19;
	v58 =	vld [tilespmem:s25+$0x8200];
	v3 =	vmul.f32 $3.200000000e+01, v3  }
0x19b: {  	s19 =	sor.u32 $0x1C70, s19;
	v59 =	vld [tilespmem:s26+$0x8200];
	v4 =	vmul.f32 $3.200000000e+01, v4  }
0x19c: {  	v60 =	vld [tilespmem:s19+$0x8200];
	v5 =	vmul.f32 $3.200000000e+01, v5;
	[tilespmem:s20+$0x8200] =	vst v3  }
0x19d: {  	v3 =	vmul.f32 $3.200000000e+01, v56;
	[tilespmem:s3+$0x8200] =	vst v4  }
0x19e: {  	p1 =	sne.s32 s17, $0x780;
	v61 =	vmul.f32 $3.200000000e+01, v57;
	[tilespmem:s22+$0x8200] =	vst v5  }
.Ltmp2:
0x19f: {  	v62 =	vmul.f32 $3.200000000e+01, v58;
	[tilespmem:s23+$0x8200] =	vst v3;
	(pc) =	sbr.rel @p1 .LBB2_7-.Ltmp2, $4  }
0x1a0: {  	v3 =	vmul.f32 $3.200000000e+01, v59;
	[tilespmem:s24+$0x8200] =	vst v61  }
0x1a1: {  	v63 =	vmul.f32 $3.200000000e+01, v60;
	[tilespmem:s25+$0x8200] =	vst v62  }
0x1a2: {  	s14 =	sadd.s32 $0x1, s14;
	[tilespmem:s26+$0x8200] =	vst v3  }
0x1a3: {  	s15 =	sadd.s32 $0x400, s15;
	s17 =	sadd.s32 $0x80, s17;
	s16 =	sadd.s32 $0x400, s16;
	[tilespmem:s19+$0x8200] =	vst v63  }
0x1a4: {  	s0 =	sadd.s32 $0x1000, s0  }
0x1a5: {  	[hbm4b:s0+s5] =	stream.linear.scatter [tilespmem:s30], [sflag:$0x7], $0x4000, $0x38;
	[tilespmem:$0x10200] =	vst v63  }
0x1a6: {  	s0 =	simm.s32 @!p0 $0x7  }
0x1a7: {  	_ =	swait.ge @!p0 [sflag:s0], $0x4000  }
0x1a8: {  	[sflag:s0] =	ssyncset.done @!p0 $0x0  }
0x1a9: {  	[sflag:s0] =	ssyncadd.s32 @!p0 $0xFFFFC000  }
0x1aa: {  	v3 =	vld @!p0 [tilespmem:s12+$0x60];
	_ =	sdelay $0x4  }
0x1ab: {  	v4 =	vshll.u32 @!p0 v3, $0x3  }
0x1ac: {  	v5 =	vlaneseq.u32 @!p0;
	v3 =	vand.u32 @!p0 $0x7, v3;
	v4 =	vand.u32 @!p0 $0xFFFFFFC0, v4  }
0x1ad: {  	v6 =	vshrl.u32 @!p0 v5, $0x3;
	v3 =	vor.u32 @!p0 v3, v4;
	v4 =	vand.u32 @!p0 $0x7, v5  }
0x1ae: {  	v6 =	vmul.u32 @!p0 $0x8, v6;
	v4 =	vperm.xlane @!p0 v3, v4;
	_ =	sdelay $0x1  }
0x1af: {  	v4 =	vadd.s32 @!p0 v6, v4;
	_ =	sdelay $0x3  }
0x1b0: {  	s3 =	simm.s32 @!p0 $0x8200;
	s0 =	simm.s32 @!p0 $0x0  }
0x1b1: {  	v5 =	vor.u32 @!p0 $0x8, v5;
	[tilespmem:s3], [sflag:$0x3] =	stream.indirect_vreg.gather @!p0 [hbm4b:s1+s0], $0x80, v4, vm1, $0xb8;
	[tilespmem:$0x10200] =	vst v63  }
0x1b2: {  	v3 =	vperm.xlane @!p0 v3, v5;
	s3 =	simm.s32 @!p0 $0x8A00  }
0x1b3: {  	[tilespmem:s3], [sflag:$0x3] =	stream.indirect_vreg.gather @!p0 [hbm4b:s7+s0], $0x80, v4, vm1, $0xb8;
	[tilespmem:$0x10200] =	vst v63  }
0x1b4: {  	v3 =	vadd.s32 @!p0 v6, v3;
	s3 =	simm.s32 @!p0 $0x9200  }
0x1b5: {  	[tilespmem:s3], [sflag:$0x3] =	stream.indirect_vreg.gather @!p0 [hbm4b:s8+s0], $0x80, v4, vm1, $0xb8;
	[tilespmem:$0x10200] =	vst v63  }
0x1b6: {  	s3 =	simm.s32 @!p0 $0x9A00  }
0x1b7: {  	[tilespmem:s3], [sflag:$0x3] =	stream.indirect_vreg.gather @!p0 [hbm4b:s9+s0], $0x80, v4, vm1, $0xb8;
	[tilespmem:$0x10200] =	vst v63  }
0x1b8: {  	s3 =	simm.s32 @!p0 $0xA200  }
0x1b9: {  	[tilespmem:s3], [sflag:$0x3] =	stream.indirect_vreg.gather @!p0 [hbm4b:s1+s0], $0x80, v3, vm1, $0xb8;
	[tilespmem:$0x10200] =	vst v63  }
0x1ba: {  	s3 =	simm.s32 @!p0 $0xAA00  }
0x1bb: {  	[tilespmem:s3], [sflag:$0x3] =	stream.indirect_vreg.gather @!p0 [hbm4b:s7+s0], $0x80, v3, vm1, $0xb8;
	[tilespmem:$0x10200] =	vst v63  }
0x1bc: {  	s3 =	simm.s32 @!p0 $0xB200  }
0x1bd: {  	[tilespmem:s3], [sflag:$0x3] =	stream.indirect_vreg.gather @!p0 [hbm4b:s8+s0], $0x80, v3, vm1, $0xb8;
	[tilespmem:$0x10200] =	vst v63  }
0x1be: {  	s3 =	simm.s32 @!p0 $0xBA00  }
0x1bf: {  	[tilespmem:s3], [sflag:$0x3] =	stream.indirect_vreg.gather @!p0 [hbm4b:s9+s0], $0x80, v3, vm1, $0xb8;
	[tilespmem:$0x10200] =	vst v63  }
0x1c0: {  	_ =	swait.ge [sflag:s2], $0x4000  }
0x1c1: {  	s14 =	simm.s32 $0x0;
	s15 =	simm.s32 $0x0;
	[sflag:s2] =	ssyncset.done $0x0  }
0x1c2: {  	s12 =	simm.s32 $0xFFFFC000;
	s0 =	simm.s32 $0x0;
	[sflag:s2] =	ssyncadd.s32 $0xFFFFC000  }
.LBB2_9:
0x1c3: {  	s3 =	sadd.s32 $0x4000, s12  }
0x1c4: {  	s16 =	sand.u32 $0x380, s15;
	s3 =	sand.u32 $0x2000, s3  }
0x1c5: {  	s3 =	sor.u32 s16, s3  }
0x1c6: {  	v3 =	vld [tilespmem:s3+$0xC200]  }
0x1c7: {  	v4 =	vld [tilespmem:s3+$0xC210]  }
0x1c8: {  	v5 =	vld [tilespmem:s3+$0xC220]  }
0x1c9: {  	v7 =	vld [tilespmem:s3+$0xC240]  }
0x1ca: {  	v8 =	vld [tilespmem:s3+$0xC250]  }
0x1cb: {  	v9 =	vld [tilespmem:s3+$0xC260];
	v3 =	vmul.f32 $3.200000000e+01, v3  }
0x1cc: {  	v6 =	vld [tilespmem:s3+$0xC230];
	v4 =	vmul.f32 $3.200000000e+01, v4  }
0x1cd: {  	v10 =	vld [tilespmem:s3+$0xC270];
	v5 =	vmul.f32 $3.200000000e+01, v5;
	[tilespmem:s3+$0xC200] =	vst v3  }
0x1ce: {  	v40 =	vld [tilespmem:s3+$0xC630];
	v36 =	vmul.f32 $3.200000000e+01, v7;
	[tilespmem:s3+$0xC210] =	vst v4  }
0x1cf: {  	v42 =	vld [tilespmem:s3+$0xC640];
	v38 =	vmul.f32 $3.200000000e+01, v8;
	[tilespmem:s3+$0xC220] =	vst v5  }
0x1d0: {  	v43 =	vld [tilespmem:s3+$0xC650];
	v39 =	vmul.f32 $3.200000000e+01, v9;
	[tilespmem:s3+$0xC240] =	vst v36  }
0x1d1: {  	v44 =	vld [tilespmem:s3+$0xC660];
	v3 =	vmul.f32 $3.200000000e+01, v6;
	[tilespmem:s3+$0xC250] =	vst v38  }
0x1d2: {  	v45 =	vld [tilespmem:s3+$0xC670];
	v41 =	vmul.f32 $3.200000000e+01, v10;
	[tilespmem:s3+$0xC260] =	vst v39  }
0x1d3: {  	v46 =	vmul.f32 $3.200000000e+01, v40;
	[tilespmem:s3+$0xC230] =	vst v3;
	v3 =	vld [tilespmem:s3+$0xC620]  }
0x1d4: {  	v52 =	vld [tilespmem:s3+$0xCA30];
	v48 =	vmul.f32 $3.200000000e+01, v42;
	[tilespmem:s3+$0xC270] =	vst v41  }
0x1d5: {  	v54 =	vld [tilespmem:s3+$0xCA40];
	v49 =	vmul.f32 $3.200000000e+01, v43;
	[tilespmem:s3+$0xC630] =	vst v46  }
0x1d6: {  	v55 =	vld [tilespmem:s3+$0xCA50];
	v51 =	vmul.f32 $3.200000000e+01, v44;
	[tilespmem:s3+$0xC640] =	vst v48  }
0x1d7: {  	v56 =	vld [tilespmem:s3+$0xCA60];
	v53 =	vmul.f32 $3.200000000e+01, v45;
	[tilespmem:s3+$0xC650] =	vst v49  }
0x1d8: {  	v57 =	vld [tilespmem:s3+$0xCA70];
	[tilespmem:s3+$0xC660] =	vst v51;
	v3 =	vmul.f32 $3.200000000e+01, v3  }
0x1d9: {  	v14 =	vld [tilespmem:s3+$0xCE40];
	v58 =	vmul.f32 $3.200000000e+01, v52;
	[tilespmem:s3+$0xC670] =	vst v53  }
0x1da: {  	v59 =	vmul.f32 $3.200000000e+01, v54;
	[tilespmem:s3+$0xC620] =	vst v3;
	v3 =	vld [tilespmem:s3+$0xCA10]  }
0x1db: {  	v15 =	vld [tilespmem:s3+$0xCE50];
	v61 =	vmul.f32 $3.200000000e+01, v55;
	[tilespmem:s3+$0xCA30] =	vst v58  }
0x1dc: {  	v16 =	vld [tilespmem:s3+$0xCE60];
	v63 =	vmul.f32 $3.200000000e+01, v56;
	[tilespmem:s3+$0xCA40] =	vst v59  }
0x1dd: {  	v17 =	vld [tilespmem:s3+$0xCE70];
	v13 =	vmul.f32 $3.200000000e+01, v57;
	[tilespmem:s3+$0xCA50] =	vst v61  }
0x1de: {  	v23 =	vld [tilespmem:s3+$0xD230];
	v19 =	vmul.f32 $3.200000000e+01, v14;
	[tilespmem:s3+$0xCA60] =	vst v63  }
0x1df: {  	v25 =	vld [tilespmem:s3+$0xD240];
	[tilespmem:s3+$0xCA70] =	vst v13;
	v3 =	vmul.f32 $3.200000000e+01, v3  }
0x1e0: {  	v26 =	vld [tilespmem:s3+$0xD250];
	v21 =	vmul.f32 $3.200000000e+01, v15;
	[tilespmem:s3+$0xCE40] =	vst v19  }
0x1e1: {  	v22 =	vmul.f32 $3.200000000e+01, v16;
	[tilespmem:s3+$0xCA10] =	vst v3;
	v3 =	vld [tilespmem:s3+$0xCE00]  }
0x1e2: {  	v27 =	vld [tilespmem:s3+$0xD260];
	v24 =	vmul.f32 $3.200000000e+01, v17;
	[tilespmem:s3+$0xCE50] =	vst v21  }
0x1e3: {  	v12 =	vld [tilespmem:s3+$0xCE30];
	v29 =	vmul.f32 $3.200000000e+01, v23;
	[tilespmem:s3+$0xCE60] =	vst v22  }
0x1e4: {  	v35 =	vld [tilespmem:s3+$0xC600];
	v31 =	vmul.f32 $3.200000000e+01, v25;
	[tilespmem:s3+$0xCE70] =	vst v24  }
0x1e5: {  	v37 =	vld [tilespmem:s3+$0xC610];
	v32 =	vmul.f32 $3.200000000e+01, v26;
	[tilespmem:s3+$0xD230] =	vst v29  }
0x1e6: {  	v28 =	vld [tilespmem:s3+$0xD270];
	[tilespmem:s3+$0xD240] =	vst v31;
	v3 =	vmul.f32 $3.200000000e+01, v3  }
0x1e7: {  	v47 =	vld [tilespmem:s3+$0xCA00];
	v34 =	vmul.f32 $3.200000000e+01, v27;
	[tilespmem:s3+$0xD250] =	vst v32  }
0x1e8: {  	v50 =	vld [tilespmem:s3+$0xCA20];
	[tilespmem:s3+$0xCE00] =	vst v3;
	v3 =	vmul.f32 $3.200000000e+01, v12  }
0x1e9: {  	v40 =	vld [tilespmem:s3+$0xD670];
	v4 =	vmul.f32 $3.200000000e+01, v35;
	[tilespmem:s3+$0xD260] =	vst v34  }
0x1ea: {  	v5 =	vmul.f32 $3.200000000e+01, v37;
	[tilespmem:s3+$0xCE30] =	vst v3;
	v3 =	vld [tilespmem:s3+$0xD220]  }
0x1eb: {  	v52 =	vld [tilespmem:s3+$0xDA40];
	v36 =	vmul.f32 $3.200000000e+01, v28;
	[tilespmem:s3+$0xC600] =	vst v4  }
0x1ec: {  	v60 =	vld [tilespmem:s3+$0xCE10];
	[tilespmem:s3+$0xC610] =	vst v5;
	v5 =	vmul.f32 $3.200000000e+01, v47  }
0x1ed: {  	v62 =	vld [tilespmem:s3+$0xCE20];
	v4 =	vmul.f32 $3.200000000e+01, v50;
	[tilespmem:s3+$0xD270] =	vst v36  }
0x1ee: {  	v35 =	vld [tilespmem:s3+$0xD630];
	v48 =	vmul.f32 $3.200000000e+01, v40;
	[tilespmem:s3+$0xCA00] =	vst v5  }
0x1ef: {  	v38 =	vld [tilespmem:s3+$0xD650];
	[tilespmem:s3+$0xCA20] =	vst v4;
	v3 =	vmul.f32 $3.200000000e+01, v3  }
0x1f0: {  	v39 =	vld [tilespmem:s3+$0xD660];
	v55 =	vmul.f32 $3.200000000e+01, v52;
	[tilespmem:s3+$0xD670] =	vst v48  }
0x1f1: {  	v4 =	vmul.f32 $3.200000000e+01, v60;
	[tilespmem:s3+$0xD220] =	vst v3;
	v3 =	vld [tilespmem:s3+$0xD610]  }
0x1f2: {  	v49 =	vld [tilespmem:s3+$0xDA50];
	v5 =	vmul.f32 $3.200000000e+01, v62;
	[tilespmem:s3+$0xDA40] =	vst v55  }
0x1f3: {  	v18 =	vld [tilespmem:s3+$0xD200];
	v41 =	vmul.f32 $3.200000000e+01, v35;
	[tilespmem:s3+$0xCE10] =	vst v4  }
0x1f4: {  	v20 =	vld [tilespmem:s3+$0xD210];
	v44 =	vmul.f32 $3.200000000e+01, v38;
	[tilespmem:s3+$0xCE20] =	vst v5  }
0x1f5: {  	v50 =	vld [tilespmem:s3+$0xDA60];
	v46 =	vmul.f32 $3.200000000e+01, v39;
	[tilespmem:s3+$0xD630] =	vst v41  }
0x1f6: {  	v30 =	vld [tilespmem:s3+$0xD600];
	[tilespmem:s3+$0xD650] =	vst v44;
	v3 =	vmul.f32 $3.200000000e+01, v3  }
0x1f7: {  	v33 =	vld [tilespmem:s3+$0xD620];
	v53 =	vmul.f32 $3.200000000e+01, v49;
	[tilespmem:s3+$0xD660] =	vst v46  }
0x1f8: {  	v4 =	vmul.f32 $3.200000000e+01, v18;
	[tilespmem:s3+$0xD610] =	vst v3;
	v3 =	vld [tilespmem:s3+$0xDA00]  }
0x1f9: {  	v43 =	vld [tilespmem:s3+$0xDA10];
	v5 =	vmul.f32 $3.200000000e+01, v20;
	[tilespmem:s3+$0xDA50] =	vst v53  }
0x1fa: {  	v47 =	vld [tilespmem:s3+$0xDA30];
	v54 =	vmul.f32 $3.200000000e+01, v50;
	[tilespmem:s3+$0xD200] =	vst v4  }
0x1fb: {  	v45 =	vld [tilespmem:s3+$0xDA20];
	[tilespmem:s3+$0xD210] =	vst v5;
	v5 =	vmul.f32 $3.200000000e+01, v30  }
0x1fc: {  	v51 =	vld [tilespmem:s3+$0xDA70];
	v4 =	vmul.f32 $3.200000000e+01, v33;
	[tilespmem:s3+$0xDA60] =	vst v54  }
0x1fd: {  	v37 =	vld [tilespmem:s3+$0xD640];
	[tilespmem:s3+$0xD600] =	vst v5;
	v3 =	vmul.f32 $3.200000000e+01, v3  }
0x1fe: {  	[tilespmem:s3+$0xD620] =	vst v4;
	v4 =	vmul.f32 $3.200000000e+01, v43  }
0x1ff: {  	[tilespmem:s3+$0xDA00] =	vst v3;
	v3 =	vmul.f32 $3.200000000e+01, v47  }
0x200: {  	s25 =	sand.u32 $0x7, s0;
	v5 =	vmul.f32 $3.200000000e+01, v45;
	[tilespmem:s3+$0xDA10] =	vst v4  }
0x201: {  	s16 =	sshll.u32 s25, $0x7;
	[tilespmem:s3+$0xDA30] =	vst v3;
	v3 =	vmul.f32 $3.200000000e+01, v51  }
0x202: {  	s16 =	sadd.s32 s16, s14;
	v42 =	vmul.f32 $3.200000000e+01, v37;
	[tilespmem:s3+$0xDA20] =	vst v5  }
0x203: {  	s17 =	sor.u32 $0x1C00, s16;
	[tilespmem:s3+$0xDA70] =	vst v3  }
0x204: {  	s26 =	sor.u32 $0x1C10, s16;
	[tilespmem:s3+$0xD640] =	vst v42;
	v3 =	vld [tilespmem:s17+$0xC200]  }
0x205: {  	s19 =	sor.u32 $0x1C20, s16;
	v4 =	vld [tilespmem:s26+$0xC200]  }
0x206: {  	s20 =	sor.u32 $0x1C30, s16;
	v5 =	vld [tilespmem:s19+$0xC200]  }
0x207: {  	s22 =	sor.u32 $0x1C40, s16;
	v56 =	vld [tilespmem:s20+$0xC200]  }
0x208: {  	s23 =	sor.u32 $0x1C50, s16;
	v57 =	vld [tilespmem:s22+$0xC200]  }
0x209: {  	s24 =	sor.u32 $0x1C60, s16;
	v58 =	vld [tilespmem:s23+$0xC200];
	v3 =	vmul.f32 $3.200000000e+01, v3  }
0x20a: {  	s16 =	sor.u32 $0x1C70, s16;
	v59 =	vld [tilespmem:s24+$0xC200];
	v4 =	vmul.f32 $3.200000000e+01, v4  }
0x20b: {  	v60 =	vld [tilespmem:s16+$0xC200];
	v5 =	vmul.f32 $3.200000000e+01, v5;
	[tilespmem:s17+$0xC200] =	vst v3  }
0x20c: {  	v3 =	vmul.f32 $3.200000000e+01, v56;
	[tilespmem:s26+$0xC200] =	vst v4  }
0x20d: {  	p0 =	sne.s32 s15, $0x780;
	v61 =	vmul.f32 $3.200000000e+01, v57;
	[tilespmem:s19+$0xC200] =	vst v5  }
.Ltmp3:
0x20e: {  	v62 =	vmul.f32 $3.200000000e+01, v58;
	[tilespmem:s20+$0xC200] =	vst v3;
	(pc) =	sbr.rel @p0 .LBB2_9-.Ltmp3, $4  }
0x20f: {  	v3 =	vmul.f32 $3.200000000e+01, v59;
	[tilespmem:s22+$0xC200] =	vst v61  }
0x210: {  	v63 =	vmul.f32 $3.200000000e+01, v60;
	[tilespmem:s23+$0xC200] =	vst v62  }
0x211: {  	s0 =	sadd.s32 $0x1, s0;
	[tilespmem:s24+$0xC200] =	vst v3  }
0x212: {  	s12 =	sadd.s32 $0x400, s12;
	s15 =	sadd.s32 $0x80, s15;
	s14 =	sadd.s32 $0x400, s14;
	[tilespmem:s16+$0xC200] =	vst v63  }
0x213: {  	s6 =	sadd.s32 $0x1, s6  }
0x214: {  	p0 =	sne.s32 s6, $0x8  }
.Ltmp4:
0x215: {  	_ = 	snop;
	(pc) =	sbr.rel @p0 .LBB2_2-.Ltmp4, $4  }
0x216: {  	_ = 	snop  }
0x217: {  	s0 =	sshll.u32 s11, $0xB  }
0x218: {  	s0 =	sadd.s32 s0, s10  }
0x219: {  	[hbm4b:s0+s5] =	stream.linear.scatter [tilespmem:s18], [sflag:$0x8], $0x4000, $0x38;
	[tilespmem:$0x10200] =	vst v63  }
0x21a: {  	s0 =	simm.s32 $0x5  }
0x21b: {  	_ =	swait.ge [sflag:s0], $0x4000  }
0x21c: {  	[sflag:s0] =	ssyncset.done $0x0  }
0x21d: {  	s24 =	simm.s32 $0x6;
	[sflag:s0] =	ssyncadd.s32 $0xFFFFC000  }
0x21e: {  	_ =	swait.ge [sflag:s24], $0x4000  }
0x21f: {  	[sflag:s24] =	ssyncset.done $0x0  }
0x220: {  	s25 =	simm.s32 $0x7;
	[sflag:s24] =	ssyncadd.s32 $0xFFFFC000  }
0x221: {  	_ =	swait.ge [sflag:s25], $0x4000  }
0x222: {  	[sflag:s25] =	ssyncset.done $0x0  }
0x223: {  	s3 =	simm.s32 $0x8;
	[sflag:s25] =	ssyncadd.s32 $0xFFFFC000  }
0x224: {  	_ =	swait.ge [sflag:s3], $0x4000  }
0x225: {  	s6 =	rddreg [dreg:$0x6]  }
0x226: {  	s26 =	rddreg [dreg:$0x5];
	s6 =	sadd.s32 $0x1, s6  }
0x227: {  	p0 =	sne.s32 s6, s26  }
.Ltmp5:
0x228: {  	_ = 	snop;
	(pc) =	sbr.rel @p0 .LBB2_1-.Ltmp5, $3  }
0x229: {  	_ =	sdelay $0x1  }
0x22a: {  	[sflag:s3] =	ssyncset.done $0x0  }
0x22b: {  	[sflag:s3] =	ssyncadd.s32 $0xFFFFC000  }
0x22c: {  	_ =	sfence.sel $0x180000  }
0x22d: {  	[bflag:$0x0] =	sbarrier.arrive $0xFFFF  }
0x22e: {  	_ =	strace $0x90000047  }
0x22f: {  	s0 =	stileid.u32;
	[bflag:$0x2] =	sbarrier.arrive $0xFFFF  }
0x230: {  	p0 =	sne.s32 s0, $0x0;
	s0 =	rddreg [dreg:$0x3]  }
0x231: {  	s0 =	sadd.s32 @!p0 $0x100000, s0  }
0x232: {  	[sflag:s0] =	ssyncadd.tile.s32 @!p0 $0x1;
	_ =	shalt  }
.Lfunc_end2:
_tile_overlayer_lowered:
.L_overlay_start_2:
0x233: {  	(tag) =	ssettag $0x2  }
0x234: {  	s0 =	rddreg [dreg:$0x0];
	s2 =	stileid.u32  }
0x235: {  	s1 =	rddreg [dreg:$0x1];
	p0 =	sne.s32 s2, $0x0  }
0x236: {  	s3 =	rddreg [dreg:$0x2];
	[bflag:$0x3] =	sbarrier.arrive $0xFFFF;
	s2 =	simm.s32 @!p0 $0x1C09  }
0x237: {  	[timem:s3], [sflag:s2] =	dma.local @!p0 [hbm:s0], s1  }
0x238: {  	s0 =	simm.s32 @!p0 $0x9  }
0x239: {  	_ =	swait.ge @!p0 [sflag:s0], s1  }
0x23a: {  	s1 =	ssub.s32 @!p0 $0x0, s1;
	[sflag:s0] =	ssyncset.done @!p0 $0x0  }
0x23b: {  	[sflag:s0] =	ssyncadd.s32 @!p0 s1  }
0x23c: {  	[bflag:$0x3] =	sbarrier.arrive $0xFFFF  }
0x23d: {  	_ =	shalt  }

</sc_bundles>
